<compile_context>
chip_gen: v7x
topology: tpu7x:2x2x1
jax: 0.10.2.dev20260603
libtpu: 0.0.44.dev20260713+nightly
codegen_flags: <defaults>
</compile_context>

<pallas_src>
import functools

import jax
import jax.numpy as jnp
from jax import lax
from jax.experimental import pallas as pl
from jax.experimental.pallas import tpu as pltpu
from jax.experimental.pallas import tpu_sc as plsc

BATCH = 2048
NB1 = 32
FEAT = 256
HID = 256
OUT = 128
HEADS = 2
BB = 8
ROWS = BB * NB1
GPB = 16
GW = 128


CHUNK_NODES = (512, 512, 512, 512)


def _gather(table, idx):
    n = idx.shape[1]
    mesh = plsc.VectorSubcoreMesh(core_axis_name="core", subcore_axis_name="subcore")

    @functools.partial(
        pl.kernel,
        out_type=jax.ShapeDtypeStruct((n, FEAT), jnp.float32),
        mesh=mesh,
    )
    def gk(table_hbm, idx_hbm, out_hbm):
        def body(i_vmem, o_vmem):
            pltpu.sync_copy(table_hbm.at[i_vmem.at[0]], o_vmem)

        pltpu.emit_pipeline(
            body,
            grid=(n // GW,),
            in_specs=[pl.BlockSpec((1, GW), index_map=lambda i: (0, i))],
            out_specs=[pl.BlockSpec((GW, FEAT), index_map=lambda i: (i, 0))],
            core_axis_name=("core", "subcore"),
            dimension_semantics=(pltpu.PARALLEL,),
        )(idx_hbm, out_hbm)

    return gk(table, idx)


def _att_body(seq_ref, W1_ref, Wf1_ref, fb1_ref, fbc1_ref,
              W2_ref, Wf2_ref, fb2_ref, fbc2_ref, s2bias_ref, bmean_ref, out_ref):
    rid = lax.broadcasted_iota(jnp.int32, (ROWS, ROWS), 0) // NB1
    cid = lax.broadcasted_iota(jnp.int32, (ROWS, ROWS), 1) // NB1
    maskb = (rid == cid).astype(jnp.bfloat16)
    for g in range(GPB):
        _att_group(seq_ref, W1_ref, Wf1_ref, fb1_ref, fbc1_ref, W2_ref,
                   Wf2_ref, fb2_ref, fbc2_ref, s2bias_ref, bmean_ref,
                   out_ref, maskb, g)


def _att_group(seq_ref, W1_ref, Wf1_ref, fb1_ref, fbc1_ref,
               W2_ref, Wf2_ref, fb2_ref, fbc2_ref, s2bias_ref, bmean_ref,
               out_ref, maskb, g):
    X = seq_ref[g * ROWS:(g + 1) * ROWS, :].astype(jnp.bfloat16)

    Wf1 = Wf1_ref[...].astype(jnp.bfloat16)
    F1 = (jnp.dot(X, Wf1, preferred_element_type=jnp.float32)
          + fb1_ref[0:1, :]).astype(jnp.bfloat16)
    G1 = (lax.dot_general(Wf1, X, (((0,), (1,)), ((), ())),
                          preferred_element_type=jnp.float32)
          + fbc1_ref[...]).astype(jnp.bfloat16)

    Sall = jnp.dot(X, W1_ref[...].astype(jnp.bfloat16),
                   preferred_element_type=jnp.float32).astype(jnp.bfloat16)
    vals = []
    for h in range(HEADS):
        Z = F1[:, 2 * h:2 * h + 1] + G1[2 * h + 1:2 * h + 2, :]
        Z = jnp.maximum(Z, jnp.bfloat16(0.2) * Z)
        E = jnp.exp(Z) * maskb
        denom = jnp.sum(E, axis=-1, keepdims=True, dtype=jnp.float32)
        A = E * (1.0 / denom).astype(jnp.bfloat16)
        vals.append(jnp.dot(A, Sall[:, h * HID:(h + 1) * HID],
                            preferred_element_type=jnp.float32).astype(jnp.bfloat16))
    h1 = jnp.concatenate(vals, axis=-1)

    Wf2 = Wf2_ref[...].astype(jnp.bfloat16)
    F2 = (jnp.dot(h1, Wf2, preferred_element_type=jnp.float32)
          + fb2_ref[0:1, :]).astype(jnp.bfloat16)
    G2 = (lax.dot_general(Wf2, h1, (((0,), (1,)), ((), ())),
                          preferred_element_type=jnp.float32)
          + fbc2_ref[...]).astype(jnp.bfloat16)

    S2all = (jnp.dot(h1, W2_ref[...].astype(jnp.bfloat16),
                     preferred_element_type=jnp.float32)
             + s2bias_ref[0:1, :]).astype(jnp.bfloat16)

    acc = jnp.zeros((ROWS, OUT), jnp.float32)
    for h in range(HEADS):
        Z2 = F2[:, 2 * h:2 * h + 1] + G2[2 * h + 1:2 * h + 2, :]
        Z2 = jnp.maximum(Z2, jnp.bfloat16(0.2) * Z2)
        E2 = jnp.exp(Z2) * maskb
        denom2 = jnp.sum(E2, axis=-1, keepdims=True, dtype=jnp.float32)
        recip2 = 1.0 / denom2
        V2 = jnp.dot(E2, S2all[:, h * OUT:(h + 1) * OUT],
                     preferred_element_type=jnp.float32) * recip2
        acc = acc + V2
    out = acc.reshape(BB, NB1, OUT)[:, 0, :] * (1.0 / HEADS) + bmean_ref[0:1, :]
    out_ref[g * BB:(g + 1) * BB, :] = out


def _attention(seq, W1all, Wf1, fb1, fbc1, W2all, Wf2, fb2, fbc2, s2bias, bmean):
    batch = seq.shape[0] // NB1
    grid = batch // (BB * GPB)
    full = lambda *s: pl.BlockSpec(s, lambda i: tuple(0 for _ in s))
    return pl.pallas_call(
        _att_body,
        grid=(grid,),
        in_specs=[
            pl.BlockSpec((GPB * ROWS, FEAT), lambda i: (i, 0)),
            full(FEAT, HEADS * HID),
            full(FEAT, 2 * HEADS),
            full(1, 2 * HEADS),
            full(2 * HEADS, 1),
            full(HEADS * HID, HEADS * OUT),
            full(HEADS * HID, 2 * HEADS),
            full(1, 2 * HEADS),
            full(2 * HEADS, 1),
            full(1, HEADS * OUT),
            full(1, OUT),
        ],
        out_specs=pl.BlockSpec((GPB * BB, OUT), lambda i: (i, 0)),
        out_shape=jax.ShapeDtypeStruct((batch, OUT), jnp.float32),
    )(seq, W1all, Wf1, fb1, fbc1, W2all, Wf2, fb2, fbc2, s2bias, bmean)


def kernel(inputs, neighbors, table, W1, f1w1, f1b1, f2w1, f2b1, bout1,
           W2, f1w2, f1b2, f2w2, f2b2, bout2):
    idx = jnp.concatenate([inputs[:, None], neighbors], axis=1)
    idx = idx.reshape(1, BATCH * NB1).astype(jnp.int32)
    Wf1 = jnp.einsum('hdo,hok->dhk',
                     W1, jnp.concatenate([f1w1, f2w1], -1)).reshape(FEAT, -1)
    Wf2 = jnp.einsum('hdo,hok->dhk',
                     W2, jnp.concatenate([f1w2, f2w2], -1)).reshape(HEADS * HID, -1)
    W1all = jnp.moveaxis(W1, 0, 1).reshape(FEAT, -1)
    W2all = jnp.moveaxis(W2, 0, 1).reshape(HEADS * HID, -1)
    boutcat = bout1.reshape(-1)
    b1 = jnp.concatenate([f1b1, f2b1], -1).reshape(-1)
    b2 = jnp.concatenate([f1b2, f2b2], -1).reshape(-1)
    b2 = b2 + boutcat @ Wf2
    s2bias = (boutcat @ W2all)[None, :]
    bmean = jnp.mean(bout2, axis=0)[None, :]
    fb1, fbc1 = b1[None, :], b1[:, None]
    fb2, fbc2 = b2[None, :], b2[:, None]
    outs = []
    start = 0
    for nodes in CHUNK_NODES:
        idxc = idx[:, start * NB1:(start + nodes) * NB1]
        seqc = _gather(table, idxc)
        outs.append(_attention(seqc, W1all, Wf1, fb1, fbc1, W2all, Wf2,
                               fb2, fbc2, s2bias, bmean))
        start += nodes
    return jnp.concatenate(outs, axis=0)

# --- scband reference (transcript-rebuilt; emitter-appended) ---
"""Pipeline reference for scband-att-encoder-52776558133627 (READ-ONLY COPY).

The authoritative reference and input builder live on the scoring server;
editing this copy changes nothing except your own understanding.
"""

import jax, jax.numpy as jnp
import numpy as np

N_NODES = 50000
BATCH = 2048
NB_NUM = 31
FEAT_DIM = 256
HID_DIM = 256
OUT_DIM = 128
HEADS = 2


def _att_head(seq, W, fw1, fb1, fw2, fb2, b_out):
    # conv1d with kernel size 1 == per-position dense layer
    seq_fts = jnp.einsum('bld,do->blo', seq, W)            # [B, L, out_size]
    f_1 = jnp.einsum('blo,ok->blk', seq_fts, fw1) + fb1     # [B, L, 1]
    f_2 = jnp.einsum('blo,ok->blk', seq_fts, fw2) + fb2     # [B, L, 1]
    logits = f_1 + jnp.transpose(f_2, (0, 2, 1))            # [B, L, L]
    coefs = jax.nn.softmax(jax.nn.leaky_relu(logits, negative_slope=0.2), axis=-1)
    vals = jnp.einsum('blm,bmo->blo', coefs, seq_fts)       # [B, L, out_size]
    return vals + b_out                                      # bias_add


def setup_inputs(seed: int = 0) -> dict:
    key = jax.random.key(seed)
    ks = jax.random.split(key, 12)
    inputs = jax.random.randint(ks[0], (BATCH,), 0, N_NODES, dtype=jnp.int64) if jax.config.jax_enable_x64 else jax.random.randint(ks[0], (BATCH,), 0, N_NODES, dtype=jnp.int32)
    neighbors = jax.random.randint(ks[1], (BATCH, NB_NUM), 0, N_NODES, dtype=inputs.dtype)
    table = jax.random.normal(ks[2], (N_NODES, FEAT_DIM), dtype=jnp.float32) * 0.05
    W1 = jax.random.normal(ks[3], (HEADS, FEAT_DIM, HID_DIM), dtype=jnp.float32) * 0.02
    f1w1 = jax.random.normal(ks[4], (HEADS, HID_DIM, 1), dtype=jnp.float32) * 0.02
    f1b1 = jnp.zeros((HEADS, 1), jnp.float32)
    f2w1 = jax.random.normal(ks[5], (HEADS, HID_DIM, 1), dtype=jnp.float32) * 0.02
    f2b1 = jnp.zeros((HEADS, 1), jnp.float32)
    bout1 = jnp.zeros((HEADS, HID_DIM), jnp.float32)
    W2 = jax.random.normal(ks[6], (HEADS, HEADS * HID_DIM, OUT_DIM), dtype=jnp.float32) * 0.02
    f1w2 = jax.random.normal(ks[7], (HEADS, OUT_DIM, 1), dtype=jnp.float32) * 0.02
    f1b2 = jnp.zeros((HEADS, 1), jnp.float32)
    f2w2 = jax.random.normal(ks[8], (HEADS, OUT_DIM, 1), dtype=jnp.float32) * 0.02
    f2b2 = jnp.zeros((HEADS, 1), jnp.float32)
    bout2 = jnp.zeros((HEADS, OUT_DIM), jnp.float32)
    return {"inputs": inputs, "neighbors": neighbors, "table": table,
            "W1": W1, "f1w1": f1w1, "f1b1": f1b1, "f2w1": f2w1, "f2b1": f2b1, "bout1": bout1,
            "W2": W2, "f1w2": f1w2, "f1b2": f1b2, "f2w2": f2w2, "f2b2": f2b2, "bout2": bout2}


def reference(inputs, neighbors, table, W1, f1w1, f1b1, f2w1, f2b1, bout1,
              W2, f1w2, f1b2, f2w2, f2b2, bout2):
    batch = inputs.shape[0]
    nb_num = neighbors.shape[1]
    feat_dim = table.shape[1]
    # euler_ops.get_dense_feature -> embedding gather from feature store
    node_feats = jnp.take(table, inputs, axis=0).reshape(batch, 1, feat_dim)
    neighbor_feats = jnp.take(table, neighbors.reshape(-1), axis=0).reshape(batch, nb_num, feat_dim)
    seq = jnp.concatenate([node_feats, neighbor_feats], axis=1)  # [B, nb+1, F]
    hidden = []
    for i in range(HEADS):
        hidden.append(_att_head(seq, W1[i], f1w1[i], f1b1[i], f2w1[i], f2b1[i], bout1[i]))
    h_1 = jnp.concatenate(hidden, axis=-1)  # [B, nb+1, HEADS*HID]
    out = None
    for i in range(HEADS):
        o = _att_head(h_1, W2[i], f1w2[i], f1b2[i], f2w2[i], f2b2[i], bout2[i])
        out = o if out is None else out + o
    out = out / float(HEADS)                 # [B, nb+1, OUT]
    out = out[:, 0:1, :]                     # tf.slice -> self node row
    return out.reshape(batch, OUT_DIM)

if __name__ == "__main__":
    import jax
    _d = setup_inputs()
    print(jax.jit(kernel)(*tuple(_d.values())))

</pallas_src>

<mosaic_0001>
#map = affine_map<(d0, d1) -> (0, 0)>
module attributes {stable_mosaic.version = 14 : i64} {
  func.func @gk(%arg0: i32, %arg1: i32, %arg2: memref<50000x256xf32, #tpu.memory_space<hbm>>, %arg3: memref<1x16384xi32, #tpu.memory_space<hbm>>, %arg4: memref<16384x256xf32, #tpu.memory_space<hbm>>) attributes {dimension_semantics = [#tpu.dimension_semantics<core_parallel>, #tpu.dimension_semantics<subcore_parallel>], iteration_bounds = array<i64: 2, 16>, scalar_prefetch = 0 : i64, scratch_operands = 0 : i64, tpu.core_type = #tpu.core_type<sc_vector_subcore>, window_params = [{transform_indices = #map}, {transform_indices = #map}, {transform_indices = #map}]} {
    %mul3A = arith.constant 1 : i32
    %mul3A_0 = arith.muli %arg1, %mul3A : i32
    %add3A = arith.constant 0 : i32
    %add3A_1 = arith.addi %add3A, %mul3A_0 : i32
    %mul3A_2 = arith.constant 16 : i32
    %mul3A_3 = arith.muli %arg0, %mul3A_2 : i32
    %add3A_4 = arith.addi %add3A_1, %mul3A_3 : i32
    %mul3A_5 = arith.constant 4 : i32
    %mul3A_6 = arith.muli %add3A_4, %mul3A_5 : i32
    "tpu.region"() ({
      %run_scoped3A = memref.alloca() : memref<2x1x128xi32, #tpu.memory_space<vmem>>
      %run_scoped3A_7 = tpu.sem_alloc : memref<2x!tpu.dma_semaphore, #tpu.memory_space<semaphore_mem>>
      %run_scoped3A_8 = memref.alloca() : memref<2x128x256xf32, #tpu.memory_space<vmem>>
      %run_scoped3A_9 = tpu.sem_alloc : memref<2x!tpu.dma_semaphore, #tpu.memory_space<semaphore_mem>>
      %add3A_10 = arith.constant 0 : i32
      %add3A_11 = arith.addi %add3A_10, %mul3A_6 : i32
      %select_n3A = arith.constant true
      %select_n3A_12 = arith.constant 0 : i32
      %select_n3A_13 = arith.constant -1 : i32
      %select_n3A_14 = arith.select %select_n3A, %select_n3A_13, %select_n3A_12 : i32
      %eq3A = arith.constant -1 : i32
      %eq3A_15 = arith.cmpi eq, %select_n3A_14, %eq3A : i32
      %select_n3A_16 = arith.constant 3 : i32
      %select_n3A_17 = arith.select %eq3A_15, %select_n3A_16, %select_n3A_14 : i32
      %add3A_18 = arith.addi %select_n3A_17, %mul3A_6 : i32
      %select_n3A_19 = arith.constant true
      %select_n3A_20 = arith.constant 0 : i32
      %select_n3A_21 = arith.constant 1 : i32
      %select_n3A_22 = arith.select %select_n3A_19, %select_n3A_21, %select_n3A_20 : i32
      %eq3A_23 = arith.constant 4 : i32
      %eq3A_24 = arith.cmpi eq, %select_n3A_22, %eq3A_23 : i32
      %select_n3A_25 = arith.constant 0 : i32
      %select_n3A_26 = arith.select %eq3A_24, %select_n3A_25, %select_n3A_22 : i32
      %add3A_27 = arith.addi %select_n3A_26, %mul3A_6 : i32
      %add3A_28 = arith.constant 1 : i32
      %add3A_29 = arith.addi %select_n3A_26, %add3A_28 : i32
      %select_n3A_30 = arith.constant true
      %select_n3A_31 = arith.select %select_n3A_30, %add3A_29, %select_n3A_26 : i32
      %eq3A_32 = arith.constant 4 : i32
      %eq3A_33 = arith.cmpi eq, %select_n3A_31, %eq3A_32 : i32
      %select_n3A_34 = arith.constant 0 : i32
      %select_n3A_35 = arith.select %eq3A_33, %select_n3A_34, %select_n3A_31 : i32
      %add3A_36 = arith.addi %select_n3A_35, %mul3A_6 : i32
      "tpu.trace_start"() <{level = 10 : i32, message = "ep_initialize_0"}> : () -> ()
      %rem3A = arith.constant 0 : i32
      %rem3A_37 = arith.constant 2 : i32
      %rem3A_38 = arith.remui %rem3A, %rem3A_37 : i32
      %mul3A_39 = arith.constant 128 : i32
      %mul3A_40 = arith.muli %mul3A_39, %add3A_11 : i32
      %dma_start3A = arith.constant 0 : i32
      %dma_start3A_41 = arith.constant 0 : i32
      %dma_start3A_42 = tpu.memref_slice %run_scoped3A[%rem3A_38, %dma_start3A, %dma_start3A_41] : memref<2x1x128xi32, #tpu.memory_space<vmem>> -> memref<1x1x128xi32, #tpu.memory_space<vmem>>
      %dma_start3A_43 = tpu.memref_squeeze %dma_start3A_42 : memref<1x1x128xi32, #tpu.memory_space<vmem>> -> memref<1x128xi32, #tpu.memory_space<vmem>>
      %dma_start3A_44 = arith.constant 0 : i32
      %dma_start3A_45 = tpu.memref_slice %arg3[%dma_start3A_44, %mul3A_40] : memref<1x16384xi32, #tpu.memory_space<hbm>> -> memref<1x128xi32, #tpu.memory_space<hbm>>
      %dma_start3A_46 = tpu.memref_slice %run_scoped3A_7[%rem3A_38] : memref<2x!tpu.dma_semaphore, #tpu.memory_space<semaphore_mem>> -> memref<1x!tpu.dma_semaphore, #tpu.memory_space<semaphore_mem>>
      %dma_start3A_47 = tpu.memref_squeeze %dma_start3A_46 : memref<1x!tpu.dma_semaphore, #tpu.memory_space<semaphore_mem>> -> memref<!tpu.dma_semaphore, #tpu.memory_space<semaphore_mem>>
      %dma_start3A_48 = arith.constant 0 : i32
      %dma_start3A_49 = arith.constant 0 : i32
      %dma_start3A_50 = tpu.memref_slice %run_scoped3A[%rem3A_38, %dma_start3A_48, %dma_start3A_49] : memref<2x1x128xi32, #tpu.memory_space<vmem>> -> memref<1x1x128xi32, #tpu.memory_space<vmem>>
      %dma_start3A_51 = tpu.memref_squeeze %dma_start3A_50 : memref<1x1x128xi32, #tpu.memory_space<vmem>> -> memref<1x128xi32, #tpu.memory_space<vmem>>
      %dma_start3A_52 = arith.constant 0 : i32
      %dma_start3A_53 = tpu.memref_slice %arg3[%dma_start3A_52, %mul3A_40] : memref<1x16384xi32, #tpu.memory_space<hbm>> -> memref<1x128xi32, #tpu.memory_space<hbm>>
      tpu.enqueue_dma source(%dma_start3A_53 : memref<1x128xi32, #tpu.memory_space<hbm>>) target(%dma_start3A_51 : memref<1x128xi32, #tpu.memory_space<vmem>>) target_semaphore(%dma_start3A_47 : memref<!tpu.dma_semaphore, #tpu.memory_space<semaphore_mem>>)
      %add3A_54 = arith.constant 0 : i32
      %add3A_55 = arith.constant 1 : i32
      %add3A_56 = arith.addi %add3A_54, %add3A_55 : i32
      %select_n3A_57 = arith.constant true
      %select_n3A_58 = arith.constant 0 : i32
      %select_n3A_59 = arith.select %select_n3A_57, %add3A_56, %select_n3A_58 : i32
      "tpu.trace_stop"() : () -> ()
      %scan3A = arith.constant 0 : i32
      %scan3A_60 = arith.constant 0 : i32
      %scan3A_61 = arith.constant 0 : i32
      %scan3A_62 = arith.constant 0 : i32
      %scan3A_63 = arith.constant 0 : i32
      %scan3A_64 = arith.constant 4 : i32
      %scan3A_65 = arith.addi %scan3A_63, %scan3A_64 : i32
      %scan3A_66 = arith.constant 1 : i32
      %scan3A_67:5 = scf.for %scan3A_121 = %scan3A_63 to %scan3A_65 step %scan3A_66 iter_args(%scan3A_122 = %select_n3A_59, %scan3A_123 = %scan3A, %scan3A_124 = %scan3A_60, %scan3A_125 = %scan3A_61, %scan3A_126 = %scan3A_62) -> (i32, i32, i32, i32, i32)  : i32 {
        %eq3A_127 = arith.constant 0 : i32
        %eq3A_128 = arith.cmpi eq, %scan3A_121, %eq3A_127 : i32
        %eq3A_129 = arith.constant 3 : i32
        %eq3A_130 = arith.cmpi eq, %scan3A_121, %eq3A_129 : i32
        %add3A_131 = arith.addi %scan3A_126, %mul3A_6 : i32
        %sub3A_132 = arith.constant 1 : i32
        %sub3A_133 = arith.subi %scan3A_126, %sub3A_132 : i32
        %select_n3A_134 = arith.constant true
        %select_n3A_135 = arith.select %select_n3A_134, %sub3A_133, %scan3A_126 : i32
        %eq3A_136 = arith.constant -1 : i32
        %eq3A_137 = arith.cmpi eq, %select_n3A_135, %eq3A_136 : i32
        %select_n3A_138 = arith.constant 3 : i32
        %select_n3A_139 = arith.select %eq3A_137, %select_n3A_138, %select_n3A_135 : i32
        %add3A_140 = arith.addi %select_n3A_139, %mul3A_6 : i32
        %add3A_141 = arith.constant 1 : i32
        %add3A_142 = arith.addi %scan3A_126, %add3A_141 : i32
        %select_n3A_143 = arith.constant true
        %select_n3A_144 = arith.select %select_n3A_143, %add3A_142, %scan3A_126 : i32
        %eq3A_145 = arith.constant 4 : i32
        %eq3A_146 = arith.cmpi eq, %select_n3A_144, %eq3A_145 : i32
        %select_n3A_147 = arith.constant 0 : i32
        %select_n3A_148 = arith.select %eq3A_146, %select_n3A_147, %select_n3A_144 : i32
        %add3A_149 = arith.addi %select_n3A_148, %mul3A_6 : i32
        %add3A_150 = arith.constant 1 : i32
        %add3A_151 = arith.addi %select_n3A_148, %add3A_150 : i32
        %select_n3A_152 = arith.constant true
        %select_n3A_153 = arith.select %select_n3A_152, %add3A_151, %select_n3A_148 : i32
        %eq3A_154 = arith.constant 4 : i32
        %eq3A_155 = arith.cmpi eq, %select_n3A_153, %eq3A_154 : i32
        %select_n3A_156 = arith.constant 0 : i32
        %select_n3A_157 = arith.select %eq3A_155, %select_n3A_156, %select_n3A_153 : i32
        %add3A_158 = arith.addi %select_n3A_157, %mul3A_6 : i32
        %ne3A = arith.cmpi ne, %add3A_131, %add3A_149 : i32
        %or3A = arith.constant false
        %or3A_159 = arith.ori %or3A, %ne3A : i1
        %ge3A = arith.constant 3 : i32
        %ge3A_160 = arith.cmpi sge, %scan3A_121, %ge3A : i32
        %not3A = arith.constant true
        %not3A_161 = arith.xori %ge3A_160, %not3A : i1
        %and3A = arith.andi %or3A_159, %not3A_161 : i1
        %convert_element_type3A = arith.extui %and3A : i1 to i32
        %cond3A = arith.constant 0 : i32
        %cond3A_162 = arith.cmpi ne, %convert_element_type3A, %cond3A : i32
        scf.if %cond3A_162 {
          "tpu.trace_start"() <{level = 10 : i32, message = "ep_copy_in"}> : () -> ()
          %rem3A_264 = arith.constant 2 : i32
          %rem3A_265 = arith.remui %scan3A_122, %rem3A_264 : i32
          %mul3A_266 = arith.constant 128 : i32
          %mul3A_267 = arith.muli %mul3A_266, %add3A_149 : i32
          %dma_start3A_268 = arith.constant 0 : i32
          %dma_start3A_269 = arith.constant 0 : i32
          %dma_start3A_270 = tpu.memref_slice %run_scoped3A[%rem3A_265, %dma_start3A_268, %dma_start3A_269] : memref<2x1x128xi32, #tpu.memory_space<vmem>> -> memref<1x1x128xi32, #tpu.memory_space<vmem>>
          %dma_start3A_271 = tpu.memref_squeeze %dma_start3A_270 : memref<1x1x128xi32, #tpu.memory_space<vmem>> -> memref<1x128xi32, #tpu.memory_space<vmem>>
          %dma_start3A_272 = arith.constant 0 : i32
          %dma_start3A_273 = tpu.memref_slice %arg3[%dma_start3A_272, %mul3A_267] : memref<1x16384xi32, #tpu.memory_space<hbm>> -> memref<1x128xi32, #tpu.memory_space<hbm>>
          %dma_start3A_274 = tpu.memref_slice %run_scoped3A_7[%rem3A_265] : memref<2x!tpu.dma_semaphore, #tpu.memory_space<semaphore_mem>> -> memref<1x!tpu.dma_semaphore, #tpu.memory_space<semaphore_mem>>
          %dma_start3A_275 = tpu.memref_squeeze %dma_start3A_274 : memref<1x!tpu.dma_semaphore, #tpu.memory_space<semaphore_mem>> -> memref<!tpu.dma_semaphore, #tpu.memory_space<semaphore_mem>>
          %dma_start3A_276 = arith.constant 0 : i32
          %dma_start3A_277 = arith.constant 0 : i32
          %dma_start3A_278 = tpu.memref_slice %run_scoped3A[%rem3A_265, %dma_start3A_276, %dma_start3A_277] : memref<2x1x128xi32, #tpu.memory_space<vmem>> -> memref<1x1x128xi32, #tpu.memory_space<vmem>>
          %dma_start3A_279 = tpu.memref_squeeze %dma_start3A_278 : memref<1x1x128xi32, #tpu.memory_space<vmem>> -> memref<1x128xi32, #tpu.memory_space<vmem>>
          %dma_start3A_280 = arith.constant 0 : i32
          %dma_start3A_281 = tpu.memref_slice %arg3[%dma_start3A_280, %mul3A_267] : memref<1x16384xi32, #tpu.memory_space<hbm>> -> memref<1x128xi32, #tpu.memory_space<hbm>>
          tpu.enqueue_dma source(%dma_start3A_281 : memref<1x128xi32, #tpu.memory_space<hbm>>) target(%dma_start3A_279 : memref<1x128xi32, #tpu.memory_space<vmem>>) target_semaphore(%dma_start3A_275 : memref<!tpu.dma_semaphore, #tpu.memory_space<semaphore_mem>>)
          "tpu.trace_stop"() : () -> ()
        } else {
        }
        %and3A_163 = arith.constant true
        %and3A_164 = arith.andi %and3A, %and3A_163 : i1
        %add3A_165 = arith.constant 1 : i32
        %add3A_166 = arith.addi %scan3A_122, %add3A_165 : i32
        %select_n3A_167 = arith.select %and3A_164, %add3A_166, %scan3A_122 : i32
        %ne3A_168 = arith.cmpi ne, %add3A_131, %add3A_149 : i32
        %or3A_169 = arith.constant false
        %or3A_170 = arith.ori %or3A_169, %ne3A_168 : i1
        %or3A_171 = arith.constant false
        %or3A_172 = arith.ori %or3A_170, %or3A_171 : i1
        %ge3A_173 = arith.constant 3 : i32
        %ge3A_174 = arith.cmpi sge, %scan3A_121, %ge3A_173 : i32
        %not3A_175 = arith.constant true
        %not3A_176 = arith.xori %ge3A_174, %not3A_175 : i1
        %and3A_177 = arith.andi %or3A_172, %not3A_176 : i1
        %ne3A_178 = arith.cmpi ne, %add3A_131, %add3A_140 : i32
        %or3A_179 = arith.constant false
        %or3A_180 = arith.ori %or3A_179, %ne3A_178 : i1
        %or3A_181 = arith.ori %or3A_180, %eq3A_128 : i1
        %convert_element_type3A_182 = arith.extui %or3A_181 : i1 to i32
        %cond3A_183 = arith.constant 0 : i32
        %cond3A_184 = arith.cmpi ne, %convert_element_type3A_182, %cond3A_183 : i32
        scf.if %cond3A_184 {
          "tpu.trace_start"() <{level = 10 : i32, message = "ep_wait_in"}> : () -> ()
          %mul3A_264 = arith.constant 128 : i32
          %mul3A_265 = arith.muli %mul3A_264, %add3A_131 : i32
          %rem3A_266 = arith.constant 2 : i32
          %rem3A_267 = arith.remui %scan3A_123, %rem3A_266 : i32
          %dma_wait3A_268 = arith.constant 0 : i32
          %dma_wait3A_269 = arith.constant 0 : i32
          %dma_wait3A_270 = tpu.memref_slice %run_scoped3A[%rem3A_267, %dma_wait3A_268, %dma_wait3A_269] : memref<2x1x128xi32, #tpu.memory_space<vmem>> -> memref<1x1x128xi32, #tpu.memory_space<vmem>>
          %dma_wait3A_271 = tpu.memref_squeeze %dma_wait3A_270 : memref<1x1x128xi32, #tpu.memory_space<vmem>> -> memref<1x128xi32, #tpu.memory_space<vmem>>
          %dma_wait3A_272 = arith.constant 0 : i32
          %dma_wait3A_273 = tpu.memref_slice %arg3[%dma_wait3A_272, %mul3A_265] : memref<1x16384xi32, #tpu.memory_space<hbm>> -> memref<1x128xi32, #tpu.memory_space<hbm>>
          %dma_wait3A_274 = tpu.memref_slice %run_scoped3A_7[%rem3A_267] : memref<2x!tpu.dma_semaphore, #tpu.memory_space<semaphore_mem>> -> memref<1x!tpu.dma_semaphore, #tpu.memory_space<semaphore_mem>>
          %dma_wait3A_275 = tpu.memref_squeeze %dma_wait3A_274 : memref<1x!tpu.dma_semaphore, #tpu.memory_space<semaphore_mem>> -> memref<!tpu.dma_semaphore, #tpu.memory_space<semaphore_mem>>
          %dma_wait3A_276 = arith.constant 0 : i32
          %dma_wait3A_277 = arith.constant 0 : i32
          %dma_wait3A_278 = tpu.memref_slice %run_scoped3A[%rem3A_267, %dma_wait3A_276, %dma_wait3A_277] : memref<2x1x128xi32, #tpu.memory_space<vmem>> -> memref<1x1x128xi32, #tpu.memory_space<vmem>>
          %dma_wait3A_279 = tpu.memref_squeeze %dma_wait3A_278 : memref<1x1x128xi32, #tpu.memory_space<vmem>> -> memref<1x128xi32, #tpu.memory_space<vmem>>
          %dma_wait3A_280 = arith.constant 0 : i32
          %dma_wait3A_281 = tpu.memref_slice %arg3[%dma_wait3A_280, %mul3A_265] : memref<1x16384xi32, #tpu.memory_space<hbm>> -> memref<1x128xi32, #tpu.memory_space<hbm>>
          tpu.wait_dma2 semaphore(%dma_wait3A_275 : memref<!tpu.dma_semaphore, #tpu.memory_space<semaphore_mem>>) src(%dma_wait3A_281 : memref<1x128xi32, #tpu.memory_space<hbm>>) dst(%dma_wait3A_279 : memref<1x128xi32, #tpu.memory_space<vmem>>)
          "tpu.trace_stop"() : () -> ()
        } else {
        }
        %ne3A_185 = arith.cmpi ne, %add3A_131, %add3A_140 : i32
        %or3A_186 = arith.constant false
        %or3A_187 = arith.ori %or3A_186, %ne3A_185 : i1
        %or3A_188 = arith.constant false
        %or3A_189 = arith.ori %or3A_187, %or3A_188 : i1
        %or3A_190 = arith.ori %or3A_189, %eq3A_128 : i1
        %convert_element_type3A_191 = arith.extui %or3A_190 : i1 to i32
        %cond3A_192 = arith.constant 0 : i32
        %cond3A_193 = arith.cmpi ne, %convert_element_type3A_191, %cond3A_192 : i32
        scf.if %cond3A_193 {
        } else {
        }
        %rem3A_194 = arith.constant 2 : i32
        %rem3A_195 = arith.remui %scan3A_123, %rem3A_194 : i32
        %rem3A_196 = arith.constant 2 : i32
        %rem3A_197 = arith.remui %scan3A_124, %rem3A_196 : i32
        %run_scoped3A_198 = arith.constant 0 : i32
        "tpu.trace_start"() <{level = 10 : i32, message = "ep_run_kernel"}> : () -> ()
        "tpu.region"() ({
          %run_scoped3A_264 = tpu.sem_alloc : memref<!tpu.dma_semaphore, #tpu.memory_space<semaphore_mem>>
          %dma_start3A_265 = arith.constant 0 : i32
          %dma_start3A_266 = arith.constant 0 : i32
          %dma_start3A_267 = tpu.memref_slice %run_scoped3A_8[%rem3A_197, %dma_start3A_265, %dma_start3A_266] : memref<2x128x256xf32, #tpu.memory_space<vmem>> -> memref<1x128x256xf32, #tpu.memory_space<vmem>>
          %dma_start3A_268 = tpu.memref_squeeze %dma_start3A_267 : memref<1x128x256xf32, #tpu.memory_space<vmem>> -> memref<128x256xf32, #tpu.memory_space<vmem>>
          %dma_start3A_269 = arith.constant 0 : i32
          %dma_start3A_270 = arith.constant 0 : i32
          %dma_start3A_271 = tpu.memref_slice %run_scoped3A[%rem3A_195, %dma_start3A_269, %dma_start3A_270] : memref<2x1x128xi32, #tpu.memory_space<vmem>> -> memref<1x1x128xi32, #tpu.memory_space<vmem>>
          %dma_start3A_272 = tpu.memref_squeeze %dma_start3A_271 : memref<1x1x128xi32, #tpu.memory_space<vmem>> -> memref<1x128xi32, #tpu.memory_space<vmem>>
          %dma_start3A_273 = arith.constant 0 : i32
          %dma_start3A_274 = tpu.memref_slice %dma_start3A_272[%run_scoped3A_198, %dma_start3A_273] : memref<1x128xi32, #tpu.memory_space<vmem>> -> memref<1x128xi32, #tpu.memory_space<vmem>>
          %dma_start3A_275 = tpu.memref_squeeze %dma_start3A_274 : memref<1x128xi32, #tpu.memory_space<vmem>> -> memref<128xi32, #tpu.memory_space<vmem>>
          %dma_start3A_276 = arith.constant 0 : i32
          %dma_start3A_277 = arith.constant 0 : i32
          %dma_start3A_278 = tpu.memref_slice %arg2[%dma_start3A_276, %dma_start3A_277] : memref<50000x256xf32, #tpu.memory_space<hbm>> -> memref<50000x256xf32, #tpu.memory_space<hbm>>
          tpu.enqueue_indirect_dma source(%dma_start3A_278 : memref<50000x256xf32, #tpu.memory_space<hbm>>) target(%dma_start3A_268 : memref<128x256xf32, #tpu.memory_space<vmem>>) offsets(%dma_start3A_275 : memref<128xi32, #tpu.memory_space<vmem>>) semaphore(%run_scoped3A_264 : memref<!tpu.dma_semaphore, #tpu.memory_space<semaphore_mem>>)
          %dma_wait3A_279 = arith.constant 0 : i32
          %dma_wait3A_280 = arith.constant 0 : i32
          %dma_wait3A_281 = tpu.memref_slice %run_scoped3A_8[%rem3A_197, %dma_wait3A_279, %dma_wait3A_280] : memref<2x128x256xf32, #tpu.memory_space<vmem>> -> memref<1x128x256xf32, #tpu.memory_space<vmem>>
          %dma_wait3A_282 = tpu.memref_squeeze %dma_wait3A_281 : memref<1x128x256xf32, #tpu.memory_space<vmem>> -> memref<128x256xf32, #tpu.memory_space<vmem>>
          %dma_wait3A_283 = arith.constant 0 : i32
          %dma_wait3A_284 = arith.constant 0 : i32
          %dma_wait3A_285 = tpu.memref_slice %run_scoped3A[%rem3A_195, %dma_wait3A_283, %dma_wait3A_284] : memref<2x1x128xi32, #tpu.memory_space<vmem>> -> memref<1x1x128xi32, #tpu.memory_space<vmem>>
          %dma_wait3A_286 = tpu.memref_squeeze %dma_wait3A_285 : memref<1x1x128xi32, #tpu.memory_space<vmem>> -> memref<1x128xi32, #tpu.memory_space<vmem>>
          %dma_wait3A_287 = arith.constant 0 : i32
          %dma_wait3A_288 = tpu.memref_slice %dma_wait3A_286[%run_scoped3A_198, %dma_wait3A_287] : memref<1x128xi32, #tpu.memory_space<vmem>> -> memref<1x128xi32, #tpu.memory_space<vmem>>
          %dma_wait3A_289 = tpu.memref_squeeze %dma_wait3A_288 : memref<1x128xi32, #tpu.memory_space<vmem>> -> memref<128xi32, #tpu.memory_space<vmem>>
          %dma_wait3A_290 = arith.constant 0 : i32
          %dma_wait3A_291 = arith.constant 0 : i32
          %dma_wait3A_292 = tpu.memref_slice %arg2[%dma_wait3A_290, %dma_wait3A_291] : memref<50000x256xf32, #tpu.memory_space<hbm>> -> memref<50000x256xf32, #tpu.memory_space<hbm>>
          tpu.wait_indirect_dma semaphore(%run_scoped3A_264 : memref<!tpu.dma_semaphore, #tpu.memory_space<semaphore_mem>>) src(%dma_wait3A_292 : memref<50000x256xf32, #tpu.memory_space<hbm>>) dst(%dma_wait3A_282 : memref<128x256xf32, #tpu.memory_space<vmem>>)
          tpu.yield
        }) : () -> ()
        "tpu.trace_stop"() : () -> ()
        %ne3A_199 = arith.cmpi ne, %add3A_131, %add3A_149 : i32
        %or3A_200 = arith.constant false
        %or3A_201 = arith.ori %or3A_200, %ne3A_199 : i1
        %or3A_202 = arith.ori %or3A_201, %eq3A_130 : i1
        %convert_element_type3A_203 = arith.extui %or3A_202 : i1 to i32
        %cond3A_204 = arith.constant 0 : i32
        %cond3A_205 = arith.cmpi ne, %convert_element_type3A_203, %cond3A_204 : i32
        scf.if %cond3A_205 {
        } else {
        }
        %and3A_206 = arith.constant false
        %and3A_207 = arith.andi %or3A_202, %and3A_206 : i1
        %ne3A_208 = arith.cmpi ne, %add3A_131, %add3A_149 : i32
        %or3A_209 = arith.constant false
        %or3A_210 = arith.ori %or3A_209, %ne3A_208 : i1
        %or3A_211 = arith.constant false
        %or3A_212 = arith.ori %or3A_210, %or3A_211 : i1
        %or3A_213 = arith.ori %or3A_212, %eq3A_130 : i1
        %convert_element_type3A_214 = arith.extui %or3A_213 : i1 to i32
        %cond3A_215 = arith.constant 0 : i32
        %cond3A_216 = arith.cmpi ne, %convert_element_type3A_214, %cond3A_215 : i32
        scf.if %cond3A_216 {
          "tpu.trace_start"() <{level = 10 : i32, message = "ep_copy_out"}> : () -> ()
          %rem3A_264 = arith.constant 2 : i32
          %rem3A_265 = arith.remui %scan3A_124, %rem3A_264 : i32
          %mul3A_266 = arith.constant 128 : i32
          %mul3A_267 = arith.muli %mul3A_266, %add3A_131 : i32
          %dma_start3A_268 = arith.constant 0 : i32
          %dma_start3A_269 = arith.constant 0 : i32
          %dma_start3A_270 = tpu.memref_slice %run_scoped3A_8[%rem3A_265, %dma_start3A_268, %dma_start3A_269] : memref<2x128x256xf32, #tpu.memory_space<vmem>> -> memref<1x128x256xf32, #tpu.memory_space<vmem>>
          %dma_start3A_271 = tpu.memref_squeeze %dma_start3A_270 : memref<1x128x256xf32, #tpu.memory_space<vmem>> -> memref<128x256xf32, #tpu.memory_space<vmem>>
          %dma_start3A_272 = arith.constant 0 : i32
          %dma_start3A_273 = tpu.memref_slice %arg4[%mul3A_267, %dma_start3A_272] : memref<16384x256xf32, #tpu.memory_space<hbm>> -> memref<128x256xf32, #tpu.memory_space<hbm>>
          %dma_start3A_274 = tpu.memref_slice %run_scoped3A_9[%rem3A_265] : memref<2x!tpu.dma_semaphore, #tpu.memory_space<semaphore_mem>> -> memref<1x!tpu.dma_semaphore, #tpu.memory_space<semaphore_mem>>
          %dma_start3A_275 = tpu.memref_squeeze %dma_start3A_274 : memref<1x!tpu.dma_semaphore, #tpu.memory_space<semaphore_mem>> -> memref<!tpu.dma_semaphore, #tpu.memory_space<semaphore_mem>>
          %dma_start3A_276 = arith.constant 0 : i32
          %dma_start3A_277 = tpu.memref_slice %arg4[%mul3A_267, %dma_start3A_276] : memref<16384x256xf32, #tpu.memory_space<hbm>> -> memref<128x256xf32, #tpu.memory_space<hbm>>
          %dma_start3A_278 = arith.constant 0 : i32
          %dma_start3A_279 = arith.constant 0 : i32
          %dma_start3A_280 = tpu.memref_slice %run_scoped3A_8[%rem3A_265, %dma_start3A_278, %dma_start3A_279] : memref<2x128x256xf32, #tpu.memory_space<vmem>> -> memref<1x128x256xf32, #tpu.memory_space<vmem>>
          %dma_start3A_281 = tpu.memref_squeeze %dma_start3A_280 : memref<1x128x256xf32, #tpu.memory_space<vmem>> -> memref<128x256xf32, #tpu.memory_space<vmem>>
          tpu.enqueue_dma source(%dma_start3A_281 : memref<128x256xf32, #tpu.memory_space<vmem>>) target(%dma_start3A_277 : memref<128x256xf32, #tpu.memory_space<hbm>>) target_semaphore(%dma_start3A_275 : memref<!tpu.dma_semaphore, #tpu.memory_space<semaphore_mem>>)
          "tpu.trace_stop"() : () -> ()
        } else {
        }
        %and3A_217 = arith.constant true
        %and3A_218 = arith.andi %or3A_213, %and3A_217 : i1
        %add3A_219 = arith.constant 1 : i32
        %add3A_220 = arith.addi %scan3A_124, %add3A_219 : i32
        %select_n3A_221 = arith.select %and3A_218, %add3A_220, %scan3A_124 : i32
        %ne3A_222 = arith.cmpi ne, %add3A_131, %add3A_140 : i32
        %or3A_223 = arith.constant false
        %or3A_224 = arith.ori %or3A_223, %ne3A_222 : i1
        %not3A_225 = arith.constant true
        %not3A_226 = arith.xori %eq3A_128, %not3A_225 : i1
        %and3A_227 = arith.andi %or3A_224, %not3A_226 : i1
        %convert_element_type3A_228 = arith.extui %and3A_227 : i1 to i32
        %cond3A_229 = arith.constant 0 : i32
        %cond3A_230 = arith.cmpi ne, %convert_element_type3A_228, %cond3A_229 : i32
        scf.if %cond3A_230 {
        } else {
        }
        %and3A_231 = arith.constant false
        %and3A_232 = arith.andi %and3A_227, %and3A_231 : i1
        %ne3A_233 = arith.cmpi ne, %add3A_131, %add3A_140 : i32
        %or3A_234 = arith.constant false
        %or3A_235 = arith.ori %or3A_234, %ne3A_233 : i1
        %or3A_236 = arith.constant false
        %or3A_237 = arith.ori %or3A_235, %or3A_236 : i1
        %not3A_238 = arith.constant true
        %not3A_239 = arith.xori %eq3A_128, %not3A_238 : i1
        %and3A_240 = arith.andi %or3A_237, %not3A_239 : i1
        %convert_element_type3A_241 = arith.extui %and3A_240 : i1 to i32
        %cond3A_242 = arith.constant 0 : i32
        %cond3A_243 = arith.cmpi ne, %convert_element_type3A_241, %cond3A_242 : i32
        scf.if %cond3A_243 {
          "tpu.trace_start"() <{level = 10 : i32, message = "ep_wait_out"}> : () -> ()
          %rem3A_264 = arith.constant 2 : i32
          %rem3A_265 = arith.remui %scan3A_125, %rem3A_264 : i32
          %mul3A_266 = arith.constant 128 : i32
          %mul3A_267 = arith.muli %mul3A_266, %add3A_140 : i32
          %dma_wait3A_268 = arith.constant 0 : i32
          %dma_wait3A_269 = arith.constant 0 : i32
          %dma_wait3A_270 = tpu.memref_slice %run_scoped3A_8[%rem3A_265, %dma_wait3A_268, %dma_wait3A_269] : memref<2x128x256xf32, #tpu.memory_space<vmem>> -> memref<1x128x256xf32, #tpu.memory_space<vmem>>
          %dma_wait3A_271 = tpu.memref_squeeze %dma_wait3A_270 : memref<1x128x256xf32, #tpu.memory_space<vmem>> -> memref<128x256xf32, #tpu.memory_space<vmem>>
          %dma_wait3A_272 = arith.constant 0 : i32
          %dma_wait3A_273 = tpu.memref_slice %arg4[%mul3A_267, %dma_wait3A_272] : memref<16384x256xf32, #tpu.memory_space<hbm>> -> memref<128x256xf32, #tpu.memory_space<hbm>>
          %dma_wait3A_274 = tpu.memref_slice %run_scoped3A_9[%rem3A_265] : memref<2x!tpu.dma_semaphore, #tpu.memory_space<semaphore_mem>> -> memref<1x!tpu.dma_semaphore, #tpu.memory_space<semaphore_mem>>
          %dma_wait3A_275 = tpu.memref_squeeze %dma_wait3A_274 : memref<1x!tpu.dma_semaphore, #tpu.memory_space<semaphore_mem>> -> memref<!tpu.dma_semaphore, #tpu.memory_space<semaphore_mem>>
          %dma_wait3A_276 = arith.constant 0 : i32
          %dma_wait3A_277 = tpu.memref_slice %arg4[%mul3A_267, %dma_wait3A_276] : memref<16384x256xf32, #tpu.memory_space<hbm>> -> memref<128x256xf32, #tpu.memory_space<hbm>>
          %dma_wait3A_278 = arith.constant 0 : i32
          %dma_wait3A_279 = arith.constant 0 : i32
          %dma_wait3A_280 = tpu.memref_slice %run_scoped3A_8[%rem3A_265, %dma_wait3A_278, %dma_wait3A_279] : memref<2x128x256xf32, #tpu.memory_space<vmem>> -> memref<1x128x256xf32, #tpu.memory_space<vmem>>
          %dma_wait3A_281 = tpu.memref_squeeze %dma_wait3A_280 : memref<1x128x256xf32, #tpu.memory_space<vmem>> -> memref<128x256xf32, #tpu.memory_space<vmem>>
          tpu.wait_dma2 semaphore(%dma_wait3A_275 : memref<!tpu.dma_semaphore, #tpu.memory_space<semaphore_mem>>) src(%dma_wait3A_281 : memref<128x256xf32, #tpu.memory_space<vmem>>) dst(%dma_wait3A_277 : memref<128x256xf32, #tpu.memory_space<hbm>>)
          "tpu.trace_stop"() : () -> ()
        } else {
        }
        %and3A_244 = arith.constant true
        %and3A_245 = arith.andi %and3A_240, %and3A_244 : i1
        %add3A_246 = arith.constant 1 : i32
        %add3A_247 = arith.addi %scan3A_125, %add3A_246 : i32
        %select_n3A_248 = arith.select %and3A_245, %add3A_247, %scan3A_125 : i32
        %ne3A_249 = arith.cmpi ne, %add3A_131, %add3A_149 : i32
        %or3A_250 = arith.constant false
        %or3A_251 = arith.ori %or3A_250, %ne3A_249 : i1
        %or3A_252 = arith.ori %or3A_251, %eq3A_130 : i1
        %add3A_253 = arith.constant 1 : i32
        %add3A_254 = arith.addi %scan3A_123, %add3A_253 : i32
        %select_n3A_255 = arith.select %or3A_252, %add3A_254, %scan3A_123 : i32
        %add3A_256 = arith.constant 1 : i32
        %add3A_257 = arith.addi %scan3A_126, %add3A_256 : i32
        %select_n3A_258 = arith.constant true
        %select_n3A_259 = arith.select %select_n3A_258, %add3A_257, %scan3A_126 : i32
        %eq3A_260 = arith.constant 4 : i32
        %eq3A_261 = arith.cmpi eq, %select_n3A_259, %eq3A_260 : i32
        %select_n3A_262 = arith.constant 0 : i32
        %select_n3A_263 = arith.select %eq3A_261, %select_n3A_262, %select_n3A_259 : i32
        scf.yield %select_n3A_167, %select_n3A_255, %select_n3A_221, %select_n3A_248, %select_n3A_263 : i32, i32, i32, i32, i32
      }
      %scan3A_68 = arith.constant 4 : i32
      %sub3A = arith.constant 1 : i32
      %sub3A_69 = arith.subi %scan3A_67#4, %sub3A : i32
      %select_n3A_70 = arith.constant true
      %select_n3A_71 = arith.select %select_n3A_70, %sub3A_69, %scan3A_67#4 : i32
      %eq3A_72 = arith.constant -1 : i32
      %eq3A_73 = arith.cmpi eq, %select_n3A_71, %eq3A_72 : i32
      %select_n3A_74 = arith.constant 3 : i32
      %select_n3A_75 = arith.select %eq3A_73, %select_n3A_74, %select_n3A_71 : i32
      %add3A_76 = arith.addi %select_n3A_75, %mul3A_6 : i32
      %sub3A_77 = arith.constant 1 : i32
      %sub3A_78 = arith.subi %select_n3A_75, %sub3A_77 : i32
      %select_n3A_79 = arith.constant true
      %select_n3A_80 = arith.select %select_n3A_79, %sub3A_78, %select_n3A_75 : i32
      %eq3A_81 = arith.constant -1 : i32
      %eq3A_82 = arith.cmpi eq, %select_n3A_80, %eq3A_81 : i32
      %select_n3A_83 = arith.constant 3 : i32
      %select_n3A_84 = arith.select %eq3A_82, %select_n3A_83, %select_n3A_80 : i32
      %add3A_85 = arith.addi %select_n3A_84, %mul3A_6 : i32
      %add3A_86 = arith.constant 1 : i32
      %add3A_87 = arith.addi %select_n3A_75, %add3A_86 : i32
      %select_n3A_88 = arith.constant true
      %select_n3A_89 = arith.select %select_n3A_88, %add3A_87, %select_n3A_75 : i32
      %eq3A_90 = arith.constant 4 : i32
      %eq3A_91 = arith.cmpi eq, %select_n3A_89, %eq3A_90 : i32
      %select_n3A_92 = arith.constant 0 : i32
      %select_n3A_93 = arith.select %eq3A_91, %select_n3A_92, %select_n3A_89 : i32
      %add3A_94 = arith.addi %select_n3A_93, %mul3A_6 : i32
      %add3A_95 = arith.constant 1 : i32
      %add3A_96 = arith.addi %select_n3A_93, %add3A_95 : i32
      %select_n3A_97 = arith.constant true
      %select_n3A_98 = arith.select %select_n3A_97, %add3A_96, %select_n3A_93 : i32
      %eq3A_99 = arith.constant 4 : i32
      %eq3A_100 = arith.cmpi eq, %select_n3A_98, %eq3A_99 : i32
      %select_n3A_101 = arith.constant 0 : i32
      %select_n3A_102 = arith.select %eq3A_100, %select_n3A_101, %select_n3A_98 : i32
      %add3A_103 = arith.addi %select_n3A_102, %mul3A_6 : i32
      "tpu.trace_start"() <{level = 10 : i32, message = "ep_finalize"}> : () -> ()
      %rem3A_104 = arith.constant 2 : i32
      %rem3A_105 = arith.remui %scan3A_67#3, %rem3A_104 : i32
      %mul3A_106 = arith.constant 128 : i32
      %mul3A_107 = arith.muli %mul3A_106, %add3A_76 : i32
      %dma_wait3A = arith.constant 0 : i32
      %dma_wait3A_108 = arith.constant 0 : i32
      %dma_wait3A_109 = tpu.memref_slice %run_scoped3A_8[%rem3A_105, %dma_wait3A, %dma_wait3A_108] : memref<2x128x256xf32, #tpu.memory_space<vmem>> -> memref<1x128x256xf32, #tpu.memory_space<vmem>>
      %dma_wait3A_110 = tpu.memref_squeeze %dma_wait3A_109 : memref<1x128x256xf32, #tpu.memory_space<vmem>> -> memref<128x256xf32, #tpu.memory_space<vmem>>
      %dma_wait3A_111 = arith.constant 0 : i32
      %dma_wait3A_112 = tpu.memref_slice %arg4[%mul3A_107, %dma_wait3A_111] : memref<16384x256xf32, #tpu.memory_space<hbm>> -> memref<128x256xf32, #tpu.memory_space<hbm>>
      %dma_wait3A_113 = tpu.memref_slice %run_scoped3A_9[%rem3A_105] : memref<2x!tpu.dma_semaphore, #tpu.memory_space<semaphore_mem>> -> memref<1x!tpu.dma_semaphore, #tpu.memory_space<semaphore_mem>>
      %dma_wait3A_114 = tpu.memref_squeeze %dma_wait3A_113 : memref<1x!tpu.dma_semaphore, #tpu.memory_space<semaphore_mem>> -> memref<!tpu.dma_semaphore, #tpu.memory_space<semaphore_mem>>
      %dma_wait3A_115 = arith.constant 0 : i32
      %dma_wait3A_116 = tpu.memref_slice %arg4[%mul3A_107, %dma_wait3A_115] : memref<16384x256xf32, #tpu.memory_space<hbm>> -> memref<128x256xf32, #tpu.memory_space<hbm>>
      %dma_wait3A_117 = arith.constant 0 : i32
      %dma_wait3A_118 = arith.constant 0 : i32
      %dma_wait3A_119 = tpu.memref_slice %run_scoped3A_8[%rem3A_105, %dma_wait3A_117, %dma_wait3A_118] : memref<2x128x256xf32, #tpu.memory_space<vmem>> -> memref<1x128x256xf32, #tpu.memory_space<vmem>>
      %dma_wait3A_120 = tpu.memref_squeeze %dma_wait3A_119 : memref<1x128x256xf32, #tpu.memory_space<vmem>> -> memref<128x256xf32, #tpu.memory_space<vmem>>
      tpu.wait_dma2 semaphore(%dma_wait3A_114 : memref<!tpu.dma_semaphore, #tpu.memory_space<semaphore_mem>>) src(%dma_wait3A_120 : memref<128x256xf32, #tpu.memory_space<vmem>>) dst(%dma_wait3A_116 : memref<128x256xf32, #tpu.memory_space<hbm>>)
      "tpu.trace_stop"() : () -> ()
      tpu.yield
    }) : () -> ()
    return
  }
}

#map = affine_map<(d0, d1) -> (0, 0)>
module attributes {stable_mosaic.version = 14 : i64} {
  func.func @gk(%arg0: i32, %arg1: i32, %arg2: memref<50000x256xf32, #tpu.memory_space<hbm>>, %arg3: memref<1x16384xi32, #tpu.memory_space<hbm>>, %arg4: memref<16384x256xf32, #tpu.memory_space<hbm>>) attributes {dimension_semantics = [#tpu.dimension_semantics<core_parallel>, #tpu.dimension_semantics<subcore_parallel>], iteration_bounds = array<i64: 2, 16>, scalar_prefetch = 0 : i64, scratch_operands = 0 : i64, tpu.core_type = #tpu.core_type<sc_vector_subcore>, window_params = [{transform_indices = #map}, {transform_indices = #map}, {transform_indices = #map}]} {
    %mul3A = arith.constant 1 : i32
    %mul3A_0 = arith.muli %arg1, %mul3A : i32
    %add3A = arith.constant 0 : i32
    %add3A_1 = arith.addi %add3A, %mul3A_0 : i32
    %mul3A_2 = arith.constant 16 : i32
    %mul3A_3 = arith.muli %arg0, %mul3A_2 : i32
    %add3A_4 = arith.addi %add3A_1, %mul3A_3 : i32
    %mul3A_5 = arith.constant 4 : i32
    %mul3A_6 = arith.muli %add3A_4, %mul3A_5 : i32
    "tpu.region"() ({
      %run_scoped3A = memref.alloca() : memref<2x1x128xi32, #tpu.memory_space<vmem>>
      %run_scoped3A_7 = tpu.sem_alloc : memref<2x!tpu.dma_semaphore, #tpu.memory_space<semaphore_mem>>
      %run_scoped3A_8 = memref.alloca() : memref<2x128x256xf32, #tpu.memory_space<vmem>>
      %run_scoped3A_9 = tpu.sem_alloc : memref<2x!tpu.dma_semaphore, #tpu.memory_space<semaphore_mem>>
      %add3A_10 = arith.constant 0 : i32
      %add3A_11 = arith.addi %add3A_10, %mul3A_6 : i32
      %select_n3A = arith.constant true
      %select_n3A_12 = arith.constant 0 : i32
      %select_n3A_13 = arith.constant -1 : i32
      %select_n3A_14 = arith.select %select_n3A, %select_n3A_13, %select_n3A_12 : i32
      %eq3A = arith.constant -1 : i32
      %eq3A_15 = arith.cmpi eq, %select_n3A_14, %eq3A : i32
      %select_n3A_16 = arith.constant 3 : i32
      %select_n3A_17 = arith.select %eq3A_15, %select_n3A_16, %select_n3A_14 : i32
      %add3A_18 = arith.addi %select_n3A_17, %mul3A_6 : i32
      %select_n3A_19 = arith.constant true
      %select_n3A_20 = arith.constant 0 : i32
      %select_n3A_21 = arith.constant 1 : i32
      %select_n3A_22 = arith.select %select_n3A_19, %select_n3A_21, %select_n3A_20 : i32
      %eq3A_23 = arith.constant 4 : i32
      %eq3A_24 = arith.cmpi eq, %select_n3A_22, %eq3A_23 : i32
      %select_n3A_25 = arith.constant 0 : i32
      %select_n3A_26 = arith.select %eq3A_24, %select_n3A_25, %select_n3A_22 : i32
      %add3A_27 = arith.addi %select_n3A_26, %mul3A_6 : i32
      %add3A_28 = arith.constant 1 : i32
      %add3A_29 = arith.addi %select_n3A_26, %add3A_28 : i32
      %select_n3A_30 = arith.constant true
      %select_n3A_31 = arith.select %select_n3A_30, %add3A_29, %select_n3A_26 : i32
      %eq3A_32 = arith.constant 4 : i32
      %eq3A_33 = arith.cmpi eq, %select_n3A_31, %eq3A_32 : i32
      %select_n3A_34 = arith.constant 0 : i32
      %select_n3A_35 = arith.select %eq3A_33, %select_n3A_34, %select_n3A_31 : i32
      %add3A_36 = arith.addi %select_n3A_35, %mul3A_6 : i32
      "tpu.trace_start"() <{level = 10 : i32, message = "ep_initialize_0"}> : () -> ()
      %rem3A = arith.constant 0 : i32
      %rem3A_37 = arith.constant 2 : i32
      %rem3A_38 = arith.remui %rem3A, %rem3A_37 : i32
      %mul3A_39 = arith.constant 128 : i32
      %mul3A_40 = arith.muli %mul3A_39, %add3A_11 : i32
      %dma_start3A = arith.constant 0 : i32
      %dma_start3A_41 = arith.constant 0 : i32
      %dma_start3A_42 = tpu.memref_slice %run_scoped3A[%rem3A_38, %dma_start3A, %dma_start3A_41] : memref<2x1x128xi32, #tpu.memory_space<vmem>> -> memref<1x1x128xi32, #tpu.memory_space<vmem>>
      %dma_start3A_43 = tpu.memref_squeeze %dma_start3A_42 : memref<1x1x128xi32, #tpu.memory_space<vmem>> -> memref<1x128xi32, #tpu.memory_space<vmem>>
      %dma_start3A_44 = arith.constant 0 : i32
      %dma_start3A_45 = tpu.memref_slice %arg3[%dma_start3A_44, %mul3A_40] : memref<1x16384xi32, #tpu.memory_space<hbm>> -> memref<1x128xi32, #tpu.memory_space<hbm>>
      %dma_start3A_46 = tpu.memref_slice %run_scoped3A_7[%rem3A_38] : memref<2x!tpu.dma_semaphore, #tpu.memory_space<semaphore_mem>> -> memref<1x!tpu.dma_semaphore, #tpu.memory_space<semaphore_mem>>
      %dma_start3A_47 = tpu.memref_squeeze %dma_start3A_46 : memref<1x!tpu.dma_semaphore, #tpu.memory_space<semaphore_mem>> -> memref<!tpu.dma_semaphore, #tpu.memory_space<semaphore_mem>>
      %dma_start3A_48 = arith.constant 0 : i32
      %dma_start3A_49 = arith.constant 0 : i32
      %dma_start3A_50 = tpu.memref_slice %run_scoped3A[%rem3A_38, %dma_start3A_48, %dma_start3A_49] : memref<2x1x128xi32, #tpu.memory_space<vmem>> -> memref<1x1x128xi32, #tpu.memory_space<vmem>>
      %dma_start3A_51 = tpu.memref_squeeze %dma_start3A_50 : memref<1x1x128xi32, #tpu.memory_space<vmem>> -> memref<1x128xi32, #tpu.memory_space<vmem>>
      %dma_start3A_52 = arith.constant 0 : i32
      %dma_start3A_53 = tpu.memref_slice %arg3[%dma_start3A_52, %mul3A_40] : memref<1x16384xi32, #tpu.memory_space<hbm>> -> memref<1x128xi32, #tpu.memory_space<hbm>>
      tpu.enqueue_dma source(%dma_start3A_53 : memref<1x128xi32, #tpu.memory_space<hbm>>) target(%dma_start3A_51 : memref<1x128xi32, #tpu.memory_space<vmem>>) target_semaphore(%dma_start3A_47 : memref<!tpu.dma_semaphore, #tpu.memory_space<semaphore_mem>>)
      %add3A_54 = arith.constant 0 : i32
      %add3A_55 = arith.constant 1 : i32
      %add3A_56 = arith.addi %add3A_54, %add3A_55 : i32
      %select_n3A_57 = arith.constant true
      %select_n3A_58 = arith.constant 0 : i32
      %select_n3A_59 = arith.select %select_n3A_57, %add3A_56, %select_n3A_58 : i32
      "tpu.trace_stop"() : () -> ()
      %scan3A = arith.constant 0 : i32
      %scan3A_60 = arith.constant 0 : i32
      %scan3A_61 = arith.constant 0 : i32
      %scan3A_62 = arith.constant 0 : i32
      %scan3A_63 = arith.constant 0 : i32
      %scan3A_64 = arith.constant 4 : i32
      %scan3A_65 = arith.addi %scan3A_63, %scan3A_64 : i32
      %scan3A_66 = arith.constant 1 : i32
      %scan3A_67:5 = scf.for %scan3A_121 = %scan3A_63 to %scan3A_65 step %scan3A_66 iter_args(%scan3A_122 = %select_n3A_59, %scan3A_123 = %scan3A, %scan3A_124 = %scan3A_60, %scan3A_125 = %scan3A_61, %scan3A_126 = %scan3A_62) -> (i32, i32, i32, i32, i32)  : i32 {
        %eq3A_127 = arith.constant 0 : i32
        %eq3A_128 = arith.cmpi eq, %scan3A_121, %eq3A_127 : i32
        %eq3A_129 = arith.constant 3 : i32
        %eq3A_130 = arith.cmpi eq, %scan3A_121, %eq3A_129 : i32
        %add3A_131 = arith.addi %scan3A_126, %mul3A_6 : i32
        %sub3A_132 = arith.constant 1 : i32
        %sub3A_133 = arith.subi %scan3A_126, %sub3A_132 : i32
        %select_n3A_134 = arith.constant true
        %select_n3A_135 = arith.select %select_n3A_134, %sub3A_133, %scan3A_126 : i32
        %eq3A_136 = arith.constant -1 : i32
        %eq3A_137 = arith.cmpi eq, %select_n3A_135, %eq3A_136 : i32
        %select_n3A_138 = arith.constant 3 : i32
        %select_n3A_139 = arith.select %eq3A_137, %select_n3A_138, %select_n3A_135 : i32
        %add3A_140 = arith.addi %select_n3A_139, %mul3A_6 : i32
        %add3A_141 = arith.constant 1 : i32
        %add3A_142 = arith.addi %scan3A_126, %add3A_141 : i32
        %select_n3A_143 = arith.constant true
        %select_n3A_144 = arith.select %select_n3A_143, %add3A_142, %scan3A_126 : i32
        %eq3A_145 = arith.constant 4 : i32
        %eq3A_146 = arith.cmpi eq, %select_n3A_144, %eq3A_145 : i32
        %select_n3A_147 = arith.constant 0 : i32
        %select_n3A_148 = arith.select %eq3A_146, %select_n3A_147, %select_n3A_144 : i32
        %add3A_149 = arith.addi %select_n3A_148, %mul3A_6 : i32
        %add3A_150 = arith.constant 1 : i32
        %add3A_151 = arith.addi %select_n3A_148, %add3A_150 : i32
        %select_n3A_152 = arith.constant true
        %select_n3A_153 = arith.select %select_n3A_152, %add3A_151, %select_n3A_148 : i32
        %eq3A_154 = arith.constant 4 : i32
        %eq3A_155 = arith.cmpi eq, %select_n3A_153, %eq3A_154 : i32
        %select_n3A_156 = arith.constant 0 : i32
        %select_n3A_157 = arith.select %eq3A_155, %select_n3A_156, %select_n3A_153 : i32
        %add3A_158 = arith.addi %select_n3A_157, %mul3A_6 : i32
        %ne3A = arith.cmpi ne, %add3A_131, %add3A_149 : i32
        %or3A = arith.constant false
        %or3A_159 = arith.ori %or3A, %ne3A : i1
        %ge3A = arith.constant 3 : i32
        %ge3A_160 = arith.cmpi sge, %scan3A_121, %ge3A : i32
        %not3A = arith.constant true
        %not3A_161 = arith.xori %ge3A_160, %not3A : i1
        %and3A = arith.andi %or3A_159, %not3A_161 : i1
        %convert_element_type3A = arith.extui %and3A : i1 to i32
        %cond3A = arith.constant 0 : i32
        %cond3A_162 = arith.cmpi ne, %convert_element_type3A, %cond3A : i32
        scf.if %cond3A_162 {
          "tpu.trace_start"() <{level = 10 : i32, message = "ep_copy_in"}> : () -> ()
          %rem3A_264 = arith.constant 2 : i32
          %rem3A_265 = arith.remui %scan3A_122, %rem3A_264 : i32
          %mul3A_266 = arith.constant 128 : i32
          %mul3A_267 = arith.muli %mul3A_266, %add3A_149 : i32
          %dma_start3A_268 = arith.constant 0 : i32
          %dma_start3A_269 = arith.constant 0 : i32
          %dma_start3A_270 = tpu.memref_slice %run_scoped3A[%rem3A_265, %dma_start3A_268, %dma_start3A_269] : memref<2x1x128xi32, #tpu.memory_space<vmem>> -> memref<1x1x128xi32, #tpu.memory_space<vmem>>
          %dma_start3A_271 = tpu.memref_squeeze %dma_start3A_270 : memref<1x1x128xi32, #tpu.memory_space<vmem>> -> memref<1x128xi32, #tpu.memory_space<vmem>>
          %dma_start3A_272 = arith.constant 0 : i32
          %dma_start3A_273 = tpu.memref_slice %arg3[%dma_start3A_272, %mul3A_267] : memref<1x16384xi32, #tpu.memory_space<hbm>> -> memref<1x128xi32, #tpu.memory_space<hbm>>
          %dma_start3A_274 = tpu.memref_slice %run_scoped3A_7[%rem3A_265] : memref<2x!tpu.dma_semaphore, #tpu.memory_space<semaphore_mem>> -> memref<1x!tpu.dma_semaphore, #tpu.memory_space<semaphore_mem>>
          %dma_start3A_275 = tpu.memref_squeeze %dma_start3A_274 : memref<1x!tpu.dma_semaphore, #tpu.memory_space<semaphore_mem>> -> memref<!tpu.dma_semaphore, #tpu.memory_space<semaphore_mem>>
          %dma_start3A_276 = arith.constant 0 : i32
          %dma_start3A_277 = arith.constant 0 : i32
          %dma_start3A_278 = tpu.memref_slice %run_scoped3A[%rem3A_265, %dma_start3A_276, %dma_start3A_277] : memref<2x1x128xi32, #tpu.memory_space<vmem>> -> memref<1x1x128xi32, #tpu.memory_space<vmem>>
          %dma_start3A_279 = tpu.memref_squeeze %dma_start3A_278 : memref<1x1x128xi32, #tpu.memory_space<vmem>> -> memref<1x128xi32, #tpu.memory_space<vmem>>
          %dma_start3A_280 = arith.constant 0 : i32
          %dma_start3A_281 = tpu.memref_slice %arg3[%dma_start3A_280, %mul3A_267] : memref<1x16384xi32, #tpu.memory_space<hbm>> -> memref<1x128xi32, #tpu.memory_space<hbm>>
          tpu.enqueue_dma source(%dma_start3A_281 : memref<1x128xi32, #tpu.memory_space<hbm>>) target(%dma_start3A_279 : memref<1x128xi32, #tpu.memory_space<vmem>>) target_semaphore(%dma_start3A_275 : memref<!tpu.dma_semaphore, #tpu.memory_space<semaphore_mem>>)
          "tpu.trace_stop"() : () -> ()
        } else {
        }
        %and3A_163 = arith.constant true
        %and3A_164 = arith.andi %and3A, %and3A_163 : i1
        %add3A_165 = arith.constant 1 : i32
        %add3A_166 = arith.addi %scan3A_122, %add3A_165 : i32
        %select_n3A_167 = arith.select %and3A_164, %add3A_166, %scan3A_122 : i32
        %ne3A_168 = arith.cmpi ne, %add3A_131, %add3A_149 : i32
        %or3A_169 = arith.constant false
        %or3A_170 = arith.ori %or3A_169, %ne3A_168 : i1
        %or3A_171 = arith.constant false
        %or3A_172 = arith.ori %or3A_170, %or3A_171 : i1
        %ge3A_173 = arith.constant 3 : i32
        %ge3A_174 = arith.cmpi sge, %scan3A_121, %ge3A_173 : i32
        %not3A_175 = arith.constant true
        %not3A_176 = arith.xori %ge3A_174, %not3A_175 : i1
        %and3A_177 = arith.andi %or3A_172, %not3A_176 : i1
        %ne3A_178 = arith.cmpi ne, %add3A_131, %add3A_140 : i32
        %or3A_179 = arith.constant false
        %or3A_180 = arith.ori %or3A_179, %ne3A_178 : i1
        %or3A_181 = arith.ori %or3A_180, %eq3A_128 : i1
        %convert_element_type3A_182 = arith.extui %or3A_181 : i1 to i32
        %cond3A_183 = arith.constant 0 : i32
        %cond3A_184 = arith.cmpi ne, %convert_element_type3A_182, %cond3A_183 : i32
        scf.if %cond3A_184 {
          "tpu.trace_start"() <{level = 10 : i32, message = "ep_wait_in"}> : () -> ()
          %mul3A_264 = arith.constant 128 : i32
          %mul3A_265 = arith.muli %mul3A_264, %add3A_131 : i32
          %rem3A_266 = arith.constant 2 : i32
          %rem3A_267 = arith.remui %scan3A_123, %rem3A_266 : i32
          %dma_wait3A_268 = arith.constant 0 : i32
          %dma_wait3A_269 = arith.constant 0 : i32
          %dma_wait3A_270 = tpu.memref_slice %run_scoped3A[%rem3A_267, %dma_wait3A_268, %dma_wait3A_269] : memref<2x1x128xi32, #tpu.memory_space<vmem>> -> memref<1x1x128xi32, #tpu.memory_space<vmem>>
          %dma_wait3A_271 = tpu.memref_squeeze %dma_wait3A_270 : memref<1x1x128xi32, #tpu.memory_space<vmem>> -> memref<1x128xi32, #tpu.memory_space<vmem>>
          %dma_wait3A_272 = arith.constant 0 : i32
          %dma_wait3A_273 = tpu.memref_slice %arg3[%dma_wait3A_272, %mul3A_265] : memref<1x16384xi32, #tpu.memory_space<hbm>> -> memref<1x128xi32, #tpu.memory_space<hbm>>
          %dma_wait3A_274 = tpu.memref_slice %run_scoped3A_7[%rem3A_267] : memref<2x!tpu.dma_semaphore, #tpu.memory_space<semaphore_mem>> -> memref<1x!tpu.dma_semaphore, #tpu.memory_space<semaphore_mem>>
          %dma_wait3A_275 = tpu.memref_squeeze %dma_wait3A_274 : memref<1x!tpu.dma_semaphore, #tpu.memory_space<semaphore_mem>> -> memref<!tpu.dma_semaphore, #tpu.memory_space<semaphore_mem>>
          %dma_wait3A_276 = arith.constant 0 : i32
          %dma_wait3A_277 = arith.constant 0 : i32
          %dma_wait3A_278 = tpu.memref_slice %run_scoped3A[%rem3A_267, %dma_wait3A_276, %dma_wait3A_277] : memref<2x1x128xi32, #tpu.memory_space<vmem>> -> memref<1x1x128xi32, #tpu.memory_space<vmem>>
          %dma_wait3A_279 = tpu.memref_squeeze %dma_wait3A_278 : memref<1x1x128xi32, #tpu.memory_space<vmem>> -> memref<1x128xi32, #tpu.memory_space<vmem>>
          %dma_wait3A_280 = arith.constant 0 : i32
          %dma_wait3A_281 = tpu.memref_slice %arg3[%dma_wait3A_280, %mul3A_265] : memref<1x16384xi32, #tpu.memory_space<hbm>> -> memref<1x128xi32, #tpu.memory_space<hbm>>
          tpu.wait_dma2 semaphore(%dma_wait3A_275 : memref<!tpu.dma_semaphore, #tpu.memory_space<semaphore_mem>>) src(%dma_wait3A_281 : memref<1x128xi32, #tpu.memory_space<hbm>>) dst(%dma_wait3A_279 : memref<1x128xi32, #tpu.memory_space<vmem>>)
          "tpu.trace_stop"() : () -> ()
        } else {
        }
        %ne3A_185 = arith.cmpi ne, %add3A_131, %add3A_140 : i32
        %or3A_186 = arith.constant false
        %or3A_187 = arith.ori %or3A_186, %ne3A_185 : i1
        %or3A_188 = arith.constant false
        %or3A_189 = arith.ori %or3A_187, %or3A_188 : i1
        %or3A_190 = arith.ori %or3A_189, %eq3A_128 : i1
        %convert_element_type3A_191 = arith.extui %or3A_190 : i1 to i32
        %cond3A_192 = arith.constant 0 : i32
        %cond3A_193 = arith.cmpi ne, %convert_element_type3A_191, %cond3A_192 : i32
        scf.if %cond3A_193 {
        } else {
        }
        %rem3A_194 = arith.constant 2 : i32
        %rem3A_195 = arith.remui %scan3A_123, %rem3A_194 : i32
        %rem3A_196 = arith.constant 2 : i32
        %rem3A_197 = arith.remui %scan3A_124, %rem3A_196 : i32
        %run_scoped3A_198 = arith.constant 0 : i32
        "tpu.trace_start"() <{level = 10 : i32, message = "ep_run_kernel"}> : () -> ()
        "tpu.region"() ({
          %run_scoped3A_264 = tpu.sem_alloc : memref<!tpu.dma_semaphore, #tpu.memory_space<semaphore_mem>>
          %dma_start3A_265 = arith.constant 0 : i32
          %dma_start3A_266 = arith.constant 0 : i32
          %dma_start3A_267 = tpu.memref_slice %run_scoped3A_8[%rem3A_197, %dma_start3A_265, %dma_start3A_266] : memref<2x128x256xf32, #tpu.memory_space<vmem>> -> memref<1x128x256xf32, #tpu.memory_space<vmem>>
          %dma_start3A_268 = tpu.memref_squeeze %dma_start3A_267 : memref<1x128x256xf32, #tpu.memory_space<vmem>> -> memref<128x256xf32, #tpu.memory_space<vmem>>
          %dma_start3A_269 = arith.constant 0 : i32
          %dma_start3A_270 = arith.constant 0 : i32
          %dma_start3A_271 = tpu.memref_slice %run_scoped3A[%rem3A_195, %dma_start3A_269, %dma_start3A_270] : memref<2x1x128xi32, #tpu.memory_space<vmem>> -> memref<1x1x128xi32, #tpu.memory_space<vmem>>
          %dma_start3A_272 = tpu.memref_squeeze %dma_start3A_271 : memref<1x1x128xi32, #tpu.memory_space<vmem>> -> memref<1x128xi32, #tpu.memory_space<vmem>>
          %dma_start3A_273 = arith.constant 0 : i32
          %dma_start3A_274 = tpu.memref_slice %dma_start3A_272[%run_scoped3A_198, %dma_start3A_273] : memref<1x128xi32, #tpu.memory_space<vmem>> -> memref<1x128xi32, #tpu.memory_space<vmem>>
          %dma_start3A_275 = tpu.memref_squeeze %dma_start3A_274 : memref<1x128xi32, #tpu.memory_space<vmem>> -> memref<128xi32, #tpu.memory_space<vmem>>
          %dma_start3A_276 = arith.constant 0 : i32
          %dma_start3A_277 = arith.constant 0 : i32
          %dma_start3A_278 = tpu.memref_slice %arg2[%dma_start3A_276, %dma_start3A_277] : memref<50000x256xf32, #tpu.memory_space<hbm>> -> memref<50000x256xf32, #tpu.memory_space<hbm>>
          tpu.enqueue_indirect_dma source(%dma_start3A_278 : memref<50000x256xf32, #tpu.memory_space<hbm>>) target(%dma_start3A_268 : memref<128x256xf32, #tpu.memory_space<vmem>>) offsets(%dma_start3A_275 : memref<128xi32, #tpu.memory_space<vmem>>) semaphore(%run_scoped3A_264 : memref<!tpu.dma_semaphore, #tpu.memory_space<semaphore_mem>>)
          %dma_wait3A_279 = arith.constant 0 : i32
          %dma_wait3A_280 = arith.constant 0 : i32
          %dma_wait3A_281 = tpu.memref_slice %run_scoped3A_8[%rem3A_197, %dma_wait3A_279, %dma_wait3A_280] : memref<2x128x256xf32, #tpu.memory_space<vmem>> -> memref<1x128x256xf32, #tpu.memory_space<vmem>>
          %dma_wait3A_282 = tpu.memref_squeeze %dma_wait3A_281 : memref<1x128x256xf32, #tpu.memory_space<vmem>> -> memref<128x256xf32, #tpu.memory_space<vmem>>
          %dma_wait3A_283 = arith.constant 0 : i32
          %dma_wait3A_284 = arith.constant 0 : i32
          %dma_wait3A_285 = tpu.memref_slice %run_scoped3A[%rem3A_195, %dma_wait3A_283, %dma_wait3A_284] : memref<2x1x128xi32, #tpu.memory_space<vmem>> -> memref<1x1x128xi32, #tpu.memory_space<vmem>>
          %dma_wait3A_286 = tpu.memref_squeeze %dma_wait3A_285 : memref<1x1x128xi32, #tpu.memory_space<vmem>> -> memref<1x128xi32, #tpu.memory_space<vmem>>
          %dma_wait3A_287 = arith.constant 0 : i32
          %dma_wait3A_288 = tpu.memref_slice %dma_wait3A_286[%run_scoped3A_198, %dma_wait3A_287] : memref<1x128xi32, #tpu.memory_space<vmem>> -> memref<1x128xi32, #tpu.memory_space<vmem>>
          %dma_wait3A_289 = tpu.memref_squeeze %dma_wait3A_288 : memref<1x128xi32, #tpu.memory_space<vmem>> -> memref<128xi32, #tpu.memory_space<vmem>>
          %dma_wait3A_290 = arith.constant 0 : i32
          %dma_wait3A_291 = arith.constant 0 : i32
          %dma_wait3A_292 = tpu.memref_slice %arg2[%dma_wait3A_290, %dma_wait3A_291] : memref<50000x256xf32, #tpu.memory_space<hbm>> -> memref<50000x256xf32, #tpu.memory_space<hbm>>
          tpu.wait_indirect_dma semaphore(%run_scoped3A_264 : memref<!tpu.dma_semaphore, #tpu.memory_space<semaphore_mem>>) src(%dma_wait3A_292 : memref<50000x256xf32, #tpu.memory_space<hbm>>) dst(%dma_wait3A_282 : memref<128x256xf32, #tpu.memory_space<vmem>>)
          tpu.yield
        }) : () -> ()
        "tpu.trace_stop"() : () -> ()
        %ne3A_199 = arith.cmpi ne, %add3A_131, %add3A_149 : i32
        %or3A_200 = arith.constant false
        %or3A_201 = arith.ori %or3A_200, %ne3A_199 : i1
        %or3A_202 = arith.ori %or3A_201, %eq3A_130 : i1
        %convert_element_type3A_203 = arith.extui %or3A_202 : i1 to i32
        %cond3A_204 = arith.constant 0 : i32
        %cond3A_205 = arith.cmpi ne, %convert_element_type3A_203, %cond3A_204 : i32
        scf.if %cond3A_205 {
        } else {
        }
        %and3A_206 = arith.constant false
        %and3A_207 = arith.andi %or3A_202, %and3A_206 : i1
        %ne3A_208 = arith.cmpi ne, %add3A_131, %add3A_149 : i32
        %or3A_209 = arith.constant false
        %or3A_210 = arith.ori %or3A_209, %ne3A_208 : i1
        %or3A_211 = arith.constant false
        %or3A_212 = arith.ori %or3A_210, %or3A_211 : i1
        %or3A_213 = arith.ori %or3A_212, %eq3A_130 : i1
        %convert_element_type3A_214 = arith.extui %or3A_213 : i1 to i32
        %cond3A_215 = arith.constant 0 : i32
        %cond3A_216 = arith.cmpi ne, %convert_element_type3A_214, %cond3A_215 : i32
        scf.if %cond3A_216 {
          "tpu.trace_start"() <{level = 10 : i32, message = "ep_copy_out"}> : () -> ()
          %rem3A_264 = arith.constant 2 : i32
          %rem3A_265 = arith.remui %scan3A_124, %rem3A_264 : i32
          %mul3A_266 = arith.constant 128 : i32
          %mul3A_267 = arith.muli %mul3A_266, %add3A_131 : i32
          %dma_start3A_268 = arith.constant 0 : i32
          %dma_start3A_269 = arith.constant 0 : i32
          %dma_start3A_270 = tpu.memref_slice %run_scoped3A_8[%rem3A_265, %dma_start3A_268, %dma_start3A_269] : memref<2x128x256xf32, #tpu.memory_space<vmem>> -> memref<1x128x256xf32, #tpu.memory_space<vmem>>
          %dma_start3A_271 = tpu.memref_squeeze %dma_start3A_270 : memref<1x128x256xf32, #tpu.memory_space<vmem>> -> memref<128x256xf32, #tpu.memory_space<vmem>>
          %dma_start3A_272 = arith.constant 0 : i32
          %dma_start3A_273 = tpu.memref_slice %arg4[%mul3A_267, %dma_start3A_272] : memref<16384x256xf32, #tpu.memory_space<hbm>> -> memref<128x256xf32, #tpu.memory_space<hbm>>
          %dma_start3A_274 = tpu.memref_slice %run_scoped3A_9[%rem3A_265] : memref<2x!tpu.dma_semaphore, #tpu.memory_space<semaphore_mem>> -> memref<1x!tpu.dma_semaphore, #tpu.memory_space<semaphore_mem>>
          %dma_start3A_275 = tpu.memref_squeeze %dma_start3A_274 : memref<1x!tpu.dma_semaphore, #tpu.memory_space<semaphore_mem>> -> memref<!tpu.dma_semaphore, #tpu.memory_space<semaphore_mem>>
          %dma_start3A_276 = arith.constant 0 : i32
          %dma_start3A_277 = tpu.memref_slice %arg4[%mul3A_267, %dma_start3A_276] : memref<16384x256xf32, #tpu.memory_space<hbm>> -> memref<128x256xf32, #tpu.memory_space<hbm>>
          %dma_start3A_278 = arith.constant 0 : i32
          %dma_start3A_279 = arith.constant 0 : i32
          %dma_start3A_280 = tpu.memref_slice %run_scoped3A_8[%rem3A_265, %dma_start3A_278, %dma_start3A_279] : memref<2x128x256xf32, #tpu.memory_space<vmem>> -> memref<1x128x256xf32, #tpu.memory_space<vmem>>
          %dma_start3A_281 = tpu.memref_squeeze %dma_start3A_280 : memref<1x128x256xf32, #tpu.memory_space<vmem>> -> memref<128x256xf32, #tpu.memory_space<vmem>>
          tpu.enqueue_dma source(%dma_start3A_281 : memref<128x256xf32, #tpu.memory_space<vmem>>) target(%dma_start3A_277 : memref<128x256xf32, #tpu.memory_space<hbm>>) target_semaphore(%dma_start3A_275 : memref<!tpu.dma_semaphore, #tpu.memory_space<semaphore_mem>>)
          "tpu.trace_stop"() : () -> ()
        } else {
        }
        %and3A_217 = arith.constant true
        %and3A_218 = arith.andi %or3A_213, %and3A_217 : i1
        %add3A_219 = arith.constant 1 : i32
        %add3A_220 = arith.addi %scan3A_124, %add3A_219 : i32
        %select_n3A_221 = arith.select %and3A_218, %add3A_220, %scan3A_124 : i32
        %ne3A_222 = arith.cmpi ne, %add3A_131, %add3A_140 : i32
        %or3A_223 = arith.constant false
        %or3A_224 = arith.ori %or3A_223, %ne3A_222 : i1
        %not3A_225 = arith.constant true
        %not3A_226 = arith.xori %eq3A_128, %not3A_225 : i1
        %and3A_227 = arith.andi %or3A_224, %not3A_226 : i1
        %convert_element_type3A_228 = arith.extui %and3A_227 : i1 to i32
        %cond3A_229 = arith.constant 0 : i32
        %cond3A_230 = arith.cmpi ne, %convert_element_type3A_228, %cond3A_229 : i32
        scf.if %cond3A_230 {
        } else {
        }
        %and3A_231 = arith.constant false
        %and3A_232 = arith.andi %and3A_227, %and3A_231 : i1
        %ne3A_233 = arith.cmpi ne, %add3A_131, %add3A_140 : i32
        %or3A_234 = arith.constant false
        %or3A_235 = arith.ori %or3A_234, %ne3A_233 : i1
        %or3A_236 = arith.constant false
        %or3A_237 = arith.ori %or3A_235, %or3A_236 : i1
        %not3A_238 = arith.constant true
        %not3A_239 = arith.xori %eq3A_128, %not3A_238 : i1
        %and3A_240 = arith.andi %or3A_237, %not3A_239 : i1
        %convert_element_type3A_241 = arith.extui %and3A_240 : i1 to i32
        %cond3A_242 = arith.constant 0 : i32
        %cond3A_243 = arith.cmpi ne, %convert_element_type3A_241, %cond3A_242 : i32
        scf.if %cond3A_243 {
          "tpu.trace_start"() <{level = 10 : i32, message = "ep_wait_out"}> : () -> ()
          %rem3A_264 = arith.constant 2 : i32
          %rem3A_265 = arith.remui %scan3A_125, %rem3A_264 : i32
          %mul3A_266 = arith.constant 128 : i32
          %mul3A_267 = arith.muli %mul3A_266, %add3A_140 : i32
          %dma_wait3A_268 = arith.constant 0 : i32
          %dma_wait3A_269 = arith.constant 0 : i32
          %dma_wait3A_270 = tpu.memref_slice %run_scoped3A_8[%rem3A_265, %dma_wait3A_268, %dma_wait3A_269] : memref<2x128x256xf32, #tpu.memory_space<vmem>> -> memref<1x128x256xf32, #tpu.memory_space<vmem>>
          %dma_wait3A_271 = tpu.memref_squeeze %dma_wait3A_270 : memref<1x128x256xf32, #tpu.memory_space<vmem>> -> memref<128x256xf32, #tpu.memory_space<vmem>>
          %dma_wait3A_272 = arith.constant 0 : i32
          %dma_wait3A_273 = tpu.memref_slice %arg4[%mul3A_267, %dma_wait3A_272] : memref<16384x256xf32, #tpu.memory_space<hbm>> -> memref<128x256xf32, #tpu.memory_space<hbm>>
          %dma_wait3A_274 = tpu.memref_slice %run_scoped3A_9[%rem3A_265] : memref<2x!tpu.dma_semaphore, #tpu.memory_space<semaphore_mem>> -> memref<1x!tpu.dma_semaphore, #tpu.memory_space<semaphore_mem>>
          %dma_wait3A_275 = tpu.memref_squeeze %dma_wait3A_274 : memref<1x!tpu.dma_semaphore, #tpu.memory_space<semaphore_mem>> -> memref<!tpu.dma_semaphore, #tpu.memory_space<semaphore_mem>>
          %dma_wait3A_276 = arith.constant 0 : i32
          %dma_wait3A_277 = tpu.memref_slice %arg4[%mul3A_267, %dma_wait3A_276] : memref<16384x256xf32, #tpu.memory_space<hbm>> -> memref<128x256xf32, #tpu.memory_space<hbm>>
          %dma_wait3A_278 = arith.constant 0 : i32
          %dma_wait3A_279 = arith.constant 0 : i32
          %dma_wait3A_280 = tpu.memref_slice %run_scoped3A_8[%rem3A_265, %dma_wait3A_278, %dma_wait3A_279] : memref<2x128x256xf32, #tpu.memory_space<vmem>> -> memref<1x128x256xf32, #tpu.memory_space<vmem>>
          %dma_wait3A_281 = tpu.memref_squeeze %dma_wait3A_280 : memref<1x128x256xf32, #tpu.memory_space<vmem>> -> memref<128x256xf32, #tpu.memory_space<vmem>>
          tpu.wait_dma2 semaphore(%dma_wait3A_275 : memref<!tpu.dma_semaphore, #tpu.memory_space<semaphore_mem>>) src(%dma_wait3A_281 : memref<128x256xf32, #tpu.memory_space<vmem>>) dst(%dma_wait3A_277 : memref<128x256xf32, #tpu.memory_space<hbm>>)
          "tpu.trace_stop"() : () -> ()
        } else {
        }
        %and3A_244 = arith.constant true
        %and3A_245 = arith.andi %and3A_240, %and3A_244 : i1
        %add3A_246 = arith.constant 1 : i32
        %add3A_247 = arith.addi %scan3A_125, %add3A_246 : i32
        %select_n3A_248 = arith.select %and3A_245, %add3A_247, %scan3A_125 : i32
        %ne3A_249 = arith.cmpi ne, %add3A_131, %add3A_149 : i32
        %or3A_250 = arith.constant false
        %or3A_251 = arith.ori %or3A_250, %ne3A_249 : i1
        %or3A_252 = arith.ori %or3A_251, %eq3A_130 : i1
        %add3A_253 = arith.constant 1 : i32
        %add3A_254 = arith.addi %scan3A_123, %add3A_253 : i32
        %select_n3A_255 = arith.select %or3A_252, %add3A_254, %scan3A_123 : i32
        %add3A_256 = arith.constant 1 : i32
        %add3A_257 = arith.addi %scan3A_126, %add3A_256 : i32
        %select_n3A_258 = arith.constant true
        %select_n3A_259 = arith.select %select_n3A_258, %add3A_257, %scan3A_126 : i32
        %eq3A_260 = arith.constant 4 : i32
        %eq3A_261 = arith.cmpi eq, %select_n3A_259, %eq3A_260 : i32
        %select_n3A_262 = arith.constant 0 : i32
        %select_n3A_263 = arith.select %eq3A_261, %select_n3A_262, %select_n3A_259 : i32
        scf.yield %select_n3A_167, %select_n3A_255, %select_n3A_221, %select_n3A_248, %select_n3A_263 : i32, i32, i32, i32, i32
      }
      %scan3A_68 = arith.constant 4 : i32
      %sub3A = arith.constant 1 : i32
      %sub3A_69 = arith.subi %scan3A_67#4, %sub3A : i32
      %select_n3A_70 = arith.constant true
      %select_n3A_71 = arith.select %select_n3A_70, %sub3A_69, %scan3A_67#4 : i32
      %eq3A_72 = arith.constant -1 : i32
      %eq3A_73 = arith.cmpi eq, %select_n3A_71, %eq3A_72 : i32
      %select_n3A_74 = arith.constant 3 : i32
      %select_n3A_75 = arith.select %eq3A_73, %select_n3A_74, %select_n3A_71 : i32
      %add3A_76 = arith.addi %select_n3A_75, %mul3A_6 : i32
      %sub3A_77 = arith.constant 1 : i32
      %sub3A_78 = arith.subi %select_n3A_75, %sub3A_77 : i32
      %select_n3A_79 = arith.constant true
      %select_n3A_80 = arith.select %select_n3A_79, %sub3A_78, %select_n3A_75 : i32
      %eq3A_81 = arith.constant -1 : i32
      %eq3A_82 = arith.cmpi eq, %select_n3A_80, %eq3A_81 : i32
      %select_n3A_83 = arith.constant 3 : i32
      %select_n3A_84 = arith.select %eq3A_82, %select_n3A_83, %select_n3A_80 : i32
      %add3A_85 = arith.addi %select_n3A_84, %mul3A_6 : i32
      %add3A_86 = arith.constant 1 : i32
      %add3A_87 = arith.addi %select_n3A_75, %add3A_86 : i32
      %select_n3A_88 = arith.constant true
      %select_n3A_89 = arith.select %select_n3A_88, %add3A_87, %select_n3A_75 : i32
      %eq3A_90 = arith.constant 4 : i32
      %eq3A_91 = arith.cmpi eq, %select_n3A_89, %eq3A_90 : i32
      %select_n3A_92 = arith.constant 0 : i32
      %select_n3A_93 = arith.select %eq3A_91, %select_n3A_92, %select_n3A_89 : i32
      %add3A_94 = arith.addi %select_n3A_93, %mul3A_6 : i32
      %add3A_95 = arith.constant 1 : i32
      %add3A_96 = arith.addi %select_n3A_93, %add3A_95 : i32
      %select_n3A_97 = arith.constant true
      %select_n3A_98 = arith.select %select_n3A_97, %add3A_96, %select_n3A_93 : i32
      %eq3A_99 = arith.constant 4 : i32
      %eq3A_100 = arith.cmpi eq, %select_n3A_98, %eq3A_99 : i32
      %select_n3A_101 = arith.constant 0 : i32
      %select_n3A_102 = arith.select %eq3A_100, %select_n3A_101, %select_n3A_98 : i32
      %add3A_103 = arith.addi %select_n3A_102, %mul3A_6 : i32
      "tpu.trace_start"() <{level = 10 : i32, message = "ep_finalize"}> : () -> ()
      %rem3A_104 = arith.constant 2 : i32
      %rem3A_105 = arith.remui %scan3A_67#3, %rem3A_104 : i32
      %mul3A_106 = arith.constant 128 : i32
      %mul3A_107 = arith.muli %mul3A_106, %add3A_76 : i32
      %dma_wait3A = arith.constant 0 : i32
      %dma_wait3A_108 = arith.constant 0 : i32
      %dma_wait3A_109 = tpu.memref_slice %run_scoped3A_8[%rem3A_105, %dma_wait3A, %dma_wait3A_108] : memref<2x128x256xf32, #tpu.memory_space<vmem>> -> memref<1x128x256xf32, #tpu.memory_space<vmem>>
      %dma_wait3A_110 = tpu.memref_squeeze %dma_wait3A_109 : memref<1x128x256xf32, #tpu.memory_space<vmem>> -> memref<128x256xf32, #tpu.memory_space<vmem>>
      %dma_wait3A_111 = arith.constant 0 : i32
      %dma_wait3A_112 = tpu.memref_slice %arg4[%mul3A_107, %dma_wait3A_111] : memref<16384x256xf32, #tpu.memory_space<hbm>> -> memref<128x256xf32, #tpu.memory_space<hbm>>
      %dma_wait3A_113 = tpu.memref_slice %run_scoped3A_9[%rem3A_105] : memref<2x!tpu.dma_semaphore, #tpu.memory_space<semaphore_mem>> -> memref<1x!tpu.dma_semaphore, #tpu.memory_space<semaphore_mem>>
      %dma_wait3A_114 = tpu.memref_squeeze %dma_wait3A_113 : memref<1x!tpu.dma_semaphore, #tpu.memory_space<semaphore_mem>> -> memref<!tpu.dma_semaphore, #tpu.memory_space<semaphore_mem>>
      %dma_wait3A_115 = arith.constant 0 : i32
      %dma_wait3A_116 = tpu.memref_slice %arg4[%mul3A_107, %dma_wait3A_115] : memref<16384x256xf32, #tpu.memory_space<hbm>> -> memref<128x256xf32, #tpu.memory_space<hbm>>
      %dma_wait3A_117 = arith.constant 0 : i32
      %dma_wait3A_118 = arith.constant 0 : i32
      %dma_wait3A_119 = tpu.memref_slice %run_scoped3A_8[%rem3A_105, %dma_wait3A_117, %dma_wait3A_118] : memref<2x128x256xf32, #tpu.memory_space<vmem>> -> memref<1x128x256xf32, #tpu.memory_space<vmem>>
      %dma_wait3A_120 = tpu.memref_squeeze %dma_wait3A_119 : memref<1x128x256xf32, #tpu.memory_space<vmem>> -> memref<128x256xf32, #tpu.memory_space<vmem>>
      tpu.wait_dma2 semaphore(%dma_wait3A_114 : memref<!tpu.dma_semaphore, #tpu.memory_space<semaphore_mem>>) src(%dma_wait3A_120 : memref<128x256xf32, #tpu.memory_space<vmem>>) dst(%dma_wait3A_116 : memref<128x256xf32, #tpu.memory_space<hbm>>)
      "tpu.trace_stop"() : () -> ()
      tpu.yield
    }) : () -> ()
    return
  }
}

#map = affine_map<(d0, d1) -> (0, 0)>
module attributes {stable_mosaic.version = 14 : i64} {
  func.func @gk(%arg0: i32, %arg1: i32, %arg2: memref<50000x256xf32, #tpu.memory_space<hbm>>, %arg3: memref<1x16384xi32, #tpu.memory_space<hbm>>, %arg4: memref<16384x256xf32, #tpu.memory_space<hbm>>) attributes {dimension_semantics = [#tpu.dimension_semantics<core_parallel>, #tpu.dimension_semantics<subcore_parallel>], iteration_bounds = array<i64: 2, 16>, scalar_prefetch = 0 : i64, scratch_operands = 0 : i64, tpu.core_type = #tpu.core_type<sc_vector_subcore>, window_params = [{transform_indices = #map}, {transform_indices = #map}, {transform_indices = #map}]} {
    %mul3A = arith.constant 1 : i32
    %mul3A_0 = arith.muli %arg1, %mul3A : i32
    %add3A = arith.constant 0 : i32
    %add3A_1 = arith.addi %add3A, %mul3A_0 : i32
    %mul3A_2 = arith.constant 16 : i32
    %mul3A_3 = arith.muli %arg0, %mul3A_2 : i32
    %add3A_4 = arith.addi %add3A_1, %mul3A_3 : i32
    %mul3A_5 = arith.constant 4 : i32
    %mul3A_6 = arith.muli %add3A_4, %mul3A_5 : i32
    "tpu.region"() ({
      %run_scoped3A = memref.alloca() : memref<2x1x128xi32, #tpu.memory_space<vmem>>
      %run_scoped3A_7 = tpu.sem_alloc : memref<2x!tpu.dma_semaphore, #tpu.memory_space<semaphore_mem>>
      %run_scoped3A_8 = memref.alloca() : memref<2x128x256xf32, #tpu.memory_space<vmem>>
      %run_scoped3A_9 = tpu.sem_alloc : memref<2x!tpu.dma_semaphore, #tpu.memory_space<semaphore_mem>>
      %add3A_10 = arith.constant 0 : i32
      %add3A_11 = arith.addi %add3A_10, %mul3A_6 : i32
      %select_n3A = arith.constant true
      %select_n3A_12 = arith.constant 0 : i32
      %select_n3A_13 = arith.constant -1 : i32
      %select_n3A_14 = arith.select %select_n3A, %select_n3A_13, %select_n3A_12 : i32
      %eq3A = arith.constant -1 : i32
      %eq3A_15 = arith.cmpi eq, %select_n3A_14, %eq3A : i32
      %select_n3A_16 = arith.constant 3 : i32
      %select_n3A_17 = arith.select %eq3A_15, %select_n3A_16, %select_n3A_14 : i32
      %add3A_18 = arith.addi %select_n3A_17, %mul3A_6 : i32
      %select_n3A_19 = arith.constant true
      %select_n3A_20 = arith.constant 0 : i32
      %select_n3A_21 = arith.constant 1 : i32
      %select_n3A_22 = arith.select %select_n3A_19, %select_n3A_21, %select_n3A_20 : i32
      %eq3A_23 = arith.constant 4 : i32
      %eq3A_24 = arith.cmpi eq, %select_n3A_22, %eq3A_23 : i32
      %select_n3A_25 = arith.constant 0 : i32
      %select_n3A_26 = arith.select %eq3A_24, %select_n3A_25, %select_n3A_22 : i32
      %add3A_27 = arith.addi %select_n3A_26, %mul3A_6 : i32
      %add3A_28 = arith.constant 1 : i32
      %add3A_29 = arith.addi %select_n3A_26, %add3A_28 : i32
      %select_n3A_30 = arith.constant true
      %select_n3A_31 = arith.select %select_n3A_30, %add3A_29, %select_n3A_26 : i32
      %eq3A_32 = arith.constant 4 : i32
      %eq3A_33 = arith.cmpi eq, %select_n3A_31, %eq3A_32 : i32
      %select_n3A_34 = arith.constant 0 : i32
      %select_n3A_35 = arith.select %eq3A_33, %select_n3A_34, %select_n3A_31 : i32
      %add3A_36 = arith.addi %select_n3A_35, %mul3A_6 : i32
      "tpu.trace_start"() <{level = 10 : i32, message = "ep_initialize_0"}> : () -> ()
      %rem3A = arith.constant 0 : i32
      %rem3A_37 = arith.constant 2 : i32
      %rem3A_38 = arith.remui %rem3A, %rem3A_37 : i32
      %mul3A_39 = arith.constant 128 : i32
      %mul3A_40 = arith.muli %mul3A_39, %add3A_11 : i32
      %dma_start3A = arith.constant 0 : i32
      %dma_start3A_41 = arith.constant 0 : i32
      %dma_start3A_42 = tpu.memref_slice %run_scoped3A[%rem3A_38, %dma_start3A, %dma_start3A_41] : memref<2x1x128xi32, #tpu.memory_space<vmem>> -> memref<1x1x128xi32, #tpu.memory_space<vmem>>
      %dma_start3A_43 = tpu.memref_squeeze %dma_start3A_42 : memref<1x1x128xi32, #tpu.memory_space<vmem>> -> memref<1x128xi32, #tpu.memory_space<vmem>>
      %dma_start3A_44 = arith.constant 0 : i32
      %dma_start3A_45 = tpu.memref_slice %arg3[%dma_start3A_44, %mul3A_40] : memref<1x16384xi32, #tpu.memory_space<hbm>> -> memref<1x128xi32, #tpu.memory_space<hbm>>
      %dma_start3A_46 = tpu.memref_slice %run_scoped3A_7[%rem3A_38] : memref<2x!tpu.dma_semaphore, #tpu.memory_space<semaphore_mem>> -> memref<1x!tpu.dma_semaphore, #tpu.memory_space<semaphore_mem>>
      %dma_start3A_47 = tpu.memref_squeeze %dma_start3A_46 : memref<1x!tpu.dma_semaphore, #tpu.memory_space<semaphore_mem>> -> memref<!tpu.dma_semaphore, #tpu.memory_space<semaphore_mem>>
      %dma_start3A_48 = arith.constant 0 : i32
      %dma_start3A_49 = arith.constant 0 : i32
      %dma_start3A_50 = tpu.memref_slice %run_scoped3A[%rem3A_38, %dma_start3A_48, %dma_start3A_49] : memref<2x1x128xi32, #tpu.memory_space<vmem>> -> memref<1x1x128xi32, #tpu.memory_space<vmem>>
      %dma_start3A_51 = tpu.memref_squeeze %dma_start3A_50 : memref<1x1x128xi32, #tpu.memory_space<vmem>> -> memref<1x128xi32, #tpu.memory_space<vmem>>
      %dma_start3A_52 = arith.constant 0 : i32
      %dma_start3A_53 = tpu.memref_slice %arg3[%dma_start3A_52, %mul3A_40] : memref<1x16384xi32, #tpu.memory_space<hbm>> -> memref<1x128xi32, #tpu.memory_space<hbm>>
      tpu.enqueue_dma source(%dma_start3A_53 : memref<1x128xi32, #tpu.memory_space<hbm>>) target(%dma_start3A_51 : memref<1x128xi32, #tpu.memory_space<vmem>>) target_semaphore(%dma_start3A_47 : memref<!tpu.dma_semaphore, #tpu.memory_space<semaphore_mem>>)
      %add3A_54 = arith.constant 0 : i32
      %add3A_55 = arith.constant 1 : i32
      %add3A_56 = arith.addi %add3A_54, %add3A_55 : i32
      %select_n3A_57 = arith.constant true
      %select_n3A_58 = arith.constant 0 : i32
      %select_n3A_59 = arith.select %select_n3A_57, %add3A_56, %select_n3A_58 : i32
      "tpu.trace_stop"() : () -> ()
      %scan3A = arith.constant 0 : i32
      %scan3A_60 = arith.constant 0 : i32
      %scan3A_61 = arith.constant 0 : i32
      %scan3A_62 = arith.constant 0 : i32
      %scan3A_63 = arith.constant 0 : i32
      %scan3A_64 = arith.constant 4 : i32
      %scan3A_65 = arith.addi %scan3A_63, %scan3A_64 : i32
      %scan3A_66 = arith.constant 1 : i32
      %scan3A_67:5 = scf.for %scan3A_121 = %scan3A_63 to %scan3A_65 step %scan3A_66 iter_args(%scan3A_122 = %select_n3A_59, %scan3A_123 = %scan3A, %scan3A_124 = %scan3A_60, %scan3A_125 = %scan3A_61, %scan3A_126 = %scan3A_62) -> (i32, i32, i32, i32, i32)  : i32 {
        %eq3A_127 = arith.constant 0 : i32
        %eq3A_128 = arith.cmpi eq, %scan3A_121, %eq3A_127 : i32
        %eq3A_129 = arith.constant 3 : i32
        %eq3A_130 = arith.cmpi eq, %scan3A_121, %eq3A_129 : i32
        %add3A_131 = arith.addi %scan3A_126, %mul3A_6 : i32
        %sub3A_132 = arith.constant 1 : i32
        %sub3A_133 = arith.subi %scan3A_126, %sub3A_132 : i32
        %select_n3A_134 = arith.constant true
        %select_n3A_135 = arith.select %select_n3A_134, %sub3A_133, %scan3A_126 : i32
        %eq3A_136 = arith.constant -1 : i32
        %eq3A_137 = arith.cmpi eq, %select_n3A_135, %eq3A_136 : i32
        %select_n3A_138 = arith.constant 3 : i32
        %select_n3A_139 = arith.select %eq3A_137, %select_n3A_138, %select_n3A_135 : i32
        %add3A_140 = arith.addi %select_n3A_139, %mul3A_6 : i32
        %add3A_141 = arith.constant 1 : i32
        %add3A_142 = arith.addi %scan3A_126, %add3A_141 : i32
        %select_n3A_143 = arith.constant true
        %select_n3A_144 = arith.select %select_n3A_143, %add3A_142, %scan3A_126 : i32
        %eq3A_145 = arith.constant 4 : i32
        %eq3A_146 = arith.cmpi eq, %select_n3A_144, %eq3A_145 : i32
        %select_n3A_147 = arith.constant 0 : i32
        %select_n3A_148 = arith.select %eq3A_146, %select_n3A_147, %select_n3A_144 : i32
        %add3A_149 = arith.addi %select_n3A_148, %mul3A_6 : i32
        %add3A_150 = arith.constant 1 : i32
        %add3A_151 = arith.addi %select_n3A_148, %add3A_150 : i32
        %select_n3A_152 = arith.constant true
        %select_n3A_153 = arith.select %select_n3A_152, %add3A_151, %select_n3A_148 : i32
        %eq3A_154 = arith.constant 4 : i32
        %eq3A_155 = arith.cmpi eq, %select_n3A_153, %eq3A_154 : i32
        %select_n3A_156 = arith.constant 0 : i32
        %select_n3A_157 = arith.select %eq3A_155, %select_n3A_156, %select_n3A_153 : i32
        %add3A_158 = arith.addi %select_n3A_157, %mul3A_6 : i32
        %ne3A = arith.cmpi ne, %add3A_131, %add3A_149 : i32
        %or3A = arith.constant false
        %or3A_159 = arith.ori %or3A, %ne3A : i1
        %ge3A = arith.constant 3 : i32
        %ge3A_160 = arith.cmpi sge, %scan3A_121, %ge3A : i32
        %not3A = arith.constant true
        %not3A_161 = arith.xori %ge3A_160, %not3A : i1
        %and3A = arith.andi %or3A_159, %not3A_161 : i1
        %convert_element_type3A = arith.extui %and3A : i1 to i32
        %cond3A = arith.constant 0 : i32
        %cond3A_162 = arith.cmpi ne, %convert_element_type3A, %cond3A : i32
        scf.if %cond3A_162 {
          "tpu.trace_start"() <{level = 10 : i32, message = "ep_copy_in"}> : () -> ()
          %rem3A_264 = arith.constant 2 : i32
          %rem3A_265 = arith.remui %scan3A_122, %rem3A_264 : i32
          %mul3A_266 = arith.constant 128 : i32
          %mul3A_267 = arith.muli %mul3A_266, %add3A_149 : i32
          %dma_start3A_268 = arith.constant 0 : i32
          %dma_start3A_269 = arith.constant 0 : i32
          %dma_start3A_270 = tpu.memref_slice %run_scoped3A[%rem3A_265, %dma_start3A_268, %dma_start3A_269] : memref<2x1x128xi32, #tpu.memory_space<vmem>> -> memref<1x1x128xi32, #tpu.memory_space<vmem>>
          %dma_start3A_271 = tpu.memref_squeeze %dma_start3A_270 : memref<1x1x128xi32, #tpu.memory_space<vmem>> -> memref<1x128xi32, #tpu.memory_space<vmem>>
          %dma_start3A_272 = arith.constant 0 : i32
          %dma_start3A_273 = tpu.memref_slice %arg3[%dma_start3A_272, %mul3A_267] : memref<1x16384xi32, #tpu.memory_space<hbm>> -> memref<1x128xi32, #tpu.memory_space<hbm>>
          %dma_start3A_274 = tpu.memref_slice %run_scoped3A_7[%rem3A_265] : memref<2x!tpu.dma_semaphore, #tpu.memory_space<semaphore_mem>> -> memref<1x!tpu.dma_semaphore, #tpu.memory_space<semaphore_mem>>
          %dma_start3A_275 = tpu.memref_squeeze %dma_start3A_274 : memref<1x!tpu.dma_semaphore, #tpu.memory_space<semaphore_mem>> -> memref<!tpu.dma_semaphore, #tpu.memory_space<semaphore_mem>>
          %dma_start3A_276 = arith.constant 0 : i32
          %dma_start3A_277 = arith.constant 0 : i32
          %dma_start3A_278 = tpu.memref_slice %run_scoped3A[%rem3A_265, %dma_start3A_276, %dma_start3A_277] : memref<2x1x128xi32, #tpu.memory_space<vmem>> -> memref<1x1x128xi32, #tpu.memory_space<vmem>>
          %dma_start3A_279 = tpu.memref_squeeze %dma_start3A_278 : memref<1x1x128xi32, #tpu.memory_space<vmem>> -> memref<1x128xi32, #tpu.memory_space<vmem>>
          %dma_start3A_280 = arith.constant 0 : i32
          %dma_start3A_281 = tpu.memref_slice %arg3[%dma_start3A_280, %mul3A_267] : memref<1x16384xi32, #tpu.memory_space<hbm>> -> memref<1x128xi32, #tpu.memory_space<hbm>>
          tpu.enqueue_dma source(%dma_start3A_281 : memref<1x128xi32, #tpu.memory_space<hbm>>) target(%dma_start3A_279 : memref<1x128xi32, #tpu.memory_space<vmem>>) target_semaphore(%dma_start3A_275 : memref<!tpu.dma_semaphore, #tpu.memory_space<semaphore_mem>>)
          "tpu.trace_stop"() : () -> ()
        } else {
        }
        %and3A_163 = arith.constant true
        %and3A_164 = arith.andi %and3A, %and3A_163 : i1
        %add3A_165 = arith.constant 1 : i32
        %add3A_166 = arith.addi %scan3A_122, %add3A_165 : i32
        %select_n3A_167 = arith.select %and3A_164, %add3A_166, %scan3A_122 : i32
        %ne3A_168 = arith.cmpi ne, %add3A_131, %add3A_149 : i32
        %or3A_169 = arith.constant false
        %or3A_170 = arith.ori %or3A_169, %ne3A_168 : i1
        %or3A_171 = arith.constant false
        %or3A_172 = arith.ori %or3A_170, %or3A_171 : i1
        %ge3A_173 = arith.constant 3 : i32
        %ge3A_174 = arith.cmpi sge, %scan3A_121, %ge3A_173 : i32
        %not3A_175 = arith.constant true
        %not3A_176 = arith.xori %ge3A_174, %not3A_175 : i1
        %and3A_177 = arith.andi %or3A_172, %not3A_176 : i1
        %ne3A_178 = arith.cmpi ne, %add3A_131, %add3A_140 : i32
        %or3A_179 = arith.constant false
        %or3A_180 = arith.ori %or3A_179, %ne3A_178 : i1
        %or3A_181 = arith.ori %or3A_180, %eq3A_128 : i1
        %convert_element_type3A_182 = arith.extui %or3A_181 : i1 to i32
        %cond3A_183 = arith.constant 0 : i32
        %cond3A_184 = arith.cmpi ne, %convert_element_type3A_182, %cond3A_183 : i32
        scf.if %cond3A_184 {
          "tpu.trace_start"() <{level = 10 : i32, message = "ep_wait_in"}> : () -> ()
          %mul3A_264 = arith.constant 128 : i32
          %mul3A_265 = arith.muli %mul3A_264, %add3A_131 : i32
          %rem3A_266 = arith.constant 2 : i32
          %rem3A_267 = arith.remui %scan3A_123, %rem3A_266 : i32
          %dma_wait3A_268 = arith.constant 0 : i32
          %dma_wait3A_269 = arith.constant 0 : i32
          %dma_wait3A_270 = tpu.memref_slice %run_scoped3A[%rem3A_267, %dma_wait3A_268, %dma_wait3A_269] : memref<2x1x128xi32, #tpu.memory_space<vmem>> -> memref<1x1x128xi32, #tpu.memory_space<vmem>>
          %dma_wait3A_271 = tpu.memref_squeeze %dma_wait3A_270 : memref<1x1x128xi32, #tpu.memory_space<vmem>> -> memref<1x128xi32, #tpu.memory_space<vmem>>
          %dma_wait3A_272 = arith.constant 0 : i32
          %dma_wait3A_273 = tpu.memref_slice %arg3[%dma_wait3A_272, %mul3A_265] : memref<1x16384xi32, #tpu.memory_space<hbm>> -> memref<1x128xi32, #tpu.memory_space<hbm>>
          %dma_wait3A_274 = tpu.memref_slice %run_scoped3A_7[%rem3A_267] : memref<2x!tpu.dma_semaphore, #tpu.memory_space<semaphore_mem>> -> memref<1x!tpu.dma_semaphore, #tpu.memory_space<semaphore_mem>>
          %dma_wait3A_275 = tpu.memref_squeeze %dma_wait3A_274 : memref<1x!tpu.dma_semaphore, #tpu.memory_space<semaphore_mem>> -> memref<!tpu.dma_semaphore, #tpu.memory_space<semaphore_mem>>
          %dma_wait3A_276 = arith.constant 0 : i32
          %dma_wait3A_277 = arith.constant 0 : i32
          %dma_wait3A_278 = tpu.memref_slice %run_scoped3A[%rem3A_267, %dma_wait3A_276, %dma_wait3A_277] : memref<2x1x128xi32, #tpu.memory_space<vmem>> -> memref<1x1x128xi32, #tpu.memory_space<vmem>>
          %dma_wait3A_279 = tpu.memref_squeeze %dma_wait3A_278 : memref<1x1x128xi32, #tpu.memory_space<vmem>> -> memref<1x128xi32, #tpu.memory_space<vmem>>
          %dma_wait3A_280 = arith.constant 0 : i32
          %dma_wait3A_281 = tpu.memref_slice %arg3[%dma_wait3A_280, %mul3A_265] : memref<1x16384xi32, #tpu.memory_space<hbm>> -> memref<1x128xi32, #tpu.memory_space<hbm>>
          tpu.wait_dma2 semaphore(%dma_wait3A_275 : memref<!tpu.dma_semaphore, #tpu.memory_space<semaphore_mem>>) src(%dma_wait3A_281 : memref<1x128xi32, #tpu.memory_space<hbm>>) dst(%dma_wait3A_279 : memref<1x128xi32, #tpu.memory_space<vmem>>)
          "tpu.trace_stop"() : () -> ()
        } else {
        }
        %ne3A_185 = arith.cmpi ne, %add3A_131, %add3A_140 : i32
        %or3A_186 = arith.constant false
        %or3A_187 = arith.ori %or3A_186, %ne3A_185 : i1
        %or3A_188 = arith.constant false
        %or3A_189 = arith.ori %or3A_187, %or3A_188 : i1
        %or3A_190 = arith.ori %or3A_189, %eq3A_128 : i1
        %convert_element_type3A_191 = arith.extui %or3A_190 : i1 to i32
        %cond3A_192 = arith.constant 0 : i32
        %cond3A_193 = arith.cmpi ne, %convert_element_type3A_191, %cond3A_192 : i32
        scf.if %cond3A_193 {
        } else {
        }
        %rem3A_194 = arith.constant 2 : i32
        %rem3A_195 = arith.remui %scan3A_123, %rem3A_194 : i32
        %rem3A_196 = arith.constant 2 : i32
        %rem3A_197 = arith.remui %scan3A_124, %rem3A_196 : i32
        %run_scoped3A_198 = arith.constant 0 : i32
        "tpu.trace_start"() <{level = 10 : i32, message = "ep_run_kernel"}> : () -> ()
        "tpu.region"() ({
          %run_scoped3A_264 = tpu.sem_alloc : memref<!tpu.dma_semaphore, #tpu.memory_space<semaphore_mem>>
          %dma_start3A_265 = arith.constant 0 : i32
          %dma_start3A_266 = arith.constant 0 : i32
          %dma_start3A_267 = tpu.memref_slice %run_scoped3A_8[%rem3A_197, %dma_start3A_265, %dma_start3A_266] : memref<2x128x256xf32, #tpu.memory_space<vmem>> -> memref<1x128x256xf32, #tpu.memory_space<vmem>>
          %dma_start3A_268 = tpu.memref_squeeze %dma_start3A_267 : memref<1x128x256xf32, #tpu.memory_space<vmem>> -> memref<128x256xf32, #tpu.memory_space<vmem>>
          %dma_start3A_269 = arith.constant 0 : i32
          %dma_start3A_270 = arith.constant 0 : i32
          %dma_start3A_271 = tpu.memref_slice %run_scoped3A[%rem3A_195, %dma_start3A_269, %dma_start3A_270] : memref<2x1x128xi32, #tpu.memory_space<vmem>> -> memref<1x1x128xi32, #tpu.memory_space<vmem>>
          %dma_start3A_272 = tpu.memref_squeeze %dma_start3A_271 : memref<1x1x128xi32, #tpu.memory_space<vmem>> -> memref<1x128xi32, #tpu.memory_space<vmem>>
          %dma_start3A_273 = arith.constant 0 : i32
          %dma_start3A_274 = tpu.memref_slice %dma_start3A_272[%run_scoped3A_198, %dma_start3A_273] : memref<1x128xi32, #tpu.memory_space<vmem>> -> memref<1x128xi32, #tpu.memory_space<vmem>>
          %dma_start3A_275 = tpu.memref_squeeze %dma_start3A_274 : memref<1x128xi32, #tpu.memory_space<vmem>> -> memref<128xi32, #tpu.memory_space<vmem>>
          %dma_start3A_276 = arith.constant 0 : i32
          %dma_start3A_277 = arith.constant 0 : i32
          %dma_start3A_278 = tpu.memref_slice %arg2[%dma_start3A_276, %dma_start3A_277] : memref<50000x256xf32, #tpu.memory_space<hbm>> -> memref<50000x256xf32, #tpu.memory_space<hbm>>
          tpu.enqueue_indirect_dma source(%dma_start3A_278 : memref<50000x256xf32, #tpu.memory_space<hbm>>) target(%dma_start3A_268 : memref<128x256xf32, #tpu.memory_space<vmem>>) offsets(%dma_start3A_275 : memref<128xi32, #tpu.memory_space<vmem>>) semaphore(%run_scoped3A_264 : memref<!tpu.dma_semaphore, #tpu.memory_space<semaphore_mem>>)
          %dma_wait3A_279 = arith.constant 0 : i32
          %dma_wait3A_280 = arith.constant 0 : i32
          %dma_wait3A_281 = tpu.memref_slice %run_scoped3A_8[%rem3A_197, %dma_wait3A_279, %dma_wait3A_280] : memref<2x128x256xf32, #tpu.memory_space<vmem>> -> memref<1x128x256xf32, #tpu.memory_space<vmem>>
          %dma_wait3A_282 = tpu.memref_squeeze %dma_wait3A_281 : memref<1x128x256xf32, #tpu.memory_space<vmem>> -> memref<128x256xf32, #tpu.memory_space<vmem>>
          %dma_wait3A_283 = arith.constant 0 : i32
          %dma_wait3A_284 = arith.constant 0 : i32
          %dma_wait3A_285 = tpu.memref_slice %run_scoped3A[%rem3A_195, %dma_wait3A_283, %dma_wait3A_284] : memref<2x1x128xi32, #tpu.memory_space<vmem>> -> memref<1x1x128xi32, #tpu.memory_space<vmem>>
          %dma_wait3A_286 = tpu.memref_squeeze %dma_wait3A_285 : memref<1x1x128xi32, #tpu.memory_space<vmem>> -> memref<1x128xi32, #tpu.memory_space<vmem>>
          %dma_wait3A_287 = arith.constant 0 : i32
          %dma_wait3A_288 = tpu.memref_slice %dma_wait3A_286[%run_scoped3A_198, %dma_wait3A_287] : memref<1x128xi32, #tpu.memory_space<vmem>> -> memref<1x128xi32, #tpu.memory_space<vmem>>
          %dma_wait3A_289 = tpu.memref_squeeze %dma_wait3A_288 : memref<1x128xi32, #tpu.memory_space<vmem>> -> memref<128xi32, #tpu.memory_space<vmem>>
          %dma_wait3A_290 = arith.constant 0 : i32
          %dma_wait3A_291 = arith.constant 0 : i32
          %dma_wait3A_292 = tpu.memref_slice %arg2[%dma_wait3A_290, %dma_wait3A_291] : memref<50000x256xf32, #tpu.memory_space<hbm>> -> memref<50000x256xf32, #tpu.memory_space<hbm>>
          tpu.wait_indirect_dma semaphore(%run_scoped3A_264 : memref<!tpu.dma_semaphore, #tpu.memory_space<semaphore_mem>>) src(%dma_wait3A_292 : memref<50000x256xf32, #tpu.memory_space<hbm>>) dst(%dma_wait3A_282 : memref<128x256xf32, #tpu.memory_space<vmem>>)
          tpu.yield
        }) : () -> ()
        "tpu.trace_stop"() : () -> ()
        %ne3A_199 = arith.cmpi ne, %add3A_131, %add3A_149 : i32
        %or3A_200 = arith.constant false
        %or3A_201 = arith.ori %or3A_200, %ne3A_199 : i1
        %or3A_202 = arith.ori %or3A_201, %eq3A_130 : i1
        %convert_element_type3A_203 = arith.extui %or3A_202 : i1 to i32
        %cond3A_204 = arith.constant 0 : i32
        %cond3A_205 = arith.cmpi ne, %convert_element_type3A_203, %cond3A_204 : i32
        scf.if %cond3A_205 {
        } else {
        }
        %and3A_206 = arith.constant false
        %and3A_207 = arith.andi %or3A_202, %and3A_206 : i1
        %ne3A_208 = arith.cmpi ne, %add3A_131, %add3A_149 : i32
        %or3A_209 = arith.constant false
        %or3A_210 = arith.ori %or3A_209, %ne3A_208 : i1
        %or3A_211 = arith.constant false
        %or3A_212 = arith.ori %or3A_210, %or3A_211 : i1
        %or3A_213 = arith.ori %or3A_212, %eq3A_130 : i1
        %convert_element_type3A_214 = arith.extui %or3A_213 : i1 to i32
        %cond3A_215 = arith.constant 0 : i32
        %cond3A_216 = arith.cmpi ne, %convert_element_type3A_214, %cond3A_215 : i32
        scf.if %cond3A_216 {
          "tpu.trace_start"() <{level = 10 : i32, message = "ep_copy_out"}> : () -> ()
          %rem3A_264 = arith.constant 2 : i32
          %rem3A_265 = arith.remui %scan3A_124, %rem3A_264 : i32
          %mul3A_266 = arith.constant 128 : i32
          %mul3A_267 = arith.muli %mul3A_266, %add3A_131 : i32
          %dma_start3A_268 = arith.constant 0 : i32
          %dma_start3A_269 = arith.constant 0 : i32
          %dma_start3A_270 = tpu.memref_slice %run_scoped3A_8[%rem3A_265, %dma_start3A_268, %dma_start3A_269] : memref<2x128x256xf32, #tpu.memory_space<vmem>> -> memref<1x128x256xf32, #tpu.memory_space<vmem>>
          %dma_start3A_271 = tpu.memref_squeeze %dma_start3A_270 : memref<1x128x256xf32, #tpu.memory_space<vmem>> -> memref<128x256xf32, #tpu.memory_space<vmem>>
          %dma_start3A_272 = arith.constant 0 : i32
          %dma_start3A_273 = tpu.memref_slice %arg4[%mul3A_267, %dma_start3A_272] : memref<16384x256xf32, #tpu.memory_space<hbm>> -> memref<128x256xf32, #tpu.memory_space<hbm>>
          %dma_start3A_274 = tpu.memref_slice %run_scoped3A_9[%rem3A_265] : memref<2x!tpu.dma_semaphore, #tpu.memory_space<semaphore_mem>> -> memref<1x!tpu.dma_semaphore, #tpu.memory_space<semaphore_mem>>
          %dma_start3A_275 = tpu.memref_squeeze %dma_start3A_274 : memref<1x!tpu.dma_semaphore, #tpu.memory_space<semaphore_mem>> -> memref<!tpu.dma_semaphore, #tpu.memory_space<semaphore_mem>>
          %dma_start3A_276 = arith.constant 0 : i32
          %dma_start3A_277 = tpu.memref_slice %arg4[%mul3A_267, %dma_start3A_276] : memref<16384x256xf32, #tpu.memory_space<hbm>> -> memref<128x256xf32, #tpu.memory_space<hbm>>
          %dma_start3A_278 = arith.constant 0 : i32
          %dma_start3A_279 = arith.constant 0 : i32
          %dma_start3A_280 = tpu.memref_slice %run_scoped3A_8[%rem3A_265, %dma_start3A_278, %dma_start3A_279] : memref<2x128x256xf32, #tpu.memory_space<vmem>> -> memref<1x128x256xf32, #tpu.memory_space<vmem>>
          %dma_start3A_281 = tpu.memref_squeeze %dma_start3A_280 : memref<1x128x256xf32, #tpu.memory_space<vmem>> -> memref<128x256xf32, #tpu.memory_space<vmem>>
          tpu.enqueue_dma source(%dma_start3A_281 : memref<128x256xf32, #tpu.memory_space<vmem>>) target(%dma_start3A_277 : memref<128x256xf32, #tpu.memory_space<hbm>>) target_semaphore(%dma_start3A_275 : memref<!tpu.dma_semaphore, #tpu.memory_space<semaphore_mem>>)
          "tpu.trace_stop"() : () -> ()
        } else {
        }
        %and3A_217 = arith.constant true
        %and3A_218 = arith.andi %or3A_213, %and3A_217 : i1
        %add3A_219 = arith.constant 1 : i32
        %add3A_220 = arith.addi %scan3A_124, %add3A_219 : i32
        %select_n3A_221 = arith.select %and3A_218, %add3A_220, %scan3A_124 : i32
        %ne3A_222 = arith.cmpi ne, %add3A_131, %add3A_140 : i32
        %or3A_223 = arith.constant false
        %or3A_224 = arith.ori %or3A_223, %ne3A_222 : i1
        %not3A_225 = arith.constant true
        %not3A_226 = arith.xori %eq3A_128, %not3A_225 : i1
        %and3A_227 = arith.andi %or3A_224, %not3A_226 : i1
        %convert_element_type3A_228 = arith.extui %and3A_227 : i1 to i32
        %cond3A_229 = arith.constant 0 : i32
        %cond3A_230 = arith.cmpi ne, %convert_element_type3A_228, %cond3A_229 : i32
        scf.if %cond3A_230 {
        } else {
        }
        %and3A_231 = arith.constant false
        %and3A_232 = arith.andi %and3A_227, %and3A_231 : i1
        %ne3A_233 = arith.cmpi ne, %add3A_131, %add3A_140 : i32
        %or3A_234 = arith.constant false
        %or3A_235 = arith.ori %or3A_234, %ne3A_233 : i1
        %or3A_236 = arith.constant false
        %or3A_237 = arith.ori %or3A_235, %or3A_236 : i1
        %not3A_238 = arith.constant true
        %not3A_239 = arith.xori %eq3A_128, %not3A_238 : i1
        %and3A_240 = arith.andi %or3A_237, %not3A_239 : i1
        %convert_element_type3A_241 = arith.extui %and3A_240 : i1 to i32
        %cond3A_242 = arith.constant 0 : i32
        %cond3A_243 = arith.cmpi ne, %convert_element_type3A_241, %cond3A_242 : i32
        scf.if %cond3A_243 {
          "tpu.trace_start"() <{level = 10 : i32, message = "ep_wait_out"}> : () -> ()
          %rem3A_264 = arith.constant 2 : i32
          %rem3A_265 = arith.remui %scan3A_125, %rem3A_264 : i32
          %mul3A_266 = arith.constant 128 : i32
          %mul3A_267 = arith.muli %mul3A_266, %add3A_140 : i32
          %dma_wait3A_268 = arith.constant 0 : i32
          %dma_wait3A_269 = arith.constant 0 : i32
          %dma_wait3A_270 = tpu.memref_slice %run_scoped3A_8[%rem3A_265, %dma_wait3A_268, %dma_wait3A_269] : memref<2x128x256xf32, #tpu.memory_space<vmem>> -> memref<1x128x256xf32, #tpu.memory_space<vmem>>
          %dma_wait3A_271 = tpu.memref_squeeze %dma_wait3A_270 : memref<1x128x256xf32, #tpu.memory_space<vmem>> -> memref<128x256xf32, #tpu.memory_space<vmem>>
          %dma_wait3A_272 = arith.constant 0 : i32
          %dma_wait3A_273 = tpu.memref_slice %arg4[%mul3A_267, %dma_wait3A_272] : memref<16384x256xf32, #tpu.memory_space<hbm>> -> memref<128x256xf32, #tpu.memory_space<hbm>>
          %dma_wait3A_274 = tpu.memref_slice %run_scoped3A_9[%rem3A_265] : memref<2x!tpu.dma_semaphore, #tpu.memory_space<semaphore_mem>> -> memref<1x!tpu.dma_semaphore, #tpu.memory_space<semaphore_mem>>
          %dma_wait3A_275 = tpu.memref_squeeze %dma_wait3A_274 : memref<1x!tpu.dma_semaphore, #tpu.memory_space<semaphore_mem>> -> memref<!tpu.dma_semaphore, #tpu.memory_space<semaphore_mem>>
          %dma_wait3A_276 = arith.constant 0 : i32
          %dma_wait3A_277 = tpu.memref_slice %arg4[%mul3A_267, %dma_wait3A_276] : memref<16384x256xf32, #tpu.memory_space<hbm>> -> memref<128x256xf32, #tpu.memory_space<hbm>>
          %dma_wait3A_278 = arith.constant 0 : i32
          %dma_wait3A_279 = arith.constant 0 : i32
          %dma_wait3A_280 = tpu.memref_slice %run_scoped3A_8[%rem3A_265, %dma_wait3A_278, %dma_wait3A_279] : memref<2x128x256xf32, #tpu.memory_space<vmem>> -> memref<1x128x256xf32, #tpu.memory_space<vmem>>
          %dma_wait3A_281 = tpu.memref_squeeze %dma_wait3A_280 : memref<1x128x256xf32, #tpu.memory_space<vmem>> -> memref<128x256xf32, #tpu.memory_space<vmem>>
          tpu.wait_dma2 semaphore(%dma_wait3A_275 : memref<!tpu.dma_semaphore, #tpu.memory_space<semaphore_mem>>) src(%dma_wait3A_281 : memref<128x256xf32, #tpu.memory_space<vmem>>) dst(%dma_wait3A_277 : memref<128x256xf32, #tpu.memory_space<hbm>>)
          "tpu.trace_stop"() : () -> ()
        } else {
        }
        %and3A_244 = arith.constant true
        %and3A_245 = arith.andi %and3A_240, %and3A_244 : i1
        %add3A_246 = arith.constant 1 : i32
        %add3A_247 = arith.addi %scan3A_125, %add3A_246 : i32
        %select_n3A_248 = arith.select %and3A_245, %add3A_247, %scan3A_125 : i32
        %ne3A_249 = arith.cmpi ne, %add3A_131, %add3A_149 : i32
        %or3A_250 = arith.constant false
        %or3A_251 = arith.ori %or3A_250, %ne3A_249 : i1
        %or3A_252 = arith.ori %or3A_251, %eq3A_130 : i1
        %add3A_253 = arith.constant 1 : i32
        %add3A_254 = arith.addi %scan3A_123, %add3A_253 : i32
        %select_n3A_255 = arith.select %or3A_252, %add3A_254, %scan3A_123 : i32
        %add3A_256 = arith.constant 1 : i32
        %add3A_257 = arith.addi %scan3A_126, %add3A_256 : i32
        %select_n3A_258 = arith.constant true
        %select_n3A_259 = arith.select %select_n3A_258, %add3A_257, %scan3A_126 : i32
        %eq3A_260 = arith.constant 4 : i32
        %eq3A_261 = arith.cmpi eq, %select_n3A_259, %eq3A_260 : i32
        %select_n3A_262 = arith.constant 0 : i32
        %select_n3A_263 = arith.select %eq3A_261, %select_n3A_262, %select_n3A_259 : i32
        scf.yield %select_n3A_167, %select_n3A_255, %select_n3A_221, %select_n3A_248, %select_n3A_263 : i32, i32, i32, i32, i32
      }
      %scan3A_68 = arith.constant 4 : i32
      %sub3A = arith.constant 1 : i32
      %sub3A_69 = arith.subi %scan3A_67#4, %sub3A : i32
      %select_n3A_70 = arith.constant true
      %select_n3A_71 = arith.select %select_n3A_70, %sub3A_69, %scan3A_67#4 : i32
      %eq3A_72 = arith.constant -1 : i32
      %eq3A_73 = arith.cmpi eq, %select_n3A_71, %eq3A_72 : i32
      %select_n3A_74 = arith.constant 3 : i32
      %select_n3A_75 = arith.select %eq3A_73, %select_n3A_74, %select_n3A_71 : i32
      %add3A_76 = arith.addi %select_n3A_75, %mul3A_6 : i32
      %sub3A_77 = arith.constant 1 : i32
      %sub3A_78 = arith.subi %select_n3A_75, %sub3A_77 : i32
      %select_n3A_79 = arith.constant true
      %select_n3A_80 = arith.select %select_n3A_79, %sub3A_78, %select_n3A_75 : i32
      %eq3A_81 = arith.constant -1 : i32
      %eq3A_82 = arith.cmpi eq, %select_n3A_80, %eq3A_81 : i32
      %select_n3A_83 = arith.constant 3 : i32
      %select_n3A_84 = arith.select %eq3A_82, %select_n3A_83, %select_n3A_80 : i32
      %add3A_85 = arith.addi %select_n3A_84, %mul3A_6 : i32
      %add3A_86 = arith.constant 1 : i32
      %add3A_87 = arith.addi %select_n3A_75, %add3A_86 : i32
      %select_n3A_88 = arith.constant true
      %select_n3A_89 = arith.select %select_n3A_88, %add3A_87, %select_n3A_75 : i32
      %eq3A_90 = arith.constant 4 : i32
      %eq3A_91 = arith.cmpi eq, %select_n3A_89, %eq3A_90 : i32
      %select_n3A_92 = arith.constant 0 : i32
      %select_n3A_93 = arith.select %eq3A_91, %select_n3A_92, %select_n3A_89 : i32
      %add3A_94 = arith.addi %select_n3A_93, %mul3A_6 : i32
      %add3A_95 = arith.constant 1 : i32
      %add3A_96 = arith.addi %select_n3A_93, %add3A_95 : i32
      %select_n3A_97 = arith.constant true
      %select_n3A_98 = arith.select %select_n3A_97, %add3A_96, %select_n3A_93 : i32
      %eq3A_99 = arith.constant 4 : i32
      %eq3A_100 = arith.cmpi eq, %select_n3A_98, %eq3A_99 : i32
      %select_n3A_101 = arith.constant 0 : i32
      %select_n3A_102 = arith.select %eq3A_100, %select_n3A_101, %select_n3A_98 : i32
      %add3A_103 = arith.addi %select_n3A_102, %mul3A_6 : i32
      "tpu.trace_start"() <{level = 10 : i32, message = "ep_finalize"}> : () -> ()
      %rem3A_104 = arith.constant 2 : i32
      %rem3A_105 = arith.remui %scan3A_67#3, %rem3A_104 : i32
      %mul3A_106 = arith.constant 128 : i32
      %mul3A_107 = arith.muli %mul3A_106, %add3A_76 : i32
      %dma_wait3A = arith.constant 0 : i32
      %dma_wait3A_108 = arith.constant 0 : i32
      %dma_wait3A_109 = tpu.memref_slice %run_scoped3A_8[%rem3A_105, %dma_wait3A, %dma_wait3A_108] : memref<2x128x256xf32, #tpu.memory_space<vmem>> -> memref<1x128x256xf32, #tpu.memory_space<vmem>>
      %dma_wait3A_110 = tpu.memref_squeeze %dma_wait3A_109 : memref<1x128x256xf32, #tpu.memory_space<vmem>> -> memref<128x256xf32, #tpu.memory_space<vmem>>
      %dma_wait3A_111 = arith.constant 0 : i32
      %dma_wait3A_112 = tpu.memref_slice %arg4[%mul3A_107, %dma_wait3A_111] : memref<16384x256xf32, #tpu.memory_space<hbm>> -> memref<128x256xf32, #tpu.memory_space<hbm>>
      %dma_wait3A_113 = tpu.memref_slice %run_scoped3A_9[%rem3A_105] : memref<2x!tpu.dma_semaphore, #tpu.memory_space<semaphore_mem>> -> memref<1x!tpu.dma_semaphore, #tpu.memory_space<semaphore_mem>>
      %dma_wait3A_114 = tpu.memref_squeeze %dma_wait3A_113 : memref<1x!tpu.dma_semaphore, #tpu.memory_space<semaphore_mem>> -> memref<!tpu.dma_semaphore, #tpu.memory_space<semaphore_mem>>
      %dma_wait3A_115 = arith.constant 0 : i32
      %dma_wait3A_116 = tpu.memref_slice %arg4[%mul3A_107, %dma_wait3A_115] : memref<16384x256xf32, #tpu.memory_space<hbm>> -> memref<128x256xf32, #tpu.memory_space<hbm>>
      %dma_wait3A_117 = arith.constant 0 : i32
      %dma_wait3A_118 = arith.constant 0 : i32
      %dma_wait3A_119 = tpu.memref_slice %run_scoped3A_8[%rem3A_105, %dma_wait3A_117, %dma_wait3A_118] : memref<2x128x256xf32, #tpu.memory_space<vmem>> -> memref<1x128x256xf32, #tpu.memory_space<vmem>>
      %dma_wait3A_120 = tpu.memref_squeeze %dma_wait3A_119 : memref<1x128x256xf32, #tpu.memory_space<vmem>> -> memref<128x256xf32, #tpu.memory_space<vmem>>
      tpu.wait_dma2 semaphore(%dma_wait3A_114 : memref<!tpu.dma_semaphore, #tpu.memory_space<semaphore_mem>>) src(%dma_wait3A_120 : memref<128x256xf32, #tpu.memory_space<vmem>>) dst(%dma_wait3A_116 : memref<128x256xf32, #tpu.memory_space<hbm>>)
      "tpu.trace_stop"() : () -> ()
      tpu.yield
    }) : () -> ()
    return
  }
}

#map = affine_map<(d0, d1) -> (0, 0)>
module attributes {stable_mosaic.version = 14 : i64} {
  func.func @gk(%arg0: i32, %arg1: i32, %arg2: memref<50000x256xf32, #tpu.memory_space<hbm>>, %arg3: memref<1x16384xi32, #tpu.memory_space<hbm>>, %arg4: memref<16384x256xf32, #tpu.memory_space<hbm>>) attributes {dimension_semantics = [#tpu.dimension_semantics<core_parallel>, #tpu.dimension_semantics<subcore_parallel>], iteration_bounds = array<i64: 2, 16>, scalar_prefetch = 0 : i64, scratch_operands = 0 : i64, tpu.core_type = #tpu.core_type<sc_vector_subcore>, window_params = [{transform_indices = #map}, {transform_indices = #map}, {transform_indices = #map}]} {
    %mul3A = arith.constant 1 : i32
    %mul3A_0 = arith.muli %arg1, %mul3A : i32
    %add3A = arith.constant 0 : i32
    %add3A_1 = arith.addi %add3A, %mul3A_0 : i32
    %mul3A_2 = arith.constant 16 : i32
    %mul3A_3 = arith.muli %arg0, %mul3A_2 : i32
    %add3A_4 = arith.addi %add3A_1, %mul3A_3 : i32
    %mul3A_5 = arith.constant 4 : i32
    %mul3A_6 = arith.muli %add3A_4, %mul3A_5 : i32
    "tpu.region"() ({
      %run_scoped3A = memref.alloca() : memref<2x1x128xi32, #tpu.memory_space<vmem>>
      %run_scoped3A_7 = tpu.sem_alloc : memref<2x!tpu.dma_semaphore, #tpu.memory_space<semaphore_mem>>
      %run_scoped3A_8 = memref.alloca() : memref<2x128x256xf32, #tpu.memory_space<vmem>>
      %run_scoped3A_9 = tpu.sem_alloc : memref<2x!tpu.dma_semaphore, #tpu.memory_space<semaphore_mem>>
      %add3A_10 = arith.constant 0 : i32
      %add3A_11 = arith.addi %add3A_10, %mul3A_6 : i32
      %select_n3A = arith.constant true
      %select_n3A_12 = arith.constant 0 : i32
      %select_n3A_13 = arith.constant -1 : i32
      %select_n3A_14 = arith.select %select_n3A, %select_n3A_13, %select_n3A_12 : i32
      %eq3A = arith.constant -1 : i32
      %eq3A_15 = arith.cmpi eq, %select_n3A_14, %eq3A : i32
      %select_n3A_16 = arith.constant 3 : i32
      %select_n3A_17 = arith.select %eq3A_15, %select_n3A_16, %select_n3A_14 : i32
      %add3A_18 = arith.addi %select_n3A_17, %mul3A_6 : i32
      %select_n3A_19 = arith.constant true
      %select_n3A_20 = arith.constant 0 : i32
      %select_n3A_21 = arith.constant 1 : i32
      %select_n3A_22 = arith.select %select_n3A_19, %select_n3A_21, %select_n3A_20 : i32
      %eq3A_23 = arith.constant 4 : i32
      %eq3A_24 = arith.cmpi eq, %select_n3A_22, %eq3A_23 : i32
      %select_n3A_25 = arith.constant 0 : i32
      %select_n3A_26 = arith.select %eq3A_24, %select_n3A_25, %select_n3A_22 : i32
      %add3A_27 = arith.addi %select_n3A_26, %mul3A_6 : i32
      %add3A_28 = arith.constant 1 : i32
      %add3A_29 = arith.addi %select_n3A_26, %add3A_28 : i32
      %select_n3A_30 = arith.constant true
      %select_n3A_31 = arith.select %select_n3A_30, %add3A_29, %select_n3A_26 : i32
      %eq3A_32 = arith.constant 4 : i32
      %eq3A_33 = arith.cmpi eq, %select_n3A_31, %eq3A_32 : i32
      %select_n3A_34 = arith.constant 0 : i32
      %select_n3A_35 = arith.select %eq3A_33, %select_n3A_34, %select_n3A_31 : i32
      %add3A_36 = arith.addi %select_n3A_35, %mul3A_6 : i32
      "tpu.trace_start"() <{level = 10 : i32, message = "ep_initialize_0"}> : () -> ()
      %rem3A = arith.constant 0 : i32
      %rem3A_37 = arith.constant 2 : i32
      %rem3A_38 = arith.remui %rem3A, %rem3A_37 : i32
      %mul3A_39 = arith.constant 128 : i32
      %mul3A_40 = arith.muli %mul3A_39, %add3A_11 : i32
      %dma_start3A = arith.constant 0 : i32
      %dma_start3A_41 = arith.constant 0 : i32
      %dma_start3A_42 = tpu.memref_slice %run_scoped3A[%rem3A_38, %dma_start3A, %dma_start3A_41] : memref<2x1x128xi32, #tpu.memory_space<vmem>> -> memref<1x1x128xi32, #tpu.memory_space<vmem>>
      %dma_start3A_43 = tpu.memref_squeeze %dma_start3A_42 : memref<1x1x128xi32, #tpu.memory_space<vmem>> -> memref<1x128xi32, #tpu.memory_space<vmem>>
      %dma_start3A_44 = arith.constant 0 : i32
      %dma_start3A_45 = tpu.memref_slice %arg3[%dma_start3A_44, %mul3A_40] : memref<1x16384xi32, #tpu.memory_space<hbm>> -> memref<1x128xi32, #tpu.memory_space<hbm>>
      %dma_start3A_46 = tpu.memref_slice %run_scoped3A_7[%rem3A_38] : memref<2x!tpu.dma_semaphore, #tpu.memory_space<semaphore_mem>> -> memref<1x!tpu.dma_semaphore, #tpu.memory_space<semaphore_mem>>
      %dma_start3A_47 = tpu.memref_squeeze %dma_start3A_46 : memref<1x!tpu.dma_semaphore, #tpu.memory_space<semaphore_mem>> -> memref<!tpu.dma_semaphore, #tpu.memory_space<semaphore_mem>>
      %dma_start3A_48 = arith.constant 0 : i32
      %dma_start3A_49 = arith.constant 0 : i32
      %dma_start3A_50 = tpu.memref_slice %run_scoped3A[%rem3A_38, %dma_start3A_48, %dma_start3A_49] : memref<2x1x128xi32, #tpu.memory_space<vmem>> -> memref<1x1x128xi32, #tpu.memory_space<vmem>>
      %dma_start3A_51 = tpu.memref_squeeze %dma_start3A_50 : memref<1x1x128xi32, #tpu.memory_space<vmem>> -> memref<1x128xi32, #tpu.memory_space<vmem>>
      %dma_start3A_52 = arith.constant 0 : i32
      %dma_start3A_53 = tpu.memref_slice %arg3[%dma_start3A_52, %mul3A_40] : memref<1x16384xi32, #tpu.memory_space<hbm>> -> memref<1x128xi32, #tpu.memory_space<hbm>>
      tpu.enqueue_dma source(%dma_start3A_53 : memref<1x128xi32, #tpu.memory_space<hbm>>) target(%dma_start3A_51 : memref<1x128xi32, #tpu.memory_space<vmem>>) target_semaphore(%dma_start3A_47 : memref<!tpu.dma_semaphore, #tpu.memory_space<semaphore_mem>>)
      %add3A_54 = arith.constant 0 : i32
      %add3A_55 = arith.constant 1 : i32
      %add3A_56 = arith.addi %add3A_54, %add3A_55 : i32
      %select_n3A_57 = arith.constant true
      %select_n3A_58 = arith.constant 0 : i32
      %select_n3A_59 = arith.select %select_n3A_57, %add3A_56, %select_n3A_58 : i32
      "tpu.trace_stop"() : () -> ()
      %scan3A = arith.constant 0 : i32
      %scan3A_60 = arith.constant 0 : i32
      %scan3A_61 = arith.constant 0 : i32
      %scan3A_62 = arith.constant 0 : i32
      %scan3A_63 = arith.constant 0 : i32
      %scan3A_64 = arith.constant 4 : i32
      %scan3A_65 = arith.addi %scan3A_63, %scan3A_64 : i32
      %scan3A_66 = arith.constant 1 : i32
      %scan3A_67:5 = scf.for %scan3A_121 = %scan3A_63 to %scan3A_65 step %scan3A_66 iter_args(%scan3A_122 = %select_n3A_59, %scan3A_123 = %scan3A, %scan3A_124 = %scan3A_60, %scan3A_125 = %scan3A_61, %scan3A_126 = %scan3A_62) -> (i32, i32, i32, i32, i32)  : i32 {
        %eq3A_127 = arith.constant 0 : i32
        %eq3A_128 = arith.cmpi eq, %scan3A_121, %eq3A_127 : i32
        %eq3A_129 = arith.constant 3 : i32
        %eq3A_130 = arith.cmpi eq, %scan3A_121, %eq3A_129 : i32
        %add3A_131 = arith.addi %scan3A_126, %mul3A_6 : i32
        %sub3A_132 = arith.constant 1 : i32
        %sub3A_133 = arith.subi %scan3A_126, %sub3A_132 : i32
        %select_n3A_134 = arith.constant true
        %select_n3A_135 = arith.select %select_n3A_134, %sub3A_133, %scan3A_126 : i32
        %eq3A_136 = arith.constant -1 : i32
        %eq3A_137 = arith.cmpi eq, %select_n3A_135, %eq3A_136 : i32
        %select_n3A_138 = arith.constant 3 : i32
        %select_n3A_139 = arith.select %eq3A_137, %select_n3A_138, %select_n3A_135 : i32
        %add3A_140 = arith.addi %select_n3A_139, %mul3A_6 : i32
        %add3A_141 = arith.constant 1 : i32
        %add3A_142 = arith.addi %scan3A_126, %add3A_141 : i32
        %select_n3A_143 = arith.constant true
        %select_n3A_144 = arith.select %select_n3A_143, %add3A_142, %scan3A_126 : i32
        %eq3A_145 = arith.constant 4 : i32
        %eq3A_146 = arith.cmpi eq, %select_n3A_144, %eq3A_145 : i32
        %select_n3A_147 = arith.constant 0 : i32
        %select_n3A_148 = arith.select %eq3A_146, %select_n3A_147, %select_n3A_144 : i32
        %add3A_149 = arith.addi %select_n3A_148, %mul3A_6 : i32
        %add3A_150 = arith.constant 1 : i32
        %add3A_151 = arith.addi %select_n3A_148, %add3A_150 : i32
        %select_n3A_152 = arith.constant true
        %select_n3A_153 = arith.select %select_n3A_152, %add3A_151, %select_n3A_148 : i32
        %eq3A_154 = arith.constant 4 : i32
        %eq3A_155 = arith.cmpi eq, %select_n3A_153, %eq3A_154 : i32
        %select_n3A_156 = arith.constant 0 : i32
        %select_n3A_157 = arith.select %eq3A_155, %select_n3A_156, %select_n3A_153 : i32
        %add3A_158 = arith.addi %select_n3A_157, %mul3A_6 : i32
        %ne3A = arith.cmpi ne, %add3A_131, %add3A_149 : i32
        %or3A = arith.constant false
        %or3A_159 = arith.ori %or3A, %ne3A : i1
        %ge3A = arith.constant 3 : i32
        %ge3A_160 = arith.cmpi sge, %scan3A_121, %ge3A : i32
        %not3A = arith.constant true
        %not3A_161 = arith.xori %ge3A_160, %not3A : i1
        %and3A = arith.andi %or3A_159, %not3A_161 : i1
        %convert_element_type3A = arith.extui %and3A : i1 to i32
        %cond3A = arith.constant 0 : i32
        %cond3A_162 = arith.cmpi ne, %convert_element_type3A, %cond3A : i32
        scf.if %cond3A_162 {
          "tpu.trace_start"() <{level = 10 : i32, message = "ep_copy_in"}> : () -> ()
          %rem3A_264 = arith.constant 2 : i32
          %rem3A_265 = arith.remui %scan3A_122, %rem3A_264 : i32
          %mul3A_266 = arith.constant 128 : i32
          %mul3A_267 = arith.muli %mul3A_266, %add3A_149 : i32
          %dma_start3A_268 = arith.constant 0 : i32
          %dma_start3A_269 = arith.constant 0 : i32
          %dma_start3A_270 = tpu.memref_slice %run_scoped3A[%rem3A_265, %dma_start3A_268, %dma_start3A_269] : memref<2x1x128xi32, #tpu.memory_space<vmem>> -> memref<1x1x128xi32, #tpu.memory_space<vmem>>
          %dma_start3A_271 = tpu.memref_squeeze %dma_start3A_270 : memref<1x1x128xi32, #tpu.memory_space<vmem>> -> memref<1x128xi32, #tpu.memory_space<vmem>>
          %dma_start3A_272 = arith.constant 0 : i32
          %dma_start3A_273 = tpu.memref_slice %arg3[%dma_start3A_272, %mul3A_267] : memref<1x16384xi32, #tpu.memory_space<hbm>> -> memref<1x128xi32, #tpu.memory_space<hbm>>
          %dma_start3A_274 = tpu.memref_slice %run_scoped3A_7[%rem3A_265] : memref<2x!tpu.dma_semaphore, #tpu.memory_space<semaphore_mem>> -> memref<1x!tpu.dma_semaphore, #tpu.memory_space<semaphore_mem>>
          %dma_start3A_275 = tpu.memref_squeeze %dma_start3A_274 : memref<1x!tpu.dma_semaphore, #tpu.memory_space<semaphore_mem>> -> memref<!tpu.dma_semaphore, #tpu.memory_space<semaphore_mem>>
          %dma_start3A_276 = arith.constant 0 : i32
          %dma_start3A_277 = arith.constant 0 : i32
          %dma_start3A_278 = tpu.memref_slice %run_scoped3A[%rem3A_265, %dma_start3A_276, %dma_start3A_277] : memref<2x1x128xi32, #tpu.memory_space<vmem>> -> memref<1x1x128xi32, #tpu.memory_space<vmem>>
          %dma_start3A_279 = tpu.memref_squeeze %dma_start3A_278 : memref<1x1x128xi32, #tpu.memory_space<vmem>> -> memref<1x128xi32, #tpu.memory_space<vmem>>
          %dma_start3A_280 = arith.constant 0 : i32
          %dma_start3A_281 = tpu.memref_slice %arg3[%dma_start3A_280, %mul3A_267] : memref<1x16384xi32, #tpu.memory_space<hbm>> -> memref<1x128xi32, #tpu.memory_space<hbm>>
          tpu.enqueue_dma source(%dma_start3A_281 : memref<1x128xi32, #tpu.memory_space<hbm>>) target(%dma_start3A_279 : memref<1x128xi32, #tpu.memory_space<vmem>>) target_semaphore(%dma_start3A_275 : memref<!tpu.dma_semaphore, #tpu.memory_space<semaphore_mem>>)
          "tpu.trace_stop"() : () -> ()
        } else {
        }
        %and3A_163 = arith.constant true
        %and3A_164 = arith.andi %and3A, %and3A_163 : i1
        %add3A_165 = arith.constant 1 : i32
        %add3A_166 = arith.addi %scan3A_122, %add3A_165 : i32
        %select_n3A_167 = arith.select %and3A_164, %add3A_166, %scan3A_122 : i32
        %ne3A_168 = arith.cmpi ne, %add3A_131, %add3A_149 : i32
        %or3A_169 = arith.constant false
        %or3A_170 = arith.ori %or3A_169, %ne3A_168 : i1
        %or3A_171 = arith.constant false
        %or3A_172 = arith.ori %or3A_170, %or3A_171 : i1
        %ge3A_173 = arith.constant 3 : i32
        %ge3A_174 = arith.cmpi sge, %scan3A_121, %ge3A_173 : i32
        %not3A_175 = arith.constant true
        %not3A_176 = arith.xori %ge3A_174, %not3A_175 : i1
        %and3A_177 = arith.andi %or3A_172, %not3A_176 : i1
        %ne3A_178 = arith.cmpi ne, %add3A_131, %add3A_140 : i32
        %or3A_179 = arith.constant false
        %or3A_180 = arith.ori %or3A_179, %ne3A_178 : i1
        %or3A_181 = arith.ori %or3A_180, %eq3A_128 : i1
        %convert_element_type3A_182 = arith.extui %or3A_181 : i1 to i32
        %cond3A_183 = arith.constant 0 : i32
        %cond3A_184 = arith.cmpi ne, %convert_element_type3A_182, %cond3A_183 : i32
        scf.if %cond3A_184 {
          "tpu.trace_start"() <{level = 10 : i32, message = "ep_wait_in"}> : () -> ()
          %mul3A_264 = arith.constant 128 : i32
          %mul3A_265 = arith.muli %mul3A_264, %add3A_131 : i32
          %rem3A_266 = arith.constant 2 : i32
          %rem3A_267 = arith.remui %scan3A_123, %rem3A_266 : i32
          %dma_wait3A_268 = arith.constant 0 : i32
          %dma_wait3A_269 = arith.constant 0 : i32
          %dma_wait3A_270 = tpu.memref_slice %run_scoped3A[%rem3A_267, %dma_wait3A_268, %dma_wait3A_269] : memref<2x1x128xi32, #tpu.memory_space<vmem>> -> memref<1x1x128xi32, #tpu.memory_space<vmem>>
          %dma_wait3A_271 = tpu.memref_squeeze %dma_wait3A_270 : memref<1x1x128xi32, #tpu.memory_space<vmem>> -> memref<1x128xi32, #tpu.memory_space<vmem>>
          %dma_wait3A_272 = arith.constant 0 : i32
          %dma_wait3A_273 = tpu.memref_slice %arg3[%dma_wait3A_272, %mul3A_265] : memref<1x16384xi32, #tpu.memory_space<hbm>> -> memref<1x128xi32, #tpu.memory_space<hbm>>
          %dma_wait3A_274 = tpu.memref_slice %run_scoped3A_7[%rem3A_267] : memref<2x!tpu.dma_semaphore, #tpu.memory_space<semaphore_mem>> -> memref<1x!tpu.dma_semaphore, #tpu.memory_space<semaphore_mem>>
          %dma_wait3A_275 = tpu.memref_squeeze %dma_wait3A_274 : memref<1x!tpu.dma_semaphore, #tpu.memory_space<semaphore_mem>> -> memref<!tpu.dma_semaphore, #tpu.memory_space<semaphore_mem>>
          %dma_wait3A_276 = arith.constant 0 : i32
          %dma_wait3A_277 = arith.constant 0 : i32
          %dma_wait3A_278 = tpu.memref_slice %run_scoped3A[%rem3A_267, %dma_wait3A_276, %dma_wait3A_277] : memref<2x1x128xi32, #tpu.memory_space<vmem>> -> memref<1x1x128xi32, #tpu.memory_space<vmem>>
          %dma_wait3A_279 = tpu.memref_squeeze %dma_wait3A_278 : memref<1x1x128xi32, #tpu.memory_space<vmem>> -> memref<1x128xi32, #tpu.memory_space<vmem>>
          %dma_wait3A_280 = arith.constant 0 : i32
          %dma_wait3A_281 = tpu.memref_slice %arg3[%dma_wait3A_280, %mul3A_265] : memref<1x16384xi32, #tpu.memory_space<hbm>> -> memref<1x128xi32, #tpu.memory_space<hbm>>
          tpu.wait_dma2 semaphore(%dma_wait3A_275 : memref<!tpu.dma_semaphore, #tpu.memory_space<semaphore_mem>>) src(%dma_wait3A_281 : memref<1x128xi32, #tpu.memory_space<hbm>>) dst(%dma_wait3A_279 : memref<1x128xi32, #tpu.memory_space<vmem>>)
          "tpu.trace_stop"() : () -> ()
        } else {
        }
        %ne3A_185 = arith.cmpi ne, %add3A_131, %add3A_140 : i32
        %or3A_186 = arith.constant false
        %or3A_187 = arith.ori %or3A_186, %ne3A_185 : i1
        %or3A_188 = arith.constant false
        %or3A_189 = arith.ori %or3A_187, %or3A_188 : i1
        %or3A_190 = arith.ori %or3A_189, %eq3A_128 : i1
        %convert_element_type3A_191 = arith.extui %or3A_190 : i1 to i32
        %cond3A_192 = arith.constant 0 : i32
        %cond3A_193 = arith.cmpi ne, %convert_element_type3A_191, %cond3A_192 : i32
        scf.if %cond3A_193 {
        } else {
        }
        %rem3A_194 = arith.constant 2 : i32
        %rem3A_195 = arith.remui %scan3A_123, %rem3A_194 : i32
        %rem3A_196 = arith.constant 2 : i32
        %rem3A_197 = arith.remui %scan3A_124, %rem3A_196 : i32
        %run_scoped3A_198 = arith.constant 0 : i32
        "tpu.trace_start"() <{level = 10 : i32, message = "ep_run_kernel"}> : () -> ()
        "tpu.region"() ({
          %run_scoped3A_264 = tpu.sem_alloc : memref<!tpu.dma_semaphore, #tpu.memory_space<semaphore_mem>>
          %dma_start3A_265 = arith.constant 0 : i32
          %dma_start3A_266 = arith.constant 0 : i32
          %dma_start3A_267 = tpu.memref_slice %run_scoped3A_8[%rem3A_197, %dma_start3A_265, %dma_start3A_266] : memref<2x128x256xf32, #tpu.memory_space<vmem>> -> memref<1x128x256xf32, #tpu.memory_space<vmem>>
          %dma_start3A_268 = tpu.memref_squeeze %dma_start3A_267 : memref<1x128x256xf32, #tpu.memory_space<vmem>> -> memref<128x256xf32, #tpu.memory_space<vmem>>
          %dma_start3A_269 = arith.constant 0 : i32
          %dma_start3A_270 = arith.constant 0 : i32
          %dma_start3A_271 = tpu.memref_slice %run_scoped3A[%rem3A_195, %dma_start3A_269, %dma_start3A_270] : memref<2x1x128xi32, #tpu.memory_space<vmem>> -> memref<1x1x128xi32, #tpu.memory_space<vmem>>
          %dma_start3A_272 = tpu.memref_squeeze %dma_start3A_271 : memref<1x1x128xi32, #tpu.memory_space<vmem>> -> memref<1x128xi32, #tpu.memory_space<vmem>>
          %dma_start3A_273 = arith.constant 0 : i32
          %dma_start3A_274 = tpu.memref_slice %dma_start3A_272[%run_scoped3A_198, %dma_start3A_273] : memref<1x128xi32, #tpu.memory_space<vmem>> -> memref<1x128xi32, #tpu.memory_space<vmem>>
          %dma_start3A_275 = tpu.memref_squeeze %dma_start3A_274 : memref<1x128xi32, #tpu.memory_space<vmem>> -> memref<128xi32, #tpu.memory_space<vmem>>
          %dma_start3A_276 = arith.constant 0 : i32
          %dma_start3A_277 = arith.constant 0 : i32
          %dma_start3A_278 = tpu.memref_slice %arg2[%dma_start3A_276, %dma_start3A_277] : memref<50000x256xf32, #tpu.memory_space<hbm>> -> memref<50000x256xf32, #tpu.memory_space<hbm>>
          tpu.enqueue_indirect_dma source(%dma_start3A_278 : memref<50000x256xf32, #tpu.memory_space<hbm>>) target(%dma_start3A_268 : memref<128x256xf32, #tpu.memory_space<vmem>>) offsets(%dma_start3A_275 : memref<128xi32, #tpu.memory_space<vmem>>) semaphore(%run_scoped3A_264 : memref<!tpu.dma_semaphore, #tpu.memory_space<semaphore_mem>>)
          %dma_wait3A_279 = arith.constant 0 : i32
          %dma_wait3A_280 = arith.constant 0 : i32
          %dma_wait3A_281 = tpu.memref_slice %run_scoped3A_8[%rem3A_197, %dma_wait3A_279, %dma_wait3A_280] : memref<2x128x256xf32, #tpu.memory_space<vmem>> -> memref<1x128x256xf32, #tpu.memory_space<vmem>>
          %dma_wait3A_282 = tpu.memref_squeeze %dma_wait3A_281 : memref<1x128x256xf32, #tpu.memory_space<vmem>> -> memref<128x256xf32, #tpu.memory_space<vmem>>
          %dma_wait3A_283 = arith.constant 0 : i32
          %dma_wait3A_284 = arith.constant 0 : i32
          %dma_wait3A_285 = tpu.memref_slice %run_scoped3A[%rem3A_195, %dma_wait3A_283, %dma_wait3A_284] : memref<2x1x128xi32, #tpu.memory_space<vmem>> -> memref<1x1x128xi32, #tpu.memory_space<vmem>>
          %dma_wait3A_286 = tpu.memref_squeeze %dma_wait3A_285 : memref<1x1x128xi32, #tpu.memory_space<vmem>> -> memref<1x128xi32, #tpu.memory_space<vmem>>
          %dma_wait3A_287 = arith.constant 0 : i32
          %dma_wait3A_288 = tpu.memref_slice %dma_wait3A_286[%run_scoped3A_198, %dma_wait3A_287] : memref<1x128xi32, #tpu.memory_space<vmem>> -> memref<1x128xi32, #tpu.memory_space<vmem>>
          %dma_wait3A_289 = tpu.memref_squeeze %dma_wait3A_288 : memref<1x128xi32, #tpu.memory_space<vmem>> -> memref<128xi32, #tpu.memory_space<vmem>>
          %dma_wait3A_290 = arith.constant 0 : i32
          %dma_wait3A_291 = arith.constant 0 : i32
          %dma_wait3A_292 = tpu.memref_slice %arg2[%dma_wait3A_290, %dma_wait3A_291] : memref<50000x256xf32, #tpu.memory_space<hbm>> -> memref<50000x256xf32, #tpu.memory_space<hbm>>
          tpu.wait_indirect_dma semaphore(%run_scoped3A_264 : memref<!tpu.dma_semaphore, #tpu.memory_space<semaphore_mem>>) src(%dma_wait3A_292 : memref<50000x256xf32, #tpu.memory_space<hbm>>) dst(%dma_wait3A_282 : memref<128x256xf32, #tpu.memory_space<vmem>>)
          tpu.yield
        }) : () -> ()
        "tpu.trace_stop"() : () -> ()
        %ne3A_199 = arith.cmpi ne, %add3A_131, %add3A_149 : i32
        %or3A_200 = arith.constant false
        %or3A_201 = arith.ori %or3A_200, %ne3A_199 : i1
        %or3A_202 = arith.ori %or3A_201, %eq3A_130 : i1
        %convert_element_type3A_203 = arith.extui %or3A_202 : i1 to i32
        %cond3A_204 = arith.constant 0 : i32
        %cond3A_205 = arith.cmpi ne, %convert_element_type3A_203, %cond3A_204 : i32
        scf.if %cond3A_205 {
        } else {
        }
        %and3A_206 = arith.constant false
        %and3A_207 = arith.andi %or3A_202, %and3A_206 : i1
        %ne3A_208 = arith.cmpi ne, %add3A_131, %add3A_149 : i32
        %or3A_209 = arith.constant false
        %or3A_210 = arith.ori %or3A_209, %ne3A_208 : i1
        %or3A_211 = arith.constant false
        %or3A_212 = arith.ori %or3A_210, %or3A_211 : i1
        %or3A_213 = arith.ori %or3A_212, %eq3A_130 : i1
        %convert_element_type3A_214 = arith.extui %or3A_213 : i1 to i32
        %cond3A_215 = arith.constant 0 : i32
        %cond3A_216 = arith.cmpi ne, %convert_element_type3A_214, %cond3A_215 : i32
        scf.if %cond3A_216 {
          "tpu.trace_start"() <{level = 10 : i32, message = "ep_copy_out"}> : () -> ()
          %rem3A_264 = arith.constant 2 : i32
          %rem3A_265 = arith.remui %scan3A_124, %rem3A_264 : i32
          %mul3A_266 = arith.constant 128 : i32
          %mul3A_267 = arith.muli %mul3A_266, %add3A_131 : i32
          %dma_start3A_268 = arith.constant 0 : i32
          %dma_start3A_269 = arith.constant 0 : i32
          %dma_start3A_270 = tpu.memref_slice %run_scoped3A_8[%rem3A_265, %dma_start3A_268, %dma_start3A_269] : memref<2x128x256xf32, #tpu.memory_space<vmem>> -> memref<1x128x256xf32, #tpu.memory_space<vmem>>
          %dma_start3A_271 = tpu.memref_squeeze %dma_start3A_270 : memref<1x128x256xf32, #tpu.memory_space<vmem>> -> memref<128x256xf32, #tpu.memory_space<vmem>>
          %dma_start3A_272 = arith.constant 0 : i32
          %dma_start3A_273 = tpu.memref_slice %arg4[%mul3A_267, %dma_start3A_272] : memref<16384x256xf32, #tpu.memory_space<hbm>> -> memref<128x256xf32, #tpu.memory_space<hbm>>
          %dma_start3A_274 = tpu.memref_slice %run_scoped3A_9[%rem3A_265] : memref<2x!tpu.dma_semaphore, #tpu.memory_space<semaphore_mem>> -> memref<1x!tpu.dma_semaphore, #tpu.memory_space<semaphore_mem>>
          %dma_start3A_275 = tpu.memref_squeeze %dma_start3A_274 : memref<1x!tpu.dma_semaphore, #tpu.memory_space<semaphore_mem>> -> memref<!tpu.dma_semaphore, #tpu.memory_space<semaphore_mem>>
          %dma_start3A_276 = arith.constant 0 : i32
          %dma_start3A_277 = tpu.memref_slice %arg4[%mul3A_267, %dma_start3A_276] : memref<16384x256xf32, #tpu.memory_space<hbm>> -> memref<128x256xf32, #tpu.memory_space<hbm>>
          %dma_start3A_278 = arith.constant 0 : i32
          %dma_start3A_279 = arith.constant 0 : i32
          %dma_start3A_280 = tpu.memref_slice %run_scoped3A_8[%rem3A_265, %dma_start3A_278, %dma_start3A_279] : memref<2x128x256xf32, #tpu.memory_space<vmem>> -> memref<1x128x256xf32, #tpu.memory_space<vmem>>
          %dma_start3A_281 = tpu.memref_squeeze %dma_start3A_280 : memref<1x128x256xf32, #tpu.memory_space<vmem>> -> memref<128x256xf32, #tpu.memory_space<vmem>>
          tpu.enqueue_dma source(%dma_start3A_281 : memref<128x256xf32, #tpu.memory_space<vmem>>) target(%dma_start3A_277 : memref<128x256xf32, #tpu.memory_space<hbm>>) target_semaphore(%dma_start3A_275 : memref<!tpu.dma_semaphore, #tpu.memory_space<semaphore_mem>>)
          "tpu.trace_stop"() : () -> ()
        } else {
        }
        %and3A_217 = arith.constant true
        %and3A_218 = arith.andi %or3A_213, %and3A_217 : i1
        %add3A_219 = arith.constant 1 : i32
        %add3A_220 = arith.addi %scan3A_124, %add3A_219 : i32
        %select_n3A_221 = arith.select %and3A_218, %add3A_220, %scan3A_124 : i32
        %ne3A_222 = arith.cmpi ne, %add3A_131, %add3A_140 : i32
        %or3A_223 = arith.constant false
        %or3A_224 = arith.ori %or3A_223, %ne3A_222 : i1
        %not3A_225 = arith.constant true
        %not3A_226 = arith.xori %eq3A_128, %not3A_225 : i1
        %and3A_227 = arith.andi %or3A_224, %not3A_226 : i1
        %convert_element_type3A_228 = arith.extui %and3A_227 : i1 to i32
        %cond3A_229 = arith.constant 0 : i32
        %cond3A_230 = arith.cmpi ne, %convert_element_type3A_228, %cond3A_229 : i32
        scf.if %cond3A_230 {
        } else {
        }
        %and3A_231 = arith.constant false
        %and3A_232 = arith.andi %and3A_227, %and3A_231 : i1
        %ne3A_233 = arith.cmpi ne, %add3A_131, %add3A_140 : i32
        %or3A_234 = arith.constant false
        %or3A_235 = arith.ori %or3A_234, %ne3A_233 : i1
        %or3A_236 = arith.constant false
        %or3A_237 = arith.ori %or3A_235, %or3A_236 : i1
        %not3A_238 = arith.constant true
        %not3A_239 = arith.xori %eq3A_128, %not3A_238 : i1
        %and3A_240 = arith.andi %or3A_237, %not3A_239 : i1
        %convert_element_type3A_241 = arith.extui %and3A_240 : i1 to i32
        %cond3A_242 = arith.constant 0 : i32
        %cond3A_243 = arith.cmpi ne, %convert_element_type3A_241, %cond3A_242 : i32
        scf.if %cond3A_243 {
          "tpu.trace_start"() <{level = 10 : i32, message = "ep_wait_out"}> : () -> ()
          %rem3A_264 = arith.constant 2 : i32
          %rem3A_265 = arith.remui %scan3A_125, %rem3A_264 : i32
          %mul3A_266 = arith.constant 128 : i32
          %mul3A_267 = arith.muli %mul3A_266, %add3A_140 : i32
          %dma_wait3A_268 = arith.constant 0 : i32
          %dma_wait3A_269 = arith.constant 0 : i32
          %dma_wait3A_270 = tpu.memref_slice %run_scoped3A_8[%rem3A_265, %dma_wait3A_268, %dma_wait3A_269] : memref<2x128x256xf32, #tpu.memory_space<vmem>> -> memref<1x128x256xf32, #tpu.memory_space<vmem>>
          %dma_wait3A_271 = tpu.memref_squeeze %dma_wait3A_270 : memref<1x128x256xf32, #tpu.memory_space<vmem>> -> memref<128x256xf32, #tpu.memory_space<vmem>>
          %dma_wait3A_272 = arith.constant 0 : i32
          %dma_wait3A_273 = tpu.memref_slice %arg4[%mul3A_267, %dma_wait3A_272] : memref<16384x256xf32, #tpu.memory_space<hbm>> -> memref<128x256xf32, #tpu.memory_space<hbm>>
          %dma_wait3A_274 = tpu.memref_slice %run_scoped3A_9[%rem3A_265] : memref<2x!tpu.dma_semaphore, #tpu.memory_space<semaphore_mem>> -> memref<1x!tpu.dma_semaphore, #tpu.memory_space<semaphore_mem>>
          %dma_wait3A_275 = tpu.memref_squeeze %dma_wait3A_274 : memref<1x!tpu.dma_semaphore, #tpu.memory_space<semaphore_mem>> -> memref<!tpu.dma_semaphore, #tpu.memory_space<semaphore_mem>>
          %dma_wait3A_276 = arith.constant 0 : i32
          %dma_wait3A_277 = tpu.memref_slice %arg4[%mul3A_267, %dma_wait3A_276] : memref<16384x256xf32, #tpu.memory_space<hbm>> -> memref<128x256xf32, #tpu.memory_space<hbm>>
          %dma_wait3A_278 = arith.constant 0 : i32
          %dma_wait3A_279 = arith.constant 0 : i32
          %dma_wait3A_280 = tpu.memref_slice %run_scoped3A_8[%rem3A_265, %dma_wait3A_278, %dma_wait3A_279] : memref<2x128x256xf32, #tpu.memory_space<vmem>> -> memref<1x128x256xf32, #tpu.memory_space<vmem>>
          %dma_wait3A_281 = tpu.memref_squeeze %dma_wait3A_280 : memref<1x128x256xf32, #tpu.memory_space<vmem>> -> memref<128x256xf32, #tpu.memory_space<vmem>>
          tpu.wait_dma2 semaphore(%dma_wait3A_275 : memref<!tpu.dma_semaphore, #tpu.memory_space<semaphore_mem>>) src(%dma_wait3A_281 : memref<128x256xf32, #tpu.memory_space<vmem>>) dst(%dma_wait3A_277 : memref<128x256xf32, #tpu.memory_space<hbm>>)
          "tpu.trace_stop"() : () -> ()
        } else {
        }
        %and3A_244 = arith.constant true
        %and3A_245 = arith.andi %and3A_240, %and3A_244 : i1
        %add3A_246 = arith.constant 1 : i32
        %add3A_247 = arith.addi %scan3A_125, %add3A_246 : i32
        %select_n3A_248 = arith.select %and3A_245, %add3A_247, %scan3A_125 : i32
        %ne3A_249 = arith.cmpi ne, %add3A_131, %add3A_149 : i32
        %or3A_250 = arith.constant false
        %or3A_251 = arith.ori %or3A_250, %ne3A_249 : i1
        %or3A_252 = arith.ori %or3A_251, %eq3A_130 : i1
        %add3A_253 = arith.constant 1 : i32
        %add3A_254 = arith.addi %scan3A_123, %add3A_253 : i32
        %select_n3A_255 = arith.select %or3A_252, %add3A_254, %scan3A_123 : i32
        %add3A_256 = arith.constant 1 : i32
        %add3A_257 = arith.addi %scan3A_126, %add3A_256 : i32
        %select_n3A_258 = arith.constant true
        %select_n3A_259 = arith.select %select_n3A_258, %add3A_257, %scan3A_126 : i32
        %eq3A_260 = arith.constant 4 : i32
        %eq3A_261 = arith.cmpi eq, %select_n3A_259, %eq3A_260 : i32
        %select_n3A_262 = arith.constant 0 : i32
        %select_n3A_263 = arith.select %eq3A_261, %select_n3A_262, %select_n3A_259 : i32
        scf.yield %select_n3A_167, %select_n3A_255, %select_n3A_221, %select_n3A_248, %select_n3A_263 : i32, i32, i32, i32, i32
      }
      %scan3A_68 = arith.constant 4 : i32
      %sub3A = arith.constant 1 : i32
      %sub3A_69 = arith.subi %scan3A_67#4, %sub3A : i32
      %select_n3A_70 = arith.constant true
      %select_n3A_71 = arith.select %select_n3A_70, %sub3A_69, %scan3A_67#4 : i32
      %eq3A_72 = arith.constant -1 : i32
      %eq3A_73 = arith.cmpi eq, %select_n3A_71, %eq3A_72 : i32
      %select_n3A_74 = arith.constant 3 : i32
      %select_n3A_75 = arith.select %eq3A_73, %select_n3A_74, %select_n3A_71 : i32
      %add3A_76 = arith.addi %select_n3A_75, %mul3A_6 : i32
      %sub3A_77 = arith.constant 1 : i32
      %sub3A_78 = arith.subi %select_n3A_75, %sub3A_77 : i32
      %select_n3A_79 = arith.constant true
      %select_n3A_80 = arith.select %select_n3A_79, %sub3A_78, %select_n3A_75 : i32
      %eq3A_81 = arith.constant -1 : i32
      %eq3A_82 = arith.cmpi eq, %select_n3A_80, %eq3A_81 : i32
      %select_n3A_83 = arith.constant 3 : i32
      %select_n3A_84 = arith.select %eq3A_82, %select_n3A_83, %select_n3A_80 : i32
      %add3A_85 = arith.addi %select_n3A_84, %mul3A_6 : i32
      %add3A_86 = arith.constant 1 : i32
      %add3A_87 = arith.addi %select_n3A_75, %add3A_86 : i32
      %select_n3A_88 = arith.constant true
      %select_n3A_89 = arith.select %select_n3A_88, %add3A_87, %select_n3A_75 : i32
      %eq3A_90 = arith.constant 4 : i32
      %eq3A_91 = arith.cmpi eq, %select_n3A_89, %eq3A_90 : i32
      %select_n3A_92 = arith.constant 0 : i32
      %select_n3A_93 = arith.select %eq3A_91, %select_n3A_92, %select_n3A_89 : i32
      %add3A_94 = arith.addi %select_n3A_93, %mul3A_6 : i32
      %add3A_95 = arith.constant 1 : i32
      %add3A_96 = arith.addi %select_n3A_93, %add3A_95 : i32
      %select_n3A_97 = arith.constant true
      %select_n3A_98 = arith.select %select_n3A_97, %add3A_96, %select_n3A_93 : i32
      %eq3A_99 = arith.constant 4 : i32
      %eq3A_100 = arith.cmpi eq, %select_n3A_98, %eq3A_99 : i32
      %select_n3A_101 = arith.constant 0 : i32
      %select_n3A_102 = arith.select %eq3A_100, %select_n3A_101, %select_n3A_98 : i32
      %add3A_103 = arith.addi %select_n3A_102, %mul3A_6 : i32
      "tpu.trace_start"() <{level = 10 : i32, message = "ep_finalize"}> : () -> ()
      %rem3A_104 = arith.constant 2 : i32
      %rem3A_105 = arith.remui %scan3A_67#3, %rem3A_104 : i32
      %mul3A_106 = arith.constant 128 : i32
      %mul3A_107 = arith.muli %mul3A_106, %add3A_76 : i32
      %dma_wait3A = arith.constant 0 : i32
      %dma_wait3A_108 = arith.constant 0 : i32
      %dma_wait3A_109 = tpu.memref_slice %run_scoped3A_8[%rem3A_105, %dma_wait3A, %dma_wait3A_108] : memref<2x128x256xf32, #tpu.memory_space<vmem>> -> memref<1x128x256xf32, #tpu.memory_space<vmem>>
      %dma_wait3A_110 = tpu.memref_squeeze %dma_wait3A_109 : memref<1x128x256xf32, #tpu.memory_space<vmem>> -> memref<128x256xf32, #tpu.memory_space<vmem>>
      %dma_wait3A_111 = arith.constant 0 : i32
      %dma_wait3A_112 = tpu.memref_slice %arg4[%mul3A_107, %dma_wait3A_111] : memref<16384x256xf32, #tpu.memory_space<hbm>> -> memref<128x256xf32, #tpu.memory_space<hbm>>
      %dma_wait3A_113 = tpu.memref_slice %run_scoped3A_9[%rem3A_105] : memref<2x!tpu.dma_semaphore, #tpu.memory_space<semaphore_mem>> -> memref<1x!tpu.dma_semaphore, #tpu.memory_space<semaphore_mem>>
      %dma_wait3A_114 = tpu.memref_squeeze %dma_wait3A_113 : memref<1x!tpu.dma_semaphore, #tpu.memory_space<semaphore_mem>> -> memref<!tpu.dma_semaphore, #tpu.memory_space<semaphore_mem>>
      %dma_wait3A_115 = arith.constant 0 : i32
      %dma_wait3A_116 = tpu.memref_slice %arg4[%mul3A_107, %dma_wait3A_115] : memref<16384x256xf32, #tpu.memory_space<hbm>> -> memref<128x256xf32, #tpu.memory_space<hbm>>
      %dma_wait3A_117 = arith.constant 0 : i32
      %dma_wait3A_118 = arith.constant 0 : i32
      %dma_wait3A_119 = tpu.memref_slice %run_scoped3A_8[%rem3A_105, %dma_wait3A_117, %dma_wait3A_118] : memref<2x128x256xf32, #tpu.memory_space<vmem>> -> memref<1x128x256xf32, #tpu.memory_space<vmem>>
      %dma_wait3A_120 = tpu.memref_squeeze %dma_wait3A_119 : memref<1x128x256xf32, #tpu.memory_space<vmem>> -> memref<128x256xf32, #tpu.memory_space<vmem>>
      tpu.wait_dma2 semaphore(%dma_wait3A_114 : memref<!tpu.dma_semaphore, #tpu.memory_space<semaphore_mem>>) src(%dma_wait3A_120 : memref<128x256xf32, #tpu.memory_space<vmem>>) dst(%dma_wait3A_116 : memref<128x256xf32, #tpu.memory_space<hbm>>)
      "tpu.trace_stop"() : () -> ()
      tpu.yield
    }) : () -> ()
    return
  }
}

module attributes {stable_mosaic.version = 14 : i64} {
  func.func @_att_body(%arg0: i32, %arg1: memref<4096x256xf32, #tpu.memory_space<vmem>>, %arg2: memref<256x512xf32, #tpu.memory_space<vmem>>, %arg3: memref<256x4xf32, #tpu.memory_space<vmem>>, %arg4: memref<1x4xf32, #tpu.memory_space<vmem>>, %arg5: memref<4x1xf32, #tpu.memory_space<vmem>>, %arg6: memref<512x256xf32, #tpu.memory_space<vmem>>, %arg7: memref<512x4xf32, #tpu.memory_space<vmem>>, %arg8: memref<1x4xf32, #tpu.memory_space<vmem>>, %arg9: memref<4x1xf32, #tpu.memory_space<vmem>>, %arg10: memref<1x256xf32, #tpu.memory_space<vmem>>, %arg11: memref<1x128xf32, #tpu.memory_space<vmem>>, %arg12: memref<128x128xf32, #tpu.memory_space<vmem>>) attributes {dimension_semantics = [#tpu.dimension_semantics<arbitrary>], iteration_bounds = array<i64: 4>, scalar_prefetch = 0 : i64, scratch_operands = 0 : i64, tpu.core_type = #tpu.core_type<tc>, window_params = [{transform_indices = @transform_0, window_bounds = array<i64: 4096, 256>}, {pipeline_mode = #tpu.pipeline_mode<synchronous>, transform_indices = @transform_1, window_bounds = array<i64: 256, 512>}, {pipeline_mode = #tpu.pipeline_mode<synchronous>, transform_indices = @transform_2, window_bounds = array<i64: 256, 4>}, {pipeline_mode = #tpu.pipeline_mode<synchronous>, transform_indices = @transform_3, window_bounds = array<i64: 1, 4>}, {pipeline_mode = #tpu.pipeline_mode<synchronous>, transform_indices = @transform_4, window_bounds = array<i64: 4, 1>}, {pipeline_mode = #tpu.pipeline_mode<synchronous>, transform_indices = @transform_5, window_bounds = array<i64: 512, 256>}, {pipeline_mode = #tpu.pipeline_mode<synchronous>, transform_indices = @transform_6, window_bounds = array<i64: 512, 4>}, {pipeline_mode = #tpu.pipeline_mode<synchronous>, transform_indices = @transform_7, window_bounds = array<i64: 1, 4>}, {pipeline_mode = #tpu.pipeline_mode<synchronous>, transform_indices = @transform_8, window_bounds = array<i64: 4, 1>}, {pipeline_mode = #tpu.pipeline_mode<synchronous>, transform_indices = @transform_9, window_bounds = array<i64: 1, 256>}, {pipeline_mode = #tpu.pipeline_mode<synchronous>, transform_indices = @transform_10, window_bounds = array<i64: 1, 128>}, {transform_indices = @transform_11, window_bounds = array<i64: 128, 128>}]} {
    %iota3A = tpu.iota {dimensions = array<i32: 0>} : vector<256x256xi32>
    %jit3A = arith.constant 32 : i32
    %div3A = vector.broadcast %jit3A : i32 to vector<256x256xi32>
    %div3A_0 = arith.divsi %iota3A, %div3A : vector<256x256xi32>
    %sign3A = arith.constant 0 : i32
    %sign3A_1 = vector.broadcast %sign3A : i32 to vector<256x256xi32>
    %sign3A_2 = arith.cmpi sgt, %iota3A, %sign3A_1 : vector<256x256xi32>
    %sign3A_3 = arith.extui %sign3A_2 : vector<256x256xi1> to vector<256x256xi32>
    %sign3A_4 = arith.constant 0 : i32
    %sign3A_5 = vector.broadcast %sign3A_4 : i32 to vector<256x256xi32>
    %sign3A_6 = arith.cmpi slt, %iota3A, %sign3A_5 : vector<256x256xi32>
    %sign3A_7 = arith.extui %sign3A_6 : vector<256x256xi1> to vector<256x256xi32>
    %sign3A_8 = arith.subi %sign3A_3, %sign3A_7 : vector<256x256xi32>
    %sign3A_9 = arith.constant 0 : i32
    %sign3A_10 = arith.cmpi sgt, %jit3A, %sign3A_9 : i32
    %sign3A_11 = arith.extui %sign3A_10 : i1 to i32
    %sign3A_12 = arith.constant 0 : i32
    %sign3A_13 = arith.cmpi slt, %jit3A, %sign3A_12 : i32
    %sign3A_14 = arith.extui %sign3A_13 : i1 to i32
    %sign3A_15 = arith.subi %sign3A_11, %sign3A_14 : i32
    %ne3A = vector.broadcast %sign3A_15 : i32 to vector<256x256xi32>
    %ne3A_16 = arith.cmpi ne, %sign3A_8, %ne3A : vector<256x256xi32>
    %rem3A = vector.broadcast %jit3A : i32 to vector<256x256xi32>
    %rem3A_17 = arith.remsi %iota3A, %rem3A : vector<256x256xi32>
    %ne3A_18 = arith.constant 0 : i32
    %ne3A_19 = vector.broadcast %ne3A_18 : i32 to vector<256x256xi32>
    %ne3A_20 = arith.cmpi ne, %rem3A_17, %ne3A_19 : vector<256x256xi32>
    %and3A = arith.andi %ne3A_16, %ne3A_20 : vector<256x256xi1>
    %sub3A = arith.constant 1 : i32
    %sub3A_21 = vector.broadcast %sub3A : i32 to vector<256x256xi32>
    %sub3A_22 = arith.subi %div3A_0, %sub3A_21 : vector<256x256xi32>
    %select_n3A = arith.select %and3A, %sub3A_22, %div3A_0 : vector<256x256xi1>, vector<256x256xi32>
    %iota3A_23 = tpu.iota {dimensions = array<i32: 1>} : vector<256x256xi32>
    %jit3A_24 = arith.constant 32 : i32
    %div3A_25 = vector.broadcast %jit3A_24 : i32 to vector<256x256xi32>
    %div3A_26 = arith.divsi %iota3A_23, %div3A_25 : vector<256x256xi32>
    %sign3A_27 = arith.constant 0 : i32
    %sign3A_28 = vector.broadcast %sign3A_27 : i32 to vector<256x256xi32>
    %sign3A_29 = arith.cmpi sgt, %iota3A_23, %sign3A_28 : vector<256x256xi32>
    %sign3A_30 = arith.extui %sign3A_29 : vector<256x256xi1> to vector<256x256xi32>
    %sign3A_31 = arith.constant 0 : i32
    %sign3A_32 = vector.broadcast %sign3A_31 : i32 to vector<256x256xi32>
    %sign3A_33 = arith.cmpi slt, %iota3A_23, %sign3A_32 : vector<256x256xi32>
    %sign3A_34 = arith.extui %sign3A_33 : vector<256x256xi1> to vector<256x256xi32>
    %sign3A_35 = arith.subi %sign3A_30, %sign3A_34 : vector<256x256xi32>
    %sign3A_36 = arith.constant 0 : i32
    %sign3A_37 = arith.cmpi sgt, %jit3A_24, %sign3A_36 : i32
    %sign3A_38 = arith.extui %sign3A_37 : i1 to i32
    %sign3A_39 = arith.constant 0 : i32
    %sign3A_40 = arith.cmpi slt, %jit3A_24, %sign3A_39 : i32
    %sign3A_41 = arith.extui %sign3A_40 : i1 to i32
    %sign3A_42 = arith.subi %sign3A_38, %sign3A_41 : i32
    %ne3A_43 = vector.broadcast %sign3A_42 : i32 to vector<256x256xi32>
    %ne3A_44 = arith.cmpi ne, %sign3A_35, %ne3A_43 : vector<256x256xi32>
    %rem3A_45 = vector.broadcast %jit3A_24 : i32 to vector<256x256xi32>
    %rem3A_46 = arith.remsi %iota3A_23, %rem3A_45 : vector<256x256xi32>
    %ne3A_47 = arith.constant 0 : i32
    %ne3A_48 = vector.broadcast %ne3A_47 : i32 to vector<256x256xi32>
    %ne3A_49 = arith.cmpi ne, %rem3A_46, %ne3A_48 : vector<256x256xi32>
    %and3A_50 = arith.andi %ne3A_44, %ne3A_49 : vector<256x256xi1>
    %sub3A_51 = arith.constant 1 : i32
    %sub3A_52 = vector.broadcast %sub3A_51 : i32 to vector<256x256xi32>
    %sub3A_53 = arith.subi %div3A_26, %sub3A_52 : vector<256x256xi32>
    %select_n3A_54 = arith.select %and3A_50, %sub3A_53, %div3A_26 : vector<256x256xi1>, vector<256x256xi32>
    %eq3A = arith.cmpi eq, %select_n3A, %select_n3A_54 : vector<256x256xi32>
    %convert_element_type3A = arith.extui %eq3A : vector<256x256xi1> to vector<256x256xi32>
    %convert_element_type3A_55 = arith.sitofp %convert_element_type3A : vector<256x256xi32> to vector<256x256xf32>
    %convert_element_type3A_56 = arith.truncf %convert_element_type3A_55 : vector<256x256xf32> to vector<256x256xbf16>
    %get3A = arith.constant 0 : index
    %get3A_57 = arith.constant 0 : index
    %get3A_58 = vector.load %arg1[%get3A, %get3A_57] : memref<4096x256xf32, #tpu.memory_space<vmem>>, vector<256x256xf32>
    %convert_element_type3A_59 = arith.truncf %get3A_58 : vector<256x256xf32> to vector<256x256xbf16>
    %get3A_60 = arith.constant 0 : index
    %get3A_61 = arith.constant 0 : index
    %get3A_62 = vector.load %arg3[%get3A_60, %get3A_61] : memref<256x4xf32, #tpu.memory_space<vmem>>, vector<256x4xf32>
    %convert_element_type3A_63 = arith.truncf %get3A_62 : vector<256x4xf32> to vector<256x4xbf16>
    %dot_general3A = arith.constant dense<0.000000e+00> : vector<256x4xf32>
    %dot_general3A_64 = tpu.matmul %convert_element_type3A_59, %convert_element_type3A_63, %dot_general3A {dimension_numbers = #tpu.dot_dimension_numbers<[1], [0], [0], [1], [0, 0, 1, 1], [], []>, transpose_lhs_hint = false} : vector<256x256xbf16>, vector<256x4xbf16>, vector<256x4xf32> -> vector<256x4xf32>
    %get3A_65 = arith.constant 0 : index
    %get3A_66 = arith.constant 0 : index
    %get3A_67 = vector.load %arg4[%get3A_65, %get3A_66] : memref<1x4xf32, #tpu.memory_space<vmem>>, vector<1x4xf32>
    %add3A = vector.broadcast %get3A_67 : vector<1x4xf32> to vector<256x4xf32>
    %add3A_68 = arith.addf %dot_general3A_64, %add3A : vector<256x4xf32>
    %convert_element_type3A_69 = arith.truncf %add3A_68 : vector<256x4xf32> to vector<256x4xbf16>
    %dot_general3A_70 = arith.constant dense<0.000000e+00> : vector<4x256xf32>
    %dot_general3A_71 = tpu.matmul %convert_element_type3A_63, %convert_element_type3A_59, %dot_general3A_70 {dimension_numbers = #tpu.dot_dimension_numbers<[0], [1], [1], [0], [0, 1, 1, 0], [], []>, transpose_lhs_hint = false} : vector<256x4xbf16>, vector<256x256xbf16>, vector<4x256xf32> -> vector<4x256xf32>
    %get3A_72 = arith.constant 0 : index
    %get3A_73 = arith.constant 0 : index
    %get3A_74 = vector.load %arg5[%get3A_72, %get3A_73] : memref<4x1xf32, #tpu.memory_space<vmem>>, vector<4x1xf32>
    %add3A_75 = vector.broadcast %get3A_74 : vector<4x1xf32> to vector<4x256xf32>
    %add3A_76 = arith.addf %dot_general3A_71, %add3A_75 : vector<4x256xf32>
    %convert_element_type3A_77 = arith.truncf %add3A_76 : vector<4x256xf32> to vector<4x256xbf16>
    %get3A_78 = arith.constant 0 : index
    %get3A_79 = arith.constant 0 : index
    %get3A_80 = vector.load %arg2[%get3A_78, %get3A_79] : memref<256x512xf32, #tpu.memory_space<vmem>>, vector<256x512xf32>
    %convert_element_type3A_81 = arith.truncf %get3A_80 : vector<256x512xf32> to vector<256x512xbf16>
    %dot_general3A_82 = arith.constant dense<0.000000e+00> : vector<256x512xf32>
    %dot_general3A_83 = tpu.matmul %convert_element_type3A_59, %convert_element_type3A_81, %dot_general3A_82 {dimension_numbers = #tpu.dot_dimension_numbers<[1], [0], [0], [1], [0, 0, 1, 1], [], []>, transpose_lhs_hint = false} : vector<256x256xbf16>, vector<256x512xbf16>, vector<256x512xf32> -> vector<256x512xf32>
    %convert_element_type3A_84 = arith.truncf %dot_general3A_83 : vector<256x512xf32> to vector<256x512xbf16>
    %slice3A = vector.extract_strided_slice %convert_element_type3A_69 {offsets = [0, 0], sizes = [256, 1], strides = [1, 1]} : vector<256x4xbf16> to vector<256x1xbf16>
    %slice3A_85 = vector.extract_strided_slice %convert_element_type3A_77 {offsets = [1, 0], sizes = [1, 256], strides = [1, 1]} : vector<4x256xbf16> to vector<1x256xbf16>
    %add3A_86 = vector.broadcast %slice3A : vector<256x1xbf16> to vector<256x256xbf16>
    %add3A_87 = vector.broadcast %slice3A_85 : vector<1x256xbf16> to vector<256x256xbf16>
    %add3A_88 = arith.addf %add3A_86, %add3A_87 : vector<256x256xbf16>
    %mul3A = arith.constant 2.001950e-01 : bf16
    %mul3A_89 = vector.broadcast %mul3A : bf16 to vector<256x256xbf16>
    %mul3A_90 = arith.mulf %mul3A_89, %add3A_88 : vector<256x256xbf16>
    %max3A = arith.maximumf %add3A_88, %mul3A_90 : vector<256x256xbf16>
    %exp3A = math.exp %max3A : vector<256x256xbf16>
    %mul3A_91 = arith.mulf %exp3A, %convert_element_type3A_56 : vector<256x256xbf16>
    %convert_element_type3A_92 = arith.extf %mul3A_91 : vector<256x256xbf16> to vector<256x256xf32>
    %reduce_sum3A = arith.constant dense<0.000000e+00> : vector<256xf32>
    %reduce_sum3A_93 = vector.multi_reduction <add>, %convert_element_type3A_92, %reduce_sum3A [1] : vector<256x256xf32> to vector<256xf32>
    %broadcast_in_dim3A = vector.shape_cast %reduce_sum3A_93 : vector<256xf32> to vector<256x1xf32>
    %div3A_94 = arith.constant 1.000000e+00 : f32
    %div3A_95 = vector.broadcast %div3A_94 : f32 to vector<256x1xf32>
    %div3A_96 = arith.divf %div3A_95, %broadcast_in_dim3A : vector<256x1xf32>
    %convert_element_type3A_97 = arith.truncf %div3A_96 : vector<256x1xf32> to vector<256x1xbf16>
    %mul3A_98 = vector.broadcast %convert_element_type3A_97 : vector<256x1xbf16> to vector<256x256xbf16>
    %mul3A_99 = arith.mulf %mul3A_91, %mul3A_98 : vector<256x256xbf16>
    %slice3A_100 = vector.extract_strided_slice %convert_element_type3A_84 {offsets = [0, 0], sizes = [256, 256], strides = [1, 1]} : vector<256x512xbf16> to vector<256x256xbf16>
    %dot_general3A_101 = arith.constant dense<0.000000e+00> : vector<256x256xf32>
    %dot_general3A_102 = tpu.matmul %mul3A_99, %slice3A_100, %dot_general3A_101 {dimension_numbers = #tpu.dot_dimension_numbers<[1], [0], [0], [1], [0, 0, 1, 1], [], []>, transpose_lhs_hint = false} : vector<256x256xbf16>, vector<256x256xbf16>, vector<256x256xf32> -> vector<256x256xf32>
    %convert_element_type3A_103 = arith.truncf %dot_general3A_102 : vector<256x256xf32> to vector<256x256xbf16>
    %slice3A_104 = vector.extract_strided_slice %convert_element_type3A_69 {offsets = [0, 2], sizes = [256, 1], strides = [1, 1]} : vector<256x4xbf16> to vector<256x1xbf16>
    %slice3A_105 = vector.extract_strided_slice %convert_element_type3A_77 {offsets = [3, 0], sizes = [1, 256], strides = [1, 1]} : vector<4x256xbf16> to vector<1x256xbf16>
    %add3A_106 = vector.broadcast %slice3A_104 : vector<256x1xbf16> to vector<256x256xbf16>
    %add3A_107 = vector.broadcast %slice3A_105 : vector<1x256xbf16> to vector<256x256xbf16>
    %add3A_108 = arith.addf %add3A_106, %add3A_107 : vector<256x256xbf16>
    %mul3A_109 = arith.constant 2.001950e-01 : bf16
    %mul3A_110 = vector.broadcast %mul3A_109 : bf16 to vector<256x256xbf16>
    %mul3A_111 = arith.mulf %mul3A_110, %add3A_108 : vector<256x256xbf16>
    %max3A_112 = arith.maximumf %add3A_108, %mul3A_111 : vector<256x256xbf16>
    %exp3A_113 = math.exp %max3A_112 : vector<256x256xbf16>
    %mul3A_114 = arith.mulf %exp3A_113, %convert_element_type3A_56 : vector<256x256xbf16>
    %convert_element_type3A_115 = arith.extf %mul3A_114 : vector<256x256xbf16> to vector<256x256xf32>
    %reduce_sum3A_116 = arith.constant dense<0.000000e+00> : vector<256xf32>
    %reduce_sum3A_117 = vector.multi_reduction <add>, %convert_element_type3A_115, %reduce_sum3A_116 [1] : vector<256x256xf32> to vector<256xf32>
    %broadcast_in_dim3A_118 = vector.shape_cast %reduce_sum3A_117 : vector<256xf32> to vector<256x1xf32>
    %div3A_119 = arith.constant 1.000000e+00 : f32
    %div3A_120 = vector.broadcast %div3A_119 : f32 to vector<256x1xf32>
    %div3A_121 = arith.divf %div3A_120, %broadcast_in_dim3A_118 : vector<256x1xf32>
    %convert_element_type3A_122 = arith.truncf %div3A_121 : vector<256x1xf32> to vector<256x1xbf16>
    %mul3A_123 = vector.broadcast %convert_element_type3A_122 : vector<256x1xbf16> to vector<256x256xbf16>
    %mul3A_124 = arith.mulf %mul3A_114, %mul3A_123 : vector<256x256xbf16>
    %slice3A_125 = vector.extract_strided_slice %convert_element_type3A_84 {offsets = [0, 256], sizes = [256, 256], strides = [1, 1]} : vector<256x512xbf16> to vector<256x256xbf16>
    %dot_general3A_126 = arith.constant dense<0.000000e+00> : vector<256x256xf32>
    %dot_general3A_127 = tpu.matmul %mul3A_124, %slice3A_125, %dot_general3A_126 {dimension_numbers = #tpu.dot_dimension_numbers<[1], [0], [0], [1], [0, 0, 1, 1], [], []>, transpose_lhs_hint = false} : vector<256x256xbf16>, vector<256x256xbf16>, vector<256x256xf32> -> vector<256x256xf32>
    %convert_element_type3A_128 = arith.truncf %dot_general3A_127 : vector<256x256xf32> to vector<256x256xbf16>
    %concatenate3A = tpu.concatenate %convert_element_type3A_103, %convert_element_type3A_128 in 1 : vector<256x256xbf16>, vector<256x256xbf16> -> vector<256x512xbf16>
    %get3A_129 = arith.constant 0 : index
    %get3A_130 = arith.constant 0 : index
    %get3A_131 = vector.load %arg7[%get3A_129, %get3A_130] : memref<512x4xf32, #tpu.memory_space<vmem>>, vector<512x4xf32>
    %convert_element_type3A_132 = arith.truncf %get3A_131 : vector<512x4xf32> to vector<512x4xbf16>
    %dot_general3A_133 = arith.constant dense<0.000000e+00> : vector<256x4xf32>
    %dot_general3A_134 = tpu.matmul %concatenate3A, %convert_element_type3A_132, %dot_general3A_133 {dimension_numbers = #tpu.dot_dimension_numbers<[1], [0], [0], [1], [0, 0, 1, 1], [], []>, transpose_lhs_hint = false} : vector<256x512xbf16>, vector<512x4xbf16>, vector<256x4xf32> -> vector<256x4xf32>
    %get3A_135 = arith.constant 0 : index
    %get3A_136 = arith.constant 0 : index
    %get3A_137 = vector.load %arg8[%get3A_135, %get3A_136] : memref<1x4xf32, #tpu.memory_space<vmem>>, vector<1x4xf32>
    %add3A_138 = vector.broadcast %get3A_137 : vector<1x4xf32> to vector<256x4xf32>
    %add3A_139 = arith.addf %dot_general3A_134, %add3A_138 : vector<256x4xf32>
    %convert_element_type3A_140 = arith.truncf %add3A_139 : vector<256x4xf32> to vector<256x4xbf16>
    %dot_general3A_141 = arith.constant dense<0.000000e+00> : vector<4x256xf32>
    %dot_general3A_142 = tpu.matmul %convert_element_type3A_132, %concatenate3A, %dot_general3A_141 {dimension_numbers = #tpu.dot_dimension_numbers<[0], [1], [1], [0], [0, 1, 1, 0], [], []>, transpose_lhs_hint = false} : vector<512x4xbf16>, vector<256x512xbf16>, vector<4x256xf32> -> vector<4x256xf32>
    %get3A_143 = arith.constant 0 : index
    %get3A_144 = arith.constant 0 : index
    %get3A_145 = vector.load %arg9[%get3A_143, %get3A_144] : memref<4x1xf32, #tpu.memory_space<vmem>>, vector<4x1xf32>
    %add3A_146 = vector.broadcast %get3A_145 : vector<4x1xf32> to vector<4x256xf32>
    %add3A_147 = arith.addf %dot_general3A_142, %add3A_146 : vector<4x256xf32>
    %convert_element_type3A_148 = arith.truncf %add3A_147 : vector<4x256xf32> to vector<4x256xbf16>
    %get3A_149 = arith.constant 0 : index
    %get3A_150 = arith.constant 0 : index
    %get3A_151 = vector.load %arg6[%get3A_149, %get3A_150] : memref<512x256xf32, #tpu.memory_space<vmem>>, vector<512x256xf32>
    %convert_element_type3A_152 = arith.truncf %get3A_151 : vector<512x256xf32> to vector<512x256xbf16>
    %dot_general3A_153 = arith.constant dense<0.000000e+00> : vector<256x256xf32>
    %dot_general3A_154 = tpu.matmul %concatenate3A, %convert_element_type3A_152, %dot_general3A_153 {dimension_numbers = #tpu.dot_dimension_numbers<[1], [0], [0], [1], [0, 0, 1, 1], [], []>, transpose_lhs_hint = false} : vector<256x512xbf16>, vector<512x256xbf16>, vector<256x256xf32> -> vector<256x256xf32>
    %get3A_155 = arith.constant 0 : index
    %get3A_156 = arith.constant 0 : index
    %get3A_157 = vector.load %arg10[%get3A_155, %get3A_156] : memref<1x256xf32, #tpu.memory_space<vmem>>, vector<1x256xf32>
    %add3A_158 = vector.broadcast %get3A_157 : vector<1x256xf32> to vector<256x256xf32>
    %add3A_159 = arith.addf %dot_general3A_154, %add3A_158 : vector<256x256xf32>
    %convert_element_type3A_160 = arith.truncf %add3A_159 : vector<256x256xf32> to vector<256x256xbf16>
    %broadcast_in_dim3A_161 = arith.constant 0.000000e+00 : f32
    %broadcast_in_dim3A_162 = vector.broadcast %broadcast_in_dim3A_161 : f32 to vector<256x128xf32>
    %slice3A_163 = vector.extract_strided_slice %convert_element_type3A_140 {offsets = [0, 0], sizes = [256, 1], strides = [1, 1]} : vector<256x4xbf16> to vector<256x1xbf16>
    %slice3A_164 = vector.extract_strided_slice %convert_element_type3A_148 {offsets = [1, 0], sizes = [1, 256], strides = [1, 1]} : vector<4x256xbf16> to vector<1x256xbf16>
    %add3A_165 = vector.broadcast %slice3A_163 : vector<256x1xbf16> to vector<256x256xbf16>
    %add3A_166 = vector.broadcast %slice3A_164 : vector<1x256xbf16> to vector<256x256xbf16>
    %add3A_167 = arith.addf %add3A_165, %add3A_166 : vector<256x256xbf16>
    %mul3A_168 = arith.constant 2.001950e-01 : bf16
    %mul3A_169 = vector.broadcast %mul3A_168 : bf16 to vector<256x256xbf16>
    %mul3A_170 = arith.mulf %mul3A_169, %add3A_167 : vector<256x256xbf16>
    %max3A_171 = arith.maximumf %add3A_167, %mul3A_170 : vector<256x256xbf16>
    %exp3A_172 = math.exp %max3A_171 : vector<256x256xbf16>
    %mul3A_173 = arith.mulf %exp3A_172, %convert_element_type3A_56 : vector<256x256xbf16>
    %convert_element_type3A_174 = arith.extf %mul3A_173 : vector<256x256xbf16> to vector<256x256xf32>
    %reduce_sum3A_175 = arith.constant dense<0.000000e+00> : vector<256xf32>
    %reduce_sum3A_176 = vector.multi_reduction <add>, %convert_element_type3A_174, %reduce_sum3A_175 [1] : vector<256x256xf32> to vector<256xf32>
    %broadcast_in_dim3A_177 = vector.shape_cast %reduce_sum3A_176 : vector<256xf32> to vector<256x1xf32>
    %div3A_178 = arith.constant 1.000000e+00 : f32
    %div3A_179 = vector.broadcast %div3A_178 : f32 to vector<256x1xf32>
    %div3A_180 = arith.divf %div3A_179, %broadcast_in_dim3A_177 : vector<256x1xf32>
    %slice3A_181 = vector.extract_strided_slice %convert_element_type3A_160 {offsets = [0, 0], sizes = [256, 128], strides = [1, 1]} : vector<256x256xbf16> to vector<256x128xbf16>
    %dot_general3A_182 = arith.constant dense<0.000000e+00> : vector<256x128xf32>
    %dot_general3A_183 = tpu.matmul %mul3A_173, %slice3A_181, %dot_general3A_182 {dimension_numbers = #tpu.dot_dimension_numbers<[1], [0], [0], [1], [0, 0, 1, 1], [], []>, transpose_lhs_hint = false} : vector<256x256xbf16>, vector<256x128xbf16>, vector<256x128xf32> -> vector<256x128xf32>
    %mul3A_184 = vector.broadcast %div3A_180 : vector<256x1xf32> to vector<256x128xf32>
    %mul3A_185 = arith.mulf %dot_general3A_183, %mul3A_184 : vector<256x128xf32>
    %add3A_186 = arith.addf %broadcast_in_dim3A_162, %mul3A_185 : vector<256x128xf32>
    %slice3A_187 = vector.extract_strided_slice %convert_element_type3A_140 {offsets = [0, 2], sizes = [256, 1], strides = [1, 1]} : vector<256x4xbf16> to vector<256x1xbf16>
    %slice3A_188 = vector.extract_strided_slice %convert_element_type3A_148 {offsets = [3, 0], sizes = [1, 256], strides = [1, 1]} : vector<4x256xbf16> to vector<1x256xbf16>
    %add3A_189 = vector.broadcast %slice3A_187 : vector<256x1xbf16> to vector<256x256xbf16>
    %add3A_190 = vector.broadcast %slice3A_188 : vector<1x256xbf16> to vector<256x256xbf16>
    %add3A_191 = arith.addf %add3A_189, %add3A_190 : vector<256x256xbf16>
    %mul3A_192 = arith.constant 2.001950e-01 : bf16
    %mul3A_193 = vector.broadcast %mul3A_192 : bf16 to vector<256x256xbf16>
    %mul3A_194 = arith.mulf %mul3A_193, %add3A_191 : vector<256x256xbf16>
    %max3A_195 = arith.maximumf %add3A_191, %mul3A_194 : vector<256x256xbf16>
    %exp3A_196 = math.exp %max3A_195 : vector<256x256xbf16>
    %mul3A_197 = arith.mulf %exp3A_196, %convert_element_type3A_56 : vector<256x256xbf16>
    %convert_element_type3A_198 = arith.extf %mul3A_197 : vector<256x256xbf16> to vector<256x256xf32>
    %reduce_sum3A_199 = arith.constant dense<0.000000e+00> : vector<256xf32>
    %reduce_sum3A_200 = vector.multi_reduction <add>, %convert_element_type3A_198, %reduce_sum3A_199 [1] : vector<256x256xf32> to vector<256xf32>
    %broadcast_in_dim3A_201 = vector.shape_cast %reduce_sum3A_200 : vector<256xf32> to vector<256x1xf32>
    %div3A_202 = arith.constant 1.000000e+00 : f32
    %div3A_203 = vector.broadcast %div3A_202 : f32 to vector<256x1xf32>
    %div3A_204 = arith.divf %div3A_203, %broadcast_in_dim3A_201 : vector<256x1xf32>
    %slice3A_205 = vector.extract_strided_slice %convert_element_type3A_160 {offsets = [0, 128], sizes = [256, 128], strides = [1, 1]} : vector<256x256xbf16> to vector<256x128xbf16>
    %dot_general3A_206 = arith.constant dense<0.000000e+00> : vector<256x128xf32>
    %dot_general3A_207 = tpu.matmul %mul3A_197, %slice3A_205, %dot_general3A_206 {dimension_numbers = #tpu.dot_dimension_numbers<[1], [0], [0], [1], [0, 0, 1, 1], [], []>, transpose_lhs_hint = false} : vector<256x256xbf16>, vector<256x128xbf16>, vector<256x128xf32> -> vector<256x128xf32>
    %mul3A_208 = vector.broadcast %div3A_204 : vector<256x1xf32> to vector<256x128xf32>
    %mul3A_209 = arith.mulf %dot_general3A_207, %mul3A_208 : vector<256x128xf32>
    %add3A_210 = arith.addf %add3A_186, %mul3A_209 : vector<256x128xf32>
    %reshape3A = vector.shape_cast %add3A_210 : vector<256x128xf32> to vector<8x32x128xf32>
    %slice3A_211 = vector.extract_strided_slice %reshape3A {offsets = [0, 0, 0], sizes = [8, 1, 128], strides = [1, 1, 1]} : vector<8x32x128xf32> to vector<8x1x128xf32>
    %squeeze3A = vector.shape_cast %slice3A_211 : vector<8x1x128xf32> to vector<8x128xf32>
    %mul3A_212 = arith.constant 5.000000e-01 : f32
    %mul3A_213 = vector.broadcast %mul3A_212 : f32 to vector<8x128xf32>
    %mul3A_214 = arith.mulf %squeeze3A, %mul3A_213 : vector<8x128xf32>
    %get3A_215 = arith.constant 0 : index
    %get3A_216 = arith.constant 0 : index
    %get3A_217 = vector.load %arg11[%get3A_215, %get3A_216] : memref<1x128xf32, #tpu.memory_space<vmem>>, vector<1x128xf32>
    %add3A_218 = vector.broadcast %get3A_217 : vector<1x128xf32> to vector<8x128xf32>
    %add3A_219 = arith.addf %mul3A_214, %add3A_218 : vector<8x128xf32>
    %swap3A = arith.constant 0 : index
    %swap3A_220 = arith.constant 0 : index
    %swap3A_221 = vector.load %arg12[%swap3A, %swap3A_220] : memref<128x128xf32, #tpu.memory_space<vmem>>, vector<8x128xf32>
    tpu.vector_store %arg12[%swap3A, %swap3A_220], %add3A_219 {strides = array<i32>} : memref<128x128xf32, #tpu.memory_space<vmem>>, vector<8x128xf32>,
    %get3A_222 = arith.constant 256 : index
    %get3A_223 = arith.constant 0 : index
    %get3A_224 = vector.load %arg1[%get3A_222, %get3A_223] : memref<4096x256xf32, #tpu.memory_space<vmem>>, vector<256x256xf32>
    %convert_element_type3A_225 = arith.truncf %get3A_224 : vector<256x256xf32> to vector<256x256xbf16>
    %get3A_226 = arith.constant 0 : index
    %get3A_227 = arith.constant 0 : index
    %get3A_228 = vector.load %arg3[%get3A_226, %get3A_227] : memref<256x4xf32, #tpu.memory_space<vmem>>, vector<256x4xf32>
    %convert_element_type3A_229 = arith.truncf %get3A_228 : vector<256x4xf32> to vector<256x4xbf16>
    %dot_general3A_230 = arith.constant dense<0.000000e+00> : vector<256x4xf32>
    %dot_general3A_231 = tpu.matmul %convert_element_type3A_225, %convert_element_type3A_229, %dot_general3A_230 {dimension_numbers = #tpu.dot_dimension_numbers<[1], [0], [0], [1], [0, 0, 1, 1], [], []>, transpose_lhs_hint = false} : vector<256x256xbf16>, vector<256x4xbf16>, vector<256x4xf32> -> vector<256x4xf32>
    %get3A_232 = arith.constant 0 : index
    %get3A_233 = arith.constant 0 : index
    %get3A_234 = vector.load %arg4[%get3A_232, %get3A_233] : memref<1x4xf32, #tpu.memory_space<vmem>>, vector<1x4xf32>
    %add3A_235 = vector.broadcast %get3A_234 : vector<1x4xf32> to vector<256x4xf32>
    %add3A_236 = arith.addf %dot_general3A_231, %add3A_235 : vector<256x4xf32>
    %convert_element_type3A_237 = arith.truncf %add3A_236 : vector<256x4xf32> to vector<256x4xbf16>
    %dot_general3A_238 = arith.constant dense<0.000000e+00> : vector<4x256xf32>
    %dot_general3A_239 = tpu.matmul %convert_element_type3A_229, %convert_element_type3A_225, %dot_general3A_238 {dimension_numbers = #tpu.dot_dimension_numbers<[0], [1], [1], [0], [0, 1, 1, 0], [], []>, transpose_lhs_hint = false} : vector<256x4xbf16>, vector<256x256xbf16>, vector<4x256xf32> -> vector<4x256xf32>
    %get3A_240 = arith.constant 0 : index
    %get3A_241 = arith.constant 0 : index
    %get3A_242 = vector.load %arg5[%get3A_240, %get3A_241] : memref<4x1xf32, #tpu.memory_space<vmem>>, vector<4x1xf32>
    %add3A_243 = vector.broadcast %get3A_242 : vector<4x1xf32> to vector<4x256xf32>
    %add3A_244 = arith.addf %dot_general3A_239, %add3A_243 : vector<4x256xf32>
    %convert_element_type3A_245 = arith.truncf %add3A_244 : vector<4x256xf32> to vector<4x256xbf16>
    %get3A_246 = arith.constant 0 : index
    %get3A_247 = arith.constant 0 : index
    %get3A_248 = vector.load %arg2[%get3A_246, %get3A_247] : memref<256x512xf32, #tpu.memory_space<vmem>>, vector<256x512xf32>
    %convert_element_type3A_249 = arith.truncf %get3A_248 : vector<256x512xf32> to vector<256x512xbf16>
    %dot_general3A_250 = arith.constant dense<0.000000e+00> : vector<256x512xf32>
    %dot_general3A_251 = tpu.matmul %convert_element_type3A_225, %convert_element_type3A_249, %dot_general3A_250 {dimension_numbers = #tpu.dot_dimension_numbers<[1], [0], [0], [1], [0, 0, 1, 1], [], []>, transpose_lhs_hint = false} : vector<256x256xbf16>, vector<256x512xbf16>, vector<256x512xf32> -> vector<256x512xf32>
    %convert_element_type3A_252 = arith.truncf %dot_general3A_251 : vector<256x512xf32> to vector<256x512xbf16>
    %slice3A_253 = vector.extract_strided_slice %convert_element_type3A_237 {offsets = [0, 0], sizes = [256, 1], strides = [1, 1]} : vector<256x4xbf16> to vector<256x1xbf16>
    %slice3A_254 = vector.extract_strided_slice %convert_element_type3A_245 {offsets = [1, 0], sizes = [1, 256], strides = [1, 1]} : vector<4x256xbf16> to vector<1x256xbf16>
    %add3A_255 = vector.broadcast %slice3A_253 : vector<256x1xbf16> to vector<256x256xbf16>
    %add3A_256 = vector.broadcast %slice3A_254 : vector<1x256xbf16> to vector<256x256xbf16>
    %add3A_257 = arith.addf %add3A_255, %add3A_256 : vector<256x256xbf16>
    %mul3A_258 = arith.constant 2.001950e-01 : bf16
    %mul3A_259 = vector.broadcast %mul3A_258 : bf16 to vector<256x256xbf16>
    %mul3A_260 = arith.mulf %mul3A_259, %add3A_257 : vector<256x256xbf16>
    %max3A_261 = arith.maximumf %add3A_257, %mul3A_260 : vector<256x256xbf16>
    %exp3A_262 = math.exp %max3A_261 : vector<256x256xbf16>
    %mul3A_263 = arith.mulf %exp3A_262, %convert_element_type3A_56 : vector<256x256xbf16>
    %convert_element_type3A_264 = arith.extf %mul3A_263 : vector<256x256xbf16> to vector<256x256xf32>
    %reduce_sum3A_265 = arith.constant dense<0.000000e+00> : vector<256xf32>
    %reduce_sum3A_266 = vector.multi_reduction <add>, %convert_element_type3A_264, %reduce_sum3A_265 [1] : vector<256x256xf32> to vector<256xf32>
    %broadcast_in_dim3A_267 = vector.shape_cast %reduce_sum3A_266 : vector<256xf32> to vector<256x1xf32>
    %div3A_268 = arith.constant 1.000000e+00 : f32
    %div3A_269 = vector.broadcast %div3A_268 : f32 to vector<256x1xf32>
    %div3A_270 = arith.divf %div3A_269, %broadcast_in_dim3A_267 : vector<256x1xf32>
    %convert_element_type3A_271 = arith.truncf %div3A_270 : vector<256x1xf32> to vector<256x1xbf16>
    %mul3A_272 = vector.broadcast %convert_element_type3A_271 : vector<256x1xbf16> to vector<256x256xbf16>
    %mul3A_273 = arith.mulf %mul3A_263, %mul3A_272 : vector<256x256xbf16>
    %slice3A_274 = vector.extract_strided_slice %convert_element_type3A_252 {offsets = [0, 0], sizes = [256, 256], strides = [1, 1]} : vector<256x512xbf16> to vector<256x256xbf16>
    %dot_general3A_275 = arith.constant dense<0.000000e+00> : vector<256x256xf32>
    %dot_general3A_276 = tpu.matmul %mul3A_273, %slice3A_274, %dot_general3A_275 {dimension_numbers = #tpu.dot_dimension_numbers<[1], [0], [0], [1], [0, 0, 1, 1], [], []>, transpose_lhs_hint = false} : vector<256x256xbf16>, vector<256x256xbf16>, vector<256x256xf32> -> vector<256x256xf32>
    %convert_element_type3A_277 = arith.truncf %dot_general3A_276 : vector<256x256xf32> to vector<256x256xbf16>
    %slice3A_278 = vector.extract_strided_slice %convert_element_type3A_237 {offsets = [0, 2], sizes = [256, 1], strides = [1, 1]} : vector<256x4xbf16> to vector<256x1xbf16>
    %slice3A_279 = vector.extract_strided_slice %convert_element_type3A_245 {offsets = [3, 0], sizes = [1, 256], strides = [1, 1]} : vector<4x256xbf16> to vector<1x256xbf16>
    %add3A_280 = vector.broadcast %slice3A_278 : vector<256x1xbf16> to vector<256x256xbf16>
    %add3A_281 = vector.broadcast %slice3A_279 : vector<1x256xbf16> to vector<256x256xbf16>
    %add3A_282 = arith.addf %add3A_280, %add3A_281 : vector<256x256xbf16>
    %mul3A_283 = arith.constant 2.001950e-01 : bf16
    %mul3A_284 = vector.broadcast %mul3A_283 : bf16 to vector<256x256xbf16>
    %mul3A_285 = arith.mulf %mul3A_284, %add3A_282 : vector<256x256xbf16>
    %max3A_286 = arith.maximumf %add3A_282, %mul3A_285 : vector<256x256xbf16>
    %exp3A_287 = math.exp %max3A_286 : vector<256x256xbf16>
    %mul3A_288 = arith.mulf %exp3A_287, %convert_element_type3A_56 : vector<256x256xbf16>
    %convert_element_type3A_289 = arith.extf %mul3A_288 : vector<256x256xbf16> to vector<256x256xf32>
    %reduce_sum3A_290 = arith.constant dense<0.000000e+00> : vector<256xf32>
    %reduce_sum3A_291 = vector.multi_reduction <add>, %convert_element_type3A_289, %reduce_sum3A_290 [1] : vector<256x256xf32> to vector<256xf32>
    %broadcast_in_dim3A_292 = vector.shape_cast %reduce_sum3A_291 : vector<256xf32> to vector<256x1xf32>
    %div3A_293 = arith.constant 1.000000e+00 : f32
    %div3A_294 = vector.broadcast %div3A_293 : f32 to vector<256x1xf32>
    %div3A_295 = arith.divf %div3A_294, %broadcast_in_dim3A_292 : vector<256x1xf32>
    %convert_element_type3A_296 = arith.truncf %div3A_295 : vector<256x1xf32> to vector<256x1xbf16>
    %mul3A_297 = vector.broadcast %convert_element_type3A_296 : vector<256x1xbf16> to vector<256x256xbf16>
    %mul3A_298 = arith.mulf %mul3A_288, %mul3A_297 : vector<256x256xbf16>
    %slice3A_299 = vector.extract_strided_slice %convert_element_type3A_252 {offsets = [0, 256], sizes = [256, 256], strides = [1, 1]} : vector<256x512xbf16> to vector<256x256xbf16>
    %dot_general3A_300 = arith.constant dense<0.000000e+00> : vector<256x256xf32>
    %dot_general3A_301 = tpu.matmul %mul3A_298, %slice3A_299, %dot_general3A_300 {dimension_numbers = #tpu.dot_dimension_numbers<[1], [0], [0], [1], [0, 0, 1, 1], [], []>, transpose_lhs_hint = false} : vector<256x256xbf16>, vector<256x256xbf16>, vector<256x256xf32> -> vector<256x256xf32>
    %convert_element_type3A_302 = arith.truncf %dot_general3A_301 : vector<256x256xf32> to vector<256x256xbf16>
    %concatenate3A_303 = tpu.concatenate %convert_element_type3A_277, %convert_element_type3A_302 in 1 : vector<256x256xbf16>, vector<256x256xbf16> -> vector<256x512xbf16>
    %get3A_304 = arith.constant 0 : index
    %get3A_305 = arith.constant 0 : index
    %get3A_306 = vector.load %arg7[%get3A_304, %get3A_305] : memref<512x4xf32, #tpu.memory_space<vmem>>, vector<512x4xf32>
    %convert_element_type3A_307 = arith.truncf %get3A_306 : vector<512x4xf32> to vector<512x4xbf16>
    %dot_general3A_308 = arith.constant dense<0.000000e+00> : vector<256x4xf32>
    %dot_general3A_309 = tpu.matmul %concatenate3A_303, %convert_element_type3A_307, %dot_general3A_308 {dimension_numbers = #tpu.dot_dimension_numbers<[1], [0], [0], [1], [0, 0, 1, 1], [], []>, transpose_lhs_hint = false} : vector<256x512xbf16>, vector<512x4xbf16>, vector<256x4xf32> -> vector<256x4xf32>
    %get3A_310 = arith.constant 0 : index
    %get3A_311 = arith.constant 0 : index
    %get3A_312 = vector.load %arg8[%get3A_310, %get3A_311] : memref<1x4xf32, #tpu.memory_space<vmem>>, vector<1x4xf32>
    %add3A_313 = vector.broadcast %get3A_312 : vector<1x4xf32> to vector<256x4xf32>
    %add3A_314 = arith.addf %dot_general3A_309, %add3A_313 : vector<256x4xf32>
    %convert_element_type3A_315 = arith.truncf %add3A_314 : vector<256x4xf32> to vector<256x4xbf16>
    %dot_general3A_316 = arith.constant dense<0.000000e+00> : vector<4x256xf32>
    %dot_general3A_317 = tpu.matmul %convert_element_type3A_307, %concatenate3A_303, %dot_general3A_316 {dimension_numbers = #tpu.dot_dimension_numbers<[0], [1], [1], [0], [0, 1, 1, 0], [], []>, transpose_lhs_hint = false} : vector<512x4xbf16>, vector<256x512xbf16>, vector<4x256xf32> -> vector<4x256xf32>
    %get3A_318 = arith.constant 0 : index
    %get3A_319 = arith.constant 0 : index
    %get3A_320 = vector.load %arg9[%get3A_318, %get3A_319] : memref<4x1xf32, #tpu.memory_space<vmem>>, vector<4x1xf32>
    %add3A_321 = vector.broadcast %get3A_320 : vector<4x1xf32> to vector<4x256xf32>
    %add3A_322 = arith.addf %dot_general3A_317, %add3A_321 : vector<4x256xf32>
    %convert_element_type3A_323 = arith.truncf %add3A_322 : vector<4x256xf32> to vector<4x256xbf16>
    %get3A_324 = arith.constant 0 : index
    %get3A_325 = arith.constant 0 : index
    %get3A_326 = vector.load %arg6[%get3A_324, %get3A_325] : memref<512x256xf32, #tpu.memory_space<vmem>>, vector<512x256xf32>
    %convert_element_type3A_327 = arith.truncf %get3A_326 : vector<512x256xf32> to vector<512x256xbf16>
    %dot_general3A_328 = arith.constant dense<0.000000e+00> : vector<256x256xf32>
    %dot_general3A_329 = tpu.matmul %concatenate3A_303, %convert_element_type3A_327, %dot_general3A_328 {dimension_numbers = #tpu.dot_dimension_numbers<[1], [0], [0], [1], [0, 0, 1, 1], [], []>, transpose_lhs_hint = false} : vector<256x512xbf16>, vector<512x256xbf16>, vector<256x256xf32> -> vector<256x256xf32>
    %get3A_330 = arith.constant 0 : index
    %get3A_331 = arith.constant 0 : index
    %get3A_332 = vector.load %arg10[%get3A_330, %get3A_331] : memref<1x256xf32, #tpu.memory_space<vmem>>, vector<1x256xf32>
    %add3A_333 = vector.broadcast %get3A_332 : vector<1x256xf32> to vector<256x256xf32>
    %add3A_334 = arith.addf %dot_general3A_329, %add3A_333 : vector<256x256xf32>
    %convert_element_type3A_335 = arith.truncf %add3A_334 : vector<256x256xf32> to vector<256x256xbf16>
    %broadcast_in_dim3A_336 = arith.constant 0.000000e+00 : f32
    %broadcast_in_dim3A_337 = vector.broadcast %broadcast_in_dim3A_336 : f32 to vector<256x128xf32>
    %slice3A_338 = vector.extract_strided_slice %convert_element_type3A_315 {offsets = [0, 0], sizes = [256, 1], strides = [1, 1]} : vector<256x4xbf16> to vector<256x1xbf16>
    %slice3A_339 = vector.extract_strided_slice %convert_element_type3A_323 {offsets = [1, 0], sizes = [1, 256], strides = [1, 1]} : vector<4x256xbf16> to vector<1x256xbf16>
    %add3A_340 = vector.broadcast %slice3A_338 : vector<256x1xbf16> to vector<256x256xbf16>
    %add3A_341 = vector.broadcast %slice3A_339 : vector<1x256xbf16> to vector<256x256xbf16>
    %add3A_342 = arith.addf %add3A_340, %add3A_341 : vector<256x256xbf16>
    %mul3A_343 = arith.constant 2.001950e-01 : bf16
    %mul3A_344 = vector.broadcast %mul3A_343 : bf16 to vector<256x256xbf16>
    %mul3A_345 = arith.mulf %mul3A_344, %add3A_342 : vector<256x256xbf16>
    %max3A_346 = arith.maximumf %add3A_342, %mul3A_345 : vector<256x256xbf16>
    %exp3A_347 = math.exp %max3A_346 : vector<256x256xbf16>
    %mul3A_348 = arith.mulf %exp3A_347, %convert_element_type3A_56 : vector<256x256xbf16>
    %convert_element_type3A_349 = arith.extf %mul3A_348 : vector<256x256xbf16> to vector<256x256xf32>
    %reduce_sum3A_350 = arith.constant dense<0.000000e+00> : vector<256xf32>
    %reduce_sum3A_351 = vector.multi_reduction <add>, %convert_element_type3A_349, %reduce_sum3A_350 [1] : vector<256x256xf32> to vector<256xf32>
    %broadcast_in_dim3A_352 = vector.shape_cast %reduce_sum3A_351 : vector<256xf32> to vector<256x1xf32>
    %div3A_353 = arith.constant 1.000000e+00 : f32
    %div3A_354 = vector.broadcast %div3A_353 : f32 to vector<256x1xf32>
    %div3A_355 = arith.divf %div3A_354, %broadcast_in_dim3A_352 : vector<256x1xf32>
    %slice3A_356 = vector.extract_strided_slice %convert_element_type3A_335 {offsets = [0, 0], sizes = [256, 128], strides = [1, 1]} : vector<256x256xbf16> to vector<256x128xbf16>
    %dot_general3A_357 = arith.constant dense<0.000000e+00> : vector<256x128xf32>
    %dot_general3A_358 = tpu.matmul %mul3A_348, %slice3A_356, %dot_general3A_357 {dimension_numbers = #tpu.dot_dimension_numbers<[1], [0], [0], [1], [0, 0, 1, 1], [], []>, transpose_lhs_hint = false} : vector<256x256xbf16>, vector<256x128xbf16>, vector<256x128xf32> -> vector<256x128xf32>
    %mul3A_359 = vector.broadcast %div3A_355 : vector<256x1xf32> to vector<256x128xf32>
    %mul3A_360 = arith.mulf %dot_general3A_358, %mul3A_359 : vector<256x128xf32>
    %add3A_361 = arith.addf %broadcast_in_dim3A_337, %mul3A_360 : vector<256x128xf32>
    %slice3A_362 = vector.extract_strided_slice %convert_element_type3A_315 {offsets = [0, 2], sizes = [256, 1], strides = [1, 1]} : vector<256x4xbf16> to vector<256x1xbf16>
    %slice3A_363 = vector.extract_strided_slice %convert_element_type3A_323 {offsets = [3, 0], sizes = [1, 256], strides = [1, 1]} : vector<4x256xbf16> to vector<1x256xbf16>
    %add3A_364 = vector.broadcast %slice3A_362 : vector<256x1xbf16> to vector<256x256xbf16>
    %add3A_365 = vector.broadcast %slice3A_363 : vector<1x256xbf16> to vector<256x256xbf16>
    %add3A_366 = arith.addf %add3A_364, %add3A_365 : vector<256x256xbf16>
    %mul3A_367 = arith.constant 2.001950e-01 : bf16
    %mul3A_368 = vector.broadcast %mul3A_367 : bf16 to vector<256x256xbf16>
    %mul3A_369 = arith.mulf %mul3A_368, %add3A_366 : vector<256x256xbf16>
    %max3A_370 = arith.maximumf %add3A_366, %mul3A_369 : vector<256x256xbf16>
    %exp3A_371 = math.exp %max3A_370 : vector<256x256xbf16>
    %mul3A_372 = arith.mulf %exp3A_371, %convert_element_type3A_56 : vector<256x256xbf16>
    %convert_element_type3A_373 = arith.extf %mul3A_372 : vector<256x256xbf16> to vector<256x256xf32>
    %reduce_sum3A_374 = arith.constant dense<0.000000e+00> : vector<256xf32>
    %reduce_sum3A_375 = vector.multi_reduction <add>, %convert_element_type3A_373, %reduce_sum3A_374 [1] : vector<256x256xf32> to vector<256xf32>
    %broadcast_in_dim3A_376 = vector.shape_cast %reduce_sum3A_375 : vector<256xf32> to vector<256x1xf32>
    %div3A_377 = arith.constant 1.000000e+00 : f32
    %div3A_378 = vector.broadcast %div3A_377 : f32 to vector<256x1xf32>
    %div3A_379 = arith.divf %div3A_378, %broadcast_in_dim3A_376 : vector<256x1xf32>
    %slice3A_380 = vector.extract_strided_slice %convert_element_type3A_335 {offsets = [0, 128], sizes = [256, 128], strides = [1, 1]} : vector<256x256xbf16> to vector<256x128xbf16>
    %dot_general3A_381 = arith.constant dense<0.000000e+00> : vector<256x128xf32>
    %dot_general3A_382 = tpu.matmul %mul3A_372, %slice3A_380, %dot_general3A_381 {dimension_numbers = #tpu.dot_dimension_numbers<[1], [0], [0], [1], [0, 0, 1, 1], [], []>, transpose_lhs_hint = false} : vector<256x256xbf16>, vector<256x128xbf16>, vector<256x128xf32> -> vector<256x128xf32>
    %mul3A_383 = vector.broadcast %div3A_379 : vector<256x1xf32> to vector<256x128xf32>
    %mul3A_384 = arith.mulf %dot_general3A_382, %mul3A_383 : vector<256x128xf32>
    %add3A_385 = arith.addf %add3A_361, %mul3A_384 : vector<256x128xf32>
    %reshape3A_386 = vector.shape_cast %add3A_385 : vector<256x128xf32> to vector<8x32x128xf32>
    %slice3A_387 = vector.extract_strided_slice %reshape3A_386 {offsets = [0, 0, 0], sizes = [8, 1, 128], strides = [1, 1, 1]} : vector<8x32x128xf32> to vector<8x1x128xf32>
    %squeeze3A_388 = vector.shape_cast %slice3A_387 : vector<8x1x128xf32> to vector<8x128xf32>
    %mul3A_389 = arith.constant 5.000000e-01 : f32
    %mul3A_390 = vector.broadcast %mul3A_389 : f32 to vector<8x128xf32>
    %mul3A_391 = arith.mulf %squeeze3A_388, %mul3A_390 : vector<8x128xf32>
    %get3A_392 = arith.constant 0 : index
    %get3A_393 = arith.constant 0 : index
    %get3A_394 = vector.load %arg11[%get3A_392, %get3A_393] : memref<1x128xf32, #tpu.memory_space<vmem>>, vector<1x128xf32>
    %add3A_395 = vector.broadcast %get3A_394 : vector<1x128xf32> to vector<8x128xf32>
    %add3A_396 = arith.addf %mul3A_391, %add3A_395 : vector<8x128xf32>
    %swap3A_397 = arith.constant 8 : index
    %swap3A_398 = arith.constant 0 : index
    %swap3A_399 = vector.load %arg12[%swap3A_397, %swap3A_398] : memref<128x128xf32, #tpu.memory_space<vmem>>, vector<8x128xf32>
    tpu.vector_store %arg12[%swap3A_397, %swap3A_398], %add3A_396 {strides = array<i32>} : memref<128x128xf32, #tpu.memory_space<vmem>>, vector<8x128xf32>,
    %get3A_400 = arith.constant 512 : index
    %get3A_401 = arith.constant 0 : index
    %get3A_402 = vector.load %arg1[%get3A_400, %get3A_401] : memref<4096x256xf32, #tpu.memory_space<vmem>>, vector<256x256xf32>
    %convert_element_type3A_403 = arith.truncf %get3A_402 : vector<256x256xf32> to vector<256x256xbf16>
    %get3A_404 = arith.constant 0 : index
    %get3A_405 = arith.constant 0 : index
    %get3A_406 = vector.load %arg3[%get3A_404, %get3A_405] : memref<256x4xf32, #tpu.memory_space<vmem>>, vector<256x4xf32>
    %convert_element_type3A_407 = arith.truncf %get3A_406 : vector<256x4xf32> to vector<256x4xbf16>
    %dot_general3A_408 = arith.constant dense<0.000000e+00> : vector<256x4xf32>
    %dot_general3A_409 = tpu.matmul %convert_element_type3A_403, %convert_element_type3A_407, %dot_general3A_408 {dimension_numbers = #tpu.dot_dimension_numbers<[1], [0], [0], [1], [0, 0, 1, 1], [], []>, transpose_lhs_hint = false} : vector<256x256xbf16>, vector<256x4xbf16>, vector<256x4xf32> -> vector<256x4xf32>
    %get3A_410 = arith.constant 0 : index
    %get3A_411 = arith.constant 0 : index
    %get3A_412 = vector.load %arg4[%get3A_410, %get3A_411] : memref<1x4xf32, #tpu.memory_space<vmem>>, vector<1x4xf32>
    %add3A_413 = vector.broadcast %get3A_412 : vector<1x4xf32> to vector<256x4xf32>
    %add3A_414 = arith.addf %dot_general3A_409, %add3A_413 : vector<256x4xf32>
    %convert_element_type3A_415 = arith.truncf %add3A_414 : vector<256x4xf32> to vector<256x4xbf16>
    %dot_general3A_416 = arith.constant dense<0.000000e+00> : vector<4x256xf32>
    %dot_general3A_417 = tpu.matmul %convert_element_type3A_407, %convert_element_type3A_403, %dot_general3A_416 {dimension_numbers = #tpu.dot_dimension_numbers<[0], [1], [1], [0], [0, 1, 1, 0], [], []>, transpose_lhs_hint = false} : vector<256x4xbf16>, vector<256x256xbf16>, vector<4x256xf32> -> vector<4x256xf32>
    %get3A_418 = arith.constant 0 : index
    %get3A_419 = arith.constant 0 : index
    %get3A_420 = vector.load %arg5[%get3A_418, %get3A_419] : memref<4x1xf32, #tpu.memory_space<vmem>>, vector<4x1xf32>
    %add3A_421 = vector.broadcast %get3A_420 : vector<4x1xf32> to vector<4x256xf32>
    %add3A_422 = arith.addf %dot_general3A_417, %add3A_421 : vector<4x256xf32>
    %convert_element_type3A_423 = arith.truncf %add3A_422 : vector<4x256xf32> to vector<4x256xbf16>
    %get3A_424 = arith.constant 0 : index
    %get3A_425 = arith.constant 0 : index
    %get3A_426 = vector.load %arg2[%get3A_424, %get3A_425] : memref<256x512xf32, #tpu.memory_space<vmem>>, vector<256x512xf32>
    %convert_element_type3A_427 = arith.truncf %get3A_426 : vector<256x512xf32> to vector<256x512xbf16>
    %dot_general3A_428 = arith.constant dense<0.000000e+00> : vector<256x512xf32>
    %dot_general3A_429 = tpu.matmul %convert_element_type3A_403, %convert_element_type3A_427, %dot_general3A_428 {dimension_numbers = #tpu.dot_dimension_numbers<[1], [0], [0], [1], [0, 0, 1, 1], [], []>, transpose_lhs_hint = false} : vector<256x256xbf16>, vector<256x512xbf16>, vector<256x512xf32> -> vector<256x512xf32>
    %convert_element_type3A_430 = arith.truncf %dot_general3A_429 : vector<256x512xf32> to vector<256x512xbf16>
    %slice3A_431 = vector.extract_strided_slice %convert_element_type3A_415 {offsets = [0, 0], sizes = [256, 1], strides = [1, 1]} : vector<256x4xbf16> to vector<256x1xbf16>
    %slice3A_432 = vector.extract_strided_slice %convert_element_type3A_423 {offsets = [1, 0], sizes = [1, 256], strides = [1, 1]} : vector<4x256xbf16> to vector<1x256xbf16>
    %add3A_433 = vector.broadcast %slice3A_431 : vector<256x1xbf16> to vector<256x256xbf16>
    %add3A_434 = vector.broadcast %slice3A_432 : vector<1x256xbf16> to vector<256x256xbf16>
    %add3A_435 = arith.addf %add3A_433, %add3A_434 : vector<256x256xbf16>
    %mul3A_436 = arith.constant 2.001950e-01 : bf16
    %mul3A_437 = vector.broadcast %mul3A_436 : bf16 to vector<256x256xbf16>
    %mul3A_438 = arith.mulf %mul3A_437, %add3A_435 : vector<256x256xbf16>
    %max3A_439 = arith.maximumf %add3A_435, %mul3A_438 : vector<256x256xbf16>
    %exp3A_440 = math.exp %max3A_439 : vector<256x256xbf16>
    %mul3A_441 = arith.mulf %exp3A_440, %convert_element_type3A_56 : vector<256x256xbf16>
    %convert_element_type3A_442 = arith.extf %mul3A_441 : vector<256x256xbf16> to vector<256x256xf32>
    %reduce_sum3A_443 = arith.constant dense<0.000000e+00> : vector<256xf32>
    %reduce_sum3A_444 = vector.multi_reduction <add>, %convert_element_type3A_442, %reduce_sum3A_443 [1] : vector<256x256xf32> to vector<256xf32>
    %broadcast_in_dim3A_445 = vector.shape_cast %reduce_sum3A_444 : vector<256xf32> to vector<256x1xf32>
    %div3A_446 = arith.constant 1.000000e+00 : f32
    %div3A_447 = vector.broadcast %div3A_446 : f32 to vector<256x1xf32>
    %div3A_448 = arith.divf %div3A_447, %broadcast_in_dim3A_445 : vector<256x1xf32>
    %convert_element_type3A_449 = arith.truncf %div3A_448 : vector<256x1xf32> to vector<256x1xbf16>
    %mul3A_450 = vector.broadcast %convert_element_type3A_449 : vector<256x1xbf16> to vector<256x256xbf16>
    %mul3A_451 = arith.mulf %mul3A_441, %mul3A_450 : vector<256x256xbf16>
    %slice3A_452 = vector.extract_strided_slice %convert_element_type3A_430 {offsets = [0, 0], sizes = [256, 256], strides = [1, 1]} : vector<256x512xbf16> to vector<256x256xbf16>
    %dot_general3A_453 = arith.constant dense<0.000000e+00> : vector<256x256xf32>
    %dot_general3A_454 = tpu.matmul %mul3A_451, %slice3A_452, %dot_general3A_453 {dimension_numbers = #tpu.dot_dimension_numbers<[1], [0], [0], [1], [0, 0, 1, 1], [], []>, transpose_lhs_hint = false} : vector<256x256xbf16>, vector<256x256xbf16>, vector<256x256xf32> -> vector<256x256xf32>
    %convert_element_type3A_455 = arith.truncf %dot_general3A_454 : vector<256x256xf32> to vector<256x256xbf16>
    %slice3A_456 = vector.extract_strided_slice %convert_element_type3A_415 {offsets = [0, 2], sizes = [256, 1], strides = [1, 1]} : vector<256x4xbf16> to vector<256x1xbf16>
    %slice3A_457 = vector.extract_strided_slice %convert_element_type3A_423 {offsets = [3, 0], sizes = [1, 256], strides = [1, 1]} : vector<4x256xbf16> to vector<1x256xbf16>
    %add3A_458 = vector.broadcast %slice3A_456 : vector<256x1xbf16> to vector<256x256xbf16>
    %add3A_459 = vector.broadcast %slice3A_457 : vector<1x256xbf16> to vector<256x256xbf16>
    %add3A_460 = arith.addf %add3A_458, %add3A_459 : vector<256x256xbf16>
    %mul3A_461 = arith.constant 2.001950e-01 : bf16
    %mul3A_462 = vector.broadcast %mul3A_461 : bf16 to vector<256x256xbf16>
    %mul3A_463 = arith.mulf %mul3A_462, %add3A_460 : vector<256x256xbf16>
    %max3A_464 = arith.maximumf %add3A_460, %mul3A_463 : vector<256x256xbf16>
    %exp3A_465 = math.exp %max3A_464 : vector<256x256xbf16>
    %mul3A_466 = arith.mulf %exp3A_465, %convert_element_type3A_56 : vector<256x256xbf16>
    %convert_element_type3A_467 = arith.extf %mul3A_466 : vector<256x256xbf16> to vector<256x256xf32>
    %reduce_sum3A_468 = arith.constant dense<0.000000e+00> : vector<256xf32>
    %reduce_sum3A_469 = vector.multi_reduction <add>, %convert_element_type3A_467, %reduce_sum3A_468 [1] : vector<256x256xf32> to vector<256xf32>
    %broadcast_in_dim3A_470 = vector.shape_cast %reduce_sum3A_469 : vector<256xf32> to vector<256x1xf32>
    %div3A_471 = arith.constant 1.000000e+00 : f32
    %div3A_472 = vector.broadcast %div3A_471 : f32 to vector<256x1xf32>
    %div3A_473 = arith.divf %div3A_472, %broadcast_in_dim3A_470 : vector<256x1xf32>
    %convert_element_type3A_474 = arith.truncf %div3A_473 : vector<256x1xf32> to vector<256x1xbf16>
    %mul3A_475 = vector.broadcast %convert_element_type3A_474 : vector<256x1xbf16> to vector<256x256xbf16>
    %mul3A_476 = arith.mulf %mul3A_466, %mul3A_475 : vector<256x256xbf16>
    %slice3A_477 = vector.extract_strided_slice %convert_element_type3A_430 {offsets = [0, 256], sizes = [256, 256], strides = [1, 1]} : vector<256x512xbf16> to vector<256x256xbf16>
    %dot_general3A_478 = arith.constant dense<0.000000e+00> : vector<256x256xf32>
    %dot_general3A_479 = tpu.matmul %mul3A_476, %slice3A_477, %dot_general3A_478 {dimension_numbers = #tpu.dot_dimension_numbers<[1], [0], [0], [1], [0, 0, 1, 1], [], []>, transpose_lhs_hint = false} : vector<256x256xbf16>, vector<256x256xbf16>, vector<256x256xf32> -> vector<256x256xf32>
    %convert_element_type3A_480 = arith.truncf %dot_general3A_479 : vector<256x256xf32> to vector<256x256xbf16>
    %concatenate3A_481 = tpu.concatenate %convert_element_type3A_455, %convert_element_type3A_480 in 1 : vector<256x256xbf16>, vector<256x256xbf16> -> vector<256x512xbf16>
    %get3A_482 = arith.constant 0 : index
    %get3A_483 = arith.constant 0 : index
    %get3A_484 = vector.load %arg7[%get3A_482, %get3A_483] : memref<512x4xf32, #tpu.memory_space<vmem>>, vector<512x4xf32>
    %convert_element_type3A_485 = arith.truncf %get3A_484 : vector<512x4xf32> to vector<512x4xbf16>
    %dot_general3A_486 = arith.constant dense<0.000000e+00> : vector<256x4xf32>
    %dot_general3A_487 = tpu.matmul %concatenate3A_481, %convert_element_type3A_485, %dot_general3A_486 {dimension_numbers = #tpu.dot_dimension_numbers<[1], [0], [0], [1], [0, 0, 1, 1], [], []>, transpose_lhs_hint = false} : vector<256x512xbf16>, vector<512x4xbf16>, vector<256x4xf32> -> vector<256x4xf32>
    %get3A_488 = arith.constant 0 : index
    %get3A_489 = arith.constant 0 : index
    %get3A_490 = vector.load %arg8[%get3A_488, %get3A_489] : memref<1x4xf32, #tpu.memory_space<vmem>>, vector<1x4xf32>
    %add3A_491 = vector.broadcast %get3A_490 : vector<1x4xf32> to vector<256x4xf32>
    %add3A_492 = arith.addf %dot_general3A_487, %add3A_491 : vector<256x4xf32>
    %convert_element_type3A_493 = arith.truncf %add3A_492 : vector<256x4xf32> to vector<256x4xbf16>
    %dot_general3A_494 = arith.constant dense<0.000000e+00> : vector<4x256xf32>
    %dot_general3A_495 = tpu.matmul %convert_element_type3A_485, %concatenate3A_481, %dot_general3A_494 {dimension_numbers = #tpu.dot_dimension_numbers<[0], [1], [1], [0], [0, 1, 1, 0], [], []>, transpose_lhs_hint = false} : vector<512x4xbf16>, vector<256x512xbf16>, vector<4x256xf32> -> vector<4x256xf32>
    %get3A_496 = arith.constant 0 : index
    %get3A_497 = arith.constant 0 : index
    %get3A_498 = vector.load %arg9[%get3A_496, %get3A_497] : memref<4x1xf32, #tpu.memory_space<vmem>>, vector<4x1xf32>
    %add3A_499 = vector.broadcast %get3A_498 : vector<4x1xf32> to vector<4x256xf32>
    %add3A_500 = arith.addf %dot_general3A_495, %add3A_499 : vector<4x256xf32>
    %convert_element_type3A_501 = arith.truncf %add3A_500 : vector<4x256xf32> to vector<4x256xbf16>
    %get3A_502 = arith.constant 0 : index
    %get3A_503 = arith.constant 0 : index
    %get3A_504 = vector.load %arg6[%get3A_502, %get3A_503] : memref<512x256xf32, #tpu.memory_space<vmem>>, vector<512x256xf32>
    %convert_element_type3A_505 = arith.truncf %get3A_504 : vector<512x256xf32> to vector<512x256xbf16>
    %dot_general3A_506 = arith.constant dense<0.000000e+00> : vector<256x256xf32>
    %dot_general3A_507 = tpu.matmul %concatenate3A_481, %convert_element_type3A_505, %dot_general3A_506 {dimension_numbers = #tpu.dot_dimension_numbers<[1], [0], [0], [1], [0, 0, 1, 1], [], []>, transpose_lhs_hint = false} : vector<256x512xbf16>, vector<512x256xbf16>, vector<256x256xf32> -> vector<256x256xf32>
    %get3A_508 = arith.constant 0 : index
    %get3A_509 = arith.constant 0 : index
    %get3A_510 = vector.load %arg10[%get3A_508, %get3A_509] : memref<1x256xf32, #tpu.memory_space<vmem>>, vector<1x256xf32>
    %add3A_511 = vector.broadcast %get3A_510 : vector<1x256xf32> to vector<256x256xf32>
    %add3A_512 = arith.addf %dot_general3A_507, %add3A_511 : vector<256x256xf32>
    %convert_element_type3A_513 = arith.truncf %add3A_512 : vector<256x256xf32> to vector<256x256xbf16>
    %broadcast_in_dim3A_514 = arith.constant 0.000000e+00 : f32
    %broadcast_in_dim3A_515 = vector.broadcast %broadcast_in_dim3A_514 : f32 to vector<256x128xf32>
    %slice3A_516 = vector.extract_strided_slice %convert_element_type3A_493 {offsets = [0, 0], sizes = [256, 1], strides = [1, 1]} : vector<256x4xbf16> to vector<256x1xbf16>
    %slice3A_517 = vector.extract_strided_slice %convert_element_type3A_501 {offsets = [1, 0], sizes = [1, 256], strides = [1, 1]} : vector<4x256xbf16> to vector<1x256xbf16>
    %add3A_518 = vector.broadcast %slice3A_516 : vector<256x1xbf16> to vector<256x256xbf16>
    %add3A_519 = vector.broadcast %slice3A_517 : vector<1x256xbf16> to vector<256x256xbf16>
    %add3A_520 = arith.addf %add3A_518, %add3A_519 : vector<256x256xbf16>
    %mul3A_521 = arith.constant 2.001950e-01 : bf16
    %mul3A_522 = vector.broadcast %mul3A_521 : bf16 to vector<256x256xbf16>
    %mul3A_523 = arith.mulf %mul3A_522, %add3A_520 : vector<256x256xbf16>
    %max3A_524 = arith.maximumf %add3A_520, %mul3A_523 : vector<256x256xbf16>
    %exp3A_525 = math.exp %max3A_524 : vector<256x256xbf16>
    %mul3A_526 = arith.mulf %exp3A_525, %convert_element_type3A_56 : vector<256x256xbf16>
    %convert_element_type3A_527 = arith.extf %mul3A_526 : vector<256x256xbf16> to vector<256x256xf32>
    %reduce_sum3A_528 = arith.constant dense<0.000000e+00> : vector<256xf32>
    %reduce_sum3A_529 = vector.multi_reduction <add>, %convert_element_type3A_527, %reduce_sum3A_528 [1] : vector<256x256xf32> to vector<256xf32>
    %broadcast_in_dim3A_530 = vector.shape_cast %reduce_sum3A_529 : vector<256xf32> to vector<256x1xf32>
    %div3A_531 = arith.constant 1.000000e+00 : f32
    %div3A_532 = vector.broadcast %div3A_531 : f32 to vector<256x1xf32>
    %div3A_533 = arith.divf %div3A_532, %broadcast_in_dim3A_530 : vector<256x1xf32>
    %slice3A_534 = vector.extract_strided_slice %convert_element_type3A_513 {offsets = [0, 0], sizes = [256, 128], strides = [1, 1]} : vector<256x256xbf16> to vector<256x128xbf16>
    %dot_general3A_535 = arith.constant dense<0.000000e+00> : vector<256x128xf32>
    %dot_general3A_536 = tpu.matmul %mul3A_526, %slice3A_534, %dot_general3A_535 {dimension_numbers = #tpu.dot_dimension_numbers<[1], [0], [0], [1], [0, 0, 1, 1], [], []>, transpose_lhs_hint = false} : vector<256x256xbf16>, vector<256x128xbf16>, vector<256x128xf32> -> vector<256x128xf32>
    %mul3A_537 = vector.broadcast %div3A_533 : vector<256x1xf32> to vector<256x128xf32>
    %mul3A_538 = arith.mulf %dot_general3A_536, %mul3A_537 : vector<256x128xf32>
    %add3A_539 = arith.addf %broadcast_in_dim3A_515, %mul3A_538 : vector<256x128xf32>
    %slice3A_540 = vector.extract_strided_slice %convert_element_type3A_493 {offsets = [0, 2], sizes = [256, 1], strides = [1, 1]} : vector<256x4xbf16> to vector<256x1xbf16>
    %slice3A_541 = vector.extract_strided_slice %convert_element_type3A_501 {offsets = [3, 0], sizes = [1, 256], strides = [1, 1]} : vector<4x256xbf16> to vector<1x256xbf16>
    %add3A_542 = vector.broadcast %slice3A_540 : vector<256x1xbf16> to vector<256x256xbf16>
    %add3A_543 = vector.broadcast %slice3A_541 : vector<1x256xbf16> to vector<256x256xbf16>
    %add3A_544 = arith.addf %add3A_542, %add3A_543 : vector<256x256xbf16>
    %mul3A_545 = arith.constant 2.001950e-01 : bf16
    %mul3A_546 = vector.broadcast %mul3A_545 : bf16 to vector<256x256xbf16>
    %mul3A_547 = arith.mulf %mul3A_546, %add3A_544 : vector<256x256xbf16>
    %max3A_548 = arith.maximumf %add3A_544, %mul3A_547 : vector<256x256xbf16>
    %exp3A_549 = math.exp %max3A_548 : vector<256x256xbf16>
    %mul3A_550 = arith.mulf %exp3A_549, %convert_element_type3A_56 : vector<256x256xbf16>
    %convert_element_type3A_551 = arith.extf %mul3A_550 : vector<256x256xbf16> to vector<256x256xf32>
    %reduce_sum3A_552 = arith.constant dense<0.000000e+00> : vector<256xf32>
    %reduce_sum3A_553 = vector.multi_reduction <add>, %convert_element_type3A_551, %reduce_sum3A_552 [1] : vector<256x256xf32> to vector<256xf32>
    %broadcast_in_dim3A_554 = vector.shape_cast %reduce_sum3A_553 : vector<256xf32> to vector<256x1xf32>
    %div3A_555 = arith.constant 1.000000e+00 : f32
    %div3A_556 = vector.broadcast %div3A_555 : f32 to vector<256x1xf32>
    %div3A_557 = arith.divf %div3A_556, %broadcast_in_dim3A_554 : vector<256x1xf32>
    %slice3A_558 = vector.extract_strided_slice %convert_element_type3A_513 {offsets = [0, 128], sizes = [256, 128], strides = [1, 1]} : vector<256x256xbf16> to vector<256x128xbf16>
    %dot_general3A_559 = arith.constant dense<0.000000e+00> : vector<256x128xf32>
    %dot_general3A_560 = tpu.matmul %mul3A_550, %slice3A_558, %dot_general3A_559 {dimension_numbers = #tpu.dot_dimension_numbers<[1], [0], [0], [1], [0, 0, 1, 1], [], []>, transpose_lhs_hint = false} : vector<256x256xbf16>, vector<256x128xbf16>, vector<256x128xf32> -> vector<256x128xf32>
    %mul3A_561 = vector.broadcast %div3A_557 : vector<256x1xf32> to vector<256x128xf32>
    %mul3A_562 = arith.mulf %dot_general3A_560, %mul3A_561 : vector<256x128xf32>
    %add3A_563 = arith.addf %add3A_539, %mul3A_562 : vector<256x128xf32>
    %reshape3A_564 = vector.shape_cast %add3A_563 : vector<256x128xf32> to vector<8x32x128xf32>
    %slice3A_565 = vector.extract_strided_slice %reshape3A_564 {offsets = [0, 0, 0], sizes = [8, 1, 128], strides = [1, 1, 1]} : vector<8x32x128xf32> to vector<8x1x128xf32>
    %squeeze3A_566 = vector.shape_cast %slice3A_565 : vector<8x1x128xf32> to vector<8x128xf32>
    %mul3A_567 = arith.constant 5.000000e-01 : f32
    %mul3A_568 = vector.broadcast %mul3A_567 : f32 to vector<8x128xf32>
    %mul3A_569 = arith.mulf %squeeze3A_566, %mul3A_568 : vector<8x128xf32>
    %get3A_570 = arith.constant 0 : index
    %get3A_571 = arith.constant 0 : index
    %get3A_572 = vector.load %arg11[%get3A_570, %get3A_571] : memref<1x128xf32, #tpu.memory_space<vmem>>, vector<1x128xf32>
    %add3A_573 = vector.broadcast %get3A_572 : vector<1x128xf32> to vector<8x128xf32>
    %add3A_574 = arith.addf %mul3A_569, %add3A_573 : vector<8x128xf32>
    %swap3A_575 = arith.constant 16 : index
    %swap3A_576 = arith.constant 0 : index
    %swap3A_577 = vector.load %arg12[%swap3A_575, %swap3A_576] : memref<128x128xf32, #tpu.memory_space<vmem>>, vector<8x128xf32>
    tpu.vector_store %arg12[%swap3A_575, %swap3A_576], %add3A_574 {strides = array<i32>} : memref<128x128xf32, #tpu.memory_space<vmem>>, vector<8x128xf32>,
    %get3A_578 = arith.constant 768 : index
    %get3A_579 = arith.constant 0 : index
    %get3A_580 = vector.load %arg1[%get3A_578, %get3A_579] : memref<4096x256xf32, #tpu.memory_space<vmem>>, vector<256x256xf32>
    %convert_element_type3A_581 = arith.truncf %get3A_580 : vector<256x256xf32> to vector<256x256xbf16>
    %get3A_582 = arith.constant 0 : index
    %get3A_583 = arith.constant 0 : index
    %get3A_584 = vector.load %arg3[%get3A_582, %get3A_583] : memref<256x4xf32, #tpu.memory_space<vmem>>, vector<256x4xf32>
    %convert_element_type3A_585 = arith.truncf %get3A_584 : vector<256x4xf32> to vector<256x4xbf16>
    %dot_general3A_586 = arith.constant dense<0.000000e+00> : vector<256x4xf32>
    %dot_general3A_587 = tpu.matmul %convert_element_type3A_581, %convert_element_type3A_585, %dot_general3A_586 {dimension_numbers = #tpu.dot_dimension_numbers<[1], [0], [0], [1], [0, 0, 1, 1], [], []>, transpose_lhs_hint = false} : vector<256x256xbf16>, vector<256x4xbf16>, vector<256x4xf32> -> vector<256x4xf32>
    %get3A_588 = arith.constant 0 : index
    %get3A_589 = arith.constant 0 : index
    %get3A_590 = vector.load %arg4[%get3A_588, %get3A_589] : memref<1x4xf32, #tpu.memory_space<vmem>>, vector<1x4xf32>
    %add3A_591 = vector.broadcast %get3A_590 : vector<1x4xf32> to vector<256x4xf32>
    %add3A_592 = arith.addf %dot_general3A_587, %add3A_591 : vector<256x4xf32>
    %convert_element_type3A_593 = arith.truncf %add3A_592 : vector<256x4xf32> to vector<256x4xbf16>
    %dot_general3A_594 = arith.constant dense<0.000000e+00> : vector<4x256xf32>
    %dot_general3A_595 = tpu.matmul %convert_element_type3A_585, %convert_element_type3A_581, %dot_general3A_594 {dimension_numbers = #tpu.dot_dimension_numbers<[0], [1], [1], [0], [0, 1, 1, 0], [], []>, transpose_lhs_hint = false} : vector<256x4xbf16>, vector<256x256xbf16>, vector<4x256xf32> -> vector<4x256xf32>
    %get3A_596 = arith.constant 0 : index
    %get3A_597 = arith.constant 0 : index
    %get3A_598 = vector.load %arg5[%get3A_596, %get3A_597] : memref<4x1xf32, #tpu.memory_space<vmem>>, vector<4x1xf32>
    %add3A_599 = vector.broadcast %get3A_598 : vector<4x1xf32> to vector<4x256xf32>
    %add3A_600 = arith.addf %dot_general3A_595, %add3A_599 : vector<4x256xf32>
    %convert_element_type3A_601 = arith.truncf %add3A_600 : vector<4x256xf32> to vector<4x256xbf16>
    %get3A_602 = arith.constant 0 : index
    %get3A_603 = arith.constant 0 : index
    %get3A_604 = vector.load %arg2[%get3A_602, %get3A_603] : memref<256x512xf32, #tpu.memory_space<vmem>>, vector<256x512xf32>
    %convert_element_type3A_605 = arith.truncf %get3A_604 : vector<256x512xf32> to vector<256x512xbf16>
    %dot_general3A_606 = arith.constant dense<0.000000e+00> : vector<256x512xf32>
    %dot_general3A_607 = tpu.matmul %convert_element_type3A_581, %convert_element_type3A_605, %dot_general3A_606 {dimension_numbers = #tpu.dot_dimension_numbers<[1], [0], [0], [1], [0, 0, 1, 1], [], []>, transpose_lhs_hint = false} : vector<256x256xbf16>, vector<256x512xbf16>, vector<256x512xf32> -> vector<256x512xf32>
    %convert_element_type3A_608 = arith.truncf %dot_general3A_607 : vector<256x512xf32> to vector<256x512xbf16>
    %slice3A_609 = vector.extract_strided_slice %convert_element_type3A_593 {offsets = [0, 0], sizes = [256, 1], strides = [1, 1]} : vector<256x4xbf16> to vector<256x1xbf16>
    %slice3A_610 = vector.extract_strided_slice %convert_element_type3A_601 {offsets = [1, 0], sizes = [1, 256], strides = [1, 1]} : vector<4x256xbf16> to vector<1x256xbf16>
    %add3A_611 = vector.broadcast %slice3A_609 : vector<256x1xbf16> to vector<256x256xbf16>
    %add3A_612 = vector.broadcast %slice3A_610 : vector<1x256xbf16> to vector<256x256xbf16>
    %add3A_613 = arith.addf %add3A_611, %add3A_612 : vector<256x256xbf16>
    %mul3A_614 = arith.constant 2.001950e-01 : bf16
    %mul3A_615 = vector.broadcast %mul3A_614 : bf16 to vector<256x256xbf16>
    %mul3A_616 = arith.mulf %mul3A_615, %add3A_613 : vector<256x256xbf16>
    %max3A_617 = arith.maximumf %add3A_613, %mul3A_616 : vector<256x256xbf16>
    %exp3A_618 = math.exp %max3A_617 : vector<256x256xbf16>
    %mul3A_619 = arith.mulf %exp3A_618, %convert_element_type3A_56 : vector<256x256xbf16>
    %convert_element_type3A_620 = arith.extf %mul3A_619 : vector<256x256xbf16> to vector<256x256xf32>
    %reduce_sum3A_621 = arith.constant dense<0.000000e+00> : vector<256xf32>
    %reduce_sum3A_622 = vector.multi_reduction <add>, %convert_element_type3A_620, %reduce_sum3A_621 [1] : vector<256x256xf32> to vector<256xf32>
    %broadcast_in_dim3A_623 = vector.shape_cast %reduce_sum3A_622 : vector<256xf32> to vector<256x1xf32>
    %div3A_624 = arith.constant 1.000000e+00 : f32
    %div3A_625 = vector.broadcast %div3A_624 : f32 to vector<256x1xf32>
    %div3A_626 = arith.divf %div3A_625, %broadcast_in_dim3A_623 : vector<256x1xf32>
    %convert_element_type3A_627 = arith.truncf %div3A_626 : vector<256x1xf32> to vector<256x1xbf16>
    %mul3A_628 = vector.broadcast %convert_element_type3A_627 : vector<256x1xbf16> to vector<256x256xbf16>
    %mul3A_629 = arith.mulf %mul3A_619, %mul3A_628 : vector<256x256xbf16>
    %slice3A_630 = vector.extract_strided_slice %convert_element_type3A_608 {offsets = [0, 0], sizes = [256, 256], strides = [1, 1]} : vector<256x512xbf16> to vector<256x256xbf16>
    %dot_general3A_631 = arith.constant dense<0.000000e+00> : vector<256x256xf32>
    %dot_general3A_632 = tpu.matmul %mul3A_629, %slice3A_630, %dot_general3A_631 {dimension_numbers = #tpu.dot_dimension_numbers<[1], [0], [0], [1], [0, 0, 1, 1], [], []>, transpose_lhs_hint = false} : vector<256x256xbf16>, vector<256x256xbf16>, vector<256x256xf32> -> vector<256x256xf32>
    %convert_element_type3A_633 = arith.truncf %dot_general3A_632 : vector<256x256xf32> to vector<256x256xbf16>
    %slice3A_634 = vector.extract_strided_slice %convert_element_type3A_593 {offsets = [0, 2], sizes = [256, 1], strides = [1, 1]} : vector<256x4xbf16> to vector<256x1xbf16>
    %slice3A_635 = vector.extract_strided_slice %convert_element_type3A_601 {offsets = [3, 0], sizes = [1, 256], strides = [1, 1]} : vector<4x256xbf16> to vector<1x256xbf16>
    %add3A_636 = vector.broadcast %slice3A_634 : vector<256x1xbf16> to vector<256x256xbf16>
    %add3A_637 = vector.broadcast %slice3A_635 : vector<1x256xbf16> to vector<256x256xbf16>
    %add3A_638 = arith.addf %add3A_636, %add3A_637 : vector<256x256xbf16>
    %mul3A_639 = arith.constant 2.001950e-01 : bf16
    %mul3A_640 = vector.broadcast %mul3A_639 : bf16 to vector<256x256xbf16>
    %mul3A_641 = arith.mulf %mul3A_640, %add3A_638 : vector<256x256xbf16>
    %max3A_642 = arith.maximumf %add3A_638, %mul3A_641 : vector<256x256xbf16>
    %exp3A_643 = math.exp %max3A_642 : vector<256x256xbf16>
    %mul3A_644 = arith.mulf %exp3A_643, %convert_element_type3A_56 : vector<256x256xbf16>
    %convert_element_type3A_645 = arith.extf %mul3A_644 : vector<256x256xbf16> to vector<256x256xf32>
    %reduce_sum3A_646 = arith.constant dense<0.000000e+00> : vector<256xf32>
    %reduce_sum3A_647 = vector.multi_reduction <add>, %convert_element_type3A_645, %reduce_sum3A_646 [1] : vector<256x256xf32> to vector<256xf32>
    %broadcast_in_dim3A_648 = vector.shape_cast %reduce_sum3A_647 : vector<256xf32> to vector<256x1xf32>
    %div3A_649 = arith.constant 1.000000e+00 : f32
    %div3A_650 = vector.broadcast %div3A_649 : f32 to vector<256x1xf32>
    %div3A_651 = arith.divf %div3A_650, %broadcast_in_dim3A_648 : vector<256x1xf32>
    %convert_element_type3A_652 = arith.truncf %div3A_651 : vector<256x1xf32> to vector<256x1xbf16>
    %mul3A_653 = vector.broadcast %convert_element_type3A_652 : vector<256x1xbf16> to vector<256x256xbf16>
    %mul3A_654 = arith.mulf %mul3A_644, %mul3A_653 : vector<256x256xbf16>
    %slice3A_655 = vector.extract_strided_slice %convert_element_type3A_608 {offsets = [0, 256], sizes = [256, 256], strides = [1, 1]} : vector<256x512xbf16> to vector<256x256xbf16>
    %dot_general3A_656 = arith.constant dense<0.000000e+00> : vector<256x256xf32>
    %dot_general3A_657 = tpu.matmul %mul3A_654, %slice3A_655, %dot_general3A_656 {dimension_numbers = #tpu.dot_dimension_numbers<[1], [0], [0], [1], [0, 0, 1, 1], [], []>, transpose_lhs_hint = false} : vector<256x256xbf16>, vector<256x256xbf16>, vector<256x256xf32> -> vector<256x256xf32>
    %convert_element_type3A_658 = arith.truncf %dot_general3A_657 : vector<256x256xf32> to vector<256x256xbf16>
    %concatenate3A_659 = tpu.concatenate %convert_element_type3A_633, %convert_element_type3A_658 in 1 : vector<256x256xbf16>, vector<256x256xbf16> -> vector<256x512xbf16>
    %get3A_660 = arith.constant 0 : index
    %get3A_661 = arith.constant 0 : index
    %get3A_662 = vector.load %arg7[%get3A_660, %get3A_661] : memref<512x4xf32, #tpu.memory_space<vmem>>, vector<512x4xf32>
    %convert_element_type3A_663 = arith.truncf %get3A_662 : vector<512x4xf32> to vector<512x4xbf16>
    %dot_general3A_664 = arith.constant dense<0.000000e+00> : vector<256x4xf32>
    %dot_general3A_665 = tpu.matmul %concatenate3A_659, %convert_element_type3A_663, %dot_general3A_664 {dimension_numbers = #tpu.dot_dimension_numbers<[1], [0], [0], [1], [0, 0, 1, 1], [], []>, transpose_lhs_hint = false} : vector<256x512xbf16>, vector<512x4xbf16>, vector<256x4xf32> -> vector<256x4xf32>
    %get3A_666 = arith.constant 0 : index
    %get3A_667 = arith.constant 0 : index
    %get3A_668 = vector.load %arg8[%get3A_666, %get3A_667] : memref<1x4xf32, #tpu.memory_space<vmem>>, vector<1x4xf32>
    %add3A_669 = vector.broadcast %get3A_668 : vector<1x4xf32> to vector<256x4xf32>
    %add3A_670 = arith.addf %dot_general3A_665, %add3A_669 : vector<256x4xf32>
    %convert_element_type3A_671 = arith.truncf %add3A_670 : vector<256x4xf32> to vector<256x4xbf16>
    %dot_general3A_672 = arith.constant dense<0.000000e+00> : vector<4x256xf32>
    %dot_general3A_673 = tpu.matmul %convert_element_type3A_663, %concatenate3A_659, %dot_general3A_672 {dimension_numbers = #tpu.dot_dimension_numbers<[0], [1], [1], [0], [0, 1, 1, 0], [], []>, transpose_lhs_hint = false} : vector<512x4xbf16>, vector<256x512xbf16>, vector<4x256xf32> -> vector<4x256xf32>
    %get3A_674 = arith.constant 0 : index
    %get3A_675 = arith.constant 0 : index
    %get3A_676 = vector.load %arg9[%get3A_674, %get3A_675] : memref<4x1xf32, #tpu.memory_space<vmem>>, vector<4x1xf32>
    %add3A_677 = vector.broadcast %get3A_676 : vector<4x1xf32> to vector<4x256xf32>
    %add3A_678 = arith.addf %dot_general3A_673, %add3A_677 : vector<4x256xf32>
    %convert_element_type3A_679 = arith.truncf %add3A_678 : vector<4x256xf32> to vector<4x256xbf16>
    %get3A_680 = arith.constant 0 : index
    %get3A_681 = arith.constant 0 : index
    %get3A_682 = vector.load %arg6[%get3A_680, %get3A_681] : memref<512x256xf32, #tpu.memory_space<vmem>>, vector<512x256xf32>
    %convert_element_type3A_683 = arith.truncf %get3A_682 : vector<512x256xf32> to vector<512x256xbf16>
    %dot_general3A_684 = arith.constant dense<0.000000e+00> : vector<256x256xf32>
    %dot_general3A_685 = tpu.matmul %concatenate3A_659, %convert_element_type3A_683, %dot_general3A_684 {dimension_numbers = #tpu.dot_dimension_numbers<[1], [0], [0], [1], [0, 0, 1, 1], [], []>, transpose_lhs_hint = false} : vector<256x512xbf16>, vector<512x256xbf16>, vector<256x256xf32> -> vector<256x256xf32>
    %get3A_686 = arith.constant 0 : index
    %get3A_687 = arith.constant 0 : index
    %get3A_688 = vector.load %arg10[%get3A_686, %get3A_687] : memref<1x256xf32, #tpu.memory_space<vmem>>, vector<1x256xf32>
    %add3A_689 = vector.broadcast %get3A_688 : vector<1x256xf32> to vector<256x256xf32>
    %add3A_690 = arith.addf %dot_general3A_685, %add3A_689 : vector<256x256xf32>
    %convert_element_type3A_691 = arith.truncf %add3A_690 : vector<256x256xf32> to vector<256x256xbf16>
    %broadcast_in_dim3A_692 = arith.constant 0.000000e+00 : f32
    %broadcast_in_dim3A_693 = vector.broadcast %broadcast_in_dim3A_692 : f32 to vector<256x128xf32>
    %slice3A_694 = vector.extract_strided_slice %convert_element_type3A_671 {offsets = [0, 0], sizes = [256, 1], strides = [1, 1]} : vector<256x4xbf16> to vector<256x1xbf16>
    %slice3A_695 = vector.extract_strided_slice %convert_element_type3A_679 {offsets = [1, 0], sizes = [1, 256], strides = [1, 1]} : vector<4x256xbf16> to vector<1x256xbf16>
    %add3A_696 = vector.broadcast %slice3A_694 : vector<256x1xbf16> to vector<256x256xbf16>
    %add3A_697 = vector.broadcast %slice3A_695 : vector<1x256xbf16> to vector<256x256xbf16>
    %add3A_698 = arith.addf %add3A_696, %add3A_697 : vector<256x256xbf16>
    %mul3A_699 = arith.constant 2.001950e-01 : bf16
    %mul3A_700 = vector.broadcast %mul3A_699 : bf16 to vector<256x256xbf16>
    %mul3A_701 = arith.mulf %mul3A_700, %add3A_698 : vector<256x256xbf16>
    %max3A_702 = arith.maximumf %add3A_698, %mul3A_701 : vector<256x256xbf16>
    %exp3A_703 = math.exp %max3A_702 : vector<256x256xbf16>
    %mul3A_704 = arith.mulf %exp3A_703, %convert_element_type3A_56 : vector<256x256xbf16>
    %convert_element_type3A_705 = arith.extf %mul3A_704 : vector<256x256xbf16> to vector<256x256xf32>
    %reduce_sum3A_706 = arith.constant dense<0.000000e+00> : vector<256xf32>
    %reduce_sum3A_707 = vector.multi_reduction <add>, %convert_element_type3A_705, %reduce_sum3A_706 [1] : vector<256x256xf32> to vector<256xf32>
    %broadcast_in_dim3A_708 = vector.shape_cast %reduce_sum3A_707 : vector<256xf32> to vector<256x1xf32>
    %div3A_709 = arith.constant 1.000000e+00 : f32
    %div3A_710 = vector.broadcast %div3A_709 : f32 to vector<256x1xf32>
    %div3A_711 = arith.divf %div3A_710, %broadcast_in_dim3A_708 : vector<256x1xf32>
    %slice3A_712 = vector.extract_strided_slice %convert_element_type3A_691 {offsets = [0, 0], sizes = [256, 128], strides = [1, 1]} : vector<256x256xbf16> to vector<256x128xbf16>
    %dot_general3A_713 = arith.constant dense<0.000000e+00> : vector<256x128xf32>
    %dot_general3A_714 = tpu.matmul %mul3A_704, %slice3A_712, %dot_general3A_713 {dimension_numbers = #tpu.dot_dimension_numbers<[1], [0], [0], [1], [0, 0, 1, 1], [], []>, transpose_lhs_hint = false} : vector<256x256xbf16>, vector<256x128xbf16>, vector<256x128xf32> -> vector<256x128xf32>
    %mul3A_715 = vector.broadcast %div3A_711 : vector<256x1xf32> to vector<256x128xf32>
    %mul3A_716 = arith.mulf %dot_general3A_714, %mul3A_715 : vector<256x128xf32>
    %add3A_717 = arith.addf %broadcast_in_dim3A_693, %mul3A_716 : vector<256x128xf32>
    %slice3A_718 = vector.extract_strided_slice %convert_element_type3A_671 {offsets = [0, 2], sizes = [256, 1], strides = [1, 1]} : vector<256x4xbf16> to vector<256x1xbf16>
    %slice3A_719 = vector.extract_strided_slice %convert_element_type3A_679 {offsets = [3, 0], sizes = [1, 256], strides = [1, 1]} : vector<4x256xbf16> to vector<1x256xbf16>
    %add3A_720 = vector.broadcast %slice3A_718 : vector<256x1xbf16> to vector<256x256xbf16>
    %add3A_721 = vector.broadcast %slice3A_719 : vector<1x256xbf16> to vector<256x256xbf16>
    %add3A_722 = arith.addf %add3A_720, %add3A_721 : vector<256x256xbf16>
    %mul3A_723 = arith.constant 2.001950e-01 : bf16
    %mul3A_724 = vector.broadcast %mul3A_723 : bf16 to vector<256x256xbf16>
    %mul3A_725 = arith.mulf %mul3A_724, %add3A_722 : vector<256x256xbf16>
    %max3A_726 = arith.maximumf %add3A_722, %mul3A_725 : vector<256x256xbf16>
    %exp3A_727 = math.exp %max3A_726 : vector<256x256xbf16>
    %mul3A_728 = arith.mulf %exp3A_727, %convert_element_type3A_56 : vector<256x256xbf16>
    %convert_element_type3A_729 = arith.extf %mul3A_728 : vector<256x256xbf16> to vector<256x256xf32>
    %reduce_sum3A_730 = arith.constant dense<0.000000e+00> : vector<256xf32>
    %reduce_sum3A_731 = vector.multi_reduction <add>, %convert_element_type3A_729, %reduce_sum3A_730 [1] : vector<256x256xf32> to vector<256xf32>
    %broadcast_in_dim3A_732 = vector.shape_cast %reduce_sum3A_731 : vector<256xf32> to vector<256x1xf32>
    %div3A_733 = arith.constant 1.000000e+00 : f32
    %div3A_734 = vector.broadcast %div3A_733 : f32 to vector<256x1xf32>
    %div3A_735 = arith.divf %div3A_734, %broadcast_in_dim3A_732 : vector<256x1xf32>
    %slice3A_736 = vector.extract_strided_slice %convert_element_type3A_691 {offsets = [0, 128], sizes = [256, 128], strides = [1, 1]} : vector<256x256xbf16> to vector<256x128xbf16>
    %dot_general3A_737 = arith.constant dense<0.000000e+00> : vector<256x128xf32>
    %dot_general3A_738 = tpu.matmul %mul3A_728, %slice3A_736, %dot_general3A_737 {dimension_numbers = #tpu.dot_dimension_numbers<[1], [0], [0], [1], [0, 0, 1, 1], [], []>, transpose_lhs_hint = false} : vector<256x256xbf16>, vector<256x128xbf16>, vector<256x128xf32> -> vector<256x128xf32>
    %mul3A_739 = vector.broadcast %div3A_735 : vector<256x1xf32> to vector<256x128xf32>
    %mul3A_740 = arith.mulf %dot_general3A_738, %mul3A_739 : vector<256x128xf32>
    %add3A_741 = arith.addf %add3A_717, %mul3A_740 : vector<256x128xf32>
    %reshape3A_742 = vector.shape_cast %add3A_741 : vector<256x128xf32> to vector<8x32x128xf32>
    %slice3A_743 = vector.extract_strided_slice %reshape3A_742 {offsets = [0, 0, 0], sizes = [8, 1, 128], strides = [1, 1, 1]} : vector<8x32x128xf32> to vector<8x1x128xf32>
    %squeeze3A_744 = vector.shape_cast %slice3A_743 : vector<8x1x128xf32> to vector<8x128xf32>
    %mul3A_745 = arith.constant 5.000000e-01 : f32
    %mul3A_746 = vector.broadcast %mul3A_745 : f32 to vector<8x128xf32>
    %mul3A_747 = arith.mulf %squeeze3A_744, %mul3A_746 : vector<8x128xf32>
    %get3A_748 = arith.constant 0 : index
    %get3A_749 = arith.constant 0 : index
    %get3A_750 = vector.load %arg11[%get3A_748, %get3A_749] : memref<1x128xf32, #tpu.memory_space<vmem>>, vector<1x128xf32>
    %add3A_751 = vector.broadcast %get3A_750 : vector<1x128xf32> to vector<8x128xf32>
    %add3A_752 = arith.addf %mul3A_747, %add3A_751 : vector<8x128xf32>
    %swap3A_753 = arith.constant 24 : index
    %swap3A_754 = arith.constant 0 : index
    %swap3A_755 = vector.load %arg12[%swap3A_753, %swap3A_754] : memref<128x128xf32, #tpu.memory_space<vmem>>, vector<8x128xf32>
    tpu.vector_store %arg12[%swap3A_753, %swap3A_754], %add3A_752 {strides = array<i32>} : memref<128x128xf32, #tpu.memory_space<vmem>>, vector<8x128xf32>,
    %get3A_756 = arith.constant 1024 : index
    %get3A_757 = arith.constant 0 : index
    %get3A_758 = vector.load %arg1[%get3A_756, %get3A_757] : memref<4096x256xf32, #tpu.memory_space<vmem>>, vector<256x256xf32>
    %convert_element_type3A_759 = arith.truncf %get3A_758 : vector<256x256xf32> to vector<256x256xbf16>
    %get3A_760 = arith.constant 0 : index
    %get3A_761 = arith.constant 0 : index
    %get3A_762 = vector.load %arg3[%get3A_760, %get3A_761] : memref<256x4xf32, #tpu.memory_space<vmem>>, vector<256x4xf32>
    %convert_element_type3A_763 = arith.truncf %get3A_762 : vector<256x4xf32> to vector<256x4xbf16>
    %dot_general3A_764 = arith.constant dense<0.000000e+00> : vector<256x4xf32>
    %dot_general3A_765 = tpu.matmul %convert_element_type3A_759, %convert_element_type3A_763, %dot_general3A_764 {dimension_numbers = #tpu.dot_dimension_numbers<[1], [0], [0], [1], [0, 0, 1, 1], [], []>, transpose_lhs_hint = false} : vector<256x256xbf16>, vector<256x4xbf16>, vector<256x4xf32> -> vector<256x4xf32>
    %get3A_766 = arith.constant 0 : index
    %get3A_767 = arith.constant 0 : index
    %get3A_768 = vector.load %arg4[%get3A_766, %get3A_767] : memref<1x4xf32, #tpu.memory_space<vmem>>, vector<1x4xf32>
    %add3A_769 = vector.broadcast %get3A_768 : vector<1x4xf32> to vector<256x4xf32>
    %add3A_770 = arith.addf %dot_general3A_765, %add3A_769 : vector<256x4xf32>
    %convert_element_type3A_771 = arith.truncf %add3A_770 : vector<256x4xf32> to vector<256x4xbf16>
    %dot_general3A_772 = arith.constant dense<0.000000e+00> : vector<4x256xf32>
    %dot_general3A_773 = tpu.matmul %convert_element_type3A_763, %convert_element_type3A_759, %dot_general3A_772 {dimension_numbers = #tpu.dot_dimension_numbers<[0], [1], [1], [0], [0, 1, 1, 0], [], []>, transpose_lhs_hint = false} : vector<256x4xbf16>, vector<256x256xbf16>, vector<4x256xf32> -> vector<4x256xf32>
    %get3A_774 = arith.constant 0 : index
    %get3A_775 = arith.constant 0 : index
    %get3A_776 = vector.load %arg5[%get3A_774, %get3A_775] : memref<4x1xf32, #tpu.memory_space<vmem>>, vector<4x1xf32>
    %add3A_777 = vector.broadcast %get3A_776 : vector<4x1xf32> to vector<4x256xf32>
    %add3A_778 = arith.addf %dot_general3A_773, %add3A_777 : vector<4x256xf32>
    %convert_element_type3A_779 = arith.truncf %add3A_778 : vector<4x256xf32> to vector<4x256xbf16>
    %get3A_780 = arith.constant 0 : index
    %get3A_781 = arith.constant 0 : index
    %get3A_782 = vector.load %arg2[%get3A_780, %get3A_781] : memref<256x512xf32, #tpu.memory_space<vmem>>, vector<256x512xf32>
    %convert_element_type3A_783 = arith.truncf %get3A_782 : vector<256x512xf32> to vector<256x512xbf16>
    %dot_general3A_784 = arith.constant dense<0.000000e+00> : vector<256x512xf32>
    %dot_general3A_785 = tpu.matmul %convert_element_type3A_759, %convert_element_type3A_783, %dot_general3A_784 {dimension_numbers = #tpu.dot_dimension_numbers<[1], [0], [0], [1], [0, 0, 1, 1], [], []>, transpose_lhs_hint = false} : vector<256x256xbf16>, vector<256x512xbf16>, vector<256x512xf32> -> vector<256x512xf32>
    %convert_element_type3A_786 = arith.truncf %dot_general3A_785 : vector<256x512xf32> to vector<256x512xbf16>
    %slice3A_787 = vector.extract_strided_slice %convert_element_type3A_771 {offsets = [0, 0], sizes = [256, 1], strides = [1, 1]} : vector<256x4xbf16> to vector<256x1xbf16>
    %slice3A_788 = vector.extract_strided_slice %convert_element_type3A_779 {offsets = [1, 0], sizes = [1, 256], strides = [1, 1]} : vector<4x256xbf16> to vector<1x256xbf16>
    %add3A_789 = vector.broadcast %slice3A_787 : vector<256x1xbf16> to vector<256x256xbf16>
    %add3A_790 = vector.broadcast %slice3A_788 : vector<1x256xbf16> to vector<256x256xbf16>
    %add3A_791 = arith.addf %add3A_789, %add3A_790 : vector<256x256xbf16>
    %mul3A_792 = arith.constant 2.001950e-01 : bf16
    %mul3A_793 = vector.broadcast %mul3A_792 : bf16 to vector<256x256xbf16>
    %mul3A_794 = arith.mulf %mul3A_793, %add3A_791 : vector<256x256xbf16>
    %max3A_795 = arith.maximumf %add3A_791, %mul3A_794 : vector<256x256xbf16>
    %exp3A_796 = math.exp %max3A_795 : vector<256x256xbf16>
    %mul3A_797 = arith.mulf %exp3A_796, %convert_element_type3A_56 : vector<256x256xbf16>
    %convert_element_type3A_798 = arith.extf %mul3A_797 : vector<256x256xbf16> to vector<256x256xf32>
    %reduce_sum3A_799 = arith.constant dense<0.000000e+00> : vector<256xf32>
    %reduce_sum3A_800 = vector.multi_reduction <add>, %convert_element_type3A_798, %reduce_sum3A_799 [1] : vector<256x256xf32> to vector<256xf32>
    %broadcast_in_dim3A_801 = vector.shape_cast %reduce_sum3A_800 : vector<256xf32> to vector<256x1xf32>
    %div3A_802 = arith.constant 1.000000e+00 : f32
    %div3A_803 = vector.broadcast %div3A_802 : f32 to vector<256x1xf32>
    %div3A_804 = arith.divf %div3A_803, %broadcast_in_dim3A_801 : vector<256x1xf32>
    %convert_element_type3A_805 = arith.truncf %div3A_804 : vector<256x1xf32> to vector<256x1xbf16>
    %mul3A_806 = vector.broadcast %convert_element_type3A_805 : vector<256x1xbf16> to vector<256x256xbf16>
    %mul3A_807 = arith.mulf %mul3A_797, %mul3A_806 : vector<256x256xbf16>
    %slice3A_808 = vector.extract_strided_slice %convert_element_type3A_786 {offsets = [0, 0], sizes = [256, 256], strides = [1, 1]} : vector<256x512xbf16> to vector<256x256xbf16>
    %dot_general3A_809 = arith.constant dense<0.000000e+00> : vector<256x256xf32>
    %dot_general3A_810 = tpu.matmul %mul3A_807, %slice3A_808, %dot_general3A_809 {dimension_numbers = #tpu.dot_dimension_numbers<[1], [0], [0], [1], [0, 0, 1, 1], [], []>, transpose_lhs_hint = false} : vector<256x256xbf16>, vector<256x256xbf16>, vector<256x256xf32> -> vector<256x256xf32>
    %convert_element_type3A_811 = arith.truncf %dot_general3A_810 : vector<256x256xf32> to vector<256x256xbf16>
    %slice3A_812 = vector.extract_strided_slice %convert_element_type3A_771 {offsets = [0, 2], sizes = [256, 1], strides = [1, 1]} : vector<256x4xbf16> to vector<256x1xbf16>
    %slice3A_813 = vector.extract_strided_slice %convert_element_type3A_779 {offsets = [3, 0], sizes = [1, 256], strides = [1, 1]} : vector<4x256xbf16> to vector<1x256xbf16>
    %add3A_814 = vector.broadcast %slice3A_812 : vector<256x1xbf16> to vector<256x256xbf16>
    %add3A_815 = vector.broadcast %slice3A_813 : vector<1x256xbf16> to vector<256x256xbf16>
    %add3A_816 = arith.addf %add3A_814, %add3A_815 : vector<256x256xbf16>
    %mul3A_817 = arith.constant 2.001950e-01 : bf16
    %mul3A_818 = vector.broadcast %mul3A_817 : bf16 to vector<256x256xbf16>
    %mul3A_819 = arith.mulf %mul3A_818, %add3A_816 : vector<256x256xbf16>
    %max3A_820 = arith.maximumf %add3A_816, %mul3A_819 : vector<256x256xbf16>
    %exp3A_821 = math.exp %max3A_820 : vector<256x256xbf16>
    %mul3A_822 = arith.mulf %exp3A_821, %convert_element_type3A_56 : vector<256x256xbf16>
    %convert_element_type3A_823 = arith.extf %mul3A_822 : vector<256x256xbf16> to vector<256x256xf32>
    %reduce_sum3A_824 = arith.constant dense<0.000000e+00> : vector<256xf32>
    %reduce_sum3A_825 = vector.multi_reduction <add>, %convert_element_type3A_823, %reduce_sum3A_824 [1] : vector<256x256xf32> to vector<256xf32>
    %broadcast_in_dim3A_826 = vector.shape_cast %reduce_sum3A_825 : vector<256xf32> to vector<256x1xf32>
    %div3A_827 = arith.constant 1.000000e+00 : f32
    %div3A_828 = vector.broadcast %div3A_827 : f32 to vector<256x1xf32>
    %div3A_829 = arith.divf %div3A_828, %broadcast_in_dim3A_826 : vector<256x1xf32>
    %convert_element_type3A_830 = arith.truncf %div3A_829 : vector<256x1xf32> to vector<256x1xbf16>
    %mul3A_831 = vector.broadcast %convert_element_type3A_830 : vector<256x1xbf16> to vector<256x256xbf16>
    %mul3A_832 = arith.mulf %mul3A_822, %mul3A_831 : vector<256x256xbf16>
    %slice3A_833 = vector.extract_strided_slice %convert_element_type3A_786 {offsets = [0, 256], sizes = [256, 256], strides = [1, 1]} : vector<256x512xbf16> to vector<256x256xbf16>
    %dot_general3A_834 = arith.constant dense<0.000000e+00> : vector<256x256xf32>
    %dot_general3A_835 = tpu.matmul %mul3A_832, %slice3A_833, %dot_general3A_834 {dimension_numbers = #tpu.dot_dimension_numbers<[1], [0], [0], [1], [0, 0, 1, 1], [], []>, transpose_lhs_hint = false} : vector<256x256xbf16>, vector<256x256xbf16>, vector<256x256xf32> -> vector<256x256xf32>
    %convert_element_type3A_836 = arith.truncf %dot_general3A_835 : vector<256x256xf32> to vector<256x256xbf16>
    %concatenate3A_837 = tpu.concatenate %convert_element_type3A_811, %convert_element_type3A_836 in 1 : vector<256x256xbf16>, vector<256x256xbf16> -> vector<256x512xbf16>
    %get3A_838 = arith.constant 0 : index
    %get3A_839 = arith.constant 0 : index
    %get3A_840 = vector.load %arg7[%get3A_838, %get3A_839] : memref<512x4xf32, #tpu.memory_space<vmem>>, vector<512x4xf32>
    %convert_element_type3A_841 = arith.truncf %get3A_840 : vector<512x4xf32> to vector<512x4xbf16>
    %dot_general3A_842 = arith.constant dense<0.000000e+00> : vector<256x4xf32>
    %dot_general3A_843 = tpu.matmul %concatenate3A_837, %convert_element_type3A_841, %dot_general3A_842 {dimension_numbers = #tpu.dot_dimension_numbers<[1], [0], [0], [1], [0, 0, 1, 1], [], []>, transpose_lhs_hint = false} : vector<256x512xbf16>, vector<512x4xbf16>, vector<256x4xf32> -> vector<256x4xf32>
    %get3A_844 = arith.constant 0 : index
    %get3A_845 = arith.constant 0 : index
    %get3A_846 = vector.load %arg8[%get3A_844, %get3A_845] : memref<1x4xf32, #tpu.memory_space<vmem>>, vector<1x4xf32>
    %add3A_847 = vector.broadcast %get3A_846 : vector<1x4xf32> to vector<256x4xf32>
    %add3A_848 = arith.addf %dot_general3A_843, %add3A_847 : vector<256x4xf32>
    %convert_element_type3A_849 = arith.truncf %add3A_848 : vector<256x4xf32> to vector<256x4xbf16>
    %dot_general3A_850 = arith.constant dense<0.000000e+00> : vector<4x256xf32>
    %dot_general3A_851 = tpu.matmul %convert_element_type3A_841, %concatenate3A_837, %dot_general3A_850 {dimension_numbers = #tpu.dot_dimension_numbers<[0], [1], [1], [0], [0, 1, 1, 0], [], []>, transpose_lhs_hint = false} : vector<512x4xbf16>, vector<256x512xbf16>, vector<4x256xf32> -> vector<4x256xf32>
    %get3A_852 = arith.constant 0 : index
    %get3A_853 = arith.constant 0 : index
    %get3A_854 = vector.load %arg9[%get3A_852, %get3A_853] : memref<4x1xf32, #tpu.memory_space<vmem>>, vector<4x1xf32>
    %add3A_855 = vector.broadcast %get3A_854 : vector<4x1xf32> to vector<4x256xf32>
    %add3A_856 = arith.addf %dot_general3A_851, %add3A_855 : vector<4x256xf32>
    %convert_element_type3A_857 = arith.truncf %add3A_856 : vector<4x256xf32> to vector<4x256xbf16>
    %get3A_858 = arith.constant 0 : index
    %get3A_859 = arith.constant 0 : index
    %get3A_860 = vector.load %arg6[%get3A_858, %get3A_859] : memref<512x256xf32, #tpu.memory_space<vmem>>, vector<512x256xf32>
    %convert_element_type3A_861 = arith.truncf %get3A_860 : vector<512x256xf32> to vector<512x256xbf16>
    %dot_general3A_862 = arith.constant dense<0.000000e+00> : vector<256x256xf32>
    %dot_general3A_863 = tpu.matmul %concatenate3A_837, %convert_element_type3A_861, %dot_general3A_862 {dimension_numbers = #tpu.dot_dimension_numbers<[1], [0], [0], [1], [0, 0, 1, 1], [], []>, transpose_lhs_hint = false} : vector<256x512xbf16>, vector<512x256xbf16>, vector<256x256xf32> -> vector<256x256xf32>
    %get3A_864 = arith.constant 0 : index
    %get3A_865 = arith.constant 0 : index
    %get3A_866 = vector.load %arg10[%get3A_864, %get3A_865] : memref<1x256xf32, #tpu.memory_space<vmem>>, vector<1x256xf32>
    %add3A_867 = vector.broadcast %get3A_866 : vector<1x256xf32> to vector<256x256xf32>
    %add3A_868 = arith.addf %dot_general3A_863, %add3A_867 : vector<256x256xf32>
    %convert_element_type3A_869 = arith.truncf %add3A_868 : vector<256x256xf32> to vector<256x256xbf16>
    %broadcast_in_dim3A_870 = arith.constant 0.000000e+00 : f32
    %broadcast_in_dim3A_871 = vector.broadcast %broadcast_in_dim3A_870 : f32 to vector<256x128xf32>
    %slice3A_872 = vector.extract_strided_slice %convert_element_type3A_849 {offsets = [0, 0], sizes = [256, 1], strides = [1, 1]} : vector<256x4xbf16> to vector<256x1xbf16>
    %slice3A_873 = vector.extract_strided_slice %convert_element_type3A_857 {offsets = [1, 0], sizes = [1, 256], strides = [1, 1]} : vector<4x256xbf16> to vector<1x256xbf16>
    %add3A_874 = vector.broadcast %slice3A_872 : vector<256x1xbf16> to vector<256x256xbf16>
    %add3A_875 = vector.broadcast %slice3A_873 : vector<1x256xbf16> to vector<256x256xbf16>
    %add3A_876 = arith.addf %add3A_874, %add3A_875 : vector<256x256xbf16>
    %mul3A_877 = arith.constant 2.001950e-01 : bf16
    %mul3A_878 = vector.broadcast %mul3A_877 : bf16 to vector<256x256xbf16>
    %mul3A_879 = arith.mulf %mul3A_878, %add3A_876 : vector<256x256xbf16>
    %max3A_880 = arith.maximumf %add3A_876, %mul3A_879 : vector<256x256xbf16>
    %exp3A_881 = math.exp %max3A_880 : vector<256x256xbf16>
    %mul3A_882 = arith.mulf %exp3A_881, %convert_element_type3A_56 : vector<256x256xbf16>
    %convert_element_type3A_883 = arith.extf %mul3A_882 : vector<256x256xbf16> to vector<256x256xf32>
    %reduce_sum3A_884 = arith.constant dense<0.000000e+00> : vector<256xf32>
    %reduce_sum3A_885 = vector.multi_reduction <add>, %convert_element_type3A_883, %reduce_sum3A_884 [1] : vector<256x256xf32> to vector<256xf32>
    %broadcast_in_dim3A_886 = vector.shape_cast %reduce_sum3A_885 : vector<256xf32> to vector<256x1xf32>
    %div3A_887 = arith.constant 1.000000e+00 : f32
    %div3A_888 = vector.broadcast %div3A_887 : f32 to vector<256x1xf32>
    %div3A_889 = arith.divf %div3A_888, %broadcast_in_dim3A_886 : vector<256x1xf32>
    %slice3A_890 = vector.extract_strided_slice %convert_element_type3A_869 {offsets = [0, 0], sizes = [256, 128], strides = [1, 1]} : vector<256x256xbf16> to vector<256x128xbf16>
    %dot_general3A_891 = arith.constant dense<0.000000e+00> : vector<256x128xf32>
    %dot_general3A_892 = tpu.matmul %mul3A_882, %slice3A_890, %dot_general3A_891 {dimension_numbers = #tpu.dot_dimension_numbers<[1], [0], [0], [1], [0, 0, 1, 1], [], []>, transpose_lhs_hint = false} : vector<256x256xbf16>, vector<256x128xbf16>, vector<256x128xf32> -> vector<256x128xf32>
    %mul3A_893 = vector.broadcast %div3A_889 : vector<256x1xf32> to vector<256x128xf32>
    %mul3A_894 = arith.mulf %dot_general3A_892, %mul3A_893 : vector<256x128xf32>
    %add3A_895 = arith.addf %broadcast_in_dim3A_871, %mul3A_894 : vector<256x128xf32>
    %slice3A_896 = vector.extract_strided_slice %convert_element_type3A_849 {offsets = [0, 2], sizes = [256, 1], strides = [1, 1]} : vector<256x4xbf16> to vector<256x1xbf16>
    %slice3A_897 = vector.extract_strided_slice %convert_element_type3A_857 {offsets = [3, 0], sizes = [1, 256], strides = [1, 1]} : vector<4x256xbf16> to vector<1x256xbf16>
    %add3A_898 = vector.broadcast %slice3A_896 : vector<256x1xbf16> to vector<256x256xbf16>
    %add3A_899 = vector.broadcast %slice3A_897 : vector<1x256xbf16> to vector<256x256xbf16>
    %add3A_900 = arith.addf %add3A_898, %add3A_899 : vector<256x256xbf16>
    %mul3A_901 = arith.constant 2.001950e-01 : bf16
    %mul3A_902 = vector.broadcast %mul3A_901 : bf16 to vector<256x256xbf16>
    %mul3A_903 = arith.mulf %mul3A_902, %add3A_900 : vector<256x256xbf16>
    %max3A_904 = arith.maximumf %add3A_900, %mul3A_903 : vector<256x256xbf16>
    %exp3A_905 = math.exp %max3A_904 : vector<256x256xbf16>
    %mul3A_906 = arith.mulf %exp3A_905, %convert_element_type3A_56 : vector<256x256xbf16>
    %convert_element_type3A_907 = arith.extf %mul3A_906 : vector<256x256xbf16> to vector<256x256xf32>
    %reduce_sum3A_908 = arith.constant dense<0.000000e+00> : vector<256xf32>
    %reduce_sum3A_909 = vector.multi_reduction <add>, %convert_element_type3A_907, %reduce_sum3A_908 [1] : vector<256x256xf32> to vector<256xf32>
    %broadcast_in_dim3A_910 = vector.shape_cast %reduce_sum3A_909 : vector<256xf32> to vector<256x1xf32>
    %div3A_911 = arith.constant 1.000000e+00 : f32
    %div3A_912 = vector.broadcast %div3A_911 : f32 to vector<256x1xf32>
    %div3A_913 = arith.divf %div3A_912, %broadcast_in_dim3A_910 : vector<256x1xf32>
    %slice3A_914 = vector.extract_strided_slice %convert_element_type3A_869 {offsets = [0, 128], sizes = [256, 128], strides = [1, 1]} : vector<256x256xbf16> to vector<256x128xbf16>
    %dot_general3A_915 = arith.constant dense<0.000000e+00> : vector<256x128xf32>
    %dot_general3A_916 = tpu.matmul %mul3A_906, %slice3A_914, %dot_general3A_915 {dimension_numbers = #tpu.dot_dimension_numbers<[1], [0], [0], [1], [0, 0, 1, 1], [], []>, transpose_lhs_hint = false} : vector<256x256xbf16>, vector<256x128xbf16>, vector<256x128xf32> -> vector<256x128xf32>
    %mul3A_917 = vector.broadcast %div3A_913 : vector<256x1xf32> to vector<256x128xf32>
    %mul3A_918 = arith.mulf %dot_general3A_916, %mul3A_917 : vector<256x128xf32>
    %add3A_919 = arith.addf %add3A_895, %mul3A_918 : vector<256x128xf32>
    %reshape3A_920 = vector.shape_cast %add3A_919 : vector<256x128xf32> to vector<8x32x128xf32>
    %slice3A_921 = vector.extract_strided_slice %reshape3A_920 {offsets = [0, 0, 0], sizes = [8, 1, 128], strides = [1, 1, 1]} : vector<8x32x128xf32> to vector<8x1x128xf32>
    %squeeze3A_922 = vector.shape_cast %slice3A_921 : vector<8x1x128xf32> to vector<8x128xf32>
    %mul3A_923 = arith.constant 5.000000e-01 : f32
    %mul3A_924 = vector.broadcast %mul3A_923 : f32 to vector<8x128xf32>
    %mul3A_925 = arith.mulf %squeeze3A_922, %mul3A_924 : vector<8x128xf32>
    %get3A_926 = arith.constant 0 : index
    %get3A_927 = arith.constant 0 : index
    %get3A_928 = vector.load %arg11[%get3A_926, %get3A_927] : memref<1x128xf32, #tpu.memory_space<vmem>>, vector<1x128xf32>
    %add3A_929 = vector.broadcast %get3A_928 : vector<1x128xf32> to vector<8x128xf32>
    %add3A_930 = arith.addf %mul3A_925, %add3A_929 : vector<8x128xf32>
    %swap3A_931 = arith.constant 32 : index
    %swap3A_932 = arith.constant 0 : index
    %swap3A_933 = vector.load %arg12[%swap3A_931, %swap3A_932] : memref<128x128xf32, #tpu.memory_space<vmem>>, vector<8x128xf32>
    tpu.vector_store %arg12[%swap3A_931, %swap3A_932], %add3A_930 {strides = array<i32>} : memref<128x128xf32, #tpu.memory_space<vmem>>, vector<8x128xf32>,
    %get3A_934 = arith.constant 1280 : index
    %get3A_935 = arith.constant 0 : index
    %get3A_936 = vector.load %arg1[%get3A_934, %get3A_935] : memref<4096x256xf32, #tpu.memory_space<vmem>>, vector<256x256xf32>
    %convert_element_type3A_937 = arith.truncf %get3A_936 : vector<256x256xf32> to vector<256x256xbf16>
    %get3A_938 = arith.constant 0 : index
    %get3A_939 = arith.constant 0 : index
    %get3A_940 = vector.load %arg3[%get3A_938, %get3A_939] : memref<256x4xf32, #tpu.memory_space<vmem>>, vector<256x4xf32>
    %convert_element_type3A_941 = arith.truncf %get3A_940 : vector<256x4xf32> to vector<256x4xbf16>
    %dot_general3A_942 = arith.constant dense<0.000000e+00> : vector<256x4xf32>
    %dot_general3A_943 = tpu.matmul %convert_element_type3A_937, %convert_element_type3A_941, %dot_general3A_942 {dimension_numbers = #tpu.dot_dimension_numbers<[1], [0], [0], [1], [0, 0, 1, 1], [], []>, transpose_lhs_hint = false} : vector<256x256xbf16>, vector<256x4xbf16>, vector<256x4xf32> -> vector<256x4xf32>
    %get3A_944 = arith.constant 0 : index
    %get3A_945 = arith.constant 0 : index
    %get3A_946 = vector.load %arg4[%get3A_944, %get3A_945] : memref<1x4xf32, #tpu.memory_space<vmem>>, vector<1x4xf32>
    %add3A_947 = vector.broadcast %get3A_946 : vector<1x4xf32> to vector<256x4xf32>
    %add3A_948 = arith.addf %dot_general3A_943, %add3A_947 : vector<256x4xf32>
    %convert_element_type3A_949 = arith.truncf %add3A_948 : vector<256x4xf32> to vector<256x4xbf16>
    %dot_general3A_950 = arith.constant dense<0.000000e+00> : vector<4x256xf32>
    %dot_general3A_951 = tpu.matmul %convert_element_type3A_941, %convert_element_type3A_937, %dot_general3A_950 {dimension_numbers = #tpu.dot_dimension_numbers<[0], [1], [1], [0], [0, 1, 1, 0], [], []>, transpose_lhs_hint = false} : vector<256x4xbf16>, vector<256x256xbf16>, vector<4x256xf32> -> vector<4x256xf32>
    %get3A_952 = arith.constant 0 : index
    %get3A_953 = arith.constant 0 : index
    %get3A_954 = vector.load %arg5[%get3A_952, %get3A_953] : memref<4x1xf32, #tpu.memory_space<vmem>>, vector<4x1xf32>
    %add3A_955 = vector.broadcast %get3A_954 : vector<4x1xf32> to vector<4x256xf32>
    %add3A_956 = arith.addf %dot_general3A_951, %add3A_955 : vector<4x256xf32>
    %convert_element_type3A_957 = arith.truncf %add3A_956 : vector<4x256xf32> to vector<4x256xbf16>
    %get3A_958 = arith.constant 0 : index
    %get3A_959 = arith.constant 0 : index
    %get3A_960 = vector.load %arg2[%get3A_958, %get3A_959] : memref<256x512xf32, #tpu.memory_space<vmem>>, vector<256x512xf32>
    %convert_element_type3A_961 = arith.truncf %get3A_960 : vector<256x512xf32> to vector<256x512xbf16>
    %dot_general3A_962 = arith.constant dense<0.000000e+00> : vector<256x512xf32>
    %dot_general3A_963 = tpu.matmul %convert_element_type3A_937, %convert_element_type3A_961, %dot_general3A_962 {dimension_numbers = #tpu.dot_dimension_numbers<[1], [0], [0], [1], [0, 0, 1, 1], [], []>, transpose_lhs_hint = false} : vector<256x256xbf16>, vector<256x512xbf16>, vector<256x512xf32> -> vector<256x512xf32>
    %convert_element_type3A_964 = arith.truncf %dot_general3A_963 : vector<256x512xf32> to vector<256x512xbf16>
    %slice3A_965 = vector.extract_strided_slice %convert_element_type3A_949 {offsets = [0, 0], sizes = [256, 1], strides = [1, 1]} : vector<256x4xbf16> to vector<256x1xbf16>
    %slice3A_966 = vector.extract_strided_slice %convert_element_type3A_957 {offsets = [1, 0], sizes = [1, 256], strides = [1, 1]} : vector<4x256xbf16> to vector<1x256xbf16>
    %add3A_967 = vector.broadcast %slice3A_965 : vector<256x1xbf16> to vector<256x256xbf16>
    %add3A_968 = vector.broadcast %slice3A_966 : vector<1x256xbf16> to vector<256x256xbf16>
    %add3A_969 = arith.addf %add3A_967, %add3A_968 : vector<256x256xbf16>
    %mul3A_970 = arith.constant 2.001950e-01 : bf16
    %mul3A_971 = vector.broadcast %mul3A_970 : bf16 to vector<256x256xbf16>
    %mul3A_972 = arith.mulf %mul3A_971, %add3A_969 : vector<256x256xbf16>
    %max3A_973 = arith.maximumf %add3A_969, %mul3A_972 : vector<256x256xbf16>
    %exp3A_974 = math.exp %max3A_973 : vector<256x256xbf16>
    %mul3A_975 = arith.mulf %exp3A_974, %convert_element_type3A_56 : vector<256x256xbf16>
    %convert_element_type3A_976 = arith.extf %mul3A_975 : vector<256x256xbf16> to vector<256x256xf32>
    %reduce_sum3A_977 = arith.constant dense<0.000000e+00> : vector<256xf32>
    %reduce_sum3A_978 = vector.multi_reduction <add>, %convert_element_type3A_976, %reduce_sum3A_977 [1] : vector<256x256xf32> to vector<256xf32>
    %broadcast_in_dim3A_979 = vector.shape_cast %reduce_sum3A_978 : vector<256xf32> to vector<256x1xf32>
    %div3A_980 = arith.constant 1.000000e+00 : f32
    %div3A_981 = vector.broadcast %div3A_980 : f32 to vector<256x1xf32>
    %div3A_982 = arith.divf %div3A_981, %broadcast_in_dim3A_979 : vector<256x1xf32>
    %convert_element_type3A_983 = arith.truncf %div3A_982 : vector<256x1xf32> to vector<256x1xbf16>
    %mul3A_984 = vector.broadcast %convert_element_type3A_983 : vector<256x1xbf16> to vector<256x256xbf16>
    %mul3A_985 = arith.mulf %mul3A_975, %mul3A_984 : vector<256x256xbf16>
    %slice3A_986 = vector.extract_strided_slice %convert_element_type3A_964 {offsets = [0, 0], sizes = [256, 256], strides = [1, 1]} : vector<256x512xbf16> to vector<256x256xbf16>
    %dot_general3A_987 = arith.constant dense<0.000000e+00> : vector<256x256xf32>
    %dot_general3A_988 = tpu.matmul %mul3A_985, %slice3A_986, %dot_general3A_987 {dimension_numbers = #tpu.dot_dimension_numbers<[1], [0], [0], [1], [0, 0, 1, 1], [], []>, transpose_lhs_hint = false} : vector<256x256xbf16>, vector<256x256xbf16>, vector<256x256xf32> -> vector<256x256xf32>
    %convert_element_type3A_989 = arith.truncf %dot_general3A_988 : vector<256x256xf32> to vector<256x256xbf16>
    %slice3A_990 = vector.extract_strided_slice %convert_element_type3A_949 {offsets = [0, 2], sizes = [256, 1], strides = [1, 1]} : vector<256x4xbf16> to vector<256x1xbf16>
    %slice3A_991 = vector.extract_strided_slice %convert_element_type3A_957 {offsets = [3, 0], sizes = [1, 256], strides = [1, 1]} : vector<4x256xbf16> to vector<1x256xbf16>
    %add3A_992 = vector.broadcast %slice3A_990 : vector<256x1xbf16> to vector<256x256xbf16>
    %add3A_993 = vector.broadcast %slice3A_991 : vector<1x256xbf16> to vector<256x256xbf16>
    %add3A_994 = arith.addf %add3A_992, %add3A_993 : vector<256x256xbf16>
    %mul3A_995 = arith.constant 2.001950e-01 : bf16
    %mul3A_996 = vector.broadcast %mul3A_995 : bf16 to vector<256x256xbf16>
    %mul3A_997 = arith.mulf %mul3A_996, %add3A_994 : vector<256x256xbf16>
    %max3A_998 = arith.maximumf %add3A_994, %mul3A_997 : vector<256x256xbf16>
    %exp3A_999 = math.exp %max3A_998 : vector<256x256xbf16>
    %mul3A_1000 = arith.mulf %exp3A_999, %convert_element_type3A_56 : vector<256x256xbf16>
    %convert_element_type3A_1001 = arith.extf %mul3A_1000 : vector<256x256xbf16> to vector<256x256xf32>
    %reduce_sum3A_1002 = arith.constant dense<0.000000e+00> : vector<256xf32>
    %reduce_sum3A_1003 = vector.multi_reduction <add>, %convert_element_type3A_1001, %reduce_sum3A_1002 [1] : vector<256x256xf32> to vector<256xf32>
    %broadcast_in_dim3A_1004 = vector.shape_cast %reduce_sum3A_1003 : vector<256xf32> to vector<256x1xf32>
    %div3A_1005 = arith.constant 1.000000e+00 : f32
    %div3A_1006 = vector.broadcast %div3A_1005 : f32 to vector<256x1xf32>
    %div3A_1007 = arith.divf %div3A_1006, %broadcast_in_dim3A_1004 : vector<256x1xf32>
    %convert_element_type3A_1008 = arith.truncf %div3A_1007 : vector<256x1xf32> to vector<256x1xbf16>
    %mul3A_1009 = vector.broadcast %convert_element_type3A_1008 : vector<256x1xbf16> to vector<256x256xbf16>
    %mul3A_1010 = arith.mulf %mul3A_1000, %mul3A_1009 : vector<256x256xbf16>
    %slice3A_1011 = vector.extract_strided_slice %convert_element_type3A_964 {offsets = [0, 256], sizes = [256, 256], strides = [1, 1]} : vector<256x512xbf16> to vector<256x256xbf16>
    %dot_general3A_1012 = arith.constant dense<0.000000e+00> : vector<256x256xf32>
    %dot_general3A_1013 = tpu.matmul %mul3A_1010, %slice3A_1011, %dot_general3A_1012 {dimension_numbers = #tpu.dot_dimension_numbers<[1], [0], [0], [1], [0, 0, 1, 1], [], []>, transpose_lhs_hint = false} : vector<256x256xbf16>, vector<256x256xbf16>, vector<256x256xf32> -> vector<256x256xf32>
    %convert_element_type3A_1014 = arith.truncf %dot_general3A_1013 : vector<256x256xf32> to vector<256x256xbf16>
    %concatenate3A_1015 = tpu.concatenate %convert_element_type3A_989, %convert_element_type3A_1014 in 1 : vector<256x256xbf16>, vector<256x256xbf16> -> vector<256x512xbf16>
    %get3A_1016 = arith.constant 0 : index
    %get3A_1017 = arith.constant 0 : index
    %get3A_1018 = vector.load %arg7[%get3A_1016, %get3A_1017] : memref<512x4xf32, #tpu.memory_space<vmem>>, vector<512x4xf32>
    %convert_element_type3A_1019 = arith.truncf %get3A_1018 : vector<512x4xf32> to vector<512x4xbf16>
    %dot_general3A_1020 = arith.constant dense<0.000000e+00> : vector<256x4xf32>
    %dot_general3A_1021 = tpu.matmul %concatenate3A_1015, %convert_element_type3A_1019, %dot_general3A_1020 {dimension_numbers = #tpu.dot_dimension_numbers<[1], [0], [0], [1], [0, 0, 1, 1], [], []>, transpose_lhs_hint = false} : vector<256x512xbf16>, vector<512x4xbf16>, vector<256x4xf32> -> vector<256x4xf32>
    %get3A_1022 = arith.constant 0 : index
    %get3A_1023 = arith.constant 0 : index
    %get3A_1024 = vector.load %arg8[%get3A_1022, %get3A_1023] : memref<1x4xf32, #tpu.memory_space<vmem>>, vector<1x4xf32>
    %add3A_1025 = vector.broadcast %get3A_1024 : vector<1x4xf32> to vector<256x4xf32>
    %add3A_1026 = arith.addf %dot_general3A_1021, %add3A_1025 : vector<256x4xf32>
    %convert_element_type3A_1027 = arith.truncf %add3A_1026 : vector<256x4xf32> to vector<256x4xbf16>
    %dot_general3A_1028 = arith.constant dense<0.000000e+00> : vector<4x256xf32>
    %dot_general3A_1029 = tpu.matmul %convert_element_type3A_1019, %concatenate3A_1015, %dot_general3A_1028 {dimension_numbers = #tpu.dot_dimension_numbers<[0], [1], [1], [0], [0, 1, 1, 0], [], []>, transpose_lhs_hint = false} : vector<512x4xbf16>, vector<256x512xbf16>, vector<4x256xf32> -> vector<4x256xf32>
    %get3A_1030 = arith.constant 0 : index
    %get3A_1031 = arith.constant 0 : index
    %get3A_1032 = vector.load %arg9[%get3A_1030, %get3A_1031] : memref<4x1xf32, #tpu.memory_space<vmem>>, vector<4x1xf32>
    %add3A_1033 = vector.broadcast %get3A_1032 : vector<4x1xf32> to vector<4x256xf32>
    %add3A_1034 = arith.addf %dot_general3A_1029, %add3A_1033 : vector<4x256xf32>
    %convert_element_type3A_1035 = arith.truncf %add3A_1034 : vector<4x256xf32> to vector<4x256xbf16>
    %get3A_1036 = arith.constant 0 : index
    %get3A_1037 = arith.constant 0 : index
    %get3A_1038 = vector.load %arg6[%get3A_1036, %get3A_1037] : memref<512x256xf32, #tpu.memory_space<vmem>>, vector<512x256xf32>
    %convert_element_type3A_1039 = arith.truncf %get3A_1038 : vector<512x256xf32> to vector<512x256xbf16>
    %dot_general3A_1040 = arith.constant dense<0.000000e+00> : vector<256x256xf32>
    %dot_general3A_1041 = tpu.matmul %concatenate3A_1015, %convert_element_type3A_1039, %dot_general3A_1040 {dimension_numbers = #tpu.dot_dimension_numbers<[1], [0], [0], [1], [0, 0, 1, 1], [], []>, transpose_lhs_hint = false} : vector<256x512xbf16>, vector<512x256xbf16>, vector<256x256xf32> -> vector<256x256xf32>
    %get3A_1042 = arith.constant 0 : index
    %get3A_1043 = arith.constant 0 : index
    %get3A_1044 = vector.load %arg10[%get3A_1042, %get3A_1043] : memref<1x256xf32, #tpu.memory_space<vmem>>, vector<1x256xf32>
    %add3A_1045 = vector.broadcast %get3A_1044 : vector<1x256xf32> to vector<256x256xf32>
    %add3A_1046 = arith.addf %dot_general3A_1041, %add3A_1045 : vector<256x256xf32>
    %convert_element_type3A_1047 = arith.truncf %add3A_1046 : vector<256x256xf32> to vector<256x256xbf16>
    %broadcast_in_dim3A_1048 = arith.constant 0.000000e+00 : f32
    %broadcast_in_dim3A_1049 = vector.broadcast %broadcast_in_dim3A_1048 : f32 to vector<256x128xf32>
    %slice3A_1050 = vector.extract_strided_slice %convert_element_type3A_1027 {offsets = [0, 0], sizes = [256, 1], strides = [1, 1]} : vector<256x4xbf16> to vector<256x1xbf16>
    %slice3A_1051 = vector.extract_strided_slice %convert_element_type3A_1035 {offsets = [1, 0], sizes = [1, 256], strides = [1, 1]} : vector<4x256xbf16> to vector<1x256xbf16>
    %add3A_1052 = vector.broadcast %slice3A_1050 : vector<256x1xbf16> to vector<256x256xbf16>
    %add3A_1053 = vector.broadcast %slice3A_1051 : vector<1x256xbf16> to vector<256x256xbf16>
    %add3A_1054 = arith.addf %add3A_1052, %add3A_1053 : vector<256x256xbf16>
    %mul3A_1055 = arith.constant 2.001950e-01 : bf16
    %mul3A_1056 = vector.broadcast %mul3A_1055 : bf16 to vector<256x256xbf16>
    %mul3A_1057 = arith.mulf %mul3A_1056, %add3A_1054 : vector<256x256xbf16>
    %max3A_1058 = arith.maximumf %add3A_1054, %mul3A_1057 : vector<256x256xbf16>
    %exp3A_1059 = math.exp %max3A_1058 : vector<256x256xbf16>
    %mul3A_1060 = arith.mulf %exp3A_1059, %convert_element_type3A_56 : vector<256x256xbf16>
    %convert_element_type3A_1061 = arith.extf %mul3A_1060 : vector<256x256xbf16> to vector<256x256xf32>
    %reduce_sum3A_1062 = arith.constant dense<0.000000e+00> : vector<256xf32>
    %reduce_sum3A_1063 = vector.multi_reduction <add>, %convert_element_type3A_1061, %reduce_sum3A_1062 [1] : vector<256x256xf32> to vector<256xf32>
    %broadcast_in_dim3A_1064 = vector.shape_cast %reduce_sum3A_1063 : vector<256xf32> to vector<256x1xf32>
    %div3A_1065 = arith.constant 1.000000e+00 : f32
    %div3A_1066 = vector.broadcast %div3A_1065 : f32 to vector<256x1xf32>
    %div3A_1067 = arith.divf %div3A_1066, %broadcast_in_dim3A_1064 : vector<256x1xf32>
    %slice3A_1068 = vector.extract_strided_slice %convert_element_type3A_1047 {offsets = [0, 0], sizes = [256, 128], strides = [1, 1]} : vector<256x256xbf16> to vector<256x128xbf16>
    %dot_general3A_1069 = arith.constant dense<0.000000e+00> : vector<256x128xf32>
    %dot_general3A_1070 = tpu.matmul %mul3A_1060, %slice3A_1068, %dot_general3A_1069 {dimension_numbers = #tpu.dot_dimension_numbers<[1], [0], [0], [1], [0, 0, 1, 1], [], []>, transpose_lhs_hint = false} : vector<256x256xbf16>, vector<256x128xbf16>, vector<256x128xf32> -> vector<256x128xf32>
    %mul3A_1071 = vector.broadcast %div3A_1067 : vector<256x1xf32> to vector<256x128xf32>
    %mul3A_1072 = arith.mulf %dot_general3A_1070, %mul3A_1071 : vector<256x128xf32>
    %add3A_1073 = arith.addf %broadcast_in_dim3A_1049, %mul3A_1072 : vector<256x128xf32>
    %slice3A_1074 = vector.extract_strided_slice %convert_element_type3A_1027 {offsets = [0, 2], sizes = [256, 1], strides = [1, 1]} : vector<256x4xbf16> to vector<256x1xbf16>
    %slice3A_1075 = vector.extract_strided_slice %convert_element_type3A_1035 {offsets = [3, 0], sizes = [1, 256], strides = [1, 1]} : vector<4x256xbf16> to vector<1x256xbf16>
    %add3A_1076 = vector.broadcast %slice3A_1074 : vector<256x1xbf16> to vector<256x256xbf16>
    %add3A_1077 = vector.broadcast %slice3A_1075 : vector<1x256xbf16> to vector<256x256xbf16>
    %add3A_1078 = arith.addf %add3A_1076, %add3A_1077 : vector<256x256xbf16>
    %mul3A_1079 = arith.constant 2.001950e-01 : bf16
    %mul3A_1080 = vector.broadcast %mul3A_1079 : bf16 to vector<256x256xbf16>
    %mul3A_1081 = arith.mulf %mul3A_1080, %add3A_1078 : vector<256x256xbf16>
    %max3A_1082 = arith.maximumf %add3A_1078, %mul3A_1081 : vector<256x256xbf16>
    %exp3A_1083 = math.exp %max3A_1082 : vector<256x256xbf16>
    %mul3A_1084 = arith.mulf %exp3A_1083, %convert_element_type3A_56 : vector<256x256xbf16>
    %convert_element_type3A_1085 = arith.extf %mul3A_1084 : vector<256x256xbf16> to vector<256x256xf32>
    %reduce_sum3A_1086 = arith.constant dense<0.000000e+00> : vector<256xf32>
    %reduce_sum3A_1087 = vector.multi_reduction <add>, %convert_element_type3A_1085, %reduce_sum3A_1086 [1] : vector<256x256xf32> to vector<256xf32>
    %broadcast_in_dim3A_1088 = vector.shape_cast %reduce_sum3A_1087 : vector<256xf32> to vector<256x1xf32>
    %div3A_1089 = arith.constant 1.000000e+00 : f32
    %div3A_1090 = vector.broadcast %div3A_1089 : f32 to vector<256x1xf32>
    %div3A_1091 = arith.divf %div3A_1090, %broadcast_in_dim3A_1088 : vector<256x1xf32>
    %slice3A_1092 = vector.extract_strided_slice %convert_element_type3A_1047 {offsets = [0, 128], sizes = [256, 128], strides = [1, 1]} : vector<256x256xbf16> to vector<256x128xbf16>
    %dot_general3A_1093 = arith.constant dense<0.000000e+00> : vector<256x128xf32>
    %dot_general3A_1094 = tpu.matmul %mul3A_1084, %slice3A_1092, %dot_general3A_1093 {dimension_numbers = #tpu.dot_dimension_numbers<[1], [0], [0], [1], [0, 0, 1, 1], [], []>, transpose_lhs_hint = false} : vector<256x256xbf16>, vector<256x128xbf16>, vector<256x128xf32> -> vector<256x128xf32>
    %mul3A_1095 = vector.broadcast %div3A_1091 : vector<256x1xf32> to vector<256x128xf32>
    %mul3A_1096 = arith.mulf %dot_general3A_1094, %mul3A_1095 : vector<256x128xf32>
    %add3A_1097 = arith.addf %add3A_1073, %mul3A_1096 : vector<256x128xf32>
    %reshape3A_1098 = vector.shape_cast %add3A_1097 : vector<256x128xf32> to vector<8x32x128xf32>
    %slice3A_1099 = vector.extract_strided_slice %reshape3A_1098 {offsets = [0, 0, 0], sizes = [8, 1, 128], strides = [1, 1, 1]} : vector<8x32x128xf32> to vector<8x1x128xf32>
    %squeeze3A_1100 = vector.shape_cast %slice3A_1099 : vector<8x1x128xf32> to vector<8x128xf32>
    %mul3A_1101 = arith.constant 5.000000e-01 : f32
    %mul3A_1102 = vector.broadcast %mul3A_1101 : f32 to vector<8x128xf32>
    %mul3A_1103 = arith.mulf %squeeze3A_1100, %mul3A_1102 : vector<8x128xf32>
    %get3A_1104 = arith.constant 0 : index
    %get3A_1105 = arith.constant 0 : index
    %get3A_1106 = vector.load %arg11[%get3A_1104, %get3A_1105] : memref<1x128xf32, #tpu.memory_space<vmem>>, vector<1x128xf32>
    %add3A_1107 = vector.broadcast %get3A_1106 : vector<1x128xf32> to vector<8x128xf32>
    %add3A_1108 = arith.addf %mul3A_1103, %add3A_1107 : vector<8x128xf32>
    %swap3A_1109 = arith.constant 40 : index
    %swap3A_1110 = arith.constant 0 : index
    %swap3A_1111 = vector.load %arg12[%swap3A_1109, %swap3A_1110] : memref<128x128xf32, #tpu.memory_space<vmem>>, vector<8x128xf32>
    tpu.vector_store %arg12[%swap3A_1109, %swap3A_1110], %add3A_1108 {strides = array<i32>} : memref<128x128xf32, #tpu.memory_space<vmem>>, vector<8x128xf32>,
    %get3A_1112 = arith.constant 1536 : index
    %get3A_1113 = arith.constant 0 : index
    %get3A_1114 = vector.load %arg1[%get3A_1112, %get3A_1113] : memref<4096x256xf32, #tpu.memory_space<vmem>>, vector<256x256xf32>
    %convert_element_type3A_1115 = arith.truncf %get3A_1114 : vector<256x256xf32> to vector<256x256xbf16>
    %get3A_1116 = arith.constant 0 : index
    %get3A_1117 = arith.constant 0 : index
    %get3A_1118 = vector.load %arg3[%get3A_1116, %get3A_1117] : memref<256x4xf32, #tpu.memory_space<vmem>>, vector<256x4xf32>
    %convert_element_type3A_1119 = arith.truncf %get3A_1118 : vector<256x4xf32> to vector<256x4xbf16>
    %dot_general3A_1120 = arith.constant dense<0.000000e+00> : vector<256x4xf32>
    %dot_general3A_1121 = tpu.matmul %convert_element_type3A_1115, %convert_element_type3A_1119, %dot_general3A_1120 {dimension_numbers = #tpu.dot_dimension_numbers<[1], [0], [0], [1], [0, 0, 1, 1], [], []>, transpose_lhs_hint = false} : vector<256x256xbf16>, vector<256x4xbf16>, vector<256x4xf32> -> vector<256x4xf32>
    %get3A_1122 = arith.constant 0 : index
    %get3A_1123 = arith.constant 0 : index
    %get3A_1124 = vector.load %arg4[%get3A_1122, %get3A_1123] : memref<1x4xf32, #tpu.memory_space<vmem>>, vector<1x4xf32>
    %add3A_1125 = vector.broadcast %get3A_1124 : vector<1x4xf32> to vector<256x4xf32>
    %add3A_1126 = arith.addf %dot_general3A_1121, %add3A_1125 : vector<256x4xf32>
    %convert_element_type3A_1127 = arith.truncf %add3A_1126 : vector<256x4xf32> to vector<256x4xbf16>
    %dot_general3A_1128 = arith.constant dense<0.000000e+00> : vector<4x256xf32>
    %dot_general3A_1129 = tpu.matmul %convert_element_type3A_1119, %convert_element_type3A_1115, %dot_general3A_1128 {dimension_numbers = #tpu.dot_dimension_numbers<[0], [1], [1], [0], [0, 1, 1, 0], [], []>, transpose_lhs_hint = false} : vector<256x4xbf16>, vector<256x256xbf16>, vector<4x256xf32> -> vector<4x256xf32>
    %get3A_1130 = arith.constant 0 : index
    %get3A_1131 = arith.constant 0 : index
    %get3A_1132 = vector.load %arg5[%get3A_1130, %get3A_1131] : memref<4x1xf32, #tpu.memory_space<vmem>>, vector<4x1xf32>
    %add3A_1133 = vector.broadcast %get3A_1132 : vector<4x1xf32> to vector<4x256xf32>
    %add3A_1134 = arith.addf %dot_general3A_1129, %add3A_1133 : vector<4x256xf32>
    %convert_element_type3A_1135 = arith.truncf %add3A_1134 : vector<4x256xf32> to vector<4x256xbf16>
    %get3A_1136 = arith.constant 0 : index
    %get3A_1137 = arith.constant 0 : index
    %get3A_1138 = vector.load %arg2[%get3A_1136, %get3A_1137] : memref<256x512xf32, #tpu.memory_space<vmem>>, vector<256x512xf32>
    %convert_element_type3A_1139 = arith.truncf %get3A_1138 : vector<256x512xf32> to vector<256x512xbf16>
    %dot_general3A_1140 = arith.constant dense<0.000000e+00> : vector<256x512xf32>
    %dot_general3A_1141 = tpu.matmul %convert_element_type3A_1115, %convert_element_type3A_1139, %dot_general3A_1140 {dimension_numbers = #tpu.dot_dimension_numbers<[1], [0], [0], [1], [0, 0, 1, 1], [], []>, transpose_lhs_hint = false} : vector<256x256xbf16>, vector<256x512xbf16>, vector<256x512xf32> -> vector<256x512xf32>
    %convert_element_type3A_1142 = arith.truncf %dot_general3A_1141 : vector<256x512xf32> to vector<256x512xbf16>
    %slice3A_1143 = vector.extract_strided_slice %convert_element_type3A_1127 {offsets = [0, 0], sizes = [256, 1], strides = [1, 1]} : vector<256x4xbf16> to vector<256x1xbf16>
    %slice3A_1144 = vector.extract_strided_slice %convert_element_type3A_1135 {offsets = [1, 0], sizes = [1, 256], strides = [1, 1]} : vector<4x256xbf16> to vector<1x256xbf16>
    %add3A_1145 = vector.broadcast %slice3A_1143 : vector<256x1xbf16> to vector<256x256xbf16>
    %add3A_1146 = vector.broadcast %slice3A_1144 : vector<1x256xbf16> to vector<256x256xbf16>
    %add3A_1147 = arith.addf %add3A_1145, %add3A_1146 : vector<256x256xbf16>
    %mul3A_1148 = arith.constant 2.001950e-01 : bf16
    %mul3A_1149 = vector.broadcast %mul3A_1148 : bf16 to vector<256x256xbf16>
    %mul3A_1150 = arith.mulf %mul3A_1149, %add3A_1147 : vector<256x256xbf16>
    %max3A_1151 = arith.maximumf %add3A_1147, %mul3A_1150 : vector<256x256xbf16>
    %exp3A_1152 = math.exp %max3A_1151 : vector<256x256xbf16>
    %mul3A_1153 = arith.mulf %exp3A_1152, %convert_element_type3A_56 : vector<256x256xbf16>
    %convert_element_type3A_1154 = arith.extf %mul3A_1153 : vector<256x256xbf16> to vector<256x256xf32>
    %reduce_sum3A_1155 = arith.constant dense<0.000000e+00> : vector<256xf32>
    %reduce_sum3A_1156 = vector.multi_reduction <add>, %convert_element_type3A_1154, %reduce_sum3A_1155 [1] : vector<256x256xf32> to vector<256xf32>
    %broadcast_in_dim3A_1157 = vector.shape_cast %reduce_sum3A_1156 : vector<256xf32> to vector<256x1xf32>
    %div3A_1158 = arith.constant 1.000000e+00 : f32
    %div3A_1159 = vector.broadcast %div3A_1158 : f32 to vector<256x1xf32>
    %div3A_1160 = arith.divf %div3A_1159, %broadcast_in_dim3A_1157 : vector<256x1xf32>
    %convert_element_type3A_1161 = arith.truncf %div3A_1160 : vector<256x1xf32> to vector<256x1xbf16>
    %mul3A_1162 = vector.broadcast %convert_element_type3A_1161 : vector<256x1xbf16> to vector<256x256xbf16>
    %mul3A_1163 = arith.mulf %mul3A_1153, %mul3A_1162 : vector<256x256xbf16>
    %slice3A_1164 = vector.extract_strided_slice %convert_element_type3A_1142 {offsets = [0, 0], sizes = [256, 256], strides = [1, 1]} : vector<256x512xbf16> to vector<256x256xbf16>
    %dot_general3A_1165 = arith.constant dense<0.000000e+00> : vector<256x256xf32>
    %dot_general3A_1166 = tpu.matmul %mul3A_1163, %slice3A_1164, %dot_general3A_1165 {dimension_numbers = #tpu.dot_dimension_numbers<[1], [0], [0], [1], [0, 0, 1, 1], [], []>, transpose_lhs_hint = false} : vector<256x256xbf16>, vector<256x256xbf16>, vector<256x256xf32> -> vector<256x256xf32>
    %convert_element_type3A_1167 = arith.truncf %dot_general3A_1166 : vector<256x256xf32> to vector<256x256xbf16>
    %slice3A_1168 = vector.extract_strided_slice %convert_element_type3A_1127 {offsets = [0, 2], sizes = [256, 1], strides = [1, 1]} : vector<256x4xbf16> to vector<256x1xbf16>
    %slice3A_1169 = vector.extract_strided_slice %convert_element_type3A_1135 {offsets = [3, 0], sizes = [1, 256], strides = [1, 1]} : vector<4x256xbf16> to vector<1x256xbf16>
    %add3A_1170 = vector.broadcast %slice3A_1168 : vector<256x1xbf16> to vector<256x256xbf16>
    %add3A_1171 = vector.broadcast %slice3A_1169 : vector<1x256xbf16> to vector<256x256xbf16>
    %add3A_1172 = arith.addf %add3A_1170, %add3A_1171 : vector<256x256xbf16>
    %mul3A_1173 = arith.constant 2.001950e-01 : bf16
    %mul3A_1174 = vector.broadcast %mul3A_1173 : bf16 to vector<256x256xbf16>
    %mul3A_1175 = arith.mulf %mul3A_1174, %add3A_1172 : vector<256x256xbf16>
    %max3A_1176 = arith.maximumf %add3A_1172, %mul3A_1175 : vector<256x256xbf16>
    %exp3A_1177 = math.exp %max3A_1176 : vector<256x256xbf16>
    %mul3A_1178 = arith.mulf %exp3A_1177, %convert_element_type3A_56 : vector<256x256xbf16>
    %convert_element_type3A_1179 = arith.extf %mul3A_1178 : vector<256x256xbf16> to vector<256x256xf32>
    %reduce_sum3A_1180 = arith.constant dense<0.000000e+00> : vector<256xf32>
    %reduce_sum3A_1181 = vector.multi_reduction <add>, %convert_element_type3A_1179, %reduce_sum3A_1180 [1] : vector<256x256xf32> to vector<256xf32>
    %broadcast_in_dim3A_1182 = vector.shape_cast %reduce_sum3A_1181 : vector<256xf32> to vector<256x1xf32>
    %div3A_1183 = arith.constant 1.000000e+00 : f32
    %div3A_1184 = vector.broadcast %div3A_1183 : f32 to vector<256x1xf32>
    %div3A_1185 = arith.divf %div3A_1184, %broadcast_in_dim3A_1182 : vector<256x1xf32>
    %convert_element_type3A_1186 = arith.truncf %div3A_1185 : vector<256x1xf32> to vector<256x1xbf16>
    %mul3A_1187 = vector.broadcast %convert_element_type3A_1186 : vector<256x1xbf16> to vector<256x256xbf16>
    %mul3A_1188 = arith.mulf %mul3A_1178, %mul3A_1187 : vector<256x256xbf16>
    %slice3A_1189 = vector.extract_strided_slice %convert_element_type3A_1142 {offsets = [0, 256], sizes = [256, 256], strides = [1, 1]} : vector<256x512xbf16> to vector<256x256xbf16>
    %dot_general3A_1190 = arith.constant dense<0.000000e+00> : vector<256x256xf32>
    %dot_general3A_1191 = tpu.matmul %mul3A_1188, %slice3A_1189, %dot_general3A_1190 {dimension_numbers = #tpu.dot_dimension_numbers<[1], [0], [0], [1], [0, 0, 1, 1], [], []>, transpose_lhs_hint = false} : vector<256x256xbf16>, vector<256x256xbf16>, vector<256x256xf32> -> vector<256x256xf32>
    %convert_element_type3A_1192 = arith.truncf %dot_general3A_1191 : vector<256x256xf32> to vector<256x256xbf16>
    %concatenate3A_1193 = tpu.concatenate %convert_element_type3A_1167, %convert_element_type3A_1192 in 1 : vector<256x256xbf16>, vector<256x256xbf16> -> vector<256x512xbf16>
    %get3A_1194 = arith.constant 0 : index
    %get3A_1195 = arith.constant 0 : index
    %get3A_1196 = vector.load %arg7[%get3A_1194, %get3A_1195] : memref<512x4xf32, #tpu.memory_space<vmem>>, vector<512x4xf32>
    %convert_element_type3A_1197 = arith.truncf %get3A_1196 : vector<512x4xf32> to vector<512x4xbf16>
    %dot_general3A_1198 = arith.constant dense<0.000000e+00> : vector<256x4xf32>
    %dot_general3A_1199 = tpu.matmul %concatenate3A_1193, %convert_element_type3A_1197, %dot_general3A_1198 {dimension_numbers = #tpu.dot_dimension_numbers<[1], [0], [0], [1], [0, 0, 1, 1], [], []>, transpose_lhs_hint = false} : vector<256x512xbf16>, vector<512x4xbf16>, vector<256x4xf32> -> vector<256x4xf32>
    %get3A_1200 = arith.constant 0 : index
    %get3A_1201 = arith.constant 0 : index
    %get3A_1202 = vector.load %arg8[%get3A_1200, %get3A_1201] : memref<1x4xf32, #tpu.memory_space<vmem>>, vector<1x4xf32>
    %add3A_1203 = vector.broadcast %get3A_1202 : vector<1x4xf32> to vector<256x4xf32>
    %add3A_1204 = arith.addf %dot_general3A_1199, %add3A_1203 : vector<256x4xf32>
    %convert_element_type3A_1205 = arith.truncf %add3A_1204 : vector<256x4xf32> to vector<256x4xbf16>
    %dot_general3A_1206 = arith.constant dense<0.000000e+00> : vector<4x256xf32>
    %dot_general3A_1207 = tpu.matmul %convert_element_type3A_1197, %concatenate3A_1193, %dot_general3A_1206 {dimension_numbers = #tpu.dot_dimension_numbers<[0], [1], [1], [0], [0, 1, 1, 0], [], []>, transpose_lhs_hint = false} : vector<512x4xbf16>, vector<256x512xbf16>, vector<4x256xf32> -> vector<4x256xf32>
    %get3A_1208 = arith.constant 0 : index
    %get3A_1209 = arith.constant 0 : index
    %get3A_1210 = vector.load %arg9[%get3A_1208, %get3A_1209] : memref<4x1xf32, #tpu.memory_space<vmem>>, vector<4x1xf32>
    %add3A_1211 = vector.broadcast %get3A_1210 : vector<4x1xf32> to vector<4x256xf32>
    %add3A_1212 = arith.addf %dot_general3A_1207, %add3A_1211 : vector<4x256xf32>
    %convert_element_type3A_1213 = arith.truncf %add3A_1212 : vector<4x256xf32> to vector<4x256xbf16>
    %get3A_1214 = arith.constant 0 : index
    %get3A_1215 = arith.constant 0 : index
    %get3A_1216 = vector.load %arg6[%get3A_1214, %get3A_1215] : memref<512x256xf32, #tpu.memory_space<vmem>>, vector<512x256xf32>
    %convert_element_type3A_1217 = arith.truncf %get3A_1216 : vector<512x256xf32> to vector<512x256xbf16>
    %dot_general3A_1218 = arith.constant dense<0.000000e+00> : vector<256x256xf32>
    %dot_general3A_1219 = tpu.matmul %concatenate3A_1193, %convert_element_type3A_1217, %dot_general3A_1218 {dimension_numbers = #tpu.dot_dimension_numbers<[1], [0], [0], [1], [0, 0, 1, 1], [], []>, transpose_lhs_hint = false} : vector<256x512xbf16>, vector<512x256xbf16>, vector<256x256xf32> -> vector<256x256xf32>
    %get3A_1220 = arith.constant 0 : index
    %get3A_1221 = arith.constant 0 : index
    %get3A_1222 = vector.load %arg10[%get3A_1220, %get3A_1221] : memref<1x256xf32, #tpu.memory_space<vmem>>, vector<1x256xf32>
    %add3A_1223 = vector.broadcast %get3A_1222 : vector<1x256xf32> to vector<256x256xf32>
    %add3A_1224 = arith.addf %dot_general3A_1219, %add3A_1223 : vector<256x256xf32>
    %convert_element_type3A_1225 = arith.truncf %add3A_1224 : vector<256x256xf32> to vector<256x256xbf16>
    %broadcast_in_dim3A_1226 = arith.constant 0.000000e+00 : f32
    %broadcast_in_dim3A_1227 = vector.broadcast %broadcast_in_dim3A_1226 : f32 to vector<256x128xf32>
    %slice3A_1228 = vector.extract_strided_slice %convert_element_type3A_1205 {offsets = [0, 0], sizes = [256, 1], strides = [1, 1]} : vector<256x4xbf16> to vector<256x1xbf16>
    %slice3A_1229 = vector.extract_strided_slice %convert_element_type3A_1213 {offsets = [1, 0], sizes = [1, 256], strides = [1, 1]} : vector<4x256xbf16> to vector<1x256xbf16>
    %add3A_1230 = vector.broadcast %slice3A_1228 : vector<256x1xbf16> to vector<256x256xbf16>
    %add3A_1231 = vector.broadcast %slice3A_1229 : vector<1x256xbf16> to vector<256x256xbf16>
    %add3A_1232 = arith.addf %add3A_1230, %add3A_1231 : vector<256x256xbf16>
    %mul3A_1233 = arith.constant 2.001950e-01 : bf16
    %mul3A_1234 = vector.broadcast %mul3A_1233 : bf16 to vector<256x256xbf16>
    %mul3A_1235 = arith.mulf %mul3A_1234, %add3A_1232 : vector<256x256xbf16>
    %max3A_1236 = arith.maximumf %add3A_1232, %mul3A_1235 : vector<256x256xbf16>
    %exp3A_1237 = math.exp %max3A_1236 : vector<256x256xbf16>
    %mul3A_1238 = arith.mulf %exp3A_1237, %convert_element_type3A_56 : vector<256x256xbf16>
    %convert_element_type3A_1239 = arith.extf %mul3A_1238 : vector<256x256xbf16> to vector<256x256xf32>
    %reduce_sum3A_1240 = arith.constant dense<0.000000e+00> : vector<256xf32>
    %reduce_sum3A_1241 = vector.multi_reduction <add>, %convert_element_type3A_1239, %reduce_sum3A_1240 [1] : vector<256x256xf32> to vector<256xf32>
    %broadcast_in_dim3A_1242 = vector.shape_cast %reduce_sum3A_1241 : vector<256xf32> to vector<256x1xf32>
    %div3A_1243 = arith.constant 1.000000e+00 : f32
    %div3A_1244 = vector.broadcast %div3A_1243 : f32 to vector<256x1xf32>
    %div3A_1245 = arith.divf %div3A_1244, %broadcast_in_dim3A_1242 : vector<256x1xf32>
    %slice3A_1246 = vector.extract_strided_slice %convert_element_type3A_1225 {offsets = [0, 0], sizes = [256, 128], strides = [1, 1]} : vector<256x256xbf16> to vector<256x128xbf16>
    %dot_general3A_1247 = arith.constant dense<0.000000e+00> : vector<256x128xf32>
    %dot_general3A_1248 = tpu.matmul %mul3A_1238, %slice3A_1246, %dot_general3A_1247 {dimension_numbers = #tpu.dot_dimension_numbers<[1], [0], [0], [1], [0, 0, 1, 1], [], []>, transpose_lhs_hint = false} : vector<256x256xbf16>, vector<256x128xbf16>, vector<256x128xf32> -> vector<256x128xf32>
    %mul3A_1249 = vector.broadcast %div3A_1245 : vector<256x1xf32> to vector<256x128xf32>
    %mul3A_1250 = arith.mulf %dot_general3A_1248, %mul3A_1249 : vector<256x128xf32>
    %add3A_1251 = arith.addf %broadcast_in_dim3A_1227, %mul3A_1250 : vector<256x128xf32>
    %slice3A_1252 = vector.extract_strided_slice %convert_element_type3A_1205 {offsets = [0, 2], sizes = [256, 1], strides = [1, 1]} : vector<256x4xbf16> to vector<256x1xbf16>
    %slice3A_1253 = vector.extract_strided_slice %convert_element_type3A_1213 {offsets = [3, 0], sizes = [1, 256], strides = [1, 1]} : vector<4x256xbf16> to vector<1x256xbf16>
    %add3A_1254 = vector.broadcast %slice3A_1252 : vector<256x1xbf16> to vector<256x256xbf16>
    %add3A_1255 = vector.broadcast %slice3A_1253 : vector<1x256xbf16> to vector<256x256xbf16>
    %add3A_1256 = arith.addf %add3A_1254, %add3A_1255 : vector<256x256xbf16>
    %mul3A_1257 = arith.constant 2.001950e-01 : bf16
    %mul3A_1258 = vector.broadcast %mul3A_1257 : bf16 to vector<256x256xbf16>
    %mul3A_1259 = arith.mulf %mul3A_1258, %add3A_1256 : vector<256x256xbf16>
    %max3A_1260 = arith.maximumf %add3A_1256, %mul3A_1259 : vector<256x256xbf16>
    %exp3A_1261 = math.exp %max3A_1260 : vector<256x256xbf16>
    %mul3A_1262 = arith.mulf %exp3A_1261, %convert_element_type3A_56 : vector<256x256xbf16>
    %convert_element_type3A_1263 = arith.extf %mul3A_1262 : vector<256x256xbf16> to vector<256x256xf32>
    %reduce_sum3A_1264 = arith.constant dense<0.000000e+00> : vector<256xf32>
    %reduce_sum3A_1265 = vector.multi_reduction <add>, %convert_element_type3A_1263, %reduce_sum3A_1264 [1] : vector<256x256xf32> to vector<256xf32>
    %broadcast_in_dim3A_1266 = vector.shape_cast %reduce_sum3A_1265 : vector<256xf32> to vector<256x1xf32>
    %div3A_1267 = arith.constant 1.000000e+00 : f32
    %div3A_1268 = vector.broadcast %div3A_1267 : f32 to vector<256x1xf32>
    %div3A_1269 = arith.divf %div3A_1268, %broadcast_in_dim3A_1266 : vector<256x1xf32>
    %slice3A_1270 = vector.extract_strided_slice %convert_element_type3A_1225 {offsets = [0, 128], sizes = [256, 128], strides = [1, 1]} : vector<256x256xbf16> to vector<256x128xbf16>
    %dot_general3A_1271 = arith.constant dense<0.000000e+00> : vector<256x128xf32>
    %dot_general3A_1272 = tpu.matmul %mul3A_1262, %slice3A_1270, %dot_general3A_1271 {dimension_numbers = #tpu.dot_dimension_numbers<[1], [0], [0], [1], [0, 0, 1, 1], [], []>, transpose_lhs_hint = false} : vector<256x256xbf16>, vector<256x128xbf16>, vector<256x128xf32> -> vector<256x128xf32>
    %mul3A_1273 = vector.broadcast %div3A_1269 : vector<256x1xf32> to vector<256x128xf32>
    %mul3A_1274 = arith.mulf %dot_general3A_1272, %mul3A_1273 : vector<256x128xf32>
    %add3A_1275 = arith.addf %add3A_1251, %mul3A_1274 : vector<256x128xf32>
    %reshape3A_1276 = vector.shape_cast %add3A_1275 : vector<256x128xf32> to vector<8x32x128xf32>
    %slice3A_1277 = vector.extract_strided_slice %reshape3A_1276 {offsets = [0, 0, 0], sizes = [8, 1, 128], strides = [1, 1, 1]} : vector<8x32x128xf32> to vector<8x1x128xf32>
    %squeeze3A_1278 = vector.shape_cast %slice3A_1277 : vector<8x1x128xf32> to vector<8x128xf32>
    %mul3A_1279 = arith.constant 5.000000e-01 : f32
    %mul3A_1280 = vector.broadcast %mul3A_1279 : f32 to vector<8x128xf32>
    %mul3A_1281 = arith.mulf %squeeze3A_1278, %mul3A_1280 : vector<8x128xf32>
    %get3A_1282 = arith.constant 0 : index
    %get3A_1283 = arith.constant 0 : index
    %get3A_1284 = vector.load %arg11[%get3A_1282, %get3A_1283] : memref<1x128xf32, #tpu.memory_space<vmem>>, vector<1x128xf32>
    %add3A_1285 = vector.broadcast %get3A_1284 : vector<1x128xf32> to vector<8x128xf32>
    %add3A_1286 = arith.addf %mul3A_1281, %add3A_1285 : vector<8x128xf32>
    %swap3A_1287 = arith.constant 48 : index
    %swap3A_1288 = arith.constant 0 : index
    %swap3A_1289 = vector.load %arg12[%swap3A_1287, %swap3A_1288] : memref<128x128xf32, #tpu.memory_space<vmem>>, vector<8x128xf32>
    tpu.vector_store %arg12[%swap3A_1287, %swap3A_1288], %add3A_1286 {strides = array<i32>} : memref<128x128xf32, #tpu.memory_space<vmem>>, vector<8x128xf32>,
    %get3A_1290 = arith.constant 1792 : index
    %get3A_1291 = arith.constant 0 : index
    %get3A_1292 = vector.load %arg1[%get3A_1290, %get3A_1291] : memref<4096x256xf32, #tpu.memory_space<vmem>>, vector<256x256xf32>
    %convert_element_type3A_1293 = arith.truncf %get3A_1292 : vector<256x256xf32> to vector<256x256xbf16>
    %get3A_1294 = arith.constant 0 : index
    %get3A_1295 = arith.constant 0 : index
    %get3A_1296 = vector.load %arg3[%get3A_1294, %get3A_1295] : memref<256x4xf32, #tpu.memory_space<vmem>>, vector<256x4xf32>
    %convert_element_type3A_1297 = arith.truncf %get3A_1296 : vector<256x4xf32> to vector<256x4xbf16>
    %dot_general3A_1298 = arith.constant dense<0.000000e+00> : vector<256x4xf32>
    %dot_general3A_1299 = tpu.matmul %convert_element_type3A_1293, %convert_element_type3A_1297, %dot_general3A_1298 {dimension_numbers = #tpu.dot_dimension_numbers<[1], [0], [0], [1], [0, 0, 1, 1], [], []>, transpose_lhs_hint = false} : vector<256x256xbf16>, vector<256x4xbf16>, vector<256x4xf32> -> vector<256x4xf32>
    %get3A_1300 = arith.constant 0 : index
    %get3A_1301 = arith.constant 0 : index
    %get3A_1302 = vector.load %arg4[%get3A_1300, %get3A_1301] : memref<1x4xf32, #tpu.memory_space<vmem>>, vector<1x4xf32>
    %add3A_1303 = vector.broadcast %get3A_1302 : vector<1x4xf32> to vector<256x4xf32>
    %add3A_1304 = arith.addf %dot_general3A_1299, %add3A_1303 : vector<256x4xf32>
    %convert_element_type3A_1305 = arith.truncf %add3A_1304 : vector<256x4xf32> to vector<256x4xbf16>
    %dot_general3A_1306 = arith.constant dense<0.000000e+00> : vector<4x256xf32>
    %dot_general3A_1307 = tpu.matmul %convert_element_type3A_1297, %convert_element_type3A_1293, %dot_general3A_1306 {dimension_numbers = #tpu.dot_dimension_numbers<[0], [1], [1], [0], [0, 1, 1, 0], [], []>, transpose_lhs_hint = false} : vector<256x4xbf16>, vector<256x256xbf16>, vector<4x256xf32> -> vector<4x256xf32>
    %get3A_1308 = arith.constant 0 : index
    %get3A_1309 = arith.constant 0 : index
    %get3A_1310 = vector.load %arg5[%get3A_1308, %get3A_1309] : memref<4x1xf32, #tpu.memory_space<vmem>>, vector<4x1xf32>
    %add3A_1311 = vector.broadcast %get3A_1310 : vector<4x1xf32> to vector<4x256xf32>
    %add3A_1312 = arith.addf %dot_general3A_1307, %add3A_1311 : vector<4x256xf32>
    %convert_element_type3A_1313 = arith.truncf %add3A_1312 : vector<4x256xf32> to vector<4x256xbf16>
    %get3A_1314 = arith.constant 0 : index
    %get3A_1315 = arith.constant 0 : index
    %get3A_1316 = vector.load %arg2[%get3A_1314, %get3A_1315] : memref<256x512xf32, #tpu.memory_space<vmem>>, vector<256x512xf32>
    %convert_element_type3A_1317 = arith.truncf %get3A_1316 : vector<256x512xf32> to vector<256x512xbf16>
    %dot_general3A_1318 = arith.constant dense<0.000000e+00> : vector<256x512xf32>
    %dot_general3A_1319 = tpu.matmul %convert_element_type3A_1293, %convert_element_type3A_1317, %dot_general3A_1318 {dimension_numbers = #tpu.dot_dimension_numbers<[1], [0], [0], [1], [0, 0, 1, 1], [], []>, transpose_lhs_hint = false} : vector<256x256xbf16>, vector<256x512xbf16>, vector<256x512xf32> -> vector<256x512xf32>
    %convert_element_type3A_1320 = arith.truncf %dot_general3A_1319 : vector<256x512xf32> to vector<256x512xbf16>
    %slice3A_1321 = vector.extract_strided_slice %convert_element_type3A_1305 {offsets = [0, 0], sizes = [256, 1], strides = [1, 1]} : vector<256x4xbf16> to vector<256x1xbf16>
    %slice3A_1322 = vector.extract_strided_slice %convert_element_type3A_1313 {offsets = [1, 0], sizes = [1, 256], strides = [1, 1]} : vector<4x256xbf16> to vector<1x256xbf16>
    %add3A_1323 = vector.broadcast %slice3A_1321 : vector<256x1xbf16> to vector<256x256xbf16>
    %add3A_1324 = vector.broadcast %slice3A_1322 : vector<1x256xbf16> to vector<256x256xbf16>
    %add3A_1325 = arith.addf %add3A_1323, %add3A_1324 : vector<256x256xbf16>
    %mul3A_1326 = arith.constant 2.001950e-01 : bf16
    %mul3A_1327 = vector.broadcast %mul3A_1326 : bf16 to vector<256x256xbf16>
    %mul3A_1328 = arith.mulf %mul3A_1327, %add3A_1325 : vector<256x256xbf16>
    %max3A_1329 = arith.maximumf %add3A_1325, %mul3A_1328 : vector<256x256xbf16>
    %exp3A_1330 = math.exp %max3A_1329 : vector<256x256xbf16>
    %mul3A_1331 = arith.mulf %exp3A_1330, %convert_element_type3A_56 : vector<256x256xbf16>
    %convert_element_type3A_1332 = arith.extf %mul3A_1331 : vector<256x256xbf16> to vector<256x256xf32>
    %reduce_sum3A_1333 = arith.constant dense<0.000000e+00> : vector<256xf32>
    %reduce_sum3A_1334 = vector.multi_reduction <add>, %convert_element_type3A_1332, %reduce_sum3A_1333 [1] : vector<256x256xf32> to vector<256xf32>
    %broadcast_in_dim3A_1335 = vector.shape_cast %reduce_sum3A_1334 : vector<256xf32> to vector<256x1xf32>
    %div3A_1336 = arith.constant 1.000000e+00 : f32
    %div3A_1337 = vector.broadcast %div3A_1336 : f32 to vector<256x1xf32>
    %div3A_1338 = arith.divf %div3A_1337, %broadcast_in_dim3A_1335 : vector<256x1xf32>
    %convert_element_type3A_1339 = arith.truncf %div3A_1338 : vector<256x1xf32> to vector<256x1xbf16>
    %mul3A_1340 = vector.broadcast %convert_element_type3A_1339 : vector<256x1xbf16> to vector<256x256xbf16>
    %mul3A_1341 = arith.mulf %mul3A_1331, %mul3A_1340 : vector<256x256xbf16>
    %slice3A_1342 = vector.extract_strided_slice %convert_element_type3A_1320 {offsets = [0, 0], sizes = [256, 256], strides = [1, 1]} : vector<256x512xbf16> to vector<256x256xbf16>
    %dot_general3A_1343 = arith.constant dense<0.000000e+00> : vector<256x256xf32>
    %dot_general3A_1344 = tpu.matmul %mul3A_1341, %slice3A_1342, %dot_general3A_1343 {dimension_numbers = #tpu.dot_dimension_numbers<[1], [0], [0], [1], [0, 0, 1, 1], [], []>, transpose_lhs_hint = false} : vector<256x256xbf16>, vector<256x256xbf16>, vector<256x256xf32> -> vector<256x256xf32>
    %convert_element_type3A_1345 = arith.truncf %dot_general3A_1344 : vector<256x256xf32> to vector<256x256xbf16>
    %slice3A_1346 = vector.extract_strided_slice %convert_element_type3A_1305 {offsets = [0, 2], sizes = [256, 1], strides = [1, 1]} : vector<256x4xbf16> to vector<256x1xbf16>
    %slice3A_1347 = vector.extract_strided_slice %convert_element_type3A_1313 {offsets = [3, 0], sizes = [1, 256], strides = [1, 1]} : vector<4x256xbf16> to vector<1x256xbf16>
    %add3A_1348 = vector.broadcast %slice3A_1346 : vector<256x1xbf16> to vector<256x256xbf16>
    %add3A_1349 = vector.broadcast %slice3A_1347 : vector<1x256xbf16> to vector<256x256xbf16>
    %add3A_1350 = arith.addf %add3A_1348, %add3A_1349 : vector<256x256xbf16>
    %mul3A_1351 = arith.constant 2.001950e-01 : bf16
    %mul3A_1352 = vector.broadcast %mul3A_1351 : bf16 to vector<256x256xbf16>
    %mul3A_1353 = arith.mulf %mul3A_1352, %add3A_1350 : vector<256x256xbf16>
    %max3A_1354 = arith.maximumf %add3A_1350, %mul3A_1353 : vector<256x256xbf16>
    %exp3A_1355 = math.exp %max3A_1354 : vector<256x256xbf16>
    %mul3A_1356 = arith.mulf %exp3A_1355, %convert_element_type3A_56 : vector<256x256xbf16>
    %convert_element_type3A_1357 = arith.extf %mul3A_1356 : vector<256x256xbf16> to vector<256x256xf32>
    %reduce_sum3A_1358 = arith.constant dense<0.000000e+00> : vector<256xf32>
    %reduce_sum3A_1359 = vector.multi_reduction <add>, %convert_element_type3A_1357, %reduce_sum3A_1358 [1] : vector<256x256xf32> to vector<256xf32>
    %broadcast_in_dim3A_1360 = vector.shape_cast %reduce_sum3A_1359 : vector<256xf32> to vector<256x1xf32>
    %div3A_1361 = arith.constant 1.000000e+00 : f32
    %div3A_1362 = vector.broadcast %div3A_1361 : f32 to vector<256x1xf32>
    %div3A_1363 = arith.divf %div3A_1362, %broadcast_in_dim3A_1360 : vector<256x1xf32>
    %convert_element_type3A_1364 = arith.truncf %div3A_1363 : vector<256x1xf32> to vector<256x1xbf16>
    %mul3A_1365 = vector.broadcast %convert_element_type3A_1364 : vector<256x1xbf16> to vector<256x256xbf16>
    %mul3A_1366 = arith.mulf %mul3A_1356, %mul3A_1365 : vector<256x256xbf16>
    %slice3A_1367 = vector.extract_strided_slice %convert_element_type3A_1320 {offsets = [0, 256], sizes = [256, 256], strides = [1, 1]} : vector<256x512xbf16> to vector<256x256xbf16>
    %dot_general3A_1368 = arith.constant dense<0.000000e+00> : vector<256x256xf32>
    %dot_general3A_1369 = tpu.matmul %mul3A_1366, %slice3A_1367, %dot_general3A_1368 {dimension_numbers = #tpu.dot_dimension_numbers<[1], [0], [0], [1], [0, 0, 1, 1], [], []>, transpose_lhs_hint = false} : vector<256x256xbf16>, vector<256x256xbf16>, vector<256x256xf32> -> vector<256x256xf32>
    %convert_element_type3A_1370 = arith.truncf %dot_general3A_1369 : vector<256x256xf32> to vector<256x256xbf16>
    %concatenate3A_1371 = tpu.concatenate %convert_element_type3A_1345, %convert_element_type3A_1370 in 1 : vector<256x256xbf16>, vector<256x256xbf16> -> vector<256x512xbf16>
    %get3A_1372 = arith.constant 0 : index
    %get3A_1373 = arith.constant 0 : index
    %get3A_1374 = vector.load %arg7[%get3A_1372, %get3A_1373] : memref<512x4xf32, #tpu.memory_space<vmem>>, vector<512x4xf32>
    %convert_element_type3A_1375 = arith.truncf %get3A_1374 : vector<512x4xf32> to vector<512x4xbf16>
    %dot_general3A_1376 = arith.constant dense<0.000000e+00> : vector<256x4xf32>
    %dot_general3A_1377 = tpu.matmul %concatenate3A_1371, %convert_element_type3A_1375, %dot_general3A_1376 {dimension_numbers = #tpu.dot_dimension_numbers<[1], [0], [0], [1], [0, 0, 1, 1], [], []>, transpose_lhs_hint = false} : vector<256x512xbf16>, vector<512x4xbf16>, vector<256x4xf32> -> vector<256x4xf32>
    %get3A_1378 = arith.constant 0 : index
    %get3A_1379 = arith.constant 0 : index
    %get3A_1380 = vector.load %arg8[%get3A_1378, %get3A_1379] : memref<1x4xf32, #tpu.memory_space<vmem>>, vector<1x4xf32>
    %add3A_1381 = vector.broadcast %get3A_1380 : vector<1x4xf32> to vector<256x4xf32>
    %add3A_1382 = arith.addf %dot_general3A_1377, %add3A_1381 : vector<256x4xf32>
    %convert_element_type3A_1383 = arith.truncf %add3A_1382 : vector<256x4xf32> to vector<256x4xbf16>
    %dot_general3A_1384 = arith.constant dense<0.000000e+00> : vector<4x256xf32>
    %dot_general3A_1385 = tpu.matmul %convert_element_type3A_1375, %concatenate3A_1371, %dot_general3A_1384 {dimension_numbers = #tpu.dot_dimension_numbers<[0], [1], [1], [0], [0, 1, 1, 0], [], []>, transpose_lhs_hint = false} : vector<512x4xbf16>, vector<256x512xbf16>, vector<4x256xf32> -> vector<4x256xf32>
    %get3A_1386 = arith.constant 0 : index
    %get3A_1387 = arith.constant 0 : index
    %get3A_1388 = vector.load %arg9[%get3A_1386, %get3A_1387] : memref<4x1xf32, #tpu.memory_space<vmem>>, vector<4x1xf32>
    %add3A_1389 = vector.broadcast %get3A_1388 : vector<4x1xf32> to vector<4x256xf32>
    %add3A_1390 = arith.addf %dot_general3A_1385, %add3A_1389 : vector<4x256xf32>
    %convert_element_type3A_1391 = arith.truncf %add3A_1390 : vector<4x256xf32> to vector<4x256xbf16>
    %get3A_1392 = arith.constant 0 : index
    %get3A_1393 = arith.constant 0 : index
    %get3A_1394 = vector.load %arg6[%get3A_1392, %get3A_1393] : memref<512x256xf32, #tpu.memory_space<vmem>>, vector<512x256xf32>
    %convert_element_type3A_1395 = arith.truncf %get3A_1394 : vector<512x256xf32> to vector<512x256xbf16>
    %dot_general3A_1396 = arith.constant dense<0.000000e+00> : vector<256x256xf32>
    %dot_general3A_1397 = tpu.matmul %concatenate3A_1371, %convert_element_type3A_1395, %dot_general3A_1396 {dimension_numbers = #tpu.dot_dimension_numbers<[1], [0], [0], [1], [0, 0, 1, 1], [], []>, transpose_lhs_hint = false} : vector<256x512xbf16>, vector<512x256xbf16>, vector<256x256xf32> -> vector<256x256xf32>
    %get3A_1398 = arith.constant 0 : index
    %get3A_1399 = arith.constant 0 : index
    %get3A_1400 = vector.load %arg10[%get3A_1398, %get3A_1399] : memref<1x256xf32, #tpu.memory_space<vmem>>, vector<1x256xf32>
    %add3A_1401 = vector.broadcast %get3A_1400 : vector<1x256xf32> to vector<256x256xf32>
    %add3A_1402 = arith.addf %dot_general3A_1397, %add3A_1401 : vector<256x256xf32>
    %convert_element_type3A_1403 = arith.truncf %add3A_1402 : vector<256x256xf32> to vector<256x256xbf16>
    %broadcast_in_dim3A_1404 = arith.constant 0.000000e+00 : f32
    %broadcast_in_dim3A_1405 = vector.broadcast %broadcast_in_dim3A_1404 : f32 to vector<256x128xf32>
    %slice3A_1406 = vector.extract_strided_slice %convert_element_type3A_1383 {offsets = [0, 0], sizes = [256, 1], strides = [1, 1]} : vector<256x4xbf16> to vector<256x1xbf16>
    %slice3A_1407 = vector.extract_strided_slice %convert_element_type3A_1391 {offsets = [1, 0], sizes = [1, 256], strides = [1, 1]} : vector<4x256xbf16> to vector<1x256xbf16>
    %add3A_1408 = vector.broadcast %slice3A_1406 : vector<256x1xbf16> to vector<256x256xbf16>
    %add3A_1409 = vector.broadcast %slice3A_1407 : vector<1x256xbf16> to vector<256x256xbf16>
    %add3A_1410 = arith.addf %add3A_1408, %add3A_1409 : vector<256x256xbf16>
    %mul3A_1411 = arith.constant 2.001950e-01 : bf16
    %mul3A_1412 = vector.broadcast %mul3A_1411 : bf16 to vector<256x256xbf16>
    %mul3A_1413 = arith.mulf %mul3A_1412, %add3A_1410 : vector<256x256xbf16>
    %max3A_1414 = arith.maximumf %add3A_1410, %mul3A_1413 : vector<256x256xbf16>
    %exp3A_1415 = math.exp %max3A_1414 : vector<256x256xbf16>
    %mul3A_1416 = arith.mulf %exp3A_1415, %convert_element_type3A_56 : vector<256x256xbf16>
    %convert_element_type3A_1417 = arith.extf %mul3A_1416 : vector<256x256xbf16> to vector<256x256xf32>
    %reduce_sum3A_1418 = arith.constant dense<0.000000e+00> : vector<256xf32>
    %reduce_sum3A_1419 = vector.multi_reduction <add>, %convert_element_type3A_1417, %reduce_sum3A_1418 [1] : vector<256x256xf32> to vector<256xf32>
    %broadcast_in_dim3A_1420 = vector.shape_cast %reduce_sum3A_1419 : vector<256xf32> to vector<256x1xf32>
    %div3A_1421 = arith.constant 1.000000e+00 : f32
    %div3A_1422 = vector.broadcast %div3A_1421 : f32 to vector<256x1xf32>
    %div3A_1423 = arith.divf %div3A_1422, %broadcast_in_dim3A_1420 : vector<256x1xf32>
    %slice3A_1424 = vector.extract_strided_slice %convert_element_type3A_1403 {offsets = [0, 0], sizes = [256, 128], strides = [1, 1]} : vector<256x256xbf16> to vector<256x128xbf16>
    %dot_general3A_1425 = arith.constant dense<0.000000e+00> : vector<256x128xf32>
    %dot_general3A_1426 = tpu.matmul %mul3A_1416, %slice3A_1424, %dot_general3A_1425 {dimension_numbers = #tpu.dot_dimension_numbers<[1], [0], [0], [1], [0, 0, 1, 1], [], []>, transpose_lhs_hint = false} : vector<256x256xbf16>, vector<256x128xbf16>, vector<256x128xf32> -> vector<256x128xf32>
    %mul3A_1427 = vector.broadcast %div3A_1423 : vector<256x1xf32> to vector<256x128xf32>
    %mul3A_1428 = arith.mulf %dot_general3A_1426, %mul3A_1427 : vector<256x128xf32>
    %add3A_1429 = arith.addf %broadcast_in_dim3A_1405, %mul3A_1428 : vector<256x128xf32>
    %slice3A_1430 = vector.extract_strided_slice %convert_element_type3A_1383 {offsets = [0, 2], sizes = [256, 1], strides = [1, 1]} : vector<256x4xbf16> to vector<256x1xbf16>
    %slice3A_1431 = vector.extract_strided_slice %convert_element_type3A_1391 {offsets = [3, 0], sizes = [1, 256], strides = [1, 1]} : vector<4x256xbf16> to vector<1x256xbf16>
    %add3A_1432 = vector.broadcast %slice3A_1430 : vector<256x1xbf16> to vector<256x256xbf16>
    %add3A_1433 = vector.broadcast %slice3A_1431 : vector<1x256xbf16> to vector<256x256xbf16>
    %add3A_1434 = arith.addf %add3A_1432, %add3A_1433 : vector<256x256xbf16>
    %mul3A_1435 = arith.constant 2.001950e-01 : bf16
    %mul3A_1436 = vector.broadcast %mul3A_1435 : bf16 to vector<256x256xbf16>
    %mul3A_1437 = arith.mulf %mul3A_1436, %add3A_1434 : vector<256x256xbf16>
    %max3A_1438 = arith.maximumf %add3A_1434, %mul3A_1437 : vector<256x256xbf16>
    %exp3A_1439 = math.exp %max3A_1438 : vector<256x256xbf16>
    %mul3A_1440 = arith.mulf %exp3A_1439, %convert_element_type3A_56 : vector<256x256xbf16>
    %convert_element_type3A_1441 = arith.extf %mul3A_1440 : vector<256x256xbf16> to vector<256x256xf32>
    %reduce_sum3A_1442 = arith.constant dense<0.000000e+00> : vector<256xf32>
    %reduce_sum3A_1443 = vector.multi_reduction <add>, %convert_element_type3A_1441, %reduce_sum3A_1442 [1] : vector<256x256xf32> to vector<256xf32>
    %broadcast_in_dim3A_1444 = vector.shape_cast %reduce_sum3A_1443 : vector<256xf32> to vector<256x1xf32>
    %div3A_1445 = arith.constant 1.000000e+00 : f32
    %div3A_1446 = vector.broadcast %div3A_1445 : f32 to vector<256x1xf32>
    %div3A_1447 = arith.divf %div3A_1446, %broadcast_in_dim3A_1444 : vector<256x1xf32>
    %slice3A_1448 = vector.extract_strided_slice %convert_element_type3A_1403 {offsets = [0, 128], sizes = [256, 128], strides = [1, 1]} : vector<256x256xbf16> to vector<256x128xbf16>
    %dot_general3A_1449 = arith.constant dense<0.000000e+00> : vector<256x128xf32>
    %dot_general3A_1450 = tpu.matmul %mul3A_1440, %slice3A_1448, %dot_general3A_1449 {dimension_numbers = #tpu.dot_dimension_numbers<[1], [0], [0], [1], [0, 0, 1, 1], [], []>, transpose_lhs_hint = false} : vector<256x256xbf16>, vector<256x128xbf16>, vector<256x128xf32> -> vector<256x128xf32>
    %mul3A_1451 = vector.broadcast %div3A_1447 : vector<256x1xf32> to vector<256x128xf32>
    %mul3A_1452 = arith.mulf %dot_general3A_1450, %mul3A_1451 : vector<256x128xf32>
    %add3A_1453 = arith.addf %add3A_1429, %mul3A_1452 : vector<256x128xf32>
    %reshape3A_1454 = vector.shape_cast %add3A_1453 : vector<256x128xf32> to vector<8x32x128xf32>
    %slice3A_1455 = vector.extract_strided_slice %reshape3A_1454 {offsets = [0, 0, 0], sizes = [8, 1, 128], strides = [1, 1, 1]} : vector<8x32x128xf32> to vector<8x1x128xf32>
    %squeeze3A_1456 = vector.shape_cast %slice3A_1455 : vector<8x1x128xf32> to vector<8x128xf32>
    %mul3A_1457 = arith.constant 5.000000e-01 : f32
    %mul3A_1458 = vector.broadcast %mul3A_1457 : f32 to vector<8x128xf32>
    %mul3A_1459 = arith.mulf %squeeze3A_1456, %mul3A_1458 : vector<8x128xf32>
    %get3A_1460 = arith.constant 0 : index
    %get3A_1461 = arith.constant 0 : index
    %get3A_1462 = vector.load %arg11[%get3A_1460, %get3A_1461] : memref<1x128xf32, #tpu.memory_space<vmem>>, vector<1x128xf32>
    %add3A_1463 = vector.broadcast %get3A_1462 : vector<1x128xf32> to vector<8x128xf32>
    %add3A_1464 = arith.addf %mul3A_1459, %add3A_1463 : vector<8x128xf32>
    %swap3A_1465 = arith.constant 56 : index
    %swap3A_1466 = arith.constant 0 : index
    %swap3A_1467 = vector.load %arg12[%swap3A_1465, %swap3A_1466] : memref<128x128xf32, #tpu.memory_space<vmem>>, vector<8x128xf32>
    tpu.vector_store %arg12[%swap3A_1465, %swap3A_1466], %add3A_1464 {strides = array<i32>} : memref<128x128xf32, #tpu.memory_space<vmem>>, vector<8x128xf32>,
    %get3A_1468 = arith.constant 2048 : index
    %get3A_1469 = arith.constant 0 : index
    %get3A_1470 = vector.load %arg1[%get3A_1468, %get3A_1469] : memref<4096x256xf32, #tpu.memory_space<vmem>>, vector<256x256xf32>
    %convert_element_type3A_1471 = arith.truncf %get3A_1470 : vector<256x256xf32> to vector<256x256xbf16>
    %get3A_1472 = arith.constant 0 : index
    %get3A_1473 = arith.constant 0 : index
    %get3A_1474 = vector.load %arg3[%get3A_1472, %get3A_1473] : memref<256x4xf32, #tpu.memory_space<vmem>>, vector<256x4xf32>
    %convert_element_type3A_1475 = arith.truncf %get3A_1474 : vector<256x4xf32> to vector<256x4xbf16>
    %dot_general3A_1476 = arith.constant dense<0.000000e+00> : vector<256x4xf32>
    %dot_general3A_1477 = tpu.matmul %convert_element_type3A_1471, %convert_element_type3A_1475, %dot_general3A_1476 {dimension_numbers = #tpu.dot_dimension_numbers<[1], [0], [0], [1], [0, 0, 1, 1], [], []>, transpose_lhs_hint = false} : vector<256x256xbf16>, vector<256x4xbf16>, vector<256x4xf32> -> vector<256x4xf32>
    %get3A_1478 = arith.constant 0 : index
    %get3A_1479 = arith.constant 0 : index
    %get3A_1480 = vector.load %arg4[%get3A_1478, %get3A_1479] : memref<1x4xf32, #tpu.memory_space<vmem>>, vector<1x4xf32>
    %add3A_1481 = vector.broadcast %get3A_1480 : vector<1x4xf32> to vector<256x4xf32>
    %add3A_1482 = arith.addf %dot_general3A_1477, %add3A_1481 : vector<256x4xf32>
    %convert_element_type3A_1483 = arith.truncf %add3A_1482 : vector<256x4xf32> to vector<256x4xbf16>
    %dot_general3A_1484 = arith.constant dense<0.000000e+00> : vector<4x256xf32>
    %dot_general3A_1485 = tpu.matmul %convert_element_type3A_1475, %convert_element_type3A_1471, %dot_general3A_1484 {dimension_numbers = #tpu.dot_dimension_numbers<[0], [1], [1], [0], [0, 1, 1, 0], [], []>, transpose_lhs_hint = false} : vector<256x4xbf16>, vector<256x256xbf16>, vector<4x256xf32> -> vector<4x256xf32>
    %get3A_1486 = arith.constant 0 : index
    %get3A_1487 = arith.constant 0 : index
    %get3A_1488 = vector.load %arg5[%get3A_1486, %get3A_1487] : memref<4x1xf32, #tpu.memory_space<vmem>>, vector<4x1xf32>
    %add3A_1489 = vector.broadcast %get3A_1488 : vector<4x1xf32> to vector<4x256xf32>
    %add3A_1490 = arith.addf %dot_general3A_1485, %add3A_1489 : vector<4x256xf32>
    %convert_element_type3A_1491 = arith.truncf %add3A_1490 : vector<4x256xf32> to vector<4x256xbf16>
    %get3A_1492 = arith.constant 0 : index
    %get3A_1493 = arith.constant 0 : index
    %get3A_1494 = vector.load %arg2[%get3A_1492, %get3A_1493] : memref<256x512xf32, #tpu.memory_space<vmem>>, vector<256x512xf32>
    %convert_element_type3A_1495 = arith.truncf %get3A_1494 : vector<256x512xf32> to vector<256x512xbf16>
    %dot_general3A_1496 = arith.constant dense<0.000000e+00> : vector<256x512xf32>
    %dot_general3A_1497 = tpu.matmul %convert_element_type3A_1471, %convert_element_type3A_1495, %dot_general3A_1496 {dimension_numbers = #tpu.dot_dimension_numbers<[1], [0], [0], [1], [0, 0, 1, 1], [], []>, transpose_lhs_hint = false} : vector<256x256xbf16>, vector<256x512xbf16>, vector<256x512xf32> -> vector<256x512xf32>
    %convert_element_type3A_1498 = arith.truncf %dot_general3A_1497 : vector<256x512xf32> to vector<256x512xbf16>
    %slice3A_1499 = vector.extract_strided_slice %convert_element_type3A_1483 {offsets = [0, 0], sizes = [256, 1], strides = [1, 1]} : vector<256x4xbf16> to vector<256x1xbf16>
    %slice3A_1500 = vector.extract_strided_slice %convert_element_type3A_1491 {offsets = [1, 0], sizes = [1, 256], strides = [1, 1]} : vector<4x256xbf16> to vector<1x256xbf16>
    %add3A_1501 = vector.broadcast %slice3A_1499 : vector<256x1xbf16> to vector<256x256xbf16>
    %add3A_1502 = vector.broadcast %slice3A_1500 : vector<1x256xbf16> to vector<256x256xbf16>
    %add3A_1503 = arith.addf %add3A_1501, %add3A_1502 : vector<256x256xbf16>
    %mul3A_1504 = arith.constant 2.001950e-01 : bf16
    %mul3A_1505 = vector.broadcast %mul3A_1504 : bf16 to vector<256x256xbf16>
    %mul3A_1506 = arith.mulf %mul3A_1505, %add3A_1503 : vector<256x256xbf16>
    %max3A_1507 = arith.maximumf %add3A_1503, %mul3A_1506 : vector<256x256xbf16>
    %exp3A_1508 = math.exp %max3A_1507 : vector<256x256xbf16>
    %mul3A_1509 = arith.mulf %exp3A_1508, %convert_element_type3A_56 : vector<256x256xbf16>
    %convert_element_type3A_1510 = arith.extf %mul3A_1509 : vector<256x256xbf16> to vector<256x256xf32>
    %reduce_sum3A_1511 = arith.constant dense<0.000000e+00> : vector<256xf32>
    %reduce_sum3A_1512 = vector.multi_reduction <add>, %convert_element_type3A_1510, %reduce_sum3A_1511 [1] : vector<256x256xf32> to vector<256xf32>
    %broadcast_in_dim3A_1513 = vector.shape_cast %reduce_sum3A_1512 : vector<256xf32> to vector<256x1xf32>
    %div3A_1514 = arith.constant 1.000000e+00 : f32
    %div3A_1515 = vector.broadcast %div3A_1514 : f32 to vector<256x1xf32>
    %div3A_1516 = arith.divf %div3A_1515, %broadcast_in_dim3A_1513 : vector<256x1xf32>
    %convert_element_type3A_1517 = arith.truncf %div3A_1516 : vector<256x1xf32> to vector<256x1xbf16>
    %mul3A_1518 = vector.broadcast %convert_element_type3A_1517 : vector<256x1xbf16> to vector<256x256xbf16>
    %mul3A_1519 = arith.mulf %mul3A_1509, %mul3A_1518 : vector<256x256xbf16>
    %slice3A_1520 = vector.extract_strided_slice %convert_element_type3A_1498 {offsets = [0, 0], sizes = [256, 256], strides = [1, 1]} : vector<256x512xbf16> to vector<256x256xbf16>
    %dot_general3A_1521 = arith.constant dense<0.000000e+00> : vector<256x256xf32>
    %dot_general3A_1522 = tpu.matmul %mul3A_1519, %slice3A_1520, %dot_general3A_1521 {dimension_numbers = #tpu.dot_dimension_numbers<[1], [0], [0], [1], [0, 0, 1, 1], [], []>, transpose_lhs_hint = false} : vector<256x256xbf16>, vector<256x256xbf16>, vector<256x256xf32> -> vector<256x256xf32>
    %convert_element_type3A_1523 = arith.truncf %dot_general3A_1522 : vector<256x256xf32> to vector<256x256xbf16>
    %slice3A_1524 = vector.extract_strided_slice %convert_element_type3A_1483 {offsets = [0, 2], sizes = [256, 1], strides = [1, 1]} : vector<256x4xbf16> to vector<256x1xbf16>
    %slice3A_1525 = vector.extract_strided_slice %convert_element_type3A_1491 {offsets = [3, 0], sizes = [1, 256], strides = [1, 1]} : vector<4x256xbf16> to vector<1x256xbf16>
    %add3A_1526 = vector.broadcast %slice3A_1524 : vector<256x1xbf16> to vector<256x256xbf16>
    %add3A_1527 = vector.broadcast %slice3A_1525 : vector<1x256xbf16> to vector<256x256xbf16>
    %add3A_1528 = arith.addf %add3A_1526, %add3A_1527 : vector<256x256xbf16>
    %mul3A_1529 = arith.constant 2.001950e-01 : bf16
    %mul3A_1530 = vector.broadcast %mul3A_1529 : bf16 to vector<256x256xbf16>
    %mul3A_1531 = arith.mulf %mul3A_1530, %add3A_1528 : vector<256x256xbf16>
    %max3A_1532 = arith.maximumf %add3A_1528, %mul3A_1531 : vector<256x256xbf16>
    %exp3A_1533 = math.exp %max3A_1532 : vector<256x256xbf16>
    %mul3A_1534 = arith.mulf %exp3A_1533, %convert_element_type3A_56 : vector<256x256xbf16>
    %convert_element_type3A_1535 = arith.extf %mul3A_1534 : vector<256x256xbf16> to vector<256x256xf32>
    %reduce_sum3A_1536 = arith.constant dense<0.000000e+00> : vector<256xf32>
    %reduce_sum3A_1537 = vector.multi_reduction <add>, %convert_element_type3A_1535, %reduce_sum3A_1536 [1] : vector<256x256xf32> to vector<256xf32>
    %broadcast_in_dim3A_1538 = vector.shape_cast %reduce_sum3A_1537 : vector<256xf32> to vector<256x1xf32>
    %div3A_1539 = arith.constant 1.000000e+00 : f32
    %div3A_1540 = vector.broadcast %div3A_1539 : f32 to vector<256x1xf32>
    %div3A_1541 = arith.divf %div3A_1540, %broadcast_in_dim3A_1538 : vector<256x1xf32>
    %convert_element_type3A_1542 = arith.truncf %div3A_1541 : vector<256x1xf32> to vector<256x1xbf16>
    %mul3A_1543 = vector.broadcast %convert_element_type3A_1542 : vector<256x1xbf16> to vector<256x256xbf16>
    %mul3A_1544 = arith.mulf %mul3A_1534, %mul3A_1543 : vector<256x256xbf16>
    %slice3A_1545 = vector.extract_strided_slice %convert_element_type3A_1498 {offsets = [0, 256], sizes = [256, 256], strides = [1, 1]} : vector<256x512xbf16> to vector<256x256xbf16>
    %dot_general3A_1546 = arith.constant dense<0.000000e+00> : vector<256x256xf32>
    %dot_general3A_1547 = tpu.matmul %mul3A_1544, %slice3A_1545, %dot_general3A_1546 {dimension_numbers = #tpu.dot_dimension_numbers<[1], [0], [0], [1], [0, 0, 1, 1], [], []>, transpose_lhs_hint = false} : vector<256x256xbf16>, vector<256x256xbf16>, vector<256x256xf32> -> vector<256x256xf32>
    %convert_element_type3A_1548 = arith.truncf %dot_general3A_1547 : vector<256x256xf32> to vector<256x256xbf16>
    %concatenate3A_1549 = tpu.concatenate %convert_element_type3A_1523, %convert_element_type3A_1548 in 1 : vector<256x256xbf16>, vector<256x256xbf16> -> vector<256x512xbf16>
    %get3A_1550 = arith.constant 0 : index
    %get3A_1551 = arith.constant 0 : index
    %get3A_1552 = vector.load %arg7[%get3A_1550, %get3A_1551] : memref<512x4xf32, #tpu.memory_space<vmem>>, vector<512x4xf32>
    %convert_element_type3A_1553 = arith.truncf %get3A_1552 : vector<512x4xf32> to vector<512x4xbf16>
    %dot_general3A_1554 = arith.constant dense<0.000000e+00> : vector<256x4xf32>
    %dot_general3A_1555 = tpu.matmul %concatenate3A_1549, %convert_element_type3A_1553, %dot_general3A_1554 {dimension_numbers = #tpu.dot_dimension_numbers<[1], [0], [0], [1], [0, 0, 1, 1], [], []>, transpose_lhs_hint = false} : vector<256x512xbf16>, vector<512x4xbf16>, vector<256x4xf32> -> vector<256x4xf32>
    %get3A_1556 = arith.constant 0 : index
    %get3A_1557 = arith.constant 0 : index
    %get3A_1558 = vector.load %arg8[%get3A_1556, %get3A_1557] : memref<1x4xf32, #tpu.memory_space<vmem>>, vector<1x4xf32>
    %add3A_1559 = vector.broadcast %get3A_1558 : vector<1x4xf32> to vector<256x4xf32>
    %add3A_1560 = arith.addf %dot_general3A_1555, %add3A_1559 : vector<256x4xf32>
    %convert_element_type3A_1561 = arith.truncf %add3A_1560 : vector<256x4xf32> to vector<256x4xbf16>
    %dot_general3A_1562 = arith.constant dense<0.000000e+00> : vector<4x256xf32>
    %dot_general3A_1563 = tpu.matmul %convert_element_type3A_1553, %concatenate3A_1549, %dot_general3A_1562 {dimension_numbers = #tpu.dot_dimension_numbers<[0], [1], [1], [0], [0, 1, 1, 0], [], []>, transpose_lhs_hint = false} : vector<512x4xbf16>, vector<256x512xbf16>, vector<4x256xf32> -> vector<4x256xf32>
    %get3A_1564 = arith.constant 0 : index
    %get3A_1565 = arith.constant 0 : index
    %get3A_1566 = vector.load %arg9[%get3A_1564, %get3A_1565] : memref<4x1xf32, #tpu.memory_space<vmem>>, vector<4x1xf32>
    %add3A_1567 = vector.broadcast %get3A_1566 : vector<4x1xf32> to vector<4x256xf32>
    %add3A_1568 = arith.addf %dot_general3A_1563, %add3A_1567 : vector<4x256xf32>
    %convert_element_type3A_1569 = arith.truncf %add3A_1568 : vector<4x256xf32> to vector<4x256xbf16>
    %get3A_1570 = arith.constant 0 : index
    %get3A_1571 = arith.constant 0 : index
    %get3A_1572 = vector.load %arg6[%get3A_1570, %get3A_1571] : memref<512x256xf32, #tpu.memory_space<vmem>>, vector<512x256xf32>
    %convert_element_type3A_1573 = arith.truncf %get3A_1572 : vector<512x256xf32> to vector<512x256xbf16>
    %dot_general3A_1574 = arith.constant dense<0.000000e+00> : vector<256x256xf32>
    %dot_general3A_1575 = tpu.matmul %concatenate3A_1549, %convert_element_type3A_1573, %dot_general3A_1574 {dimension_numbers = #tpu.dot_dimension_numbers<[1], [0], [0], [1], [0, 0, 1, 1], [], []>, transpose_lhs_hint = false} : vector<256x512xbf16>, vector<512x256xbf16>, vector<256x256xf32> -> vector<256x256xf32>
    %get3A_1576 = arith.constant 0 : index
    %get3A_1577 = arith.constant 0 : index
    %get3A_1578 = vector.load %arg10[%get3A_1576, %get3A_1577] : memref<1x256xf32, #tpu.memory_space<vmem>>, vector<1x256xf32>
    %add3A_1579 = vector.broadcast %get3A_1578 : vector<1x256xf32> to vector<256x256xf32>
    %add3A_1580 = arith.addf %dot_general3A_1575, %add3A_1579 : vector<256x256xf32>
    %convert_element_type3A_1581 = arith.truncf %add3A_1580 : vector<256x256xf32> to vector<256x256xbf16>
    %broadcast_in_dim3A_1582 = arith.constant 0.000000e+00 : f32
    %broadcast_in_dim3A_1583 = vector.broadcast %broadcast_in_dim3A_1582 : f32 to vector<256x128xf32>
    %slice3A_1584 = vector.extract_strided_slice %convert_element_type3A_1561 {offsets = [0, 0], sizes = [256, 1], strides = [1, 1]} : vector<256x4xbf16> to vector<256x1xbf16>
    %slice3A_1585 = vector.extract_strided_slice %convert_element_type3A_1569 {offsets = [1, 0], sizes = [1, 256], strides = [1, 1]} : vector<4x256xbf16> to vector<1x256xbf16>
    %add3A_1586 = vector.broadcast %slice3A_1584 : vector<256x1xbf16> to vector<256x256xbf16>
    %add3A_1587 = vector.broadcast %slice3A_1585 : vector<1x256xbf16> to vector<256x256xbf16>
    %add3A_1588 = arith.addf %add3A_1586, %add3A_1587 : vector<256x256xbf16>
    %mul3A_1589 = arith.constant 2.001950e-01 : bf16
    %mul3A_1590 = vector.broadcast %mul3A_1589 : bf16 to vector<256x256xbf16>
    %mul3A_1591 = arith.mulf %mul3A_1590, %add3A_1588 : vector<256x256xbf16>
    %max3A_1592 = arith.maximumf %add3A_1588, %mul3A_1591 : vector<256x256xbf16>
    %exp3A_1593 = math.exp %max3A_1592 : vector<256x256xbf16>
    %mul3A_1594 = arith.mulf %exp3A_1593, %convert_element_type3A_56 : vector<256x256xbf16>
    %convert_element_type3A_1595 = arith.extf %mul3A_1594 : vector<256x256xbf16> to vector<256x256xf32>
    %reduce_sum3A_1596 = arith.constant dense<0.000000e+00> : vector<256xf32>
    %reduce_sum3A_1597 = vector.multi_reduction <add>, %convert_element_type3A_1595, %reduce_sum3A_1596 [1] : vector<256x256xf32> to vector<256xf32>
    %broadcast_in_dim3A_1598 = vector.shape_cast %reduce_sum3A_1597 : vector<256xf32> to vector<256x1xf32>
    %div3A_1599 = arith.constant 1.000000e+00 : f32
    %div3A_1600 = vector.broadcast %div3A_1599 : f32 to vector<256x1xf32>
    %div3A_1601 = arith.divf %div3A_1600, %broadcast_in_dim3A_1598 : vector<256x1xf32>
    %slice3A_1602 = vector.extract_strided_slice %convert_element_type3A_1581 {offsets = [0, 0], sizes = [256, 128], strides = [1, 1]} : vector<256x256xbf16> to vector<256x128xbf16>
    %dot_general3A_1603 = arith.constant dense<0.000000e+00> : vector<256x128xf32>
    %dot_general3A_1604 = tpu.matmul %mul3A_1594, %slice3A_1602, %dot_general3A_1603 {dimension_numbers = #tpu.dot_dimension_numbers<[1], [0], [0], [1], [0, 0, 1, 1], [], []>, transpose_lhs_hint = false} : vector<256x256xbf16>, vector<256x128xbf16>, vector<256x128xf32> -> vector<256x128xf32>
    %mul3A_1605 = vector.broadcast %div3A_1601 : vector<256x1xf32> to vector<256x128xf32>
    %mul3A_1606 = arith.mulf %dot_general3A_1604, %mul3A_1605 : vector<256x128xf32>
    %add3A_1607 = arith.addf %broadcast_in_dim3A_1583, %mul3A_1606 : vector<256x128xf32>
    %slice3A_1608 = vector.extract_strided_slice %convert_element_type3A_1561 {offsets = [0, 2], sizes = [256, 1], strides = [1, 1]} : vector<256x4xbf16> to vector<256x1xbf16>
    %slice3A_1609 = vector.extract_strided_slice %convert_element_type3A_1569 {offsets = [3, 0], sizes = [1, 256], strides = [1, 1]} : vector<4x256xbf16> to vector<1x256xbf16>
    %add3A_1610 = vector.broadcast %slice3A_1608 : vector<256x1xbf16> to vector<256x256xbf16>
    %add3A_1611 = vector.broadcast %slice3A_1609 : vector<1x256xbf16> to vector<256x256xbf16>
    %add3A_1612 = arith.addf %add3A_1610, %add3A_1611 : vector<256x256xbf16>
    %mul3A_1613 = arith.constant 2.001950e-01 : bf16
    %mul3A_1614 = vector.broadcast %mul3A_1613 : bf16 to vector<256x256xbf16>
    %mul3A_1615 = arith.mulf %mul3A_1614, %add3A_1612 : vector<256x256xbf16>
    %max3A_1616 = arith.maximumf %add3A_1612, %mul3A_1615 : vector<256x256xbf16>
    %exp3A_1617 = math.exp %max3A_1616 : vector<256x256xbf16>
    %mul3A_1618 = arith.mulf %exp3A_1617, %convert_element_type3A_56 : vector<256x256xbf16>
    %convert_element_type3A_1619 = arith.extf %mul3A_1618 : vector<256x256xbf16> to vector<256x256xf32>
    %reduce_sum3A_1620 = arith.constant dense<0.000000e+00> : vector<256xf32>
    %reduce_sum3A_1621 = vector.multi_reduction <add>, %convert_element_type3A_1619, %reduce_sum3A_1620 [1] : vector<256x256xf32> to vector<256xf32>
    %broadcast_in_dim3A_1622 = vector.shape_cast %reduce_sum3A_1621 : vector<256xf32> to vector<256x1xf32>
    %div3A_1623 = arith.constant 1.000000e+00 : f32
    %div3A_1624 = vector.broadcast %div3A_1623 : f32 to vector<256x1xf32>
    %div3A_1625 = arith.divf %div3A_1624, %broadcast_in_dim3A_1622 : vector<256x1xf32>
    %slice3A_1626 = vector.extract_strided_slice %convert_element_type3A_1581 {offsets = [0, 128], sizes = [256, 128], strides = [1, 1]} : vector<256x256xbf16> to vector<256x128xbf16>
    %dot_general3A_1627 = arith.constant dense<0.000000e+00> : vector<256x128xf32>
    %dot_general3A_1628 = tpu.matmul %mul3A_1618, %slice3A_1626, %dot_general3A_1627 {dimension_numbers = #tpu.dot_dimension_numbers<[1], [0], [0], [1], [0, 0, 1, 1], [], []>, transpose_lhs_hint = false} : vector<256x256xbf16>, vector<256x128xbf16>, vector<256x128xf32> -> vector<256x128xf32>
    %mul3A_1629 = vector.broadcast %div3A_1625 : vector<256x1xf32> to vector<256x128xf32>
    %mul3A_1630 = arith.mulf %dot_general3A_1628, %mul3A_1629 : vector<256x128xf32>
    %add3A_1631 = arith.addf %add3A_1607, %mul3A_1630 : vector<256x128xf32>
    %reshape3A_1632 = vector.shape_cast %add3A_1631 : vector<256x128xf32> to vector<8x32x128xf32>
    %slice3A_1633 = vector.extract_strided_slice %reshape3A_1632 {offsets = [0, 0, 0], sizes = [8, 1, 128], strides = [1, 1, 1]} : vector<8x32x128xf32> to vector<8x1x128xf32>
    %squeeze3A_1634 = vector.shape_cast %slice3A_1633 : vector<8x1x128xf32> to vector<8x128xf32>
    %mul3A_1635 = arith.constant 5.000000e-01 : f32
    %mul3A_1636 = vector.broadcast %mul3A_1635 : f32 to vector<8x128xf32>
    %mul3A_1637 = arith.mulf %squeeze3A_1634, %mul3A_1636 : vector<8x128xf32>
    %get3A_1638 = arith.constant 0 : index
    %get3A_1639 = arith.constant 0 : index
    %get3A_1640 = vector.load %arg11[%get3A_1638, %get3A_1639] : memref<1x128xf32, #tpu.memory_space<vmem>>, vector<1x128xf32>
    %add3A_1641 = vector.broadcast %get3A_1640 : vector<1x128xf32> to vector<8x128xf32>
    %add3A_1642 = arith.addf %mul3A_1637, %add3A_1641 : vector<8x128xf32>
    %swap3A_1643 = arith.constant 64 : index
    %swap3A_1644 = arith.constant 0 : index
    %swap3A_1645 = vector.load %arg12[%swap3A_1643, %swap3A_1644] : memref<128x128xf32, #tpu.memory_space<vmem>>, vector<8x128xf32>
    tpu.vector_store %arg12[%swap3A_1643, %swap3A_1644], %add3A_1642 {strides = array<i32>} : memref<128x128xf32, #tpu.memory_space<vmem>>, vector<8x128xf32>,
    %get3A_1646 = arith.constant 2304 : index
    %get3A_1647 = arith.constant 0 : index
    %get3A_1648 = vector.load %arg1[%get3A_1646, %get3A_1647] : memref<4096x256xf32, #tpu.memory_space<vmem>>, vector<256x256xf32>
    %convert_element_type3A_1649 = arith.truncf %get3A_1648 : vector<256x256xf32> to vector<256x256xbf16>
    %get3A_1650 = arith.constant 0 : index
    %get3A_1651 = arith.constant 0 : index
    %get3A_1652 = vector.load %arg3[%get3A_1650, %get3A_1651] : memref<256x4xf32, #tpu.memory_space<vmem>>, vector<256x4xf32>
    %convert_element_type3A_1653 = arith.truncf %get3A_1652 : vector<256x4xf32> to vector<256x4xbf16>
    %dot_general3A_1654 = arith.constant dense<0.000000e+00> : vector<256x4xf32>
    %dot_general3A_1655 = tpu.matmul %convert_element_type3A_1649, %convert_element_type3A_1653, %dot_general3A_1654 {dimension_numbers = #tpu.dot_dimension_numbers<[1], [0], [0], [1], [0, 0, 1, 1], [], []>, transpose_lhs_hint = false} : vector<256x256xbf16>, vector<256x4xbf16>, vector<256x4xf32> -> vector<256x4xf32>
    %get3A_1656 = arith.constant 0 : index
    %get3A_1657 = arith.constant 0 : index
    %get3A_1658 = vector.load %arg4[%get3A_1656, %get3A_1657] : memref<1x4xf32, #tpu.memory_space<vmem>>, vector<1x4xf32>
    %add3A_1659 = vector.broadcast %get3A_1658 : vector<1x4xf32> to vector<256x4xf32>
    %add3A_1660 = arith.addf %dot_general3A_1655, %add3A_1659 : vector<256x4xf32>
    %convert_element_type3A_1661 = arith.truncf %add3A_1660 : vector<256x4xf32> to vector<256x4xbf16>
    %dot_general3A_1662 = arith.constant dense<0.000000e+00> : vector<4x256xf32>
    %dot_general3A_1663 = tpu.matmul %convert_element_type3A_1653, %convert_element_type3A_1649, %dot_general3A_1662 {dimension_numbers = #tpu.dot_dimension_numbers<[0], [1], [1], [0], [0, 1, 1, 0], [], []>, transpose_lhs_hint = false} : vector<256x4xbf16>, vector<256x256xbf16>, vector<4x256xf32> -> vector<4x256xf32>
    %get3A_1664 = arith.constant 0 : index
    %get3A_1665 = arith.constant 0 : index
    %get3A_1666 = vector.load %arg5[%get3A_1664, %get3A_1665] : memref<4x1xf32, #tpu.memory_space<vmem>>, vector<4x1xf32>
    %add3A_1667 = vector.broadcast %get3A_1666 : vector<4x1xf32> to vector<4x256xf32>
    %add3A_1668 = arith.addf %dot_general3A_1663, %add3A_1667 : vector<4x256xf32>
    %convert_element_type3A_1669 = arith.truncf %add3A_1668 : vector<4x256xf32> to vector<4x256xbf16>
    %get3A_1670 = arith.constant 0 : index
    %get3A_1671 = arith.constant 0 : index
    %get3A_1672 = vector.load %arg2[%get3A_1670, %get3A_1671] : memref<256x512xf32, #tpu.memory_space<vmem>>, vector<256x512xf32>
    %convert_element_type3A_1673 = arith.truncf %get3A_1672 : vector<256x512xf32> to vector<256x512xbf16>
    %dot_general3A_1674 = arith.constant dense<0.000000e+00> : vector<256x512xf32>
    %dot_general3A_1675 = tpu.matmul %convert_element_type3A_1649, %convert_element_type3A_1673, %dot_general3A_1674 {dimension_numbers = #tpu.dot_dimension_numbers<[1], [0], [0], [1], [0, 0, 1, 1], [], []>, transpose_lhs_hint = false} : vector<256x256xbf16>, vector<256x512xbf16>, vector<256x512xf32> -> vector<256x512xf32>
    %convert_element_type3A_1676 = arith.truncf %dot_general3A_1675 : vector<256x512xf32> to vector<256x512xbf16>
    %slice3A_1677 = vector.extract_strided_slice %convert_element_type3A_1661 {offsets = [0, 0], sizes = [256, 1], strides = [1, 1]} : vector<256x4xbf16> to vector<256x1xbf16>
    %slice3A_1678 = vector.extract_strided_slice %convert_element_type3A_1669 {offsets = [1, 0], sizes = [1, 256], strides = [1, 1]} : vector<4x256xbf16> to vector<1x256xbf16>
    %add3A_1679 = vector.broadcast %slice3A_1677 : vector<256x1xbf16> to vector<256x256xbf16>
    %add3A_1680 = vector.broadcast %slice3A_1678 : vector<1x256xbf16> to vector<256x256xbf16>
    %add3A_1681 = arith.addf %add3A_1679, %add3A_1680 : vector<256x256xbf16>
    %mul3A_1682 = arith.constant 2.001950e-01 : bf16
    %mul3A_1683 = vector.broadcast %mul3A_1682 : bf16 to vector<256x256xbf16>
    %mul3A_1684 = arith.mulf %mul3A_1683, %add3A_1681 : vector<256x256xbf16>
    %max3A_1685 = arith.maximumf %add3A_1681, %mul3A_1684 : vector<256x256xbf16>
    %exp3A_1686 = math.exp %max3A_1685 : vector<256x256xbf16>
    %mul3A_1687 = arith.mulf %exp3A_1686, %convert_element_type3A_56 : vector<256x256xbf16>
    %convert_element_type3A_1688 = arith.extf %mul3A_1687 : vector<256x256xbf16> to vector<256x256xf32>
    %reduce_sum3A_1689 = arith.constant dense<0.000000e+00> : vector<256xf32>
    %reduce_sum3A_1690 = vector.multi_reduction <add>, %convert_element_type3A_1688, %reduce_sum3A_1689 [1] : vector<256x256xf32> to vector<256xf32>
    %broadcast_in_dim3A_1691 = vector.shape_cast %reduce_sum3A_1690 : vector<256xf32> to vector<256x1xf32>
    %div3A_1692 = arith.constant 1.000000e+00 : f32
    %div3A_1693 = vector.broadcast %div3A_1692 : f32 to vector<256x1xf32>
    %div3A_1694 = arith.divf %div3A_1693, %broadcast_in_dim3A_1691 : vector<256x1xf32>
    %convert_element_type3A_1695 = arith.truncf %div3A_1694 : vector<256x1xf32> to vector<256x1xbf16>
    %mul3A_1696 = vector.broadcast %convert_element_type3A_1695 : vector<256x1xbf16> to vector<256x256xbf16>
    %mul3A_1697 = arith.mulf %mul3A_1687, %mul3A_1696 : vector<256x256xbf16>
    %slice3A_1698 = vector.extract_strided_slice %convert_element_type3A_1676 {offsets = [0, 0], sizes = [256, 256], strides = [1, 1]} : vector<256x512xbf16> to vector<256x256xbf16>
    %dot_general3A_1699 = arith.constant dense<0.000000e+00> : vector<256x256xf32>
    %dot_general3A_1700 = tpu.matmul %mul3A_1697, %slice3A_1698, %dot_general3A_1699 {dimension_numbers = #tpu.dot_dimension_numbers<[1], [0], [0], [1], [0, 0, 1, 1], [], []>, transpose_lhs_hint = false} : vector<256x256xbf16>, vector<256x256xbf16>, vector<256x256xf32> -> vector<256x256xf32>
    %convert_element_type3A_1701 = arith.truncf %dot_general3A_1700 : vector<256x256xf32> to vector<256x256xbf16>
    %slice3A_1702 = vector.extract_strided_slice %convert_element_type3A_1661 {offsets = [0, 2], sizes = [256, 1], strides = [1, 1]} : vector<256x4xbf16> to vector<256x1xbf16>
    %slice3A_1703 = vector.extract_strided_slice %convert_element_type3A_1669 {offsets = [3, 0], sizes = [1, 256], strides = [1, 1]} : vector<4x256xbf16> to vector<1x256xbf16>
    %add3A_1704 = vector.broadcast %slice3A_1702 : vector<256x1xbf16> to vector<256x256xbf16>
    %add3A_1705 = vector.broadcast %slice3A_1703 : vector<1x256xbf16> to vector<256x256xbf16>
    %add3A_1706 = arith.addf %add3A_1704, %add3A_1705 : vector<256x256xbf16>
    %mul3A_1707 = arith.constant 2.001950e-01 : bf16
    %mul3A_1708 = vector.broadcast %mul3A_1707 : bf16 to vector<256x256xbf16>
    %mul3A_1709 = arith.mulf %mul3A_1708, %add3A_1706 : vector<256x256xbf16>
    %max3A_1710 = arith.maximumf %add3A_1706, %mul3A_1709 : vector<256x256xbf16>
    %exp3A_1711 = math.exp %max3A_1710 : vector<256x256xbf16>
    %mul3A_1712 = arith.mulf %exp3A_1711, %convert_element_type3A_56 : vector<256x256xbf16>
    %convert_element_type3A_1713 = arith.extf %mul3A_1712 : vector<256x256xbf16> to vector<256x256xf32>
    %reduce_sum3A_1714 = arith.constant dense<0.000000e+00> : vector<256xf32>
    %reduce_sum3A_1715 = vector.multi_reduction <add>, %convert_element_type3A_1713, %reduce_sum3A_1714 [1] : vector<256x256xf32> to vector<256xf32>
    %broadcast_in_dim3A_1716 = vector.shape_cast %reduce_sum3A_1715 : vector<256xf32> to vector<256x1xf32>
    %div3A_1717 = arith.constant 1.000000e+00 : f32
    %div3A_1718 = vector.broadcast %div3A_1717 : f32 to vector<256x1xf32>
    %div3A_1719 = arith.divf %div3A_1718, %broadcast_in_dim3A_1716 : vector<256x1xf32>
    %convert_element_type3A_1720 = arith.truncf %div3A_1719 : vector<256x1xf32> to vector<256x1xbf16>
    %mul3A_1721 = vector.broadcast %convert_element_type3A_1720 : vector<256x1xbf16> to vector<256x256xbf16>
    %mul3A_1722 = arith.mulf %mul3A_1712, %mul3A_1721 : vector<256x256xbf16>
    %slice3A_1723 = vector.extract_strided_slice %convert_element_type3A_1676 {offsets = [0, 256], sizes = [256, 256], strides = [1, 1]} : vector<256x512xbf16> to vector<256x256xbf16>
    %dot_general3A_1724 = arith.constant dense<0.000000e+00> : vector<256x256xf32>
    %dot_general3A_1725 = tpu.matmul %mul3A_1722, %slice3A_1723, %dot_general3A_1724 {dimension_numbers = #tpu.dot_dimension_numbers<[1], [0], [0], [1], [0, 0, 1, 1], [], []>, transpose_lhs_hint = false} : vector<256x256xbf16>, vector<256x256xbf16>, vector<256x256xf32> -> vector<256x256xf32>
    %convert_element_type3A_1726 = arith.truncf %dot_general3A_1725 : vector<256x256xf32> to vector<256x256xbf16>
    %concatenate3A_1727 = tpu.concatenate %convert_element_type3A_1701, %convert_element_type3A_1726 in 1 : vector<256x256xbf16>, vector<256x256xbf16> -> vector<256x512xbf16>
    %get3A_1728 = arith.constant 0 : index
    %get3A_1729 = arith.constant 0 : index
    %get3A_1730 = vector.load %arg7[%get3A_1728, %get3A_1729] : memref<512x4xf32, #tpu.memory_space<vmem>>, vector<512x4xf32>
    %convert_element_type3A_1731 = arith.truncf %get3A_1730 : vector<512x4xf32> to vector<512x4xbf16>
    %dot_general3A_1732 = arith.constant dense<0.000000e+00> : vector<256x4xf32>
    %dot_general3A_1733 = tpu.matmul %concatenate3A_1727, %convert_element_type3A_1731, %dot_general3A_1732 {dimension_numbers = #tpu.dot_dimension_numbers<[1], [0], [0], [1], [0, 0, 1, 1], [], []>, transpose_lhs_hint = false} : vector<256x512xbf16>, vector<512x4xbf16>, vector<256x4xf32> -> vector<256x4xf32>
    %get3A_1734 = arith.constant 0 : index
    %get3A_1735 = arith.constant 0 : index
    %get3A_1736 = vector.load %arg8[%get3A_1734, %get3A_1735] : memref<1x4xf32, #tpu.memory_space<vmem>>, vector<1x4xf32>
    %add3A_1737 = vector.broadcast %get3A_1736 : vector<1x4xf32> to vector<256x4xf32>
    %add3A_1738 = arith.addf %dot_general3A_1733, %add3A_1737 : vector<256x4xf32>
    %convert_element_type3A_1739 = arith.truncf %add3A_1738 : vector<256x4xf32> to vector<256x4xbf16>
    %dot_general3A_1740 = arith.constant dense<0.000000e+00> : vector<4x256xf32>
    %dot_general3A_1741 = tpu.matmul %convert_element_type3A_1731, %concatenate3A_1727, %dot_general3A_1740 {dimension_numbers = #tpu.dot_dimension_numbers<[0], [1], [1], [0], [0, 1, 1, 0], [], []>, transpose_lhs_hint = false} : vector<512x4xbf16>, vector<256x512xbf16>, vector<4x256xf32> -> vector<4x256xf32>
    %get3A_1742 = arith.constant 0 : index
    %get3A_1743 = arith.constant 0 : index
    %get3A_1744 = vector.load %arg9[%get3A_1742, %get3A_1743] : memref<4x1xf32, #tpu.memory_space<vmem>>, vector<4x1xf32>
    %add3A_1745 = vector.broadcast %get3A_1744 : vector<4x1xf32> to vector<4x256xf32>
    %add3A_1746 = arith.addf %dot_general3A_1741, %add3A_1745 : vector<4x256xf32>
    %convert_element_type3A_1747 = arith.truncf %add3A_1746 : vector<4x256xf32> to vector<4x256xbf16>
    %get3A_1748 = arith.constant 0 : index
    %get3A_1749 = arith.constant 0 : index
    %get3A_1750 = vector.load %arg6[%get3A_1748, %get3A_1749] : memref<512x256xf32, #tpu.memory_space<vmem>>, vector<512x256xf32>
    %convert_element_type3A_1751 = arith.truncf %get3A_1750 : vector<512x256xf32> to vector<512x256xbf16>
    %dot_general3A_1752 = arith.constant dense<0.000000e+00> : vector<256x256xf32>
    %dot_general3A_1753 = tpu.matmul %concatenate3A_1727, %convert_element_type3A_1751, %dot_general3A_1752 {dimension_numbers = #tpu.dot_dimension_numbers<[1], [0], [0], [1], [0, 0, 1, 1], [], []>, transpose_lhs_hint = false} : vector<256x512xbf16>, vector<512x256xbf16>, vector<256x256xf32> -> vector<256x256xf32>
    %get3A_1754 = arith.constant 0 : index
    %get3A_1755 = arith.constant 0 : index
    %get3A_1756 = vector.load %arg10[%get3A_1754, %get3A_1755] : memref<1x256xf32, #tpu.memory_space<vmem>>, vector<1x256xf32>
    %add3A_1757 = vector.broadcast %get3A_1756 : vector<1x256xf32> to vector<256x256xf32>
    %add3A_1758 = arith.addf %dot_general3A_1753, %add3A_1757 : vector<256x256xf32>
    %convert_element_type3A_1759 = arith.truncf %add3A_1758 : vector<256x256xf32> to vector<256x256xbf16>
    %broadcast_in_dim3A_1760 = arith.constant 0.000000e+00 : f32
    %broadcast_in_dim3A_1761 = vector.broadcast %broadcast_in_dim3A_1760 : f32 to vector<256x128xf32>
    %slice3A_1762 = vector.extract_strided_slice %convert_element_type3A_1739 {offsets = [0, 0], sizes = [256, 1], strides = [1, 1]} : vector<256x4xbf16> to vector<256x1xbf16>
    %slice3A_1763 = vector.extract_strided_slice %convert_element_type3A_1747 {offsets = [1, 0], sizes = [1, 256], strides = [1, 1]} : vector<4x256xbf16> to vector<1x256xbf16>
    %add3A_1764 = vector.broadcast %slice3A_1762 : vector<256x1xbf16> to vector<256x256xbf16>
    %add3A_1765 = vector.broadcast %slice3A_1763 : vector<1x256xbf16> to vector<256x256xbf16>
    %add3A_1766 = arith.addf %add3A_1764, %add3A_1765 : vector<256x256xbf16>
    %mul3A_1767 = arith.constant 2.001950e-01 : bf16
    %mul3A_1768 = vector.broadcast %mul3A_1767 : bf16 to vector<256x256xbf16>
    %mul3A_1769 = arith.mulf %mul3A_1768, %add3A_1766 : vector<256x256xbf16>
    %max3A_1770 = arith.maximumf %add3A_1766, %mul3A_1769 : vector<256x256xbf16>
    %exp3A_1771 = math.exp %max3A_1770 : vector<256x256xbf16>
    %mul3A_1772 = arith.mulf %exp3A_1771, %convert_element_type3A_56 : vector<256x256xbf16>
    %convert_element_type3A_1773 = arith.extf %mul3A_1772 : vector<256x256xbf16> to vector<256x256xf32>
    %reduce_sum3A_1774 = arith.constant dense<0.000000e+00> : vector<256xf32>
    %reduce_sum3A_1775 = vector.multi_reduction <add>, %convert_element_type3A_1773, %reduce_sum3A_1774 [1] : vector<256x256xf32> to vector<256xf32>
    %broadcast_in_dim3A_1776 = vector.shape_cast %reduce_sum3A_1775 : vector<256xf32> to vector<256x1xf32>
    %div3A_1777 = arith.constant 1.000000e+00 : f32
    %div3A_1778 = vector.broadcast %div3A_1777 : f32 to vector<256x1xf32>
    %div3A_1779 = arith.divf %div3A_1778, %broadcast_in_dim3A_1776 : vector<256x1xf32>
    %slice3A_1780 = vector.extract_strided_slice %convert_element_type3A_1759 {offsets = [0, 0], sizes = [256, 128], strides = [1, 1]} : vector<256x256xbf16> to vector<256x128xbf16>
    %dot_general3A_1781 = arith.constant dense<0.000000e+00> : vector<256x128xf32>
    %dot_general3A_1782 = tpu.matmul %mul3A_1772, %slice3A_1780, %dot_general3A_1781 {dimension_numbers = #tpu.dot_dimension_numbers<[1], [0], [0], [1], [0, 0, 1, 1], [], []>, transpose_lhs_hint = false} : vector<256x256xbf16>, vector<256x128xbf16>, vector<256x128xf32> -> vector<256x128xf32>
    %mul3A_1783 = vector.broadcast %div3A_1779 : vector<256x1xf32> to vector<256x128xf32>
    %mul3A_1784 = arith.mulf %dot_general3A_1782, %mul3A_1783 : vector<256x128xf32>
    %add3A_1785 = arith.addf %broadcast_in_dim3A_1761, %mul3A_1784 : vector<256x128xf32>
    %slice3A_1786 = vector.extract_strided_slice %convert_element_type3A_1739 {offsets = [0, 2], sizes = [256, 1], strides = [1, 1]} : vector<256x4xbf16> to vector<256x1xbf16>
    %slice3A_1787 = vector.extract_strided_slice %convert_element_type3A_1747 {offsets = [3, 0], sizes = [1, 256], strides = [1, 1]} : vector<4x256xbf16> to vector<1x256xbf16>
    %add3A_1788 = vector.broadcast %slice3A_1786 : vector<256x1xbf16> to vector<256x256xbf16>
    %add3A_1789 = vector.broadcast %slice3A_1787 : vector<1x256xbf16> to vector<256x256xbf16>
    %add3A_1790 = arith.addf %add3A_1788, %add3A_1789 : vector<256x256xbf16>
    %mul3A_1791 = arith.constant 2.001950e-01 : bf16
    %mul3A_1792 = vector.broadcast %mul3A_1791 : bf16 to vector<256x256xbf16>
    %mul3A_1793 = arith.mulf %mul3A_1792, %add3A_1790 : vector<256x256xbf16>
    %max3A_1794 = arith.maximumf %add3A_1790, %mul3A_1793 : vector<256x256xbf16>
    %exp3A_1795 = math.exp %max3A_1794 : vector<256x256xbf16>
    %mul3A_1796 = arith.mulf %exp3A_1795, %convert_element_type3A_56 : vector<256x256xbf16>
    %convert_element_type3A_1797 = arith.extf %mul3A_1796 : vector<256x256xbf16> to vector<256x256xf32>
    %reduce_sum3A_1798 = arith.constant dense<0.000000e+00> : vector<256xf32>
    %reduce_sum3A_1799 = vector.multi_reduction <add>, %convert_element_type3A_1797, %reduce_sum3A_1798 [1] : vector<256x256xf32> to vector<256xf32>
    %broadcast_in_dim3A_1800 = vector.shape_cast %reduce_sum3A_1799 : vector<256xf32> to vector<256x1xf32>
    %div3A_1801 = arith.constant 1.000000e+00 : f32
    %div3A_1802 = vector.broadcast %div3A_1801 : f32 to vector<256x1xf32>
    %div3A_1803 = arith.divf %div3A_1802, %broadcast_in_dim3A_1800 : vector<256x1xf32>
    %slice3A_1804 = vector.extract_strided_slice %convert_element_type3A_1759 {offsets = [0, 128], sizes = [256, 128], strides = [1, 1]} : vector<256x256xbf16> to vector<256x128xbf16>
    %dot_general3A_1805 = arith.constant dense<0.000000e+00> : vector<256x128xf32>
    %dot_general3A_1806 = tpu.matmul %mul3A_1796, %slice3A_1804, %dot_general3A_1805 {dimension_numbers = #tpu.dot_dimension_numbers<[1], [0], [0], [1], [0, 0, 1, 1], [], []>, transpose_lhs_hint = false} : vector<256x256xbf16>, vector<256x128xbf16>, vector<256x128xf32> -> vector<256x128xf32>
    %mul3A_1807 = vector.broadcast %div3A_1803 : vector<256x1xf32> to vector<256x128xf32>
    %mul3A_1808 = arith.mulf %dot_general3A_1806, %mul3A_1807 : vector<256x128xf32>
    %add3A_1809 = arith.addf %add3A_1785, %mul3A_1808 : vector<256x128xf32>
    %reshape3A_1810 = vector.shape_cast %add3A_1809 : vector<256x128xf32> to vector<8x32x128xf32>
    %slice3A_1811 = vector.extract_strided_slice %reshape3A_1810 {offsets = [0, 0, 0], sizes = [8, 1, 128], strides = [1, 1, 1]} : vector<8x32x128xf32> to vector<8x1x128xf32>
    %squeeze3A_1812 = vector.shape_cast %slice3A_1811 : vector<8x1x128xf32> to vector<8x128xf32>
    %mul3A_1813 = arith.constant 5.000000e-01 : f32
    %mul3A_1814 = vector.broadcast %mul3A_1813 : f32 to vector<8x128xf32>
    %mul3A_1815 = arith.mulf %squeeze3A_1812, %mul3A_1814 : vector<8x128xf32>
    %get3A_1816 = arith.constant 0 : index
    %get3A_1817 = arith.constant 0 : index
    %get3A_1818 = vector.load %arg11[%get3A_1816, %get3A_1817] : memref<1x128xf32, #tpu.memory_space<vmem>>, vector<1x128xf32>
    %add3A_1819 = vector.broadcast %get3A_1818 : vector<1x128xf32> to vector<8x128xf32>
    %add3A_1820 = arith.addf %mul3A_1815, %add3A_1819 : vector<8x128xf32>
    %swap3A_1821 = arith.constant 72 : index
    %swap3A_1822 = arith.constant 0 : index
    %swap3A_1823 = vector.load %arg12[%swap3A_1821, %swap3A_1822] : memref<128x128xf32, #tpu.memory_space<vmem>>, vector<8x128xf32>
    tpu.vector_store %arg12[%swap3A_1821, %swap3A_1822], %add3A_1820 {strides = array<i32>} : memref<128x128xf32, #tpu.memory_space<vmem>>, vector<8x128xf32>,
    %get3A_1824 = arith.constant 2560 : index
    %get3A_1825 = arith.constant 0 : index
    %get3A_1826 = vector.load %arg1[%get3A_1824, %get3A_1825] : memref<4096x256xf32, #tpu.memory_space<vmem>>, vector<256x256xf32>
    %convert_element_type3A_1827 = arith.truncf %get3A_1826 : vector<256x256xf32> to vector<256x256xbf16>
    %get3A_1828 = arith.constant 0 : index
    %get3A_1829 = arith.constant 0 : index
    %get3A_1830 = vector.load %arg3[%get3A_1828, %get3A_1829] : memref<256x4xf32, #tpu.memory_space<vmem>>, vector<256x4xf32>
    %convert_element_type3A_1831 = arith.truncf %get3A_1830 : vector<256x4xf32> to vector<256x4xbf16>
    %dot_general3A_1832 = arith.constant dense<0.000000e+00> : vector<256x4xf32>
    %dot_general3A_1833 = tpu.matmul %convert_element_type3A_1827, %convert_element_type3A_1831, %dot_general3A_1832 {dimension_numbers = #tpu.dot_dimension_numbers<[1], [0], [0], [1], [0, 0, 1, 1], [], []>, transpose_lhs_hint = false} : vector<256x256xbf16>, vector<256x4xbf16>, vector<256x4xf32> -> vector<256x4xf32>
    %get3A_1834 = arith.constant 0 : index
    %get3A_1835 = arith.constant 0 : index
    %get3A_1836 = vector.load %arg4[%get3A_1834, %get3A_1835] : memref<1x4xf32, #tpu.memory_space<vmem>>, vector<1x4xf32>
    %add3A_1837 = vector.broadcast %get3A_1836 : vector<1x4xf32> to vector<256x4xf32>
    %add3A_1838 = arith.addf %dot_general3A_1833, %add3A_1837 : vector<256x4xf32>
    %convert_element_type3A_1839 = arith.truncf %add3A_1838 : vector<256x4xf32> to vector<256x4xbf16>
    %dot_general3A_1840 = arith.constant dense<0.000000e+00> : vector<4x256xf32>
    %dot_general3A_1841 = tpu.matmul %convert_element_type3A_1831, %convert_element_type3A_1827, %dot_general3A_1840 {dimension_numbers = #tpu.dot_dimension_numbers<[0], [1], [1], [0], [0, 1, 1, 0], [], []>, transpose_lhs_hint = false} : vector<256x4xbf16>, vector<256x256xbf16>, vector<4x256xf32> -> vector<4x256xf32>
    %get3A_1842 = arith.constant 0 : index
    %get3A_1843 = arith.constant 0 : index
    %get3A_1844 = vector.load %arg5[%get3A_1842, %get3A_1843] : memref<4x1xf32, #tpu.memory_space<vmem>>, vector<4x1xf32>
    %add3A_1845 = vector.broadcast %get3A_1844 : vector<4x1xf32> to vector<4x256xf32>
    %add3A_1846 = arith.addf %dot_general3A_1841, %add3A_1845 : vector<4x256xf32>
    %convert_element_type3A_1847 = arith.truncf %add3A_1846 : vector<4x256xf32> to vector<4x256xbf16>
    %get3A_1848 = arith.constant 0 : index
    %get3A_1849 = arith.constant 0 : index
    %get3A_1850 = vector.load %arg2[%get3A_1848, %get3A_1849] : memref<256x512xf32, #tpu.memory_space<vmem>>, vector<256x512xf32>
    %convert_element_type3A_1851 = arith.truncf %get3A_1850 : vector<256x512xf32> to vector<256x512xbf16>
    %dot_general3A_1852 = arith.constant dense<0.000000e+00> : vector<256x512xf32>
    %dot_general3A_1853 = tpu.matmul %convert_element_type3A_1827, %convert_element_type3A_1851, %dot_general3A_1852 {dimension_numbers = #tpu.dot_dimension_numbers<[1], [0], [0], [1], [0, 0, 1, 1], [], []>, transpose_lhs_hint = false} : vector<256x256xbf16>, vector<256x512xbf16>, vector<256x512xf32> -> vector<256x512xf32>
    %convert_element_type3A_1854 = arith.truncf %dot_general3A_1853 : vector<256x512xf32> to vector<256x512xbf16>
    %slice3A_1855 = vector.extract_strided_slice %convert_element_type3A_1839 {offsets = [0, 0], sizes = [256, 1], strides = [1, 1]} : vector<256x4xbf16> to vector<256x1xbf16>
    %slice3A_1856 = vector.extract_strided_slice %convert_element_type3A_1847 {offsets = [1, 0], sizes = [1, 256], strides = [1, 1]} : vector<4x256xbf16> to vector<1x256xbf16>
    %add3A_1857 = vector.broadcast %slice3A_1855 : vector<256x1xbf16> to vector<256x256xbf16>
    %add3A_1858 = vector.broadcast %slice3A_1856 : vector<1x256xbf16> to vector<256x256xbf16>
    %add3A_1859 = arith.addf %add3A_1857, %add3A_1858 : vector<256x256xbf16>
    %mul3A_1860 = arith.constant 2.001950e-01 : bf16
    %mul3A_1861 = vector.broadcast %mul3A_1860 : bf16 to vector<256x256xbf16>
    %mul3A_1862 = arith.mulf %mul3A_1861, %add3A_1859 : vector<256x256xbf16>
    %max3A_1863 = arith.maximumf %add3A_1859, %mul3A_1862 : vector<256x256xbf16>
    %exp3A_1864 = math.exp %max3A_1863 : vector<256x256xbf16>
    %mul3A_1865 = arith.mulf %exp3A_1864, %convert_element_type3A_56 : vector<256x256xbf16>
    %convert_element_type3A_1866 = arith.extf %mul3A_1865 : vector<256x256xbf16> to vector<256x256xf32>
    %reduce_sum3A_1867 = arith.constant dense<0.000000e+00> : vector<256xf32>
    %reduce_sum3A_1868 = vector.multi_reduction <add>, %convert_element_type3A_1866, %reduce_sum3A_1867 [1] : vector<256x256xf32> to vector<256xf32>
    %broadcast_in_dim3A_1869 = vector.shape_cast %reduce_sum3A_1868 : vector<256xf32> to vector<256x1xf32>
    %div3A_1870 = arith.constant 1.000000e+00 : f32
    %div3A_1871 = vector.broadcast %div3A_1870 : f32 to vector<256x1xf32>
    %div3A_1872 = arith.divf %div3A_1871, %broadcast_in_dim3A_1869 : vector<256x1xf32>
    %convert_element_type3A_1873 = arith.truncf %div3A_1872 : vector<256x1xf32> to vector<256x1xbf16>
    %mul3A_1874 = vector.broadcast %convert_element_type3A_1873 : vector<256x1xbf16> to vector<256x256xbf16>
    %mul3A_1875 = arith.mulf %mul3A_1865, %mul3A_1874 : vector<256x256xbf16>
    %slice3A_1876 = vector.extract_strided_slice %convert_element_type3A_1854 {offsets = [0, 0], sizes = [256, 256], strides = [1, 1]} : vector<256x512xbf16> to vector<256x256xbf16>
    %dot_general3A_1877 = arith.constant dense<0.000000e+00> : vector<256x256xf32>
    %dot_general3A_1878 = tpu.matmul %mul3A_1875, %slice3A_1876, %dot_general3A_1877 {dimension_numbers = #tpu.dot_dimension_numbers<[1], [0], [0], [1], [0, 0, 1, 1], [], []>, transpose_lhs_hint = false} : vector<256x256xbf16>, vector<256x256xbf16>, vector<256x256xf32> -> vector<256x256xf32>
    %convert_element_type3A_1879 = arith.truncf %dot_general3A_1878 : vector<256x256xf32> to vector<256x256xbf16>
    %slice3A_1880 = vector.extract_strided_slice %convert_element_type3A_1839 {offsets = [0, 2], sizes = [256, 1], strides = [1, 1]} : vector<256x4xbf16> to vector<256x1xbf16>
    %slice3A_1881 = vector.extract_strided_slice %convert_element_type3A_1847 {offsets = [3, 0], sizes = [1, 256], strides = [1, 1]} : vector<4x256xbf16> to vector<1x256xbf16>
    %add3A_1882 = vector.broadcast %slice3A_1880 : vector<256x1xbf16> to vector<256x256xbf16>
    %add3A_1883 = vector.broadcast %slice3A_1881 : vector<1x256xbf16> to vector<256x256xbf16>
    %add3A_1884 = arith.addf %add3A_1882, %add3A_1883 : vector<256x256xbf16>
    %mul3A_1885 = arith.constant 2.001950e-01 : bf16
    %mul3A_1886 = vector.broadcast %mul3A_1885 : bf16 to vector<256x256xbf16>
    %mul3A_1887 = arith.mulf %mul3A_1886, %add3A_1884 : vector<256x256xbf16>
    %max3A_1888 = arith.maximumf %add3A_1884, %mul3A_1887 : vector<256x256xbf16>
    %exp3A_1889 = math.exp %max3A_1888 : vector<256x256xbf16>
    %mul3A_1890 = arith.mulf %exp3A_1889, %convert_element_type3A_56 : vector<256x256xbf16>
    %convert_element_type3A_1891 = arith.extf %mul3A_1890 : vector<256x256xbf16> to vector<256x256xf32>
    %reduce_sum3A_1892 = arith.constant dense<0.000000e+00> : vector<256xf32>
    %reduce_sum3A_1893 = vector.multi_reduction <add>, %convert_element_type3A_1891, %reduce_sum3A_1892 [1] : vector<256x256xf32> to vector<256xf32>
    %broadcast_in_dim3A_1894 = vector.shape_cast %reduce_sum3A_1893 : vector<256xf32> to vector<256x1xf32>
    %div3A_1895 = arith.constant 1.000000e+00 : f32
    %div3A_1896 = vector.broadcast %div3A_1895 : f32 to vector<256x1xf32>
    %div3A_1897 = arith.divf %div3A_1896, %broadcast_in_dim3A_1894 : vector<256x1xf32>
    %convert_element_type3A_1898 = arith.truncf %div3A_1897 : vector<256x1xf32> to vector<256x1xbf16>
    %mul3A_1899 = vector.broadcast %convert_element_type3A_1898 : vector<256x1xbf16> to vector<256x256xbf16>
    %mul3A_1900 = arith.mulf %mul3A_1890, %mul3A_1899 : vector<256x256xbf16>
    %slice3A_1901 = vector.extract_strided_slice %convert_element_type3A_1854 {offsets = [0, 256], sizes = [256, 256], strides = [1, 1]} : vector<256x512xbf16> to vector<256x256xbf16>
    %dot_general3A_1902 = arith.constant dense<0.000000e+00> : vector<256x256xf32>
    %dot_general3A_1903 = tpu.matmul %mul3A_1900, %slice3A_1901, %dot_general3A_1902 {dimension_numbers = #tpu.dot_dimension_numbers<[1], [0], [0], [1], [0, 0, 1, 1], [], []>, transpose_lhs_hint = false} : vector<256x256xbf16>, vector<256x256xbf16>, vector<256x256xf32> -> vector<256x256xf32>
    %convert_element_type3A_1904 = arith.truncf %dot_general3A_1903 : vector<256x256xf32> to vector<256x256xbf16>
    %concatenate3A_1905 = tpu.concatenate %convert_element_type3A_1879, %convert_element_type3A_1904 in 1 : vector<256x256xbf16>, vector<256x256xbf16> -> vector<256x512xbf16>
    %get3A_1906 = arith.constant 0 : index
    %get3A_1907 = arith.constant 0 : index
    %get3A_1908 = vector.load %arg7[%get3A_1906, %get3A_1907] : memref<512x4xf32, #tpu.memory_space<vmem>>, vector<512x4xf32>
    %convert_element_type3A_1909 = arith.truncf %get3A_1908 : vector<512x4xf32> to vector<512x4xbf16>
    %dot_general3A_1910 = arith.constant dense<0.000000e+00> : vector<256x4xf32>
    %dot_general3A_1911 = tpu.matmul %concatenate3A_1905, %convert_element_type3A_1909, %dot_general3A_1910 {dimension_numbers = #tpu.dot_dimension_numbers<[1], [0], [0], [1], [0, 0, 1, 1], [], []>, transpose_lhs_hint = false} : vector<256x512xbf16>, vector<512x4xbf16>, vector<256x4xf32> -> vector<256x4xf32>
    %get3A_1912 = arith.constant 0 : index
    %get3A_1913 = arith.constant 0 : index
    %get3A_1914 = vector.load %arg8[%get3A_1912, %get3A_1913] : memref<1x4xf32, #tpu.memory_space<vmem>>, vector<1x4xf32>
    %add3A_1915 = vector.broadcast %get3A_1914 : vector<1x4xf32> to vector<256x4xf32>
    %add3A_1916 = arith.addf %dot_general3A_1911, %add3A_1915 : vector<256x4xf32>
    %convert_element_type3A_1917 = arith.truncf %add3A_1916 : vector<256x4xf32> to vector<256x4xbf16>
    %dot_general3A_1918 = arith.constant dense<0.000000e+00> : vector<4x256xf32>
    %dot_general3A_1919 = tpu.matmul %convert_element_type3A_1909, %concatenate3A_1905, %dot_general3A_1918 {dimension_numbers = #tpu.dot_dimension_numbers<[0], [1], [1], [0], [0, 1, 1, 0], [], []>, transpose_lhs_hint = false} : vector<512x4xbf16>, vector<256x512xbf16>, vector<4x256xf32> -> vector<4x256xf32>
    %get3A_1920 = arith.constant 0 : index
    %get3A_1921 = arith.constant 0 : index
    %get3A_1922 = vector.load %arg9[%get3A_1920, %get3A_1921] : memref<4x1xf32, #tpu.memory_space<vmem>>, vector<4x1xf32>
    %add3A_1923 = vector.broadcast %get3A_1922 : vector<4x1xf32> to vector<4x256xf32>
    %add3A_1924 = arith.addf %dot_general3A_1919, %add3A_1923 : vector<4x256xf32>
    %convert_element_type3A_1925 = arith.truncf %add3A_1924 : vector<4x256xf32> to vector<4x256xbf16>
    %get3A_1926 = arith.constant 0 : index
    %get3A_1927 = arith.constant 0 : index
    %get3A_1928 = vector.load %arg6[%get3A_1926, %get3A_1927] : memref<512x256xf32, #tpu.memory_space<vmem>>, vector<512x256xf32>
    %convert_element_type3A_1929 = arith.truncf %get3A_1928 : vector<512x256xf32> to vector<512x256xbf16>
    %dot_general3A_1930 = arith.constant dense<0.000000e+00> : vector<256x256xf32>
    %dot_general3A_1931 = tpu.matmul %concatenate3A_1905, %convert_element_type3A_1929, %dot_general3A_1930 {dimension_numbers = #tpu.dot_dimension_numbers<[1], [0], [0], [1], [0, 0, 1, 1], [], []>, transpose_lhs_hint = false} : vector<256x512xbf16>, vector<512x256xbf16>, vector<256x256xf32> -> vector<256x256xf32>
    %get3A_1932 = arith.constant 0 : index
    %get3A_1933 = arith.constant 0 : index
    %get3A_1934 = vector.load %arg10[%get3A_1932, %get3A_1933] : memref<1x256xf32, #tpu.memory_space<vmem>>, vector<1x256xf32>
    %add3A_1935 = vector.broadcast %get3A_1934 : vector<1x256xf32> to vector<256x256xf32>
    %add3A_1936 = arith.addf %dot_general3A_1931, %add3A_1935 : vector<256x256xf32>
    %convert_element_type3A_1937 = arith.truncf %add3A_1936 : vector<256x256xf32> to vector<256x256xbf16>
    %broadcast_in_dim3A_1938 = arith.constant 0.000000e+00 : f32
    %broadcast_in_dim3A_1939 = vector.broadcast %broadcast_in_dim3A_1938 : f32 to vector<256x128xf32>
    %slice3A_1940 = vector.extract_strided_slice %convert_element_type3A_1917 {offsets = [0, 0], sizes = [256, 1], strides = [1, 1]} : vector<256x4xbf16> to vector<256x1xbf16>
    %slice3A_1941 = vector.extract_strided_slice %convert_element_type3A_1925 {offsets = [1, 0], sizes = [1, 256], strides = [1, 1]} : vector<4x256xbf16> to vector<1x256xbf16>
    %add3A_1942 = vector.broadcast %slice3A_1940 : vector<256x1xbf16> to vector<256x256xbf16>
    %add3A_1943 = vector.broadcast %slice3A_1941 : vector<1x256xbf16> to vector<256x256xbf16>
    %add3A_1944 = arith.addf %add3A_1942, %add3A_1943 : vector<256x256xbf16>
    %mul3A_1945 = arith.constant 2.001950e-01 : bf16
    %mul3A_1946 = vector.broadcast %mul3A_1945 : bf16 to vector<256x256xbf16>
    %mul3A_1947 = arith.mulf %mul3A_1946, %add3A_1944 : vector<256x256xbf16>
    %max3A_1948 = arith.maximumf %add3A_1944, %mul3A_1947 : vector<256x256xbf16>
    %exp3A_1949 = math.exp %max3A_1948 : vector<256x256xbf16>
    %mul3A_1950 = arith.mulf %exp3A_1949, %convert_element_type3A_56 : vector<256x256xbf16>
    %convert_element_type3A_1951 = arith.extf %mul3A_1950 : vector<256x256xbf16> to vector<256x256xf32>
    %reduce_sum3A_1952 = arith.constant dense<0.000000e+00> : vector<256xf32>
    %reduce_sum3A_1953 = vector.multi_reduction <add>, %convert_element_type3A_1951, %reduce_sum3A_1952 [1] : vector<256x256xf32> to vector<256xf32>
    %broadcast_in_dim3A_1954 = vector.shape_cast %reduce_sum3A_1953 : vector<256xf32> to vector<256x1xf32>
    %div3A_1955 = arith.constant 1.000000e+00 : f32
    %div3A_1956 = vector.broadcast %div3A_1955 : f32 to vector<256x1xf32>
    %div3A_1957 = arith.divf %div3A_1956, %broadcast_in_dim3A_1954 : vector<256x1xf32>
    %slice3A_1958 = vector.extract_strided_slice %convert_element_type3A_1937 {offsets = [0, 0], sizes = [256, 128], strides = [1, 1]} : vector<256x256xbf16> to vector<256x128xbf16>
    %dot_general3A_1959 = arith.constant dense<0.000000e+00> : vector<256x128xf32>
    %dot_general3A_1960 = tpu.matmul %mul3A_1950, %slice3A_1958, %dot_general3A_1959 {dimension_numbers = #tpu.dot_dimension_numbers<[1], [0], [0], [1], [0, 0, 1, 1], [], []>, transpose_lhs_hint = false} : vector<256x256xbf16>, vector<256x128xbf16>, vector<256x128xf32> -> vector<256x128xf32>
    %mul3A_1961 = vector.broadcast %div3A_1957 : vector<256x1xf32> to vector<256x128xf32>
    %mul3A_1962 = arith.mulf %dot_general3A_1960, %mul3A_1961 : vector<256x128xf32>
    %add3A_1963 = arith.addf %broadcast_in_dim3A_1939, %mul3A_1962 : vector<256x128xf32>
    %slice3A_1964 = vector.extract_strided_slice %convert_element_type3A_1917 {offsets = [0, 2], sizes = [256, 1], strides = [1, 1]} : vector<256x4xbf16> to vector<256x1xbf16>
    %slice3A_1965 = vector.extract_strided_slice %convert_element_type3A_1925 {offsets = [3, 0], sizes = [1, 256], strides = [1, 1]} : vector<4x256xbf16> to vector<1x256xbf16>
    %add3A_1966 = vector.broadcast %slice3A_1964 : vector<256x1xbf16> to vector<256x256xbf16>
    %add3A_1967 = vector.broadcast %slice3A_1965 : vector<1x256xbf16> to vector<256x256xbf16>
    %add3A_1968 = arith.addf %add3A_1966, %add3A_1967 : vector<256x256xbf16>
    %mul3A_1969 = arith.constant 2.001950e-01 : bf16
    %mul3A_1970 = vector.broadcast %mul3A_1969 : bf16 to vector<256x256xbf16>
    %mul3A_1971 = arith.mulf %mul3A_1970, %add3A_1968 : vector<256x256xbf16>
    %max3A_1972 = arith.maximumf %add3A_1968, %mul3A_1971 : vector<256x256xbf16>
    %exp3A_1973 = math.exp %max3A_1972 : vector<256x256xbf16>
    %mul3A_1974 = arith.mulf %exp3A_1973, %convert_element_type3A_56 : vector<256x256xbf16>
    %convert_element_type3A_1975 = arith.extf %mul3A_1974 : vector<256x256xbf16> to vector<256x256xf32>
    %reduce_sum3A_1976 = arith.constant dense<0.000000e+00> : vector<256xf32>
    %reduce_sum3A_1977 = vector.multi_reduction <add>, %convert_element_type3A_1975, %reduce_sum3A_1976 [1] : vector<256x256xf32> to vector<256xf32>
    %broadcast_in_dim3A_1978 = vector.shape_cast %reduce_sum3A_1977 : vector<256xf32> to vector<256x1xf32>
    %div3A_1979 = arith.constant 1.000000e+00 : f32
    %div3A_1980 = vector.broadcast %div3A_1979 : f32 to vector<256x1xf32>
    %div3A_1981 = arith.divf %div3A_1980, %broadcast_in_dim3A_1978 : vector<256x1xf32>
    %slice3A_1982 = vector.extract_strided_slice %convert_element_type3A_1937 {offsets = [0, 128], sizes = [256, 128], strides = [1, 1]} : vector<256x256xbf16> to vector<256x128xbf16>
    %dot_general3A_1983 = arith.constant dense<0.000000e+00> : vector<256x128xf32>
    %dot_general3A_1984 = tpu.matmul %mul3A_1974, %slice3A_1982, %dot_general3A_1983 {dimension_numbers = #tpu.dot_dimension_numbers<[1], [0], [0], [1], [0, 0, 1, 1], [], []>, transpose_lhs_hint = false} : vector<256x256xbf16>, vector<256x128xbf16>, vector<256x128xf32> -> vector<256x128xf32>
    %mul3A_1985 = vector.broadcast %div3A_1981 : vector<256x1xf32> to vector<256x128xf32>
    %mul3A_1986 = arith.mulf %dot_general3A_1984, %mul3A_1985 : vector<256x128xf32>
    %add3A_1987 = arith.addf %add3A_1963, %mul3A_1986 : vector<256x128xf32>
    %reshape3A_1988 = vector.shape_cast %add3A_1987 : vector<256x128xf32> to vector<8x32x128xf32>
    %slice3A_1989 = vector.extract_strided_slice %reshape3A_1988 {offsets = [0, 0, 0], sizes = [8, 1, 128], strides = [1, 1, 1]} : vector<8x32x128xf32> to vector<8x1x128xf32>
    %squeeze3A_1990 = vector.shape_cast %slice3A_1989 : vector<8x1x128xf32> to vector<8x128xf32>
    %mul3A_1991 = arith.constant 5.000000e-01 : f32
    %mul3A_1992 = vector.broadcast %mul3A_1991 : f32 to vector<8x128xf32>
    %mul3A_1993 = arith.mulf %squeeze3A_1990, %mul3A_1992 : vector<8x128xf32>
    %get3A_1994 = arith.constant 0 : index
    %get3A_1995 = arith.constant 0 : index
    %get3A_1996 = vector.load %arg11[%get3A_1994, %get3A_1995] : memref<1x128xf32, #tpu.memory_space<vmem>>, vector<1x128xf32>
    %add3A_1997 = vector.broadcast %get3A_1996 : vector<1x128xf32> to vector<8x128xf32>
    %add3A_1998 = arith.addf %mul3A_1993, %add3A_1997 : vector<8x128xf32>
    %swap3A_1999 = arith.constant 80 : index
    %swap3A_2000 = arith.constant 0 : index
    %swap3A_2001 = vector.load %arg12[%swap3A_1999, %swap3A_2000] : memref<128x128xf32, #tpu.memory_space<vmem>>, vector<8x128xf32>
    tpu.vector_store %arg12[%swap3A_1999, %swap3A_2000], %add3A_1998 {strides = array<i32>} : memref<128x128xf32, #tpu.memory_space<vmem>>, vector<8x128xf32>,
    %get3A_2002 = arith.constant 2816 : index
    %get3A_2003 = arith.constant 0 : index
    %get3A_2004 = vector.load %arg1[%get3A_2002, %get3A_2003] : memref<4096x256xf32, #tpu.memory_space<vmem>>, vector<256x256xf32>
    %convert_element_type3A_2005 = arith.truncf %get3A_2004 : vector<256x256xf32> to vector<256x256xbf16>
    %get3A_2006 = arith.constant 0 : index
    %get3A_2007 = arith.constant 0 : index
    %get3A_2008 = vector.load %arg3[%get3A_2006, %get3A_2007] : memref<256x4xf32, #tpu.memory_space<vmem>>, vector<256x4xf32>
    %convert_element_type3A_2009 = arith.truncf %get3A_2008 : vector<256x4xf32> to vector<256x4xbf16>
    %dot_general3A_2010 = arith.constant dense<0.000000e+00> : vector<256x4xf32>
    %dot_general3A_2011 = tpu.matmul %convert_element_type3A_2005, %convert_element_type3A_2009, %dot_general3A_2010 {dimension_numbers = #tpu.dot_dimension_numbers<[1], [0], [0], [1], [0, 0, 1, 1], [], []>, transpose_lhs_hint = false} : vector<256x256xbf16>, vector<256x4xbf16>, vector<256x4xf32> -> vector<256x4xf32>
    %get3A_2012 = arith.constant 0 : index
    %get3A_2013 = arith.constant 0 : index
    %get3A_2014 = vector.load %arg4[%get3A_2012, %get3A_2013] : memref<1x4xf32, #tpu.memory_space<vmem>>, vector<1x4xf32>
    %add3A_2015 = vector.broadcast %get3A_2014 : vector<1x4xf32> to vector<256x4xf32>
    %add3A_2016 = arith.addf %dot_general3A_2011, %add3A_2015 : vector<256x4xf32>
    %convert_element_type3A_2017 = arith.truncf %add3A_2016 : vector<256x4xf32> to vector<256x4xbf16>
    %dot_general3A_2018 = arith.constant dense<0.000000e+00> : vector<4x256xf32>
    %dot_general3A_2019 = tpu.matmul %convert_element_type3A_2009, %convert_element_type3A_2005, %dot_general3A_2018 {dimension_numbers = #tpu.dot_dimension_numbers<[0], [1], [1], [0], [0, 1, 1, 0], [], []>, transpose_lhs_hint = false} : vector<256x4xbf16>, vector<256x256xbf16>, vector<4x256xf32> -> vector<4x256xf32>
    %get3A_2020 = arith.constant 0 : index
    %get3A_2021 = arith.constant 0 : index
    %get3A_2022 = vector.load %arg5[%get3A_2020, %get3A_2021] : memref<4x1xf32, #tpu.memory_space<vmem>>, vector<4x1xf32>
    %add3A_2023 = vector.broadcast %get3A_2022 : vector<4x1xf32> to vector<4x256xf32>
    %add3A_2024 = arith.addf %dot_general3A_2019, %add3A_2023 : vector<4x256xf32>
    %convert_element_type3A_2025 = arith.truncf %add3A_2024 : vector<4x256xf32> to vector<4x256xbf16>
    %get3A_2026 = arith.constant 0 : index
    %get3A_2027 = arith.constant 0 : index
    %get3A_2028 = vector.load %arg2[%get3A_2026, %get3A_2027] : memref<256x512xf32, #tpu.memory_space<vmem>>, vector<256x512xf32>
    %convert_element_type3A_2029 = arith.truncf %get3A_2028 : vector<256x512xf32> to vector<256x512xbf16>
    %dot_general3A_2030 = arith.constant dense<0.000000e+00> : vector<256x512xf32>
    %dot_general3A_2031 = tpu.matmul %convert_element_type3A_2005, %convert_element_type3A_2029, %dot_general3A_2030 {dimension_numbers = #tpu.dot_dimension_numbers<[1], [0], [0], [1], [0, 0, 1, 1], [], []>, transpose_lhs_hint = false} : vector<256x256xbf16>, vector<256x512xbf16>, vector<256x512xf32> -> vector<256x512xf32>
    %convert_element_type3A_2032 = arith.truncf %dot_general3A_2031 : vector<256x512xf32> to vector<256x512xbf16>
    %slice3A_2033 = vector.extract_strided_slice %convert_element_type3A_2017 {offsets = [0, 0], sizes = [256, 1], strides = [1, 1]} : vector<256x4xbf16> to vector<256x1xbf16>
    %slice3A_2034 = vector.extract_strided_slice %convert_element_type3A_2025 {offsets = [1, 0], sizes = [1, 256], strides = [1, 1]} : vector<4x256xbf16> to vector<1x256xbf16>
    %add3A_2035 = vector.broadcast %slice3A_2033 : vector<256x1xbf16> to vector<256x256xbf16>
    %add3A_2036 = vector.broadcast %slice3A_2034 : vector<1x256xbf16> to vector<256x256xbf16>
    %add3A_2037 = arith.addf %add3A_2035, %add3A_2036 : vector<256x256xbf16>
    %mul3A_2038 = arith.constant 2.001950e-01 : bf16
    %mul3A_2039 = vector.broadcast %mul3A_2038 : bf16 to vector<256x256xbf16>
    %mul3A_2040 = arith.mulf %mul3A_2039, %add3A_2037 : vector<256x256xbf16>
    %max3A_2041 = arith.maximumf %add3A_2037, %mul3A_2040 : vector<256x256xbf16>
    %exp3A_2042 = math.exp %max3A_2041 : vector<256x256xbf16>
    %mul3A_2043 = arith.mulf %exp3A_2042, %convert_element_type3A_56 : vector<256x256xbf16>
    %convert_element_type3A_2044 = arith.extf %mul3A_2043 : vector<256x256xbf16> to vector<256x256xf32>
    %reduce_sum3A_2045 = arith.constant dense<0.000000e+00> : vector<256xf32>
    %reduce_sum3A_2046 = vector.multi_reduction <add>, %convert_element_type3A_2044, %reduce_sum3A_2045 [1] : vector<256x256xf32> to vector<256xf32>
    %broadcast_in_dim3A_2047 = vector.shape_cast %reduce_sum3A_2046 : vector<256xf32> to vector<256x1xf32>
    %div3A_2048 = arith.constant 1.000000e+00 : f32
    %div3A_2049 = vector.broadcast %div3A_2048 : f32 to vector<256x1xf32>
    %div3A_2050 = arith.divf %div3A_2049, %broadcast_in_dim3A_2047 : vector<256x1xf32>
    %convert_element_type3A_2051 = arith.truncf %div3A_2050 : vector<256x1xf32> to vector<256x1xbf16>
    %mul3A_2052 = vector.broadcast %convert_element_type3A_2051 : vector<256x1xbf16> to vector<256x256xbf16>
    %mul3A_2053 = arith.mulf %mul3A_2043, %mul3A_2052 : vector<256x256xbf16>
    %slice3A_2054 = vector.extract_strided_slice %convert_element_type3A_2032 {offsets = [0, 0], sizes = [256, 256], strides = [1, 1]} : vector<256x512xbf16> to vector<256x256xbf16>
    %dot_general3A_2055 = arith.constant dense<0.000000e+00> : vector<256x256xf32>
    %dot_general3A_2056 = tpu.matmul %mul3A_2053, %slice3A_2054, %dot_general3A_2055 {dimension_numbers = #tpu.dot_dimension_numbers<[1], [0], [0], [1], [0, 0, 1, 1], [], []>, transpose_lhs_hint = false} : vector<256x256xbf16>, vector<256x256xbf16>, vector<256x256xf32> -> vector<256x256xf32>
    %convert_element_type3A_2057 = arith.truncf %dot_general3A_2056 : vector<256x256xf32> to vector<256x256xbf16>
    %slice3A_2058 = vector.extract_strided_slice %convert_element_type3A_2017 {offsets = [0, 2], sizes = [256, 1], strides = [1, 1]} : vector<256x4xbf16> to vector<256x1xbf16>
    %slice3A_2059 = vector.extract_strided_slice %convert_element_type3A_2025 {offsets = [3, 0], sizes = [1, 256], strides = [1, 1]} : vector<4x256xbf16> to vector<1x256xbf16>
    %add3A_2060 = vector.broadcast %slice3A_2058 : vector<256x1xbf16> to vector<256x256xbf16>
    %add3A_2061 = vector.broadcast %slice3A_2059 : vector<1x256xbf16> to vector<256x256xbf16>
    %add3A_2062 = arith.addf %add3A_2060, %add3A_2061 : vector<256x256xbf16>
    %mul3A_2063 = arith.constant 2.001950e-01 : bf16
    %mul3A_2064 = vector.broadcast %mul3A_2063 : bf16 to vector<256x256xbf16>
    %mul3A_2065 = arith.mulf %mul3A_2064, %add3A_2062 : vector<256x256xbf16>
    %max3A_2066 = arith.maximumf %add3A_2062, %mul3A_2065 : vector<256x256xbf16>
    %exp3A_2067 = math.exp %max3A_2066 : vector<256x256xbf16>
    %mul3A_2068 = arith.mulf %exp3A_2067, %convert_element_type3A_56 : vector<256x256xbf16>
    %convert_element_type3A_2069 = arith.extf %mul3A_2068 : vector<256x256xbf16> to vector<256x256xf32>
    %reduce_sum3A_2070 = arith.constant dense<0.000000e+00> : vector<256xf32>
    %reduce_sum3A_2071 = vector.multi_reduction <add>, %convert_element_type3A_2069, %reduce_sum3A_2070 [1] : vector<256x256xf32> to vector<256xf32>
    %broadcast_in_dim3A_2072 = vector.shape_cast %reduce_sum3A_2071 : vector<256xf32> to vector<256x1xf32>
    %div3A_2073 = arith.constant 1.000000e+00 : f32
    %div3A_2074 = vector.broadcast %div3A_2073 : f32 to vector<256x1xf32>
    %div3A_2075 = arith.divf %div3A_2074, %broadcast_in_dim3A_2072 : vector<256x1xf32>
    %convert_element_type3A_2076 = arith.truncf %div3A_2075 : vector<256x1xf32> to vector<256x1xbf16>
    %mul3A_2077 = vector.broadcast %convert_element_type3A_2076 : vector<256x1xbf16> to vector<256x256xbf16>
    %mul3A_2078 = arith.mulf %mul3A_2068, %mul3A_2077 : vector<256x256xbf16>
    %slice3A_2079 = vector.extract_strided_slice %convert_element_type3A_2032 {offsets = [0, 256], sizes = [256, 256], strides = [1, 1]} : vector<256x512xbf16> to vector<256x256xbf16>
    %dot_general3A_2080 = arith.constant dense<0.000000e+00> : vector<256x256xf32>
    %dot_general3A_2081 = tpu.matmul %mul3A_2078, %slice3A_2079, %dot_general3A_2080 {dimension_numbers = #tpu.dot_dimension_numbers<[1], [0], [0], [1], [0, 0, 1, 1], [], []>, transpose_lhs_hint = false} : vector<256x256xbf16>, vector<256x256xbf16>, vector<256x256xf32> -> vector<256x256xf32>
    %convert_element_type3A_2082 = arith.truncf %dot_general3A_2081 : vector<256x256xf32> to vector<256x256xbf16>
    %concatenate3A_2083 = tpu.concatenate %convert_element_type3A_2057, %convert_element_type3A_2082 in 1 : vector<256x256xbf16>, vector<256x256xbf16> -> vector<256x512xbf16>
    %get3A_2084 = arith.constant 0 : index
    %get3A_2085 = arith.constant 0 : index
    %get3A_2086 = vector.load %arg7[%get3A_2084, %get3A_2085] : memref<512x4xf32, #tpu.memory_space<vmem>>, vector<512x4xf32>
    %convert_element_type3A_2087 = arith.truncf %get3A_2086 : vector<512x4xf32> to vector<512x4xbf16>
    %dot_general3A_2088 = arith.constant dense<0.000000e+00> : vector<256x4xf32>
    %dot_general3A_2089 = tpu.matmul %concatenate3A_2083, %convert_element_type3A_2087, %dot_general3A_2088 {dimension_numbers = #tpu.dot_dimension_numbers<[1], [0], [0], [1], [0, 0, 1, 1], [], []>, transpose_lhs_hint = false} : vector<256x512xbf16>, vector<512x4xbf16>, vector<256x4xf32> -> vector<256x4xf32>
    %get3A_2090 = arith.constant 0 : index
    %get3A_2091 = arith.constant 0 : index
    %get3A_2092 = vector.load %arg8[%get3A_2090, %get3A_2091] : memref<1x4xf32, #tpu.memory_space<vmem>>, vector<1x4xf32>
    %add3A_2093 = vector.broadcast %get3A_2092 : vector<1x4xf32> to vector<256x4xf32>
    %add3A_2094 = arith.addf %dot_general3A_2089, %add3A_2093 : vector<256x4xf32>
    %convert_element_type3A_2095 = arith.truncf %add3A_2094 : vector<256x4xf32> to vector<256x4xbf16>
    %dot_general3A_2096 = arith.constant dense<0.000000e+00> : vector<4x256xf32>
    %dot_general3A_2097 = tpu.matmul %convert_element_type3A_2087, %concatenate3A_2083, %dot_general3A_2096 {dimension_numbers = #tpu.dot_dimension_numbers<[0], [1], [1], [0], [0, 1, 1, 0], [], []>, transpose_lhs_hint = false} : vector<512x4xbf16>, vector<256x512xbf16>, vector<4x256xf32> -> vector<4x256xf32>
    %get3A_2098 = arith.constant 0 : index
    %get3A_2099 = arith.constant 0 : index
    %get3A_2100 = vector.load %arg9[%get3A_2098, %get3A_2099] : memref<4x1xf32, #tpu.memory_space<vmem>>, vector<4x1xf32>
    %add3A_2101 = vector.broadcast %get3A_2100 : vector<4x1xf32> to vector<4x256xf32>
    %add3A_2102 = arith.addf %dot_general3A_2097, %add3A_2101 : vector<4x256xf32>
    %convert_element_type3A_2103 = arith.truncf %add3A_2102 : vector<4x256xf32> to vector<4x256xbf16>
    %get3A_2104 = arith.constant 0 : index
    %get3A_2105 = arith.constant 0 : index
    %get3A_2106 = vector.load %arg6[%get3A_2104, %get3A_2105] : memref<512x256xf32, #tpu.memory_space<vmem>>, vector<512x256xf32>
    %convert_element_type3A_2107 = arith.truncf %get3A_2106 : vector<512x256xf32> to vector<512x256xbf16>
    %dot_general3A_2108 = arith.constant dense<0.000000e+00> : vector<256x256xf32>
    %dot_general3A_2109 = tpu.matmul %concatenate3A_2083, %convert_element_type3A_2107, %dot_general3A_2108 {dimension_numbers = #tpu.dot_dimension_numbers<[1], [0], [0], [1], [0, 0, 1, 1], [], []>, transpose_lhs_hint = false} : vector<256x512xbf16>, vector<512x256xbf16>, vector<256x256xf32> -> vector<256x256xf32>
    %get3A_2110 = arith.constant 0 : index
    %get3A_2111 = arith.constant 0 : index
    %get3A_2112 = vector.load %arg10[%get3A_2110, %get3A_2111] : memref<1x256xf32, #tpu.memory_space<vmem>>, vector<1x256xf32>
    %add3A_2113 = vector.broadcast %get3A_2112 : vector<1x256xf32> to vector<256x256xf32>
    %add3A_2114 = arith.addf %dot_general3A_2109, %add3A_2113 : vector<256x256xf32>
    %convert_element_type3A_2115 = arith.truncf %add3A_2114 : vector<256x256xf32> to vector<256x256xbf16>
    %broadcast_in_dim3A_2116 = arith.constant 0.000000e+00 : f32
    %broadcast_in_dim3A_2117 = vector.broadcast %broadcast_in_dim3A_2116 : f32 to vector<256x128xf32>
    %slice3A_2118 = vector.extract_strided_slice %convert_element_type3A_2095 {offsets = [0, 0], sizes = [256, 1], strides = [1, 1]} : vector<256x4xbf16> to vector<256x1xbf16>
    %slice3A_2119 = vector.extract_strided_slice %convert_element_type3A_2103 {offsets = [1, 0], sizes = [1, 256], strides = [1, 1]} : vector<4x256xbf16> to vector<1x256xbf16>
    %add3A_2120 = vector.broadcast %slice3A_2118 : vector<256x1xbf16> to vector<256x256xbf16>
    %add3A_2121 = vector.broadcast %slice3A_2119 : vector<1x256xbf16> to vector<256x256xbf16>
    %add3A_2122 = arith.addf %add3A_2120, %add3A_2121 : vector<256x256xbf16>
    %mul3A_2123 = arith.constant 2.001950e-01 : bf16
    %mul3A_2124 = vector.broadcast %mul3A_2123 : bf16 to vector<256x256xbf16>
    %mul3A_2125 = arith.mulf %mul3A_2124, %add3A_2122 : vector<256x256xbf16>
    %max3A_2126 = arith.maximumf %add3A_2122, %mul3A_2125 : vector<256x256xbf16>
    %exp3A_2127 = math.exp %max3A_2126 : vector<256x256xbf16>
    %mul3A_2128 = arith.mulf %exp3A_2127, %convert_element_type3A_56 : vector<256x256xbf16>
    %convert_element_type3A_2129 = arith.extf %mul3A_2128 : vector<256x256xbf16> to vector<256x256xf32>
    %reduce_sum3A_2130 = arith.constant dense<0.000000e+00> : vector<256xf32>
    %reduce_sum3A_2131 = vector.multi_reduction <add>, %convert_element_type3A_2129, %reduce_sum3A_2130 [1] : vector<256x256xf32> to vector<256xf32>
    %broadcast_in_dim3A_2132 = vector.shape_cast %reduce_sum3A_2131 : vector<256xf32> to vector<256x1xf32>
    %div3A_2133 = arith.constant 1.000000e+00 : f32
    %div3A_2134 = vector.broadcast %div3A_2133 : f32 to vector<256x1xf32>
    %div3A_2135 = arith.divf %div3A_2134, %broadcast_in_dim3A_2132 : vector<256x1xf32>
    %slice3A_2136 = vector.extract_strided_slice %convert_element_type3A_2115 {offsets = [0, 0], sizes = [256, 128], strides = [1, 1]} : vector<256x256xbf16> to vector<256x128xbf16>
    %dot_general3A_2137 = arith.constant dense<0.000000e+00> : vector<256x128xf32>
    %dot_general3A_2138 = tpu.matmul %mul3A_2128, %slice3A_2136, %dot_general3A_2137 {dimension_numbers = #tpu.dot_dimension_numbers<[1], [0], [0], [1], [0, 0, 1, 1], [], []>, transpose_lhs_hint = false} : vector<256x256xbf16>, vector<256x128xbf16>, vector<256x128xf32> -> vector<256x128xf32>
    %mul3A_2139 = vector.broadcast %div3A_2135 : vector<256x1xf32> to vector<256x128xf32>
    %mul3A_2140 = arith.mulf %dot_general3A_2138, %mul3A_2139 : vector<256x128xf32>
    %add3A_2141 = arith.addf %broadcast_in_dim3A_2117, %mul3A_2140 : vector<256x128xf32>
    %slice3A_2142 = vector.extract_strided_slice %convert_element_type3A_2095 {offsets = [0, 2], sizes = [256, 1], strides = [1, 1]} : vector<256x4xbf16> to vector<256x1xbf16>
    %slice3A_2143 = vector.extract_strided_slice %convert_element_type3A_2103 {offsets = [3, 0], sizes = [1, 256], strides = [1, 1]} : vector<4x256xbf16> to vector<1x256xbf16>
    %add3A_2144 = vector.broadcast %slice3A_2142 : vector<256x1xbf16> to vector<256x256xbf16>
    %add3A_2145 = vector.broadcast %slice3A_2143 : vector<1x256xbf16> to vector<256x256xbf16>
    %add3A_2146 = arith.addf %add3A_2144, %add3A_2145 : vector<256x256xbf16>
    %mul3A_2147 = arith.constant 2.001950e-01 : bf16
    %mul3A_2148 = vector.broadcast %mul3A_2147 : bf16 to vector<256x256xbf16>
    %mul3A_2149 = arith.mulf %mul3A_2148, %add3A_2146 : vector<256x256xbf16>
    %max3A_2150 = arith.maximumf %add3A_2146, %mul3A_2149 : vector<256x256xbf16>
    %exp3A_2151 = math.exp %max3A_2150 : vector<256x256xbf16>
    %mul3A_2152 = arith.mulf %exp3A_2151, %convert_element_type3A_56 : vector<256x256xbf16>
    %convert_element_type3A_2153 = arith.extf %mul3A_2152 : vector<256x256xbf16> to vector<256x256xf32>
    %reduce_sum3A_2154 = arith.constant dense<0.000000e+00> : vector<256xf32>
    %reduce_sum3A_2155 = vector.multi_reduction <add>, %convert_element_type3A_2153, %reduce_sum3A_2154 [1] : vector<256x256xf32> to vector<256xf32>
    %broadcast_in_dim3A_2156 = vector.shape_cast %reduce_sum3A_2155 : vector<256xf32> to vector<256x1xf32>
    %div3A_2157 = arith.constant 1.000000e+00 : f32
    %div3A_2158 = vector.broadcast %div3A_2157 : f32 to vector<256x1xf32>
    %div3A_2159 = arith.divf %div3A_2158, %broadcast_in_dim3A_2156 : vector<256x1xf32>
    %slice3A_2160 = vector.extract_strided_slice %convert_element_type3A_2115 {offsets = [0, 128], sizes = [256, 128], strides = [1, 1]} : vector<256x256xbf16> to vector<256x128xbf16>
    %dot_general3A_2161 = arith.constant dense<0.000000e+00> : vector<256x128xf32>
    %dot_general3A_2162 = tpu.matmul %mul3A_2152, %slice3A_2160, %dot_general3A_2161 {dimension_numbers = #tpu.dot_dimension_numbers<[1], [0], [0], [1], [0, 0, 1, 1], [], []>, transpose_lhs_hint = false} : vector<256x256xbf16>, vector<256x128xbf16>, vector<256x128xf32> -> vector<256x128xf32>
    %mul3A_2163 = vector.broadcast %div3A_2159 : vector<256x1xf32> to vector<256x128xf32>
    %mul3A_2164 = arith.mulf %dot_general3A_2162, %mul3A_2163 : vector<256x128xf32>
    %add3A_2165 = arith.addf %add3A_2141, %mul3A_2164 : vector<256x128xf32>
    %reshape3A_2166 = vector.shape_cast %add3A_2165 : vector<256x128xf32> to vector<8x32x128xf32>
    %slice3A_2167 = vector.extract_strided_slice %reshape3A_2166 {offsets = [0, 0, 0], sizes = [8, 1, 128], strides = [1, 1, 1]} : vector<8x32x128xf32> to vector<8x1x128xf32>
    %squeeze3A_2168 = vector.shape_cast %slice3A_2167 : vector<8x1x128xf32> to vector<8x128xf32>
    %mul3A_2169 = arith.constant 5.000000e-01 : f32
    %mul3A_2170 = vector.broadcast %mul3A_2169 : f32 to vector<8x128xf32>
    %mul3A_2171 = arith.mulf %squeeze3A_2168, %mul3A_2170 : vector<8x128xf32>
    %get3A_2172 = arith.constant 0 : index
    %get3A_2173 = arith.constant 0 : index
    %get3A_2174 = vector.load %arg11[%get3A_2172, %get3A_2173] : memref<1x128xf32, #tpu.memory_space<vmem>>, vector<1x128xf32>
    %add3A_2175 = vector.broadcast %get3A_2174 : vector<1x128xf32> to vector<8x128xf32>
    %add3A_2176 = arith.addf %mul3A_2171, %add3A_2175 : vector<8x128xf32>
    %swap3A_2177 = arith.constant 88 : index
    %swap3A_2178 = arith.constant 0 : index
    %swap3A_2179 = vector.load %arg12[%swap3A_2177, %swap3A_2178] : memref<128x128xf32, #tpu.memory_space<vmem>>, vector<8x128xf32>
    tpu.vector_store %arg12[%swap3A_2177, %swap3A_2178], %add3A_2176 {strides = array<i32>} : memref<128x128xf32, #tpu.memory_space<vmem>>, vector<8x128xf32>,
    %get3A_2180 = arith.constant 3072 : index
    %get3A_2181 = arith.constant 0 : index
    %get3A_2182 = vector.load %arg1[%get3A_2180, %get3A_2181] : memref<4096x256xf32, #tpu.memory_space<vmem>>, vector<256x256xf32>
    %convert_element_type3A_2183 = arith.truncf %get3A_2182 : vector<256x256xf32> to vector<256x256xbf16>
    %get3A_2184 = arith.constant 0 : index
    %get3A_2185 = arith.constant 0 : index
    %get3A_2186 = vector.load %arg3[%get3A_2184, %get3A_2185] : memref<256x4xf32, #tpu.memory_space<vmem>>, vector<256x4xf32>
    %convert_element_type3A_2187 = arith.truncf %get3A_2186 : vector<256x4xf32> to vector<256x4xbf16>
    %dot_general3A_2188 = arith.constant dense<0.000000e+00> : vector<256x4xf32>
    %dot_general3A_2189 = tpu.matmul %convert_element_type3A_2183, %convert_element_type3A_2187, %dot_general3A_2188 {dimension_numbers = #tpu.dot_dimension_numbers<[1], [0], [0], [1], [0, 0, 1, 1], [], []>, transpose_lhs_hint = false} : vector<256x256xbf16>, vector<256x4xbf16>, vector<256x4xf32> -> vector<256x4xf32>
    %get3A_2190 = arith.constant 0 : index
    %get3A_2191 = arith.constant 0 : index
    %get3A_2192 = vector.load %arg4[%get3A_2190, %get3A_2191] : memref<1x4xf32, #tpu.memory_space<vmem>>, vector<1x4xf32>
    %add3A_2193 = vector.broadcast %get3A_2192 : vector<1x4xf32> to vector<256x4xf32>
    %add3A_2194 = arith.addf %dot_general3A_2189, %add3A_2193 : vector<256x4xf32>
    %convert_element_type3A_2195 = arith.truncf %add3A_2194 : vector<256x4xf32> to vector<256x4xbf16>
    %dot_general3A_2196 = arith.constant dense<0.000000e+00> : vector<4x256xf32>
    %dot_general3A_2197 = tpu.matmul %convert_element_type3A_2187, %convert_element_type3A_2183, %dot_general3A_2196 {dimension_numbers = #tpu.dot_dimension_numbers<[0], [1], [1], [0], [0, 1, 1, 0], [], []>, transpose_lhs_hint = false} : vector<256x4xbf16>, vector<256x256xbf16>, vector<4x256xf32> -> vector<4x256xf32>
    %get3A_2198 = arith.constant 0 : index
    %get3A_2199 = arith.constant 0 : index
    %get3A_2200 = vector.load %arg5[%get3A_2198, %get3A_2199] : memref<4x1xf32, #tpu.memory_space<vmem>>, vector<4x1xf32>
    %add3A_2201 = vector.broadcast %get3A_2200 : vector<4x1xf32> to vector<4x256xf32>
    %add3A_2202 = arith.addf %dot_general3A_2197, %add3A_2201 : vector<4x256xf32>
    %convert_element_type3A_2203 = arith.truncf %add3A_2202 : vector<4x256xf32> to vector<4x256xbf16>
    %get3A_2204 = arith.constant 0 : index
    %get3A_2205 = arith.constant 0 : index
    %get3A_2206 = vector.load %arg2[%get3A_2204, %get3A_2205] : memref<256x512xf32, #tpu.memory_space<vmem>>, vector<256x512xf32>
    %convert_element_type3A_2207 = arith.truncf %get3A_2206 : vector<256x512xf32> to vector<256x512xbf16>
    %dot_general3A_2208 = arith.constant dense<0.000000e+00> : vector<256x512xf32>
    %dot_general3A_2209 = tpu.matmul %convert_element_type3A_2183, %convert_element_type3A_2207, %dot_general3A_2208 {dimension_numbers = #tpu.dot_dimension_numbers<[1], [0], [0], [1], [0, 0, 1, 1], [], []>, transpose_lhs_hint = false} : vector<256x256xbf16>, vector<256x512xbf16>, vector<256x512xf32> -> vector<256x512xf32>
    %convert_element_type3A_2210 = arith.truncf %dot_general3A_2209 : vector<256x512xf32> to vector<256x512xbf16>
    %slice3A_2211 = vector.extract_strided_slice %convert_element_type3A_2195 {offsets = [0, 0], sizes = [256, 1], strides = [1, 1]} : vector<256x4xbf16> to vector<256x1xbf16>
    %slice3A_2212 = vector.extract_strided_slice %convert_element_type3A_2203 {offsets = [1, 0], sizes = [1, 256], strides = [1, 1]} : vector<4x256xbf16> to vector<1x256xbf16>
    %add3A_2213 = vector.broadcast %slice3A_2211 : vector<256x1xbf16> to vector<256x256xbf16>
    %add3A_2214 = vector.broadcast %slice3A_2212 : vector<1x256xbf16> to vector<256x256xbf16>
    %add3A_2215 = arith.addf %add3A_2213, %add3A_2214 : vector<256x256xbf16>
    %mul3A_2216 = arith.constant 2.001950e-01 : bf16
    %mul3A_2217 = vector.broadcast %mul3A_2216 : bf16 to vector<256x256xbf16>
    %mul3A_2218 = arith.mulf %mul3A_2217, %add3A_2215 : vector<256x256xbf16>
    %max3A_2219 = arith.maximumf %add3A_2215, %mul3A_2218 : vector<256x256xbf16>
    %exp3A_2220 = math.exp %max3A_2219 : vector<256x256xbf16>
    %mul3A_2221 = arith.mulf %exp3A_2220, %convert_element_type3A_56 : vector<256x256xbf16>
    %convert_element_type3A_2222 = arith.extf %mul3A_2221 : vector<256x256xbf16> to vector<256x256xf32>
    %reduce_sum3A_2223 = arith.constant dense<0.000000e+00> : vector<256xf32>
    %reduce_sum3A_2224 = vector.multi_reduction <add>, %convert_element_type3A_2222, %reduce_sum3A_2223 [1] : vector<256x256xf32> to vector<256xf32>
    %broadcast_in_dim3A_2225 = vector.shape_cast %reduce_sum3A_2224 : vector<256xf32> to vector<256x1xf32>
    %div3A_2226 = arith.constant 1.000000e+00 : f32
    %div3A_2227 = vector.broadcast %div3A_2226 : f32 to vector<256x1xf32>
    %div3A_2228 = arith.divf %div3A_2227, %broadcast_in_dim3A_2225 : vector<256x1xf32>
    %convert_element_type3A_2229 = arith.truncf %div3A_2228 : vector<256x1xf32> to vector<256x1xbf16>
    %mul3A_2230 = vector.broadcast %convert_element_type3A_2229 : vector<256x1xbf16> to vector<256x256xbf16>
    %mul3A_2231 = arith.mulf %mul3A_2221, %mul3A_2230 : vector<256x256xbf16>
    %slice3A_2232 = vector.extract_strided_slice %convert_element_type3A_2210 {offsets = [0, 0], sizes = [256, 256], strides = [1, 1]} : vector<256x512xbf16> to vector<256x256xbf16>
    %dot_general3A_2233 = arith.constant dense<0.000000e+00> : vector<256x256xf32>
    %dot_general3A_2234 = tpu.matmul %mul3A_2231, %slice3A_2232, %dot_general3A_2233 {dimension_numbers = #tpu.dot_dimension_numbers<[1], [0], [0], [1], [0, 0, 1, 1], [], []>, transpose_lhs_hint = false} : vector<256x256xbf16>, vector<256x256xbf16>, vector<256x256xf32> -> vector<256x256xf32>
    %convert_element_type3A_2235 = arith.truncf %dot_general3A_2234 : vector<256x256xf32> to vector<256x256xbf16>
    %slice3A_2236 = vector.extract_strided_slice %convert_element_type3A_2195 {offsets = [0, 2], sizes = [256, 1], strides = [1, 1]} : vector<256x4xbf16> to vector<256x1xbf16>
    %slice3A_2237 = vector.extract_strided_slice %convert_element_type3A_2203 {offsets = [3, 0], sizes = [1, 256], strides = [1, 1]} : vector<4x256xbf16> to vector<1x256xbf16>
    %add3A_2238 = vector.broadcast %slice3A_2236 : vector<256x1xbf16> to vector<256x256xbf16>
    %add3A_2239 = vector.broadcast %slice3A_2237 : vector<1x256xbf16> to vector<256x256xbf16>
    %add3A_2240 = arith.addf %add3A_2238, %add3A_2239 : vector<256x256xbf16>
    %mul3A_2241 = arith.constant 2.001950e-01 : bf16
    %mul3A_2242 = vector.broadcast %mul3A_2241 : bf16 to vector<256x256xbf16>
    %mul3A_2243 = arith.mulf %mul3A_2242, %add3A_2240 : vector<256x256xbf16>
    %max3A_2244 = arith.maximumf %add3A_2240, %mul3A_2243 : vector<256x256xbf16>
    %exp3A_2245 = math.exp %max3A_2244 : vector<256x256xbf16>
    %mul3A_2246 = arith.mulf %exp3A_2245, %convert_element_type3A_56 : vector<256x256xbf16>
    %convert_element_type3A_2247 = arith.extf %mul3A_2246 : vector<256x256xbf16> to vector<256x256xf32>
    %reduce_sum3A_2248 = arith.constant dense<0.000000e+00> : vector<256xf32>
    %reduce_sum3A_2249 = vector.multi_reduction <add>, %convert_element_type3A_2247, %reduce_sum3A_2248 [1] : vector<256x256xf32> to vector<256xf32>
    %broadcast_in_dim3A_2250 = vector.shape_cast %reduce_sum3A_2249 : vector<256xf32> to vector<256x1xf32>
    %div3A_2251 = arith.constant 1.000000e+00 : f32
    %div3A_2252 = vector.broadcast %div3A_2251 : f32 to vector<256x1xf32>
    %div3A_2253 = arith.divf %div3A_2252, %broadcast_in_dim3A_2250 : vector<256x1xf32>
    %convert_element_type3A_2254 = arith.truncf %div3A_2253 : vector<256x1xf32> to vector<256x1xbf16>
    %mul3A_2255 = vector.broadcast %convert_element_type3A_2254 : vector<256x1xbf16> to vector<256x256xbf16>
    %mul3A_2256 = arith.mulf %mul3A_2246, %mul3A_2255 : vector<256x256xbf16>
    %slice3A_2257 = vector.extract_strided_slice %convert_element_type3A_2210 {offsets = [0, 256], sizes = [256, 256], strides = [1, 1]} : vector<256x512xbf16> to vector<256x256xbf16>
    %dot_general3A_2258 = arith.constant dense<0.000000e+00> : vector<256x256xf32>
    %dot_general3A_2259 = tpu.matmul %mul3A_2256, %slice3A_2257, %dot_general3A_2258 {dimension_numbers = #tpu.dot_dimension_numbers<[1], [0], [0], [1], [0, 0, 1, 1], [], []>, transpose_lhs_hint = false} : vector<256x256xbf16>, vector<256x256xbf16>, vector<256x256xf32> -> vector<256x256xf32>
    %convert_element_type3A_2260 = arith.truncf %dot_general3A_2259 : vector<256x256xf32> to vector<256x256xbf16>
    %concatenate3A_2261 = tpu.concatenate %convert_element_type3A_2235, %convert_element_type3A_2260 in 1 : vector<256x256xbf16>, vector<256x256xbf16> -> vector<256x512xbf16>
    %get3A_2262 = arith.constant 0 : index
    %get3A_2263 = arith.constant 0 : index
    %get3A_2264 = vector.load %arg7[%get3A_2262, %get3A_2263] : memref<512x4xf32, #tpu.memory_space<vmem>>, vector<512x4xf32>
    %convert_element_type3A_2265 = arith.truncf %get3A_2264 : vector<512x4xf32> to vector<512x4xbf16>
    %dot_general3A_2266 = arith.constant dense<0.000000e+00> : vector<256x4xf32>
    %dot_general3A_2267 = tpu.matmul %concatenate3A_2261, %convert_element_type3A_2265, %dot_general3A_2266 {dimension_numbers = #tpu.dot_dimension_numbers<[1], [0], [0], [1], [0, 0, 1, 1], [], []>, transpose_lhs_hint = false} : vector<256x512xbf16>, vector<512x4xbf16>, vector<256x4xf32> -> vector<256x4xf32>
    %get3A_2268 = arith.constant 0 : index
    %get3A_2269 = arith.constant 0 : index
    %get3A_2270 = vector.load %arg8[%get3A_2268, %get3A_2269] : memref<1x4xf32, #tpu.memory_space<vmem>>, vector<1x4xf32>
    %add3A_2271 = vector.broadcast %get3A_2270 : vector<1x4xf32> to vector<256x4xf32>
    %add3A_2272 = arith.addf %dot_general3A_2267, %add3A_2271 : vector<256x4xf32>
    %convert_element_type3A_2273 = arith.truncf %add3A_2272 : vector<256x4xf32> to vector<256x4xbf16>
    %dot_general3A_2274 = arith.constant dense<0.000000e+00> : vector<4x256xf32>
    %dot_general3A_2275 = tpu.matmul %convert_element_type3A_2265, %concatenate3A_2261, %dot_general3A_2274 {dimension_numbers = #tpu.dot_dimension_numbers<[0], [1], [1], [0], [0, 1, 1, 0], [], []>, transpose_lhs_hint = false} : vector<512x4xbf16>, vector<256x512xbf16>, vector<4x256xf32> -> vector<4x256xf32>
    %get3A_2276 = arith.constant 0 : index
    %get3A_2277 = arith.constant 0 : index
    %get3A_2278 = vector.load %arg9[%get3A_2276, %get3A_2277] : memref<4x1xf32, #tpu.memory_space<vmem>>, vector<4x1xf32>
    %add3A_2279 = vector.broadcast %get3A_2278 : vector<4x1xf32> to vector<4x256xf32>
    %add3A_2280 = arith.addf %dot_general3A_2275, %add3A_2279 : vector<4x256xf32>
    %convert_element_type3A_2281 = arith.truncf %add3A_2280 : vector<4x256xf32> to vector<4x256xbf16>
    %get3A_2282 = arith.constant 0 : index
    %get3A_2283 = arith.constant 0 : index
    %get3A_2284 = vector.load %arg6[%get3A_2282, %get3A_2283] : memref<512x256xf32, #tpu.memory_space<vmem>>, vector<512x256xf32>
    %convert_element_type3A_2285 = arith.truncf %get3A_2284 : vector<512x256xf32> to vector<512x256xbf16>
    %dot_general3A_2286 = arith.constant dense<0.000000e+00> : vector<256x256xf32>
    %dot_general3A_2287 = tpu.matmul %concatenate3A_2261, %convert_element_type3A_2285, %dot_general3A_2286 {dimension_numbers = #tpu.dot_dimension_numbers<[1], [0], [0], [1], [0, 0, 1, 1], [], []>, transpose_lhs_hint = false} : vector<256x512xbf16>, vector<512x256xbf16>, vector<256x256xf32> -> vector<256x256xf32>
    %get3A_2288 = arith.constant 0 : index
    %get3A_2289 = arith.constant 0 : index
    %get3A_2290 = vector.load %arg10[%get3A_2288, %get3A_2289] : memref<1x256xf32, #tpu.memory_space<vmem>>, vector<1x256xf32>
    %add3A_2291 = vector.broadcast %get3A_2290 : vector<1x256xf32> to vector<256x256xf32>
    %add3A_2292 = arith.addf %dot_general3A_2287, %add3A_2291 : vector<256x256xf32>
    %convert_element_type3A_2293 = arith.truncf %add3A_2292 : vector<256x256xf32> to vector<256x256xbf16>
    %broadcast_in_dim3A_2294 = arith.constant 0.000000e+00 : f32
    %broadcast_in_dim3A_2295 = vector.broadcast %broadcast_in_dim3A_2294 : f32 to vector<256x128xf32>
    %slice3A_2296 = vector.extract_strided_slice %convert_element_type3A_2273 {offsets = [0, 0], sizes = [256, 1], strides = [1, 1]} : vector<256x4xbf16> to vector<256x1xbf16>
    %slice3A_2297 = vector.extract_strided_slice %convert_element_type3A_2281 {offsets = [1, 0], sizes = [1, 256], strides = [1, 1]} : vector<4x256xbf16> to vector<1x256xbf16>
    %add3A_2298 = vector.broadcast %slice3A_2296 : vector<256x1xbf16> to vector<256x256xbf16>
    %add3A_2299 = vector.broadcast %slice3A_2297 : vector<1x256xbf16> to vector<256x256xbf16>
    %add3A_2300 = arith.addf %add3A_2298, %add3A_2299 : vector<256x256xbf16>
    %mul3A_2301 = arith.constant 2.001950e-01 : bf16
    %mul3A_2302 = vector.broadcast %mul3A_2301 : bf16 to vector<256x256xbf16>
    %mul3A_2303 = arith.mulf %mul3A_2302, %add3A_2300 : vector<256x256xbf16>
    %max3A_2304 = arith.maximumf %add3A_2300, %mul3A_2303 : vector<256x256xbf16>
    %exp3A_2305 = math.exp %max3A_2304 : vector<256x256xbf16>
    %mul3A_2306 = arith.mulf %exp3A_2305, %convert_element_type3A_56 : vector<256x256xbf16>
    %convert_element_type3A_2307 = arith.extf %mul3A_2306 : vector<256x256xbf16> to vector<256x256xf32>
    %reduce_sum3A_2308 = arith.constant dense<0.000000e+00> : vector<256xf32>
    %reduce_sum3A_2309 = vector.multi_reduction <add>, %convert_element_type3A_2307, %reduce_sum3A_2308 [1] : vector<256x256xf32> to vector<256xf32>
    %broadcast_in_dim3A_2310 = vector.shape_cast %reduce_sum3A_2309 : vector<256xf32> to vector<256x1xf32>
    %div3A_2311 = arith.constant 1.000000e+00 : f32
    %div3A_2312 = vector.broadcast %div3A_2311 : f32 to vector<256x1xf32>
    %div3A_2313 = arith.divf %div3A_2312, %broadcast_in_dim3A_2310 : vector<256x1xf32>
    %slice3A_2314 = vector.extract_strided_slice %convert_element_type3A_2293 {offsets = [0, 0], sizes = [256, 128], strides = [1, 1]} : vector<256x256xbf16> to vector<256x128xbf16>
    %dot_general3A_2315 = arith.constant dense<0.000000e+00> : vector<256x128xf32>
    %dot_general3A_2316 = tpu.matmul %mul3A_2306, %slice3A_2314, %dot_general3A_2315 {dimension_numbers = #tpu.dot_dimension_numbers<[1], [0], [0], [1], [0, 0, 1, 1], [], []>, transpose_lhs_hint = false} : vector<256x256xbf16>, vector<256x128xbf16>, vector<256x128xf32> -> vector<256x128xf32>
    %mul3A_2317 = vector.broadcast %div3A_2313 : vector<256x1xf32> to vector<256x128xf32>
    %mul3A_2318 = arith.mulf %dot_general3A_2316, %mul3A_2317 : vector<256x128xf32>
    %add3A_2319 = arith.addf %broadcast_in_dim3A_2295, %mul3A_2318 : vector<256x128xf32>
    %slice3A_2320 = vector.extract_strided_slice %convert_element_type3A_2273 {offsets = [0, 2], sizes = [256, 1], strides = [1, 1]} : vector<256x4xbf16> to vector<256x1xbf16>
    %slice3A_2321 = vector.extract_strided_slice %convert_element_type3A_2281 {offsets = [3, 0], sizes = [1, 256], strides = [1, 1]} : vector<4x256xbf16> to vector<1x256xbf16>
    %add3A_2322 = vector.broadcast %slice3A_2320 : vector<256x1xbf16> to vector<256x256xbf16>
    %add3A_2323 = vector.broadcast %slice3A_2321 : vector<1x256xbf16> to vector<256x256xbf16>
    %add3A_2324 = arith.addf %add3A_2322, %add3A_2323 : vector<256x256xbf16>
    %mul3A_2325 = arith.constant 2.001950e-01 : bf16
    %mul3A_2326 = vector.broadcast %mul3A_2325 : bf16 to vector<256x256xbf16>
    %mul3A_2327 = arith.mulf %mul3A_2326, %add3A_2324 : vector<256x256xbf16>
    %max3A_2328 = arith.maximumf %add3A_2324, %mul3A_2327 : vector<256x256xbf16>
    %exp3A_2329 = math.exp %max3A_2328 : vector<256x256xbf16>
    %mul3A_2330 = arith.mulf %exp3A_2329, %convert_element_type3A_56 : vector<256x256xbf16>
    %convert_element_type3A_2331 = arith.extf %mul3A_2330 : vector<256x256xbf16> to vector<256x256xf32>
    %reduce_sum3A_2332 = arith.constant dense<0.000000e+00> : vector<256xf32>
    %reduce_sum3A_2333 = vector.multi_reduction <add>, %convert_element_type3A_2331, %reduce_sum3A_2332 [1] : vector<256x256xf32> to vector<256xf32>
    %broadcast_in_dim3A_2334 = vector.shape_cast %reduce_sum3A_2333 : vector<256xf32> to vector<256x1xf32>
    %div3A_2335 = arith.constant 1.000000e+00 : f32
    %div3A_2336 = vector.broadcast %div3A_2335 : f32 to vector<256x1xf32>
    %div3A_2337 = arith.divf %div3A_2336, %broadcast_in_dim3A_2334 : vector<256x1xf32>
    %slice3A_2338 = vector.extract_strided_slice %convert_element_type3A_2293 {offsets = [0, 128], sizes = [256, 128], strides = [1, 1]} : vector<256x256xbf16> to vector<256x128xbf16>
    %dot_general3A_2339 = arith.constant dense<0.000000e+00> : vector<256x128xf32>
    %dot_general3A_2340 = tpu.matmul %mul3A_2330, %slice3A_2338, %dot_general3A_2339 {dimension_numbers = #tpu.dot_dimension_numbers<[1], [0], [0], [1], [0, 0, 1, 1], [], []>, transpose_lhs_hint = false} : vector<256x256xbf16>, vector<256x128xbf16>, vector<256x128xf32> -> vector<256x128xf32>
    %mul3A_2341 = vector.broadcast %div3A_2337 : vector<256x1xf32> to vector<256x128xf32>
    %mul3A_2342 = arith.mulf %dot_general3A_2340, %mul3A_2341 : vector<256x128xf32>
    %add3A_2343 = arith.addf %add3A_2319, %mul3A_2342 : vector<256x128xf32>
    %reshape3A_2344 = vector.shape_cast %add3A_2343 : vector<256x128xf32> to vector<8x32x128xf32>
    %slice3A_2345 = vector.extract_strided_slice %reshape3A_2344 {offsets = [0, 0, 0], sizes = [8, 1, 128], strides = [1, 1, 1]} : vector<8x32x128xf32> to vector<8x1x128xf32>
    %squeeze3A_2346 = vector.shape_cast %slice3A_2345 : vector<8x1x128xf32> to vector<8x128xf32>
    %mul3A_2347 = arith.constant 5.000000e-01 : f32
    %mul3A_2348 = vector.broadcast %mul3A_2347 : f32 to vector<8x128xf32>
    %mul3A_2349 = arith.mulf %squeeze3A_2346, %mul3A_2348 : vector<8x128xf32>
    %get3A_2350 = arith.constant 0 : index
    %get3A_2351 = arith.constant 0 : index
    %get3A_2352 = vector.load %arg11[%get3A_2350, %get3A_2351] : memref<1x128xf32, #tpu.memory_space<vmem>>, vector<1x128xf32>
    %add3A_2353 = vector.broadcast %get3A_2352 : vector<1x128xf32> to vector<8x128xf32>
    %add3A_2354 = arith.addf %mul3A_2349, %add3A_2353 : vector<8x128xf32>
    %swap3A_2355 = arith.constant 96 : index
    %swap3A_2356 = arith.constant 0 : index
    %swap3A_2357 = vector.load %arg12[%swap3A_2355, %swap3A_2356] : memref<128x128xf32, #tpu.memory_space<vmem>>, vector<8x128xf32>
    tpu.vector_store %arg12[%swap3A_2355, %swap3A_2356], %add3A_2354 {strides = array<i32>} : memref<128x128xf32, #tpu.memory_space<vmem>>, vector<8x128xf32>,
    %get3A_2358 = arith.constant 3328 : index
    %get3A_2359 = arith.constant 0 : index
    %get3A_2360 = vector.load %arg1[%get3A_2358, %get3A_2359] : memref<4096x256xf32, #tpu.memory_space<vmem>>, vector<256x256xf32>
    %convert_element_type3A_2361 = arith.truncf %get3A_2360 : vector<256x256xf32> to vector<256x256xbf16>
    %get3A_2362 = arith.constant 0 : index
    %get3A_2363 = arith.constant 0 : index
    %get3A_2364 = vector.load %arg3[%get3A_2362, %get3A_2363] : memref<256x4xf32, #tpu.memory_space<vmem>>, vector<256x4xf32>
    %convert_element_type3A_2365 = arith.truncf %get3A_2364 : vector<256x4xf32> to vector<256x4xbf16>
    %dot_general3A_2366 = arith.constant dense<0.000000e+00> : vector<256x4xf32>
    %dot_general3A_2367 = tpu.matmul %convert_element_type3A_2361, %convert_element_type3A_2365, %dot_general3A_2366 {dimension_numbers = #tpu.dot_dimension_numbers<[1], [0], [0], [1], [0, 0, 1, 1], [], []>, transpose_lhs_hint = false} : vector<256x256xbf16>, vector<256x4xbf16>, vector<256x4xf32> -> vector<256x4xf32>
    %get3A_2368 = arith.constant 0 : index
    %get3A_2369 = arith.constant 0 : index
    %get3A_2370 = vector.load %arg4[%get3A_2368, %get3A_2369] : memref<1x4xf32, #tpu.memory_space<vmem>>, vector<1x4xf32>
    %add3A_2371 = vector.broadcast %get3A_2370 : vector<1x4xf32> to vector<256x4xf32>
    %add3A_2372 = arith.addf %dot_general3A_2367, %add3A_2371 : vector<256x4xf32>
    %convert_element_type3A_2373 = arith.truncf %add3A_2372 : vector<256x4xf32> to vector<256x4xbf16>
    %dot_general3A_2374 = arith.constant dense<0.000000e+00> : vector<4x256xf32>
    %dot_general3A_2375 = tpu.matmul %convert_element_type3A_2365, %convert_element_type3A_2361, %dot_general3A_2374 {dimension_numbers = #tpu.dot_dimension_numbers<[0], [1], [1], [0], [0, 1, 1, 0], [], []>, transpose_lhs_hint = false} : vector<256x4xbf16>, vector<256x256xbf16>, vector<4x256xf32> -> vector<4x256xf32>
    %get3A_2376 = arith.constant 0 : index
    %get3A_2377 = arith.constant 0 : index
    %get3A_2378 = vector.load %arg5[%get3A_2376, %get3A_2377] : memref<4x1xf32, #tpu.memory_space<vmem>>, vector<4x1xf32>
    %add3A_2379 = vector.broadcast %get3A_2378 : vector<4x1xf32> to vector<4x256xf32>
    %add3A_2380 = arith.addf %dot_general3A_2375, %add3A_2379 : vector<4x256xf32>
    %convert_element_type3A_2381 = arith.truncf %add3A_2380 : vector<4x256xf32> to vector<4x256xbf16>
    %get3A_2382 = arith.constant 0 : index
    %get3A_2383 = arith.constant 0 : index
    %get3A_2384 = vector.load %arg2[%get3A_2382, %get3A_2383] : memref<256x512xf32, #tpu.memory_space<vmem>>, vector<256x512xf32>
    %convert_element_type3A_2385 = arith.truncf %get3A_2384 : vector<256x512xf32> to vector<256x512xbf16>
    %dot_general3A_2386 = arith.constant dense<0.000000e+00> : vector<256x512xf32>
    %dot_general3A_2387 = tpu.matmul %convert_element_type3A_2361, %convert_element_type3A_2385, %dot_general3A_2386 {dimension_numbers = #tpu.dot_dimension_numbers<[1], [0], [0], [1], [0, 0, 1, 1], [], []>, transpose_lhs_hint = false} : vector<256x256xbf16>, vector<256x512xbf16>, vector<256x512xf32> -> vector<256x512xf32>
    %convert_element_type3A_2388 = arith.truncf %dot_general3A_2387 : vector<256x512xf32> to vector<256x512xbf16>
    %slice3A_2389 = vector.extract_strided_slice %convert_element_type3A_2373 {offsets = [0, 0], sizes = [256, 1], strides = [1, 1]} : vector<256x4xbf16> to vector<256x1xbf16>
    %slice3A_2390 = vector.extract_strided_slice %convert_element_type3A_2381 {offsets = [1, 0], sizes = [1, 256], strides = [1, 1]} : vector<4x256xbf16> to vector<1x256xbf16>
    %add3A_2391 = vector.broadcast %slice3A_2389 : vector<256x1xbf16> to vector<256x256xbf16>
    %add3A_2392 = vector.broadcast %slice3A_2390 : vector<1x256xbf16> to vector<256x256xbf16>
    %add3A_2393 = arith.addf %add3A_2391, %add3A_2392 : vector<256x256xbf16>
    %mul3A_2394 = arith.constant 2.001950e-01 : bf16
    %mul3A_2395 = vector.broadcast %mul3A_2394 : bf16 to vector<256x256xbf16>
    %mul3A_2396 = arith.mulf %mul3A_2395, %add3A_2393 : vector<256x256xbf16>
    %max3A_2397 = arith.maximumf %add3A_2393, %mul3A_2396 : vector<256x256xbf16>
    %exp3A_2398 = math.exp %max3A_2397 : vector<256x256xbf16>
    %mul3A_2399 = arith.mulf %exp3A_2398, %convert_element_type3A_56 : vector<256x256xbf16>
    %convert_element_type3A_2400 = arith.extf %mul3A_2399 : vector<256x256xbf16> to vector<256x256xf32>
    %reduce_sum3A_2401 = arith.constant dense<0.000000e+00> : vector<256xf32>
    %reduce_sum3A_2402 = vector.multi_reduction <add>, %convert_element_type3A_2400, %reduce_sum3A_2401 [1] : vector<256x256xf32> to vector<256xf32>
    %broadcast_in_dim3A_2403 = vector.shape_cast %reduce_sum3A_2402 : vector<256xf32> to vector<256x1xf32>
    %div3A_2404 = arith.constant 1.000000e+00 : f32
    %div3A_2405 = vector.broadcast %div3A_2404 : f32 to vector<256x1xf32>
    %div3A_2406 = arith.divf %div3A_2405, %broadcast_in_dim3A_2403 : vector<256x1xf32>
    %convert_element_type3A_2407 = arith.truncf %div3A_2406 : vector<256x1xf32> to vector<256x1xbf16>
    %mul3A_2408 = vector.broadcast %convert_element_type3A_2407 : vector<256x1xbf16> to vector<256x256xbf16>
    %mul3A_2409 = arith.mulf %mul3A_2399, %mul3A_2408 : vector<256x256xbf16>
    %slice3A_2410 = vector.extract_strided_slice %convert_element_type3A_2388 {offsets = [0, 0], sizes = [256, 256], strides = [1, 1]} : vector<256x512xbf16> to vector<256x256xbf16>
    %dot_general3A_2411 = arith.constant dense<0.000000e+00> : vector<256x256xf32>
    %dot_general3A_2412 = tpu.matmul %mul3A_2409, %slice3A_2410, %dot_general3A_2411 {dimension_numbers = #tpu.dot_dimension_numbers<[1], [0], [0], [1], [0, 0, 1, 1], [], []>, transpose_lhs_hint = false} : vector<256x256xbf16>, vector<256x256xbf16>, vector<256x256xf32> -> vector<256x256xf32>
    %convert_element_type3A_2413 = arith.truncf %dot_general3A_2412 : vector<256x256xf32> to vector<256x256xbf16>
    %slice3A_2414 = vector.extract_strided_slice %convert_element_type3A_2373 {offsets = [0, 2], sizes = [256, 1], strides = [1, 1]} : vector<256x4xbf16> to vector<256x1xbf16>
    %slice3A_2415 = vector.extract_strided_slice %convert_element_type3A_2381 {offsets = [3, 0], sizes = [1, 256], strides = [1, 1]} : vector<4x256xbf16> to vector<1x256xbf16>
    %add3A_2416 = vector.broadcast %slice3A_2414 : vector<256x1xbf16> to vector<256x256xbf16>
    %add3A_2417 = vector.broadcast %slice3A_2415 : vector<1x256xbf16> to vector<256x256xbf16>
    %add3A_2418 = arith.addf %add3A_2416, %add3A_2417 : vector<256x256xbf16>
    %mul3A_2419 = arith.constant 2.001950e-01 : bf16
    %mul3A_2420 = vector.broadcast %mul3A_2419 : bf16 to vector<256x256xbf16>
    %mul3A_2421 = arith.mulf %mul3A_2420, %add3A_2418 : vector<256x256xbf16>
    %max3A_2422 = arith.maximumf %add3A_2418, %mul3A_2421 : vector<256x256xbf16>
    %exp3A_2423 = math.exp %max3A_2422 : vector<256x256xbf16>
    %mul3A_2424 = arith.mulf %exp3A_2423, %convert_element_type3A_56 : vector<256x256xbf16>
    %convert_element_type3A_2425 = arith.extf %mul3A_2424 : vector<256x256xbf16> to vector<256x256xf32>
    %reduce_sum3A_2426 = arith.constant dense<0.000000e+00> : vector<256xf32>
    %reduce_sum3A_2427 = vector.multi_reduction <add>, %convert_element_type3A_2425, %reduce_sum3A_2426 [1] : vector<256x256xf32> to vector<256xf32>
    %broadcast_in_dim3A_2428 = vector.shape_cast %reduce_sum3A_2427 : vector<256xf32> to vector<256x1xf32>
    %div3A_2429 = arith.constant 1.000000e+00 : f32
    %div3A_2430 = vector.broadcast %div3A_2429 : f32 to vector<256x1xf32>
    %div3A_2431 = arith.divf %div3A_2430, %broadcast_in_dim3A_2428 : vector<256x1xf32>
    %convert_element_type3A_2432 = arith.truncf %div3A_2431 : vector<256x1xf32> to vector<256x1xbf16>
    %mul3A_2433 = vector.broadcast %convert_element_type3A_2432 : vector<256x1xbf16> to vector<256x256xbf16>
    %mul3A_2434 = arith.mulf %mul3A_2424, %mul3A_2433 : vector<256x256xbf16>
    %slice3A_2435 = vector.extract_strided_slice %convert_element_type3A_2388 {offsets = [0, 256], sizes = [256, 256], strides = [1, 1]} : vector<256x512xbf16> to vector<256x256xbf16>
    %dot_general3A_2436 = arith.constant dense<0.000000e+00> : vector<256x256xf32>
    %dot_general3A_2437 = tpu.matmul %mul3A_2434, %slice3A_2435, %dot_general3A_2436 {dimension_numbers = #tpu.dot_dimension_numbers<[1], [0], [0], [1], [0, 0, 1, 1], [], []>, transpose_lhs_hint = false} : vector<256x256xbf16>, vector<256x256xbf16>, vector<256x256xf32> -> vector<256x256xf32>
    %convert_element_type3A_2438 = arith.truncf %dot_general3A_2437 : vector<256x256xf32> to vector<256x256xbf16>
    %concatenate3A_2439 = tpu.concatenate %convert_element_type3A_2413, %convert_element_type3A_2438 in 1 : vector<256x256xbf16>, vector<256x256xbf16> -> vector<256x512xbf16>
    %get3A_2440 = arith.constant 0 : index
    %get3A_2441 = arith.constant 0 : index
    %get3A_2442 = vector.load %arg7[%get3A_2440, %get3A_2441] : memref<512x4xf32, #tpu.memory_space<vmem>>, vector<512x4xf32>
    %convert_element_type3A_2443 = arith.truncf %get3A_2442 : vector<512x4xf32> to vector<512x4xbf16>
    %dot_general3A_2444 = arith.constant dense<0.000000e+00> : vector<256x4xf32>
    %dot_general3A_2445 = tpu.matmul %concatenate3A_2439, %convert_element_type3A_2443, %dot_general3A_2444 {dimension_numbers = #tpu.dot_dimension_numbers<[1], [0], [0], [1], [0, 0, 1, 1], [], []>, transpose_lhs_hint = false} : vector<256x512xbf16>, vector<512x4xbf16>, vector<256x4xf32> -> vector<256x4xf32>
    %get3A_2446 = arith.constant 0 : index
    %get3A_2447 = arith.constant 0 : index
    %get3A_2448 = vector.load %arg8[%get3A_2446, %get3A_2447] : memref<1x4xf32, #tpu.memory_space<vmem>>, vector<1x4xf32>
    %add3A_2449 = vector.broadcast %get3A_2448 : vector<1x4xf32> to vector<256x4xf32>
    %add3A_2450 = arith.addf %dot_general3A_2445, %add3A_2449 : vector<256x4xf32>
    %convert_element_type3A_2451 = arith.truncf %add3A_2450 : vector<256x4xf32> to vector<256x4xbf16>
    %dot_general3A_2452 = arith.constant dense<0.000000e+00> : vector<4x256xf32>
    %dot_general3A_2453 = tpu.matmul %convert_element_type3A_2443, %concatenate3A_2439, %dot_general3A_2452 {dimension_numbers = #tpu.dot_dimension_numbers<[0], [1], [1], [0], [0, 1, 1, 0], [], []>, transpose_lhs_hint = false} : vector<512x4xbf16>, vector<256x512xbf16>, vector<4x256xf32> -> vector<4x256xf32>
    %get3A_2454 = arith.constant 0 : index
    %get3A_2455 = arith.constant 0 : index
    %get3A_2456 = vector.load %arg9[%get3A_2454, %get3A_2455] : memref<4x1xf32, #tpu.memory_space<vmem>>, vector<4x1xf32>
    %add3A_2457 = vector.broadcast %get3A_2456 : vector<4x1xf32> to vector<4x256xf32>
    %add3A_2458 = arith.addf %dot_general3A_2453, %add3A_2457 : vector<4x256xf32>
    %convert_element_type3A_2459 = arith.truncf %add3A_2458 : vector<4x256xf32> to vector<4x256xbf16>
    %get3A_2460 = arith.constant 0 : index
    %get3A_2461 = arith.constant 0 : index
    %get3A_2462 = vector.load %arg6[%get3A_2460, %get3A_2461] : memref<512x256xf32, #tpu.memory_space<vmem>>, vector<512x256xf32>
    %convert_element_type3A_2463 = arith.truncf %get3A_2462 : vector<512x256xf32> to vector<512x256xbf16>
    %dot_general3A_2464 = arith.constant dense<0.000000e+00> : vector<256x256xf32>
    %dot_general3A_2465 = tpu.matmul %concatenate3A_2439, %convert_element_type3A_2463, %dot_general3A_2464 {dimension_numbers = #tpu.dot_dimension_numbers<[1], [0], [0], [1], [0, 0, 1, 1], [], []>, transpose_lhs_hint = false} : vector<256x512xbf16>, vector<512x256xbf16>, vector<256x256xf32> -> vector<256x256xf32>
    %get3A_2466 = arith.constant 0 : index
    %get3A_2467 = arith.constant 0 : index
    %get3A_2468 = vector.load %arg10[%get3A_2466, %get3A_2467] : memref<1x256xf32, #tpu.memory_space<vmem>>, vector<1x256xf32>
    %add3A_2469 = vector.broadcast %get3A_2468 : vector<1x256xf32> to vector<256x256xf32>
    %add3A_2470 = arith.addf %dot_general3A_2465, %add3A_2469 : vector<256x256xf32>
    %convert_element_type3A_2471 = arith.truncf %add3A_2470 : vector<256x256xf32> to vector<256x256xbf16>
    %broadcast_in_dim3A_2472 = arith.constant 0.000000e+00 : f32
    %broadcast_in_dim3A_2473 = vector.broadcast %broadcast_in_dim3A_2472 : f32 to vector<256x128xf32>
    %slice3A_2474 = vector.extract_strided_slice %convert_element_type3A_2451 {offsets = [0, 0], sizes = [256, 1], strides = [1, 1]} : vector<256x4xbf16> to vector<256x1xbf16>
    %slice3A_2475 = vector.extract_strided_slice %convert_element_type3A_2459 {offsets = [1, 0], sizes = [1, 256], strides = [1, 1]} : vector<4x256xbf16> to vector<1x256xbf16>
    %add3A_2476 = vector.broadcast %slice3A_2474 : vector<256x1xbf16> to vector<256x256xbf16>
    %add3A_2477 = vector.broadcast %slice3A_2475 : vector<1x256xbf16> to vector<256x256xbf16>
    %add3A_2478 = arith.addf %add3A_2476, %add3A_2477 : vector<256x256xbf16>
    %mul3A_2479 = arith.constant 2.001950e-01 : bf16
    %mul3A_2480 = vector.broadcast %mul3A_2479 : bf16 to vector<256x256xbf16>
    %mul3A_2481 = arith.mulf %mul3A_2480, %add3A_2478 : vector<256x256xbf16>
    %max3A_2482 = arith.maximumf %add3A_2478, %mul3A_2481 : vector<256x256xbf16>
    %exp3A_2483 = math.exp %max3A_2482 : vector<256x256xbf16>
    %mul3A_2484 = arith.mulf %exp3A_2483, %convert_element_type3A_56 : vector<256x256xbf16>
    %convert_element_type3A_2485 = arith.extf %mul3A_2484 : vector<256x256xbf16> to vector<256x256xf32>
    %reduce_sum3A_2486 = arith.constant dense<0.000000e+00> : vector<256xf32>
    %reduce_sum3A_2487 = vector.multi_reduction <add>, %convert_element_type3A_2485, %reduce_sum3A_2486 [1] : vector<256x256xf32> to vector<256xf32>
    %broadcast_in_dim3A_2488 = vector.shape_cast %reduce_sum3A_2487 : vector<256xf32> to vector<256x1xf32>
    %div3A_2489 = arith.constant 1.000000e+00 : f32
    %div3A_2490 = vector.broadcast %div3A_2489 : f32 to vector<256x1xf32>
    %div3A_2491 = arith.divf %div3A_2490, %broadcast_in_dim3A_2488 : vector<256x1xf32>
    %slice3A_2492 = vector.extract_strided_slice %convert_element_type3A_2471 {offsets = [0, 0], sizes = [256, 128], strides = [1, 1]} : vector<256x256xbf16> to vector<256x128xbf16>
    %dot_general3A_2493 = arith.constant dense<0.000000e+00> : vector<256x128xf32>
    %dot_general3A_2494 = tpu.matmul %mul3A_2484, %slice3A_2492, %dot_general3A_2493 {dimension_numbers = #tpu.dot_dimension_numbers<[1], [0], [0], [1], [0, 0, 1, 1], [], []>, transpose_lhs_hint = false} : vector<256x256xbf16>, vector<256x128xbf16>, vector<256x128xf32> -> vector<256x128xf32>
    %mul3A_2495 = vector.broadcast %div3A_2491 : vector<256x1xf32> to vector<256x128xf32>
    %mul3A_2496 = arith.mulf %dot_general3A_2494, %mul3A_2495 : vector<256x128xf32>
    %add3A_2497 = arith.addf %broadcast_in_dim3A_2473, %mul3A_2496 : vector<256x128xf32>
    %slice3A_2498 = vector.extract_strided_slice %convert_element_type3A_2451 {offsets = [0, 2], sizes = [256, 1], strides = [1, 1]} : vector<256x4xbf16> to vector<256x1xbf16>
    %slice3A_2499 = vector.extract_strided_slice %convert_element_type3A_2459 {offsets = [3, 0], sizes = [1, 256], strides = [1, 1]} : vector<4x256xbf16> to vector<1x256xbf16>
    %add3A_2500 = vector.broadcast %slice3A_2498 : vector<256x1xbf16> to vector<256x256xbf16>
    %add3A_2501 = vector.broadcast %slice3A_2499 : vector<1x256xbf16> to vector<256x256xbf16>
    %add3A_2502 = arith.addf %add3A_2500, %add3A_2501 : vector<256x256xbf16>
    %mul3A_2503 = arith.constant 2.001950e-01 : bf16
    %mul3A_2504 = vector.broadcast %mul3A_2503 : bf16 to vector<256x256xbf16>
    %mul3A_2505 = arith.mulf %mul3A_2504, %add3A_2502 : vector<256x256xbf16>
    %max3A_2506 = arith.maximumf %add3A_2502, %mul3A_2505 : vector<256x256xbf16>
    %exp3A_2507 = math.exp %max3A_2506 : vector<256x256xbf16>
    %mul3A_2508 = arith.mulf %exp3A_2507, %convert_element_type3A_56 : vector<256x256xbf16>
    %convert_element_type3A_2509 = arith.extf %mul3A_2508 : vector<256x256xbf16> to vector<256x256xf32>
    %reduce_sum3A_2510 = arith.constant dense<0.000000e+00> : vector<256xf32>
    %reduce_sum3A_2511 = vector.multi_reduction <add>, %convert_element_type3A_2509, %reduce_sum3A_2510 [1] : vector<256x256xf32> to vector<256xf32>
    %broadcast_in_dim3A_2512 = vector.shape_cast %reduce_sum3A_2511 : vector<256xf32> to vector<256x1xf32>
    %div3A_2513 = arith.constant 1.000000e+00 : f32
    %div3A_2514 = vector.broadcast %div3A_2513 : f32 to vector<256x1xf32>
    %div3A_2515 = arith.divf %div3A_2514, %broadcast_in_dim3A_2512 : vector<256x1xf32>
    %slice3A_2516 = vector.extract_strided_slice %convert_element_type3A_2471 {offsets = [0, 128], sizes = [256, 128], strides = [1, 1]} : vector<256x256xbf16> to vector<256x128xbf16>
    %dot_general3A_2517 = arith.constant dense<0.000000e+00> : vector<256x128xf32>
    %dot_general3A_2518 = tpu.matmul %mul3A_2508, %slice3A_2516, %dot_general3A_2517 {dimension_numbers = #tpu.dot_dimension_numbers<[1], [0], [0], [1], [0, 0, 1, 1], [], []>, transpose_lhs_hint = false} : vector<256x256xbf16>, vector<256x128xbf16>, vector<256x128xf32> -> vector<256x128xf32>
    %mul3A_2519 = vector.broadcast %div3A_2515 : vector<256x1xf32> to vector<256x128xf32>
    %mul3A_2520 = arith.mulf %dot_general3A_2518, %mul3A_2519 : vector<256x128xf32>
    %add3A_2521 = arith.addf %add3A_2497, %mul3A_2520 : vector<256x128xf32>
    %reshape3A_2522 = vector.shape_cast %add3A_2521 : vector<256x128xf32> to vector<8x32x128xf32>
    %slice3A_2523 = vector.extract_strided_slice %reshape3A_2522 {offsets = [0, 0, 0], sizes = [8, 1, 128], strides = [1, 1, 1]} : vector<8x32x128xf32> to vector<8x1x128xf32>
    %squeeze3A_2524 = vector.shape_cast %slice3A_2523 : vector<8x1x128xf32> to vector<8x128xf32>
    %mul3A_2525 = arith.constant 5.000000e-01 : f32
    %mul3A_2526 = vector.broadcast %mul3A_2525 : f32 to vector<8x128xf32>
    %mul3A_2527 = arith.mulf %squeeze3A_2524, %mul3A_2526 : vector<8x128xf32>
    %get3A_2528 = arith.constant 0 : index
    %get3A_2529 = arith.constant 0 : index
    %get3A_2530 = vector.load %arg11[%get3A_2528, %get3A_2529] : memref<1x128xf32, #tpu.memory_space<vmem>>, vector<1x128xf32>
    %add3A_2531 = vector.broadcast %get3A_2530 : vector<1x128xf32> to vector<8x128xf32>
    %add3A_2532 = arith.addf %mul3A_2527, %add3A_2531 : vector<8x128xf32>
    %swap3A_2533 = arith.constant 104 : index
    %swap3A_2534 = arith.constant 0 : index
    %swap3A_2535 = vector.load %arg12[%swap3A_2533, %swap3A_2534] : memref<128x128xf32, #tpu.memory_space<vmem>>, vector<8x128xf32>
    tpu.vector_store %arg12[%swap3A_2533, %swap3A_2534], %add3A_2532 {strides = array<i32>} : memref<128x128xf32, #tpu.memory_space<vmem>>, vector<8x128xf32>,
    %get3A_2536 = arith.constant 3584 : index
    %get3A_2537 = arith.constant 0 : index
    %get3A_2538 = vector.load %arg1[%get3A_2536, %get3A_2537] : memref<4096x256xf32, #tpu.memory_space<vmem>>, vector<256x256xf32>
    %convert_element_type3A_2539 = arith.truncf %get3A_2538 : vector<256x256xf32> to vector<256x256xbf16>
    %get3A_2540 = arith.constant 0 : index
    %get3A_2541 = arith.constant 0 : index
    %get3A_2542 = vector.load %arg3[%get3A_2540, %get3A_2541] : memref<256x4xf32, #tpu.memory_space<vmem>>, vector<256x4xf32>
    %convert_element_type3A_2543 = arith.truncf %get3A_2542 : vector<256x4xf32> to vector<256x4xbf16>
    %dot_general3A_2544 = arith.constant dense<0.000000e+00> : vector<256x4xf32>
    %dot_general3A_2545 = tpu.matmul %convert_element_type3A_2539, %convert_element_type3A_2543, %dot_general3A_2544 {dimension_numbers = #tpu.dot_dimension_numbers<[1], [0], [0], [1], [0, 0, 1, 1], [], []>, transpose_lhs_hint = false} : vector<256x256xbf16>, vector<256x4xbf16>, vector<256x4xf32> -> vector<256x4xf32>
    %get3A_2546 = arith.constant 0 : index
    %get3A_2547 = arith.constant 0 : index
    %get3A_2548 = vector.load %arg4[%get3A_2546, %get3A_2547] : memref<1x4xf32, #tpu.memory_space<vmem>>, vector<1x4xf32>
    %add3A_2549 = vector.broadcast %get3A_2548 : vector<1x4xf32> to vector<256x4xf32>
    %add3A_2550 = arith.addf %dot_general3A_2545, %add3A_2549 : vector<256x4xf32>
    %convert_element_type3A_2551 = arith.truncf %add3A_2550 : vector<256x4xf32> to vector<256x4xbf16>
    %dot_general3A_2552 = arith.constant dense<0.000000e+00> : vector<4x256xf32>
    %dot_general3A_2553 = tpu.matmul %convert_element_type3A_2543, %convert_element_type3A_2539, %dot_general3A_2552 {dimension_numbers = #tpu.dot_dimension_numbers<[0], [1], [1], [0], [0, 1, 1, 0], [], []>, transpose_lhs_hint = false} : vector<256x4xbf16>, vector<256x256xbf16>, vector<4x256xf32> -> vector<4x256xf32>
    %get3A_2554 = arith.constant 0 : index
    %get3A_2555 = arith.constant 0 : index
    %get3A_2556 = vector.load %arg5[%get3A_2554, %get3A_2555] : memref<4x1xf32, #tpu.memory_space<vmem>>, vector<4x1xf32>
    %add3A_2557 = vector.broadcast %get3A_2556 : vector<4x1xf32> to vector<4x256xf32>
    %add3A_2558 = arith.addf %dot_general3A_2553, %add3A_2557 : vector<4x256xf32>
    %convert_element_type3A_2559 = arith.truncf %add3A_2558 : vector<4x256xf32> to vector<4x256xbf16>
    %get3A_2560 = arith.constant 0 : index
    %get3A_2561 = arith.constant 0 : index
    %get3A_2562 = vector.load %arg2[%get3A_2560, %get3A_2561] : memref<256x512xf32, #tpu.memory_space<vmem>>, vector<256x512xf32>
    %convert_element_type3A_2563 = arith.truncf %get3A_2562 : vector<256x512xf32> to vector<256x512xbf16>
    %dot_general3A_2564 = arith.constant dense<0.000000e+00> : vector<256x512xf32>
    %dot_general3A_2565 = tpu.matmul %convert_element_type3A_2539, %convert_element_type3A_2563, %dot_general3A_2564 {dimension_numbers = #tpu.dot_dimension_numbers<[1], [0], [0], [1], [0, 0, 1, 1], [], []>, transpose_lhs_hint = false} : vector<256x256xbf16>, vector<256x512xbf16>, vector<256x512xf32> -> vector<256x512xf32>
    %convert_element_type3A_2566 = arith.truncf %dot_general3A_2565 : vector<256x512xf32> to vector<256x512xbf16>
    %slice3A_2567 = vector.extract_strided_slice %convert_element_type3A_2551 {offsets = [0, 0], sizes = [256, 1], strides = [1, 1]} : vector<256x4xbf16> to vector<256x1xbf16>
    %slice3A_2568 = vector.extract_strided_slice %convert_element_type3A_2559 {offsets = [1, 0], sizes = [1, 256], strides = [1, 1]} : vector<4x256xbf16> to vector<1x256xbf16>
    %add3A_2569 = vector.broadcast %slice3A_2567 : vector<256x1xbf16> to vector<256x256xbf16>
    %add3A_2570 = vector.broadcast %slice3A_2568 : vector<1x256xbf16> to vector<256x256xbf16>
    %add3A_2571 = arith.addf %add3A_2569, %add3A_2570 : vector<256x256xbf16>
    %mul3A_2572 = arith.constant 2.001950e-01 : bf16
    %mul3A_2573 = vector.broadcast %mul3A_2572 : bf16 to vector<256x256xbf16>
    %mul3A_2574 = arith.mulf %mul3A_2573, %add3A_2571 : vector<256x256xbf16>
    %max3A_2575 = arith.maximumf %add3A_2571, %mul3A_2574 : vector<256x256xbf16>
    %exp3A_2576 = math.exp %max3A_2575 : vector<256x256xbf16>
    %mul3A_2577 = arith.mulf %exp3A_2576, %convert_element_type3A_56 : vector<256x256xbf16>
    %convert_element_type3A_2578 = arith.extf %mul3A_2577 : vector<256x256xbf16> to vector<256x256xf32>
    %reduce_sum3A_2579 = arith.constant dense<0.000000e+00> : vector<256xf32>
    %reduce_sum3A_2580 = vector.multi_reduction <add>, %convert_element_type3A_2578, %reduce_sum3A_2579 [1] : vector<256x256xf32> to vector<256xf32>
    %broadcast_in_dim3A_2581 = vector.shape_cast %reduce_sum3A_2580 : vector<256xf32> to vector<256x1xf32>
    %div3A_2582 = arith.constant 1.000000e+00 : f32
    %div3A_2583 = vector.broadcast %div3A_2582 : f32 to vector<256x1xf32>
    %div3A_2584 = arith.divf %div3A_2583, %broadcast_in_dim3A_2581 : vector<256x1xf32>
    %convert_element_type3A_2585 = arith.truncf %div3A_2584 : vector<256x1xf32> to vector<256x1xbf16>
    %mul3A_2586 = vector.broadcast %convert_element_type3A_2585 : vector<256x1xbf16> to vector<256x256xbf16>
    %mul3A_2587 = arith.mulf %mul3A_2577, %mul3A_2586 : vector<256x256xbf16>
    %slice3A_2588 = vector.extract_strided_slice %convert_element_type3A_2566 {offsets = [0, 0], sizes = [256, 256], strides = [1, 1]} : vector<256x512xbf16> to vector<256x256xbf16>
    %dot_general3A_2589 = arith.constant dense<0.000000e+00> : vector<256x256xf32>
    %dot_general3A_2590 = tpu.matmul %mul3A_2587, %slice3A_2588, %dot_general3A_2589 {dimension_numbers = #tpu.dot_dimension_numbers<[1], [0], [0], [1], [0, 0, 1, 1], [], []>, transpose_lhs_hint = false} : vector<256x256xbf16>, vector<256x256xbf16>, vector<256x256xf32> -> vector<256x256xf32>
    %convert_element_type3A_2591 = arith.truncf %dot_general3A_2590 : vector<256x256xf32> to vector<256x256xbf16>
    %slice3A_2592 = vector.extract_strided_slice %convert_element_type3A_2551 {offsets = [0, 2], sizes = [256, 1], strides = [1, 1]} : vector<256x4xbf16> to vector<256x1xbf16>
    %slice3A_2593 = vector.extract_strided_slice %convert_element_type3A_2559 {offsets = [3, 0], sizes = [1, 256], strides = [1, 1]} : vector<4x256xbf16> to vector<1x256xbf16>
    %add3A_2594 = vector.broadcast %slice3A_2592 : vector<256x1xbf16> to vector<256x256xbf16>
    %add3A_2595 = vector.broadcast %slice3A_2593 : vector<1x256xbf16> to vector<256x256xbf16>
    %add3A_2596 = arith.addf %add3A_2594, %add3A_2595 : vector<256x256xbf16>
    %mul3A_2597 = arith.constant 2.001950e-01 : bf16
    %mul3A_2598 = vector.broadcast %mul3A_2597 : bf16 to vector<256x256xbf16>
    %mul3A_2599 = arith.mulf %mul3A_2598, %add3A_2596 : vector<256x256xbf16>
    %max3A_2600 = arith.maximumf %add3A_2596, %mul3A_2599 : vector<256x256xbf16>
    %exp3A_2601 = math.exp %max3A_2600 : vector<256x256xbf16>
    %mul3A_2602 = arith.mulf %exp3A_2601, %convert_element_type3A_56 : vector<256x256xbf16>
    %convert_element_type3A_2603 = arith.extf %mul3A_2602 : vector<256x256xbf16> to vector<256x256xf32>
    %reduce_sum3A_2604 = arith.constant dense<0.000000e+00> : vector<256xf32>
    %reduce_sum3A_2605 = vector.multi_reduction <add>, %convert_element_type3A_2603, %reduce_sum3A_2604 [1] : vector<256x256xf32> to vector<256xf32>
    %broadcast_in_dim3A_2606 = vector.shape_cast %reduce_sum3A_2605 : vector<256xf32> to vector<256x1xf32>
    %div3A_2607 = arith.constant 1.000000e+00 : f32
    %div3A_2608 = vector.broadcast %div3A_2607 : f32 to vector<256x1xf32>
    %div3A_2609 = arith.divf %div3A_2608, %broadcast_in_dim3A_2606 : vector<256x1xf32>
    %convert_element_type3A_2610 = arith.truncf %div3A_2609 : vector<256x1xf32> to vector<256x1xbf16>
    %mul3A_2611 = vector.broadcast %convert_element_type3A_2610 : vector<256x1xbf16> to vector<256x256xbf16>
    %mul3A_2612 = arith.mulf %mul3A_2602, %mul3A_2611 : vector<256x256xbf16>
    %slice3A_2613 = vector.extract_strided_slice %convert_element_type3A_2566 {offsets = [0, 256], sizes = [256, 256], strides = [1, 1]} : vector<256x512xbf16> to vector<256x256xbf16>
    %dot_general3A_2614 = arith.constant dense<0.000000e+00> : vector<256x256xf32>
    %dot_general3A_2615 = tpu.matmul %mul3A_2612, %slice3A_2613, %dot_general3A_2614 {dimension_numbers = #tpu.dot_dimension_numbers<[1], [0], [0], [1], [0, 0, 1, 1], [], []>, transpose_lhs_hint = false} : vector<256x256xbf16>, vector<256x256xbf16>, vector<256x256xf32> -> vector<256x256xf32>
    %convert_element_type3A_2616 = arith.truncf %dot_general3A_2615 : vector<256x256xf32> to vector<256x256xbf16>
    %concatenate3A_2617 = tpu.concatenate %convert_element_type3A_2591, %convert_element_type3A_2616 in 1 : vector<256x256xbf16>, vector<256x256xbf16> -> vector<256x512xbf16>
    %get3A_2618 = arith.constant 0 : index
    %get3A_2619 = arith.constant 0 : index
    %get3A_2620 = vector.load %arg7[%get3A_2618, %get3A_2619] : memref<512x4xf32, #tpu.memory_space<vmem>>, vector<512x4xf32>
    %convert_element_type3A_2621 = arith.truncf %get3A_2620 : vector<512x4xf32> to vector<512x4xbf16>
    %dot_general3A_2622 = arith.constant dense<0.000000e+00> : vector<256x4xf32>
    %dot_general3A_2623 = tpu.matmul %concatenate3A_2617, %convert_element_type3A_2621, %dot_general3A_2622 {dimension_numbers = #tpu.dot_dimension_numbers<[1], [0], [0], [1], [0, 0, 1, 1], [], []>, transpose_lhs_hint = false} : vector<256x512xbf16>, vector<512x4xbf16>, vector<256x4xf32> -> vector<256x4xf32>
    %get3A_2624 = arith.constant 0 : index
    %get3A_2625 = arith.constant 0 : index
    %get3A_2626 = vector.load %arg8[%get3A_2624, %get3A_2625] : memref<1x4xf32, #tpu.memory_space<vmem>>, vector<1x4xf32>
    %add3A_2627 = vector.broadcast %get3A_2626 : vector<1x4xf32> to vector<256x4xf32>
    %add3A_2628 = arith.addf %dot_general3A_2623, %add3A_2627 : vector<256x4xf32>
    %convert_element_type3A_2629 = arith.truncf %add3A_2628 : vector<256x4xf32> to vector<256x4xbf16>
    %dot_general3A_2630 = arith.constant dense<0.000000e+00> : vector<4x256xf32>
    %dot_general3A_2631 = tpu.matmul %convert_element_type3A_2621, %concatenate3A_2617, %dot_general3A_2630 {dimension_numbers = #tpu.dot_dimension_numbers<[0], [1], [1], [0], [0, 1, 1, 0], [], []>, transpose_lhs_hint = false} : vector<512x4xbf16>, vector<256x512xbf16>, vector<4x256xf32> -> vector<4x256xf32>
    %get3A_2632 = arith.constant 0 : index
    %get3A_2633 = arith.constant 0 : index
    %get3A_2634 = vector.load %arg9[%get3A_2632, %get3A_2633] : memref<4x1xf32, #tpu.memory_space<vmem>>, vector<4x1xf32>
    %add3A_2635 = vector.broadcast %get3A_2634 : vector<4x1xf32> to vector<4x256xf32>
    %add3A_2636 = arith.addf %dot_general3A_2631, %add3A_2635 : vector<4x256xf32>
    %convert_element_type3A_2637 = arith.truncf %add3A_2636 : vector<4x256xf32> to vector<4x256xbf16>
    %get3A_2638 = arith.constant 0 : index
    %get3A_2639 = arith.constant 0 : index
    %get3A_2640 = vector.load %arg6[%get3A_2638, %get3A_2639] : memref<512x256xf32, #tpu.memory_space<vmem>>, vector<512x256xf32>
    %convert_element_type3A_2641 = arith.truncf %get3A_2640 : vector<512x256xf32> to vector<512x256xbf16>
    %dot_general3A_2642 = arith.constant dense<0.000000e+00> : vector<256x256xf32>
    %dot_general3A_2643 = tpu.matmul %concatenate3A_2617, %convert_element_type3A_2641, %dot_general3A_2642 {dimension_numbers = #tpu.dot_dimension_numbers<[1], [0], [0], [1], [0, 0, 1, 1], [], []>, transpose_lhs_hint = false} : vector<256x512xbf16>, vector<512x256xbf16>, vector<256x256xf32> -> vector<256x256xf32>
    %get3A_2644 = arith.constant 0 : index
    %get3A_2645 = arith.constant 0 : index
    %get3A_2646 = vector.load %arg10[%get3A_2644, %get3A_2645] : memref<1x256xf32, #tpu.memory_space<vmem>>, vector<1x256xf32>
    %add3A_2647 = vector.broadcast %get3A_2646 : vector<1x256xf32> to vector<256x256xf32>
    %add3A_2648 = arith.addf %dot_general3A_2643, %add3A_2647 : vector<256x256xf32>
    %convert_element_type3A_2649 = arith.truncf %add3A_2648 : vector<256x256xf32> to vector<256x256xbf16>
    %broadcast_in_dim3A_2650 = arith.constant 0.000000e+00 : f32
    %broadcast_in_dim3A_2651 = vector.broadcast %broadcast_in_dim3A_2650 : f32 to vector<256x128xf32>
    %slice3A_2652 = vector.extract_strided_slice %convert_element_type3A_2629 {offsets = [0, 0], sizes = [256, 1], strides = [1, 1]} : vector<256x4xbf16> to vector<256x1xbf16>
    %slice3A_2653 = vector.extract_strided_slice %convert_element_type3A_2637 {offsets = [1, 0], sizes = [1, 256], strides = [1, 1]} : vector<4x256xbf16> to vector<1x256xbf16>
    %add3A_2654 = vector.broadcast %slice3A_2652 : vector<256x1xbf16> to vector<256x256xbf16>
    %add3A_2655 = vector.broadcast %slice3A_2653 : vector<1x256xbf16> to vector<256x256xbf16>
    %add3A_2656 = arith.addf %add3A_2654, %add3A_2655 : vector<256x256xbf16>
    %mul3A_2657 = arith.constant 2.001950e-01 : bf16
    %mul3A_2658 = vector.broadcast %mul3A_2657 : bf16 to vector<256x256xbf16>
    %mul3A_2659 = arith.mulf %mul3A_2658, %add3A_2656 : vector<256x256xbf16>
    %max3A_2660 = arith.maximumf %add3A_2656, %mul3A_2659 : vector<256x256xbf16>
    %exp3A_2661 = math.exp %max3A_2660 : vector<256x256xbf16>
    %mul3A_2662 = arith.mulf %exp3A_2661, %convert_element_type3A_56 : vector<256x256xbf16>
    %convert_element_type3A_2663 = arith.extf %mul3A_2662 : vector<256x256xbf16> to vector<256x256xf32>
    %reduce_sum3A_2664 = arith.constant dense<0.000000e+00> : vector<256xf32>
    %reduce_sum3A_2665 = vector.multi_reduction <add>, %convert_element_type3A_2663, %reduce_sum3A_2664 [1] : vector<256x256xf32> to vector<256xf32>
    %broadcast_in_dim3A_2666 = vector.shape_cast %reduce_sum3A_2665 : vector<256xf32> to vector<256x1xf32>
    %div3A_2667 = arith.constant 1.000000e+00 : f32
    %div3A_2668 = vector.broadcast %div3A_2667 : f32 to vector<256x1xf32>
    %div3A_2669 = arith.divf %div3A_2668, %broadcast_in_dim3A_2666 : vector<256x1xf32>
    %slice3A_2670 = vector.extract_strided_slice %convert_element_type3A_2649 {offsets = [0, 0], sizes = [256, 128], strides = [1, 1]} : vector<256x256xbf16> to vector<256x128xbf16>
    %dot_general3A_2671 = arith.constant dense<0.000000e+00> : vector<256x128xf32>
    %dot_general3A_2672 = tpu.matmul %mul3A_2662, %slice3A_2670, %dot_general3A_2671 {dimension_numbers = #tpu.dot_dimension_numbers<[1], [0], [0], [1], [0, 0, 1, 1], [], []>, transpose_lhs_hint = false} : vector<256x256xbf16>, vector<256x128xbf16>, vector<256x128xf32> -> vector<256x128xf32>
    %mul3A_2673 = vector.broadcast %div3A_2669 : vector<256x1xf32> to vector<256x128xf32>
    %mul3A_2674 = arith.mulf %dot_general3A_2672, %mul3A_2673 : vector<256x128xf32>
    %add3A_2675 = arith.addf %broadcast_in_dim3A_2651, %mul3A_2674 : vector<256x128xf32>
    %slice3A_2676 = vector.extract_strided_slice %convert_element_type3A_2629 {offsets = [0, 2], sizes = [256, 1], strides = [1, 1]} : vector<256x4xbf16> to vector<256x1xbf16>
    %slice3A_2677 = vector.extract_strided_slice %convert_element_type3A_2637 {offsets = [3, 0], sizes = [1, 256], strides = [1, 1]} : vector<4x256xbf16> to vector<1x256xbf16>
    %add3A_2678 = vector.broadcast %slice3A_2676 : vector<256x1xbf16> to vector<256x256xbf16>
    %add3A_2679 = vector.broadcast %slice3A_2677 : vector<1x256xbf16> to vector<256x256xbf16>
    %add3A_2680 = arith.addf %add3A_2678, %add3A_2679 : vector<256x256xbf16>
    %mul3A_2681 = arith.constant 2.001950e-01 : bf16
    %mul3A_2682 = vector.broadcast %mul3A_2681 : bf16 to vector<256x256xbf16>
    %mul3A_2683 = arith.mulf %mul3A_2682, %add3A_2680 : vector<256x256xbf16>
    %max3A_2684 = arith.maximumf %add3A_2680, %mul3A_2683 : vector<256x256xbf16>
    %exp3A_2685 = math.exp %max3A_2684 : vector<256x256xbf16>
    %mul3A_2686 = arith.mulf %exp3A_2685, %convert_element_type3A_56 : vector<256x256xbf16>
    %convert_element_type3A_2687 = arith.extf %mul3A_2686 : vector<256x256xbf16> to vector<256x256xf32>
    %reduce_sum3A_2688 = arith.constant dense<0.000000e+00> : vector<256xf32>
    %reduce_sum3A_2689 = vector.multi_reduction <add>, %convert_element_type3A_2687, %reduce_sum3A_2688 [1] : vector<256x256xf32> to vector<256xf32>
    %broadcast_in_dim3A_2690 = vector.shape_cast %reduce_sum3A_2689 : vector<256xf32> to vector<256x1xf32>
    %div3A_2691 = arith.constant 1.000000e+00 : f32
    %div3A_2692 = vector.broadcast %div3A_2691 : f32 to vector<256x1xf32>
    %div3A_2693 = arith.divf %div3A_2692, %broadcast_in_dim3A_2690 : vector<256x1xf32>
    %slice3A_2694 = vector.extract_strided_slice %convert_element_type3A_2649 {offsets = [0, 128], sizes = [256, 128], strides = [1, 1]} : vector<256x256xbf16> to vector<256x128xbf16>
    %dot_general3A_2695 = arith.constant dense<0.000000e+00> : vector<256x128xf32>
    %dot_general3A_2696 = tpu.matmul %mul3A_2686, %slice3A_2694, %dot_general3A_2695 {dimension_numbers = #tpu.dot_dimension_numbers<[1], [0], [0], [1], [0, 0, 1, 1], [], []>, transpose_lhs_hint = false} : vector<256x256xbf16>, vector<256x128xbf16>, vector<256x128xf32> -> vector<256x128xf32>
    %mul3A_2697 = vector.broadcast %div3A_2693 : vector<256x1xf32> to vector<256x128xf32>
    %mul3A_2698 = arith.mulf %dot_general3A_2696, %mul3A_2697 : vector<256x128xf32>
    %add3A_2699 = arith.addf %add3A_2675, %mul3A_2698 : vector<256x128xf32>
    %reshape3A_2700 = vector.shape_cast %add3A_2699 : vector<256x128xf32> to vector<8x32x128xf32>
    %slice3A_2701 = vector.extract_strided_slice %reshape3A_2700 {offsets = [0, 0, 0], sizes = [8, 1, 128], strides = [1, 1, 1]} : vector<8x32x128xf32> to vector<8x1x128xf32>
    %squeeze3A_2702 = vector.shape_cast %slice3A_2701 : vector<8x1x128xf32> to vector<8x128xf32>
    %mul3A_2703 = arith.constant 5.000000e-01 : f32
    %mul3A_2704 = vector.broadcast %mul3A_2703 : f32 to vector<8x128xf32>
    %mul3A_2705 = arith.mulf %squeeze3A_2702, %mul3A_2704 : vector<8x128xf32>
    %get3A_2706 = arith.constant 0 : index
    %get3A_2707 = arith.constant 0 : index
    %get3A_2708 = vector.load %arg11[%get3A_2706, %get3A_2707] : memref<1x128xf32, #tpu.memory_space<vmem>>, vector<1x128xf32>
    %add3A_2709 = vector.broadcast %get3A_2708 : vector<1x128xf32> to vector<8x128xf32>
    %add3A_2710 = arith.addf %mul3A_2705, %add3A_2709 : vector<8x128xf32>
    %swap3A_2711 = arith.constant 112 : index
    %swap3A_2712 = arith.constant 0 : index
    %swap3A_2713 = vector.load %arg12[%swap3A_2711, %swap3A_2712] : memref<128x128xf32, #tpu.memory_space<vmem>>, vector<8x128xf32>
    tpu.vector_store %arg12[%swap3A_2711, %swap3A_2712], %add3A_2710 {strides = array<i32>} : memref<128x128xf32, #tpu.memory_space<vmem>>, vector<8x128xf32>,
    %get3A_2714 = arith.constant 3840 : index
    %get3A_2715 = arith.constant 0 : index
    %get3A_2716 = vector.load %arg1[%get3A_2714, %get3A_2715] : memref<4096x256xf32, #tpu.memory_space<vmem>>, vector<256x256xf32>
    %convert_element_type3A_2717 = arith.truncf %get3A_2716 : vector<256x256xf32> to vector<256x256xbf16>
    %get3A_2718 = arith.constant 0 : index
    %get3A_2719 = arith.constant 0 : index
    %get3A_2720 = vector.load %arg3[%get3A_2718, %get3A_2719] : memref<256x4xf32, #tpu.memory_space<vmem>>, vector<256x4xf32>
    %convert_element_type3A_2721 = arith.truncf %get3A_2720 : vector<256x4xf32> to vector<256x4xbf16>
    %dot_general3A_2722 = arith.constant dense<0.000000e+00> : vector<256x4xf32>
    %dot_general3A_2723 = tpu.matmul %convert_element_type3A_2717, %convert_element_type3A_2721, %dot_general3A_2722 {dimension_numbers = #tpu.dot_dimension_numbers<[1], [0], [0], [1], [0, 0, 1, 1], [], []>, transpose_lhs_hint = false} : vector<256x256xbf16>, vector<256x4xbf16>, vector<256x4xf32> -> vector<256x4xf32>
    %get3A_2724 = arith.constant 0 : index
    %get3A_2725 = arith.constant 0 : index
    %get3A_2726 = vector.load %arg4[%get3A_2724, %get3A_2725] : memref<1x4xf32, #tpu.memory_space<vmem>>, vector<1x4xf32>
    %add3A_2727 = vector.broadcast %get3A_2726 : vector<1x4xf32> to vector<256x4xf32>
    %add3A_2728 = arith.addf %dot_general3A_2723, %add3A_2727 : vector<256x4xf32>
    %convert_element_type3A_2729 = arith.truncf %add3A_2728 : vector<256x4xf32> to vector<256x4xbf16>
    %dot_general3A_2730 = arith.constant dense<0.000000e+00> : vector<4x256xf32>
    %dot_general3A_2731 = tpu.matmul %convert_element_type3A_2721, %convert_element_type3A_2717, %dot_general3A_2730 {dimension_numbers = #tpu.dot_dimension_numbers<[0], [1], [1], [0], [0, 1, 1, 0], [], []>, transpose_lhs_hint = false} : vector<256x4xbf16>, vector<256x256xbf16>, vector<4x256xf32> -> vector<4x256xf32>
    %get3A_2732 = arith.constant 0 : index
    %get3A_2733 = arith.constant 0 : index
    %get3A_2734 = vector.load %arg5[%get3A_2732, %get3A_2733] : memref<4x1xf32, #tpu.memory_space<vmem>>, vector<4x1xf32>
    %add3A_2735 = vector.broadcast %get3A_2734 : vector<4x1xf32> to vector<4x256xf32>
    %add3A_2736 = arith.addf %dot_general3A_2731, %add3A_2735 : vector<4x256xf32>
    %convert_element_type3A_2737 = arith.truncf %add3A_2736 : vector<4x256xf32> to vector<4x256xbf16>
    %get3A_2738 = arith.constant 0 : index
    %get3A_2739 = arith.constant 0 : index
    %get3A_2740 = vector.load %arg2[%get3A_2738, %get3A_2739] : memref<256x512xf32, #tpu.memory_space<vmem>>, vector<256x512xf32>
    %convert_element_type3A_2741 = arith.truncf %get3A_2740 : vector<256x512xf32> to vector<256x512xbf16>
    %dot_general3A_2742 = arith.constant dense<0.000000e+00> : vector<256x512xf32>
    %dot_general3A_2743 = tpu.matmul %convert_element_type3A_2717, %convert_element_type3A_2741, %dot_general3A_2742 {dimension_numbers = #tpu.dot_dimension_numbers<[1], [0], [0], [1], [0, 0, 1, 1], [], []>, transpose_lhs_hint = false} : vector<256x256xbf16>, vector<256x512xbf16>, vector<256x512xf32> -> vector<256x512xf32>
    %convert_element_type3A_2744 = arith.truncf %dot_general3A_2743 : vector<256x512xf32> to vector<256x512xbf16>
    %slice3A_2745 = vector.extract_strided_slice %convert_element_type3A_2729 {offsets = [0, 0], sizes = [256, 1], strides = [1, 1]} : vector<256x4xbf16> to vector<256x1xbf16>
    %slice3A_2746 = vector.extract_strided_slice %convert_element_type3A_2737 {offsets = [1, 0], sizes = [1, 256], strides = [1, 1]} : vector<4x256xbf16> to vector<1x256xbf16>
    %add3A_2747 = vector.broadcast %slice3A_2745 : vector<256x1xbf16> to vector<256x256xbf16>
    %add3A_2748 = vector.broadcast %slice3A_2746 : vector<1x256xbf16> to vector<256x256xbf16>
    %add3A_2749 = arith.addf %add3A_2747, %add3A_2748 : vector<256x256xbf16>
    %mul3A_2750 = arith.constant 2.001950e-01 : bf16
    %mul3A_2751 = vector.broadcast %mul3A_2750 : bf16 to vector<256x256xbf16>
    %mul3A_2752 = arith.mulf %mul3A_2751, %add3A_2749 : vector<256x256xbf16>
    %max3A_2753 = arith.maximumf %add3A_2749, %mul3A_2752 : vector<256x256xbf16>
    %exp3A_2754 = math.exp %max3A_2753 : vector<256x256xbf16>
    %mul3A_2755 = arith.mulf %exp3A_2754, %convert_element_type3A_56 : vector<256x256xbf16>
    %convert_element_type3A_2756 = arith.extf %mul3A_2755 : vector<256x256xbf16> to vector<256x256xf32>
    %reduce_sum3A_2757 = arith.constant dense<0.000000e+00> : vector<256xf32>
    %reduce_sum3A_2758 = vector.multi_reduction <add>, %convert_element_type3A_2756, %reduce_sum3A_2757 [1] : vector<256x256xf32> to vector<256xf32>
    %broadcast_in_dim3A_2759 = vector.shape_cast %reduce_sum3A_2758 : vector<256xf32> to vector<256x1xf32>
    %div3A_2760 = arith.constant 1.000000e+00 : f32
    %div3A_2761 = vector.broadcast %div3A_2760 : f32 to vector<256x1xf32>
    %div3A_2762 = arith.divf %div3A_2761, %broadcast_in_dim3A_2759 : vector<256x1xf32>
    %convert_element_type3A_2763 = arith.truncf %div3A_2762 : vector<256x1xf32> to vector<256x1xbf16>
    %mul3A_2764 = vector.broadcast %convert_element_type3A_2763 : vector<256x1xbf16> to vector<256x256xbf16>
    %mul3A_2765 = arith.mulf %mul3A_2755, %mul3A_2764 : vector<256x256xbf16>
    %slice3A_2766 = vector.extract_strided_slice %convert_element_type3A_2744 {offsets = [0, 0], sizes = [256, 256], strides = [1, 1]} : vector<256x512xbf16> to vector<256x256xbf16>
    %dot_general3A_2767 = arith.constant dense<0.000000e+00> : vector<256x256xf32>
    %dot_general3A_2768 = tpu.matmul %mul3A_2765, %slice3A_2766, %dot_general3A_2767 {dimension_numbers = #tpu.dot_dimension_numbers<[1], [0], [0], [1], [0, 0, 1, 1], [], []>, transpose_lhs_hint = false} : vector<256x256xbf16>, vector<256x256xbf16>, vector<256x256xf32> -> vector<256x256xf32>
    %convert_element_type3A_2769 = arith.truncf %dot_general3A_2768 : vector<256x256xf32> to vector<256x256xbf16>
    %slice3A_2770 = vector.extract_strided_slice %convert_element_type3A_2729 {offsets = [0, 2], sizes = [256, 1], strides = [1, 1]} : vector<256x4xbf16> to vector<256x1xbf16>
    %slice3A_2771 = vector.extract_strided_slice %convert_element_type3A_2737 {offsets = [3, 0], sizes = [1, 256], strides = [1, 1]} : vector<4x256xbf16> to vector<1x256xbf16>
    %add3A_2772 = vector.broadcast %slice3A_2770 : vector<256x1xbf16> to vector<256x256xbf16>
    %add3A_2773 = vector.broadcast %slice3A_2771 : vector<1x256xbf16> to vector<256x256xbf16>
    %add3A_2774 = arith.addf %add3A_2772, %add3A_2773 : vector<256x256xbf16>
    %mul3A_2775 = arith.constant 2.001950e-01 : bf16
    %mul3A_2776 = vector.broadcast %mul3A_2775 : bf16 to vector<256x256xbf16>
    %mul3A_2777 = arith.mulf %mul3A_2776, %add3A_2774 : vector<256x256xbf16>
    %max3A_2778 = arith.maximumf %add3A_2774, %mul3A_2777 : vector<256x256xbf16>
    %exp3A_2779 = math.exp %max3A_2778 : vector<256x256xbf16>
    %mul3A_2780 = arith.mulf %exp3A_2779, %convert_element_type3A_56 : vector<256x256xbf16>
    %convert_element_type3A_2781 = arith.extf %mul3A_2780 : vector<256x256xbf16> to vector<256x256xf32>
    %reduce_sum3A_2782 = arith.constant dense<0.000000e+00> : vector<256xf32>
    %reduce_sum3A_2783 = vector.multi_reduction <add>, %convert_element_type3A_2781, %reduce_sum3A_2782 [1] : vector<256x256xf32> to vector<256xf32>
    %broadcast_in_dim3A_2784 = vector.shape_cast %reduce_sum3A_2783 : vector<256xf32> to vector<256x1xf32>
    %div3A_2785 = arith.constant 1.000000e+00 : f32
    %div3A_2786 = vector.broadcast %div3A_2785 : f32 to vector<256x1xf32>
    %div3A_2787 = arith.divf %div3A_2786, %broadcast_in_dim3A_2784 : vector<256x1xf32>
    %convert_element_type3A_2788 = arith.truncf %div3A_2787 : vector<256x1xf32> to vector<256x1xbf16>
    %mul3A_2789 = vector.broadcast %convert_element_type3A_2788 : vector<256x1xbf16> to vector<256x256xbf16>
    %mul3A_2790 = arith.mulf %mul3A_2780, %mul3A_2789 : vector<256x256xbf16>
    %slice3A_2791 = vector.extract_strided_slice %convert_element_type3A_2744 {offsets = [0, 256], sizes = [256, 256], strides = [1, 1]} : vector<256x512xbf16> to vector<256x256xbf16>
    %dot_general3A_2792 = arith.constant dense<0.000000e+00> : vector<256x256xf32>
    %dot_general3A_2793 = tpu.matmul %mul3A_2790, %slice3A_2791, %dot_general3A_2792 {dimension_numbers = #tpu.dot_dimension_numbers<[1], [0], [0], [1], [0, 0, 1, 1], [], []>, transpose_lhs_hint = false} : vector<256x256xbf16>, vector<256x256xbf16>, vector<256x256xf32> -> vector<256x256xf32>
    %convert_element_type3A_2794 = arith.truncf %dot_general3A_2793 : vector<256x256xf32> to vector<256x256xbf16>
    %concatenate3A_2795 = tpu.concatenate %convert_element_type3A_2769, %convert_element_type3A_2794 in 1 : vector<256x256xbf16>, vector<256x256xbf16> -> vector<256x512xbf16>
    %get3A_2796 = arith.constant 0 : index
    %get3A_2797 = arith.constant 0 : index
    %get3A_2798 = vector.load %arg7[%get3A_2796, %get3A_2797] : memref<512x4xf32, #tpu.memory_space<vmem>>, vector<512x4xf32>
    %convert_element_type3A_2799 = arith.truncf %get3A_2798 : vector<512x4xf32> to vector<512x4xbf16>
    %dot_general3A_2800 = arith.constant dense<0.000000e+00> : vector<256x4xf32>
    %dot_general3A_2801 = tpu.matmul %concatenate3A_2795, %convert_element_type3A_2799, %dot_general3A_2800 {dimension_numbers = #tpu.dot_dimension_numbers<[1], [0], [0], [1], [0, 0, 1, 1], [], []>, transpose_lhs_hint = false} : vector<256x512xbf16>, vector<512x4xbf16>, vector<256x4xf32> -> vector<256x4xf32>
    %get3A_2802 = arith.constant 0 : index
    %get3A_2803 = arith.constant 0 : index
    %get3A_2804 = vector.load %arg8[%get3A_2802, %get3A_2803] : memref<1x4xf32, #tpu.memory_space<vmem>>, vector<1x4xf32>
    %add3A_2805 = vector.broadcast %get3A_2804 : vector<1x4xf32> to vector<256x4xf32>
    %add3A_2806 = arith.addf %dot_general3A_2801, %add3A_2805 : vector<256x4xf32>
    %convert_element_type3A_2807 = arith.truncf %add3A_2806 : vector<256x4xf32> to vector<256x4xbf16>
    %dot_general3A_2808 = arith.constant dense<0.000000e+00> : vector<4x256xf32>
    %dot_general3A_2809 = tpu.matmul %convert_element_type3A_2799, %concatenate3A_2795, %dot_general3A_2808 {dimension_numbers = #tpu.dot_dimension_numbers<[0], [1], [1], [0], [0, 1, 1, 0], [], []>, transpose_lhs_hint = false} : vector<512x4xbf16>, vector<256x512xbf16>, vector<4x256xf32> -> vector<4x256xf32>
    %get3A_2810 = arith.constant 0 : index
    %get3A_2811 = arith.constant 0 : index
    %get3A_2812 = vector.load %arg9[%get3A_2810, %get3A_2811] : memref<4x1xf32, #tpu.memory_space<vmem>>, vector<4x1xf32>
    %add3A_2813 = vector.broadcast %get3A_2812 : vector<4x1xf32> to vector<4x256xf32>
    %add3A_2814 = arith.addf %dot_general3A_2809, %add3A_2813 : vector<4x256xf32>
    %convert_element_type3A_2815 = arith.truncf %add3A_2814 : vector<4x256xf32> to vector<4x256xbf16>
    %get3A_2816 = arith.constant 0 : index
    %get3A_2817 = arith.constant 0 : index
    %get3A_2818 = vector.load %arg6[%get3A_2816, %get3A_2817] : memref<512x256xf32, #tpu.memory_space<vmem>>, vector<512x256xf32>
    %convert_element_type3A_2819 = arith.truncf %get3A_2818 : vector<512x256xf32> to vector<512x256xbf16>
    %dot_general3A_2820 = arith.constant dense<0.000000e+00> : vector<256x256xf32>
    %dot_general3A_2821 = tpu.matmul %concatenate3A_2795, %convert_element_type3A_2819, %dot_general3A_2820 {dimension_numbers = #tpu.dot_dimension_numbers<[1], [0], [0], [1], [0, 0, 1, 1], [], []>, transpose_lhs_hint = false} : vector<256x512xbf16>, vector<512x256xbf16>, vector<256x256xf32> -> vector<256x256xf32>
    %get3A_2822 = arith.constant 0 : index
    %get3A_2823 = arith.constant 0 : index
    %get3A_2824 = vector.load %arg10[%get3A_2822, %get3A_2823] : memref<1x256xf32, #tpu.memory_space<vmem>>, vector<1x256xf32>
    %add3A_2825 = vector.broadcast %get3A_2824 : vector<1x256xf32> to vector<256x256xf32>
    %add3A_2826 = arith.addf %dot_general3A_2821, %add3A_2825 : vector<256x256xf32>
    %convert_element_type3A_2827 = arith.truncf %add3A_2826 : vector<256x256xf32> to vector<256x256xbf16>
    %broadcast_in_dim3A_2828 = arith.constant 0.000000e+00 : f32
    %broadcast_in_dim3A_2829 = vector.broadcast %broadcast_in_dim3A_2828 : f32 to vector<256x128xf32>
    %slice3A_2830 = vector.extract_strided_slice %convert_element_type3A_2807 {offsets = [0, 0], sizes = [256, 1], strides = [1, 1]} : vector<256x4xbf16> to vector<256x1xbf16>
    %slice3A_2831 = vector.extract_strided_slice %convert_element_type3A_2815 {offsets = [1, 0], sizes = [1, 256], strides = [1, 1]} : vector<4x256xbf16> to vector<1x256xbf16>
    %add3A_2832 = vector.broadcast %slice3A_2830 : vector<256x1xbf16> to vector<256x256xbf16>
    %add3A_2833 = vector.broadcast %slice3A_2831 : vector<1x256xbf16> to vector<256x256xbf16>
    %add3A_2834 = arith.addf %add3A_2832, %add3A_2833 : vector<256x256xbf16>
    %mul3A_2835 = arith.constant 2.001950e-01 : bf16
    %mul3A_2836 = vector.broadcast %mul3A_2835 : bf16 to vector<256x256xbf16>
    %mul3A_2837 = arith.mulf %mul3A_2836, %add3A_2834 : vector<256x256xbf16>
    %max3A_2838 = arith.maximumf %add3A_2834, %mul3A_2837 : vector<256x256xbf16>
    %exp3A_2839 = math.exp %max3A_2838 : vector<256x256xbf16>
    %mul3A_2840 = arith.mulf %exp3A_2839, %convert_element_type3A_56 : vector<256x256xbf16>
    %convert_element_type3A_2841 = arith.extf %mul3A_2840 : vector<256x256xbf16> to vector<256x256xf32>
    %reduce_sum3A_2842 = arith.constant dense<0.000000e+00> : vector<256xf32>
    %reduce_sum3A_2843 = vector.multi_reduction <add>, %convert_element_type3A_2841, %reduce_sum3A_2842 [1] : vector<256x256xf32> to vector<256xf32>
    %broadcast_in_dim3A_2844 = vector.shape_cast %reduce_sum3A_2843 : vector<256xf32> to vector<256x1xf32>
    %div3A_2845 = arith.constant 1.000000e+00 : f32
    %div3A_2846 = vector.broadcast %div3A_2845 : f32 to vector<256x1xf32>
    %div3A_2847 = arith.divf %div3A_2846, %broadcast_in_dim3A_2844 : vector<256x1xf32>
    %slice3A_2848 = vector.extract_strided_slice %convert_element_type3A_2827 {offsets = [0, 0], sizes = [256, 128], strides = [1, 1]} : vector<256x256xbf16> to vector<256x128xbf16>
    %dot_general3A_2849 = arith.constant dense<0.000000e+00> : vector<256x128xf32>
    %dot_general3A_2850 = tpu.matmul %mul3A_2840, %slice3A_2848, %dot_general3A_2849 {dimension_numbers = #tpu.dot_dimension_numbers<[1], [0], [0], [1], [0, 0, 1, 1], [], []>, transpose_lhs_hint = false} : vector<256x256xbf16>, vector<256x128xbf16>, vector<256x128xf32> -> vector<256x128xf32>
    %mul3A_2851 = vector.broadcast %div3A_2847 : vector<256x1xf32> to vector<256x128xf32>
    %mul3A_2852 = arith.mulf %dot_general3A_2850, %mul3A_2851 : vector<256x128xf32>
    %add3A_2853 = arith.addf %broadcast_in_dim3A_2829, %mul3A_2852 : vector<256x128xf32>
    %slice3A_2854 = vector.extract_strided_slice %convert_element_type3A_2807 {offsets = [0, 2], sizes = [256, 1], strides = [1, 1]} : vector<256x4xbf16> to vector<256x1xbf16>
    %slice3A_2855 = vector.extract_strided_slice %convert_element_type3A_2815 {offsets = [3, 0], sizes = [1, 256], strides = [1, 1]} : vector<4x256xbf16> to vector<1x256xbf16>
    %add3A_2856 = vector.broadcast %slice3A_2854 : vector<256x1xbf16> to vector<256x256xbf16>
    %add3A_2857 = vector.broadcast %slice3A_2855 : vector<1x256xbf16> to vector<256x256xbf16>
    %add3A_2858 = arith.addf %add3A_2856, %add3A_2857 : vector<256x256xbf16>
    %mul3A_2859 = arith.constant 2.001950e-01 : bf16
    %mul3A_2860 = vector.broadcast %mul3A_2859 : bf16 to vector<256x256xbf16>
    %mul3A_2861 = arith.mulf %mul3A_2860, %add3A_2858 : vector<256x256xbf16>
    %max3A_2862 = arith.maximumf %add3A_2858, %mul3A_2861 : vector<256x256xbf16>
    %exp3A_2863 = math.exp %max3A_2862 : vector<256x256xbf16>
    %mul3A_2864 = arith.mulf %exp3A_2863, %convert_element_type3A_56 : vector<256x256xbf16>
    %convert_element_type3A_2865 = arith.extf %mul3A_2864 : vector<256x256xbf16> to vector<256x256xf32>
    %reduce_sum3A_2866 = arith.constant dense<0.000000e+00> : vector<256xf32>
    %reduce_sum3A_2867 = vector.multi_reduction <add>, %convert_element_type3A_2865, %reduce_sum3A_2866 [1] : vector<256x256xf32> to vector<256xf32>
    %broadcast_in_dim3A_2868 = vector.shape_cast %reduce_sum3A_2867 : vector<256xf32> to vector<256x1xf32>
    %div3A_2869 = arith.constant 1.000000e+00 : f32
    %div3A_2870 = vector.broadcast %div3A_2869 : f32 to vector<256x1xf32>
    %div3A_2871 = arith.divf %div3A_2870, %broadcast_in_dim3A_2868 : vector<256x1xf32>
    %slice3A_2872 = vector.extract_strided_slice %convert_element_type3A_2827 {offsets = [0, 128], sizes = [256, 128], strides = [1, 1]} : vector<256x256xbf16> to vector<256x128xbf16>
    %dot_general3A_2873 = arith.constant dense<0.000000e+00> : vector<256x128xf32>
    %dot_general3A_2874 = tpu.matmul %mul3A_2864, %slice3A_2872, %dot_general3A_2873 {dimension_numbers = #tpu.dot_dimension_numbers<[1], [0], [0], [1], [0, 0, 1, 1], [], []>, transpose_lhs_hint = false} : vector<256x256xbf16>, vector<256x128xbf16>, vector<256x128xf32> -> vector<256x128xf32>
    %mul3A_2875 = vector.broadcast %div3A_2871 : vector<256x1xf32> to vector<256x128xf32>
    %mul3A_2876 = arith.mulf %dot_general3A_2874, %mul3A_2875 : vector<256x128xf32>
    %add3A_2877 = arith.addf %add3A_2853, %mul3A_2876 : vector<256x128xf32>
    %reshape3A_2878 = vector.shape_cast %add3A_2877 : vector<256x128xf32> to vector<8x32x128xf32>
    %slice3A_2879 = vector.extract_strided_slice %reshape3A_2878 {offsets = [0, 0, 0], sizes = [8, 1, 128], strides = [1, 1, 1]} : vector<8x32x128xf32> to vector<8x1x128xf32>
    %squeeze3A_2880 = vector.shape_cast %slice3A_2879 : vector<8x1x128xf32> to vector<8x128xf32>
    %mul3A_2881 = arith.constant 5.000000e-01 : f32
    %mul3A_2882 = vector.broadcast %mul3A_2881 : f32 to vector<8x128xf32>
    %mul3A_2883 = arith.mulf %squeeze3A_2880, %mul3A_2882 : vector<8x128xf32>
    %get3A_2884 = arith.constant 0 : index
    %get3A_2885 = arith.constant 0 : index
    %get3A_2886 = vector.load %arg11[%get3A_2884, %get3A_2885] : memref<1x128xf32, #tpu.memory_space<vmem>>, vector<1x128xf32>
    %add3A_2887 = vector.broadcast %get3A_2886 : vector<1x128xf32> to vector<8x128xf32>
    %add3A_2888 = arith.addf %mul3A_2883, %add3A_2887 : vector<8x128xf32>
    %swap3A_2889 = arith.constant 120 : index
    %swap3A_2890 = arith.constant 0 : index
    %swap3A_2891 = vector.load %arg12[%swap3A_2889, %swap3A_2890] : memref<128x128xf32, #tpu.memory_space<vmem>>, vector<8x128xf32>
    tpu.vector_store %arg12[%swap3A_2889, %swap3A_2890], %add3A_2888 {strides = array<i32>} : memref<128x128xf32, #tpu.memory_space<vmem>>, vector<8x128xf32>,
    return
  }
  func.func @transform_0(%arg0: i32) -> (i32, i32) {
    %c0_i32 = arith.constant 0 : i32
    %c0_i32_0 = arith.constant 0 : i32
    return %arg0, %c0_i32 : i32, i32
  }
  func.func @transform_1(%arg0: i32) -> (i32, i32) {
    %c0_i32 = arith.constant 0 : i32
    %c0_i32_0 = arith.constant 0 : i32
    %c0_i32_1 = arith.constant 0 : i32
    return %c0_i32, %c0_i32_0 : i32, i32
  }
  func.func @transform_2(%arg0: i32) -> (i32, i32) {
    %c0_i32 = arith.constant 0 : i32
    %c0_i32_0 = arith.constant 0 : i32
    %c0_i32_1 = arith.constant 0 : i32
    return %c0_i32, %c0_i32_0 : i32, i32
  }
  func.func @transform_3(%arg0: i32) -> (i32, i32) {
    %c0_i32 = arith.constant 0 : i32
    %c0_i32_0 = arith.constant 0 : i32
    %c0_i32_1 = arith.constant 0 : i32
    return %c0_i32, %c0_i32_0 : i32, i32
  }
  func.func @transform_4(%arg0: i32) -> (i32, i32) {
    %c0_i32 = arith.constant 0 : i32
    %c0_i32_0 = arith.constant 0 : i32
    %c0_i32_1 = arith.constant 0 : i32
    return %c0_i32, %c0_i32_0 : i32, i32
  }
  func.func @transform_5(%arg0: i32) -> (i32, i32) {
    %c0_i32 = arith.constant 0 : i32
    %c0_i32_0 = arith.constant 0 : i32
    %c0_i32_1 = arith.constant 0 : i32
    return %c0_i32, %c0_i32_0 : i32, i32
  }
  func.func @transform_6(%arg0: i32) -> (i32, i32) {
    %c0_i32 = arith.constant 0 : i32
    %c0_i32_0 = arith.constant 0 : i32
    %c0_i32_1 = arith.constant 0 : i32
    return %c0_i32, %c0_i32_0 : i32, i32
  }
  func.func @transform_7(%arg0: i32) -> (i32, i32) {
    %c0_i32 = arith.constant 0 : i32
    %c0_i32_0 = arith.constant 0 : i32
    %c0_i32_1 = arith.constant 0 : i32
    return %c0_i32, %c0_i32_0 : i32, i32
  }
  func.func @transform_8(%arg0: i32) -> (i32, i32) {
    %c0_i32 = arith.constant 0 : i32
    %c0_i32_0 = arith.constant 0 : i32
    %c0_i32_1 = arith.constant 0 : i32
    return %c0_i32, %c0_i32_0 : i32, i32
  }
  func.func @transform_9(%arg0: i32) -> (i32, i32) {
    %c0_i32 = arith.constant 0 : i32
    %c0_i32_0 = arith.constant 0 : i32
    %c0_i32_1 = arith.constant 0 : i32
    return %c0_i32, %c0_i32_0 : i32, i32
  }
  func.func @transform_10(%arg0: i32) -> (i32, i32) {
    %c0_i32 = arith.constant 0 : i32
    %c0_i32_0 = arith.constant 0 : i32
    %c0_i32_1 = arith.constant 0 : i32
    return %c0_i32, %c0_i32_0 : i32, i32
  }
  func.func @transform_11(%arg0: i32) -> (i32, i32) {
    %c0_i32 = arith.constant 0 : i32
    %c0_i32_0 = arith.constant 0 : i32
    return %arg0, %c0_i32 : i32, i32
  }
}

</mosaic_0001>

<sc_bundles>
// kernel: kernel.10.cloned.1.call-start
scs
__scs_entry_jumppad:
0x0: {  	(pc) =	sbr.rel $0x88, $3  }
0x1: {  	(tag) =	ssettag $0x0;
	lr =	simm.s32 $0x1  }
0x2: {  	[smem:$0x3F92] =	sst lr;
	_ =	strace $0xD0000000  }
0x3: {  	_ = 	snop  }
0x4: {  	_ = 	snop  }
0x5: {  	_ = 	snop  }
0x6: {  	_ = 	snop  }
0x7: {  	_ = 	snop  }
__scs_overlays_trampoline_lowered:
0x8: {  	[smem:$0x3FA1] =	sst s0  }
0x9: {  	[smem:$0x3FA2] =	sst s1  }
0xa: {  	[smem:$0x3FA3] =	sst s2  }
0xb: {  	[smem:$0x3FA4] =	sst s3  }
0xc: {  	[smem:$0x3FA5] =	sst s4  }
0xd: {  	[smem:$0x3FA6] =	sst s5  }
0xe: {  	[smem:$0x3FA7] =	sst s6  }
0xf: {  	[smem:$0x3FA8] =	sst s7  }
0x10: {  	[smem:$0x3FA9] =	sst s8  }
0x11: {  	[smem:$0x3FAA] =	sst s9;
	s0 =	simm.s32 @!p0 $0x0  }
0x12: {  	s1 =	sld [smem:$0x3F90];
	s0 =	simm.s32 @p0 $0x1  }
0x13: {  	[smem:$0x3FAB] =	sst s0;
	s0 =	simm.s32 @!p1 $0x0  }
0x14: {  	s2 =	sld [smem:$0x3F8F];
	s0 =	simm.s32 @p1 $0x1  }
0x15: {  	[smem:$0x3FAC] =	sst s0;
	s0 =	simm.s32 @!p2 $0x0  }
0x16: {  	s3 =	sld [smem:$0x3FDB];
	s0 =	simm.s32 @p2 $0x1  }
0x17: {  	s4 =	simm.s32 $0x1BF5;
	[smem:$0x3FAE] =	sst s0  }
0x18: {  	s0 =	sld [smem:$0x3F91];
	_ =	swait.ge [sflag:s4], $0x0  }
0x19: {  	s7 =	sld [smem:$0x3F92]  }
0x1a: {  	s8 =	sadd.s32 $0xFFFFE003, lr  }
0x1b: {  	s9 =	sadd.s32 $0xFFFFFEF7, lr;
	s5 =	simm.s32 $0xFFFFFFFF;
	p2 =	slt.u32 s8, $0xFFFFF086  }
0x1c: {  	p1 =	slt.u32 s9, $0xF7A;
	s5 =	simm.s32 @!p2 $0x0  }
0x1d: {  	s5 =	simm.s32 @p1 $0x1;
	p0 =	seq.s32 s7, s2  }
0x1e: {  	s7 =	smul.u32 @!p0 $0xF7A, s2;
	p2 =	seq.s32 @!p0 s5, $0x0  }
0x1f: {  	s9 =	smul.u32 $0xF7A, s1;
	s8 =	simm.s32 @!p0 $0x1BF5;
	p2 =	por !p2, p0  }
0x20: {  	[sflag:s8] =	ssyncset.s32 @!p0 $0xFFFFF086;
	s6 =	sadd.s32 @!p0 s3, s7;
	s7 =	simm.s32 @!p0 $0x108  }
0x21: {  	s3 =	sadd.s32 s3, s9;
	s6 =	sadd.s32 @!p0 $0x88, s6;
	s7 =	simm.s32 @p2 $0x1082  }
0x22: {  	[simem:s7], [sflag:s8] =	dma.local @!p0 [hbm:s6], $0xF7A  }
0x23: {  	s9 =	sor.u32 $0xD0000000, s2;
	s6 =	simm.s32 $0x108;
	_ =	swait.ge @!p0 [sflag:s8], $0x0  }
0x24: {  	s3 =	sadd.s32 $0x88, s3;
	s6 =	simm.s32 @!p1 $0x1082;
	[sflag:s4] =	ssyncset.s32 $0xFFFFF086  }
0x25: {  	[simem:s6], [sflag:s4] =	dma.local [hbm:s3], $0xF7A  }
0x26: {  	[smem:$0x3F92] =	sst s1;
	(tag) =	ssettag s2;
	_ =	strace s9  }
0x27: {  	s1 =	sld [smem:$0x3FA2]  }
0x28: {  	s2 =	sld [smem:$0x3FA3]  }
0x29: {  	s4 =	sld [smem:$0x3FA5]  }
0x2a: {  	p0 =	seq.s32 s5, $0x0;
	s5 =	sld [smem:$0x3FA6]  }
0x2b: {  	s6 =	sld [smem:$0x3FA7]  }
0x2c: {  	s7 =	sld [smem:$0x3FA8]  }
0x2d: {  	s3 =	simm.s32 $0x108;
	s8 =	sld [smem:$0x3FA9]  }
0x2e: {  	s3 =	simm.s32 @!p0 $0x1082;
	s9 =	sld [smem:$0x3FAA]  }
0x2f: {  	lr =	sadd.s32 s0, s3;
	s0 =	sld [smem:$0x3FA1]  }
0x30: {  	s3 =	sld [smem:$0x3FA4]  }
0x31: {  	[smem:$0x3FAD] =	sst s10  }
0x32: {  	s10 =	sld [smem:$0x3FAB];
	_ =	sdelay $0x3  }
0x33: {  	p0 =	seq.s32 s10, $0x1;
	s10 =	sld [smem:$0x3FAD];
	_ =	sdelay $0x3  }
0x34: {  	[smem:$0x3FAD] =	sst s10  }
0x35: {  	s10 =	sld [smem:$0x3FAC];
	_ =	sdelay $0x3  }
0x36: {  	p1 =	seq.s32 s10, $0x1;
	s10 =	sld [smem:$0x3FAD];
	_ =	sdelay $0x3  }
0x37: {  	[smem:$0x3FAD] =	sst s10  }
0x38: {  	s10 =	sld [smem:$0x3FAE]  }
0x39: {  	_ = 	snop;
	(pc) =	sbr.ind lr, $3  }
0x3a: {  	_ = 	snop  }
0x3b: {  	_ = 	snop  }
0x3c: {  	p2 =	seq.s32 s10, $0x1;
	s10 =	sld [smem:$0x3FAD]  }
0x3d: {  	_ =	shalt  }
0x3e: {  	_ =	shalt  }
0x3f: {  	_ =	shalt  }
0x40: {  	_ =	shalt  }
0x41: {  	_ =	shalt  }
0x42: {  	_ =	shalt  }
0x43: {  	_ =	shalt  }
0x44: {  	_ =	shalt  }
0x45: {  	_ =	shalt  }
0x46: {  	_ =	shalt  }
0x47: {  	_ =	shalt  }
0x48: {  	_ =	shalt  }
0x49: {  	_ =	shalt  }
0x4a: {  	_ =	shalt  }
0x4b: {  	_ =	shalt  }
0x4c: {  	_ =	shalt  }
0x4d: {  	_ =	shalt  }
0x4e: {  	_ =	shalt  }
0x4f: {  	_ =	shalt  }
0x50: {  	_ =	shalt  }
0x51: {  	_ =	shalt  }
0x52: {  	_ =	shalt  }
0x53: {  	_ =	shalt  }
0x54: {  	_ =	shalt  }
0x55: {  	_ =	shalt  }
0x56: {  	_ =	shalt  }
0x57: {  	_ =	shalt  }
0x58: {  	_ =	shalt  }
0x59: {  	_ =	shalt  }
0x5a: {  	_ =	shalt  }
0x5b: {  	_ =	shalt  }
0x5c: {  	_ =	shalt  }
0x5d: {  	_ =	shalt  }
0x5e: {  	_ =	shalt  }
0x5f: {  	_ =	shalt  }
0x60: {  	_ =	shalt  }
0x61: {  	_ =	shalt  }
0x62: {  	_ =	shalt  }
0x63: {  	_ =	shalt  }
0x64: {  	_ =	shalt  }
0x65: {  	_ =	shalt  }
0x66: {  	_ =	shalt  }
0x67: {  	_ =	shalt  }
0x68: {  	_ =	shalt  }
0x69: {  	_ =	shalt  }
0x6a: {  	_ =	shalt  }
0x6b: {  	_ =	shalt  }
0x6c: {  	_ =	shalt  }
0x6d: {  	_ =	shalt  }
0x6e: {  	_ =	shalt  }
0x6f: {  	_ =	shalt  }
0x70: {  	_ =	shalt  }
0x71: {  	_ =	shalt  }
0x72: {  	_ =	shalt  }
0x73: {  	_ =	shalt  }
0x74: {  	_ =	shalt  }
0x75: {  	_ =	shalt  }
0x76: {  	_ =	shalt  }
0x77: {  	_ =	shalt  }
0x78: {  	_ =	shalt  }
0x79: {  	_ =	shalt  }
0x7a: {  	_ =	shalt  }
0x7b: {  	_ =	shalt  }
0x7c: {  	_ =	shalt  }
0x7d: {  	_ =	shalt  }
0x7e: {  	_ =	shalt  }
0x7f: {  	_ =	shalt  }
0x80: {  	_ =	shalt  }
0x81: {  	_ =	shalt  }
0x82: {  	_ =	shalt  }
0x83: {  	_ =	shalt  }
0x84: {  	_ =	shalt  }
0x85: {  	_ =	shalt  }
0x86: {  	_ =	shalt  }
0x87: {  	_ =	shalt  }
.Lfunc_end0:
.L_simem_size_0:
called_computation_lowered:
.L_overlay_start_0:
0x88: {  	s2 =	sld [smem:$0x3FD9]  }
0x89: {  	s3 =	sld [smem:$0x3FFE];
	_ =	sdelay $0x1  }
0x8a: {  	s1 =	srdreg.scid  }
0x8b: {  	s0 =	sand.u32 $0x1, s1  }
0x8c: {  	s17 =	sshll.u32 s0, $0xA;
	s2 =	sadd.s32 s3, s2  }
0x8d: {  	s2 =	sadd.s32 s2, s17  }
0x8e: {  	[smem:$0x3FB9] =	sst s2  }
0x8f: {  	_ = 	snop  }
0x90: {  	s2 =	sld [smem:$0x3FC7]  }
0x91: {  	s18 =	sld [smem:$0x3FD0];
	(tm) =	ssettm $0x1  }
0x92: {  	s4 =	sld [smem:$0x3FFB];
	_ =	sdelay $0x3  }
0x93: {  	_ =	strace s4  }
0x94: {  	s4 =	sld [smem:$0x3FFC];
	_ =	sdelay $0x3  }
0x95: {  	_ =	strace s4  }
0x96: {  	s4 =	sld [smem:$0x3FFD];
	_ =	sdelay $0x3  }
0x97: {  	_ =	strace s4  }
0x98: {  	_ =	strace $0x8FFFFFFF  }
0x99: {  	s19 =	sld [smem:$0x3FDB];
	_ =	sdelay $0x1  }
0x9a: {  	s5 =	simm.s32 $_scs_section_size  }
0x9b: {  	s6 =	simm.s32 $_size__tile_overlayer_lowered;
	s7 =	simm.s32 $_tile_overlayer_lowered  }
0x9c: {  	s22 =	simm.s32 $0x1BFF;
	s21 =	sshll.u32 s7, $0x1;
	s4 =	sadd.s32 s5, s19  }
0x9d: {  	s8 =	simm.s32 $0x0;
	s20 =	sshll.u32 s6, $0x1;
	s6 =	sadd.s32 s21, s4  }
0x9e: {  	[timem:s8], [sflag:s22] =	dma.local [hbm:s6], s20  }
0x9f: {  	_ =	swait.ge [sflag:s22], s20  }
0xa0: {  	s5 =	ssub.s32 $0x0, s20;
	[sflag:s22] =	ssyncset.done $0x0  }
0xa1: {  	[sflag:s22] =	ssyncadd.s32 s5;
	_ =	sdelay $0x1  }
0xa2: {  	s23 =	simm.s32 $0x1B8B  }
0xa3: {  	_ =	swait.ge [sflag:s23], $0x1  }
0xa4: {  	[sflag:s23] =	ssyncset.done $0x0  }
0xa5: {  	s25 =	simm.s32 $0x1B8E;
	s24 =	sld [smem:$0x3FFE];
	[sflag:s23] =	ssyncadd.s32 $0xFFFFFFFF  }
0xa6: {  	s26 =	simm.s32 $execute0_lowered;
	[smem:$0x3FD2] =	sst s25  }
0xa7: {  	s6 =	sshll.u32 s26, $0x1;
	_ =	strace $0x80000046;
	[dreg:$0x1] =	wrdreg $0xFFFFFFFF  }
0xa8: {  	s28 =	simm.s32 $_size_execute0_lowered;
	s4 =	sadd.s32 s4, s6;
	[dreg:$0x0] =	wrdreg $0x0  }
0xa9: {  	s6 =	sshll.u32 s28, $0x1;
	[dreg:$0x2] =	wrdreg s4  }
0xaa: {  	[dreg:$0x3] =	wrdreg s6  }
0xab: {  	[dreg:$0x4] =	wrdreg $0xC0  }
0xac: {  	_ =	task [dreg:s8], $0x5FFFF  }
0xad: {  	[dreg:$0x1] =	wrdreg $0xFFFFFFFF  }
0xae: {  	[dreg:$0x0] =	wrdreg $0x60  }
0xaf: {  	[dreg:$0x2] =	wrdreg s2  }
0xb0: {  	[dreg:$0x3] =	wrdreg s18  }
0xb1: {  	[dreg:$0x4] =	wrdreg s24  }
0xb2: {  	[dreg:$0x5] =	wrdreg $0x9  }
0xb3: {  	_ =	task.clear_ibuf [dreg:s8], $0x6FFFF;
	_ =	strace $0x90000046  }
0xb4: {  	s29 =	simm.s32 $0x9;
	_ =	strace $0x8000004F  }
0xb5: {  	_ =	swait.ge [sflag:s29], $0x1  }
0xb6: {  	[sflag:s29] =	ssyncadd.s32 $0xFFFFFFFF  }
0xb7: {  	_ =	strace $0x9000004F  }
0xb8: {  	_ =	sfence  }
0xb9: {  	s30 =	sld [smem:$0x0];
	_ =	sdelay $0x2  }
0xba: {  	s31 =	sshll.u32 s1, $0xD;
	s1 =	sshrl.u32 s1, $0x2  }
0xbb: {  	s3 =	sand.u32 $0x4000, s31;
	s1 =	sadd.s32 s1, s30  }
0xbc: {  	s0 =	sor.u32 s3, s0;
	s1 =	sshll.u32 s1, $0x11  }
0xbd: {  	s0 =	sor.u32 s1, s0  }
0xbe: {  	s0 =	sadd.s32 $0x8F2B, s0  }
0xbf: {  	[sflag:s0] =	ssyncadd.remote.s32 $0x1  }
0xc0: {  	_ =	sfence.sel $0xFFFF  }
0xc1: {  	[dreg:$0x0] =	wrdreg $0xFFFFFFFF;
	(pc) =	sbr.abs _section_cstart, $3  }
0xc2: {  	[dreg:$0x1] =	wrdreg $0xFFFFFFFF  }
0xc3: {  	_ =	task.clear_ibuf [dreg:s8], $0x2FFFF;
	_ =	strace $0x9FFFFFFF  }
0xc4: {  	(tm) =	ssettm $0x7FFFFFFF  }
0xc5: {  	_ =	shalt  }
tec
execute0_lowered:
.L_overlay_start_1:
0x0: {  	(tag) =	ssettag $0x1  }
0x1: {  	s1 =	rddreg [dreg:$0x0]  }
0x2: {  	s2 =	rddreg [dreg:$0x1]  }
0x3: {  	s5 =	rddreg [dreg:$0x2]  }
0x4: {  	s0 =	rddreg [dreg:$0x3];
	s3 =	simm.s32 $0x0;
	s4 =	srdreg.scid  }
0x5: {  	s9 =	simm.s32 $0x4;
	s10 =	simm.s32 $0x0;
	[smem:$0x7FF] =	sst s3  }
0x6: {  	s6 =	sand.u32 $0x1, s4;
	s4 =	stileid.u32;
	s5 =	sadd.s32 $0x4600, s5  }
0x7: {  	_ =	strace $0x80000047;
	s7 =	ssub.s32 $0x2, s6;
	s6 =	sshll.u32 s6, $0x4  }
0x8: {  	v2 =	vlaneseq.u32;
	[dreg:$0x4] =	wrdreg s5;
	s8 =	sshrl.u32 s7, $0x1;
	s6 =	sor.u32 s4, s6  }
0x9: {  	vm0 =	vmmov $0xffff;
	v1 =	vshrl.u32 v2, $0x3;
	s7 =	ssub.s32 s7, s8;
	s31 =	sshll.u32 s6, $0x6;
	s5 =	sshll.u32 s6, $0x2  }
0xa: {  	v0 =	vand.u32 $0x7, v2;
	v2 =	vor.u32 $0x8, v2;
	v1 =	vmul.u32 $0x8, v1;
	s8 =	simm.s32 $0x5;
	s6 =	sadd.s32 s2, s31;
	s7 =	smax.u32 s7, $0x1  }
.LBB2_1:
0xb: {  	_ =	strace $0x80000048;
	s11 =	simm.s32 $0x4  }
0xc: {  	s12 =	simm.s32 $0x0;
	s13 =	simm.s32 $0x0;
	s14 =	simm.s32 $0x0  }
0xd: {  	[tilespmem:s3], [sflag:$0x1] =	stream.linear.gather [hbm4b:s6+s3], $0x80, $0x200038;
	[tilespmem:$0x10100] =	vst v63  }
0xe: {  	s15 =	simm.s32 $0x0;
	s16 =	simm.s32 $0x1;
	_ =	strace $0x90000048  }
.LBB2_2:
0xf: {  	s17 =	smov.u32 s12;
	s12 =	sadd.s32 $0x1, s12  }
0x10: {  	p0 =	seq.s32 s12, $0x4  }
0x11: {  	s12 =	simm.s32 @p0 $0x0  }
0x12: {  	p6 =	sne.s32 s11, $0x1;
	p1 =	sne.s32 s17, s12  }
0x13: {  	p0 =	por !p6, !p1  }
0x14: {  	p0 =	por !p0, !p0  }
0x15: {  	s18 =	sadd.s32 @p0 s5, s12  }
0x16: {  	s19 =	sand.u32 @p0 $0x1, s16;
	s18 =	sshll.u32 @p0 s18, $0x4  }
0x17: {  	_ =	strace @p0 $0x80000049;
	s21 =	simm.s32 @p0 $0x0;
	s18 =	sand.u32 @p0 $0x1FFFFFF0, s18  }
0x18: {  	s20 =	sshll.u32 @p0 s19, $0x7;
	s19 =	sadd.s32 @p0 $0x1, s19;
	s18 =	sadd.s32 @p0 s2, s18  }
0x19: {  	[tilespmem:s20], [sflag:s19] =	stream.linear.gather @p0 [hbm4b:s18+s21], $0x80, $0x200038;
	[tilespmem:$0x10100] =	vst v63  }
0x1a: {  	s24 =	sand.u32 $0x1, s15;
	_ =	strace @p0 $0x90000049  }
0x1b: {  	s18 =	sadd.s32 $0x1, s24;
	_ =	strace $0x8000004A  }
0x1c: {  	_ =	swait.ge [sflag:s18], $0x80  }
0x1d: {  	[sflag:s18] =	ssyncset.done $0x0  }
0x1e: {  	[sflag:s18] =	ssyncadd.s32 $0xFFFFFF80  }
0x1f: {  	s25 =	sshll.u32 s15, $0x7;
	_ =	strace $0x9000004A  }
0x20: {  	s21 =	sand.u32 $0x80, s25;
	_ =	strace $0x8000004B  }
0x21: {  	v3 =	vld [tilespmem:s21+$0x0];
	_ =	sdelay $0x4  }
0x22: {  	v4 =	vshll.u32 v3, $0x1  }
0x23: {  	v3 =	vand.u32 $0x7, v3;
	v4 =	vand.u32 $0xFFFFFFF0, v4  }
0x24: {  	v3 =	vor.u32 v3, v4  }
0x25: {  	v4 =	vperm.xlane v3, v0;
	_ =	sdelay $0x1  }
0x26: {  	v3 =	vperm.xlane v3, v2;
	v4 =	vadd.s32 v1, v4;
	_ =	sdelay $0x1  }
0x27: {  	s18 =	sand.u32 $0x1, s14;
	v3 =	vadd.s32 v1, v3  }
0x28: {  	s20 =	sshll.u32 s18, $0xF  }
0x29: {  	s19 =	sor.u32 $0x100, s20  }
0x2a: {  	[tilespmem:s19], [sflag:$0x5] =	stream.indirect_vreg.gather [hbm4b:s1+s3], $0x80, v4, vm0, $0x2000b8;
	[tilespmem:$0x10100] =	vst v63  }
0x2b: {  	s22 =	sor.u32 $0x900, s20  }
0x2c: {  	[tilespmem:s22], [sflag:$0x5] =	stream.indirect_vreg.gather [hbm4b:s1+s3], $0x80, v3, vm0, $0x2000b8;
	[tilespmem:$0x10100] =	vst v63  }
0x2d: {  	v3 =	vld [tilespmem:s21+$0x10];
	_ =	sdelay $0x4  }
0x2e: {  	v57 =	vshll.u32 v3, $0x1  }
0x2f: {  	v3 =	vand.u32 $0x7, v3;
	v4 =	vand.u32 $0xFFFFFFF0, v57  }
0x30: {  	v3 =	vor.u32 v3, v4  }
0x31: {  	v4 =	vperm.xlane v3, v0;
	_ =	sdelay $0x1  }
0x32: {  	v3 =	vperm.xlane v3, v2;
	v4 =	vadd.s32 v1, v4;
	_ =	sdelay $0x1  }
0x33: {  	v3 =	vadd.s32 v1, v3;
	_ =	sdelay $0x1  }
0x34: {  	s26 =	sor.u32 $0x1100, s20  }
0x35: {  	[tilespmem:s26], [sflag:$0x5] =	stream.indirect_vreg.gather [hbm4b:s1+s3], $0x80, v4, vm0, $0x2000b8;
	[tilespmem:$0x10100] =	vst v63  }
0x36: {  	s28 =	sor.u32 $0x1900, s20  }
0x37: {  	[tilespmem:s28], [sflag:$0x5] =	stream.indirect_vreg.gather [hbm4b:s1+s3], $0x80, v3, vm0, $0x2000b8;
	[tilespmem:$0x10100] =	vst v63  }
0x38: {  	v3 =	vld [tilespmem:s21+$0x20];
	_ =	sdelay $0x4  }
0x39: {  	v58 =	vshll.u32 v3, $0x1  }
0x3a: {  	v3 =	vand.u32 $0x7, v3;
	v4 =	vand.u32 $0xFFFFFFF0, v58  }
0x3b: {  	v3 =	vor.u32 v3, v4  }
0x3c: {  	v4 =	vperm.xlane v3, v0;
	_ =	sdelay $0x1  }
0x3d: {  	v3 =	vperm.xlane v3, v2;
	v4 =	vadd.s32 v1, v4;
	_ =	sdelay $0x1  }
0x3e: {  	v3 =	vadd.s32 v1, v3;
	_ =	sdelay $0x1  }
0x3f: {  	s29 =	sor.u32 $0x2100, s20  }
0x40: {  	[tilespmem:s29], [sflag:$0x5] =	stream.indirect_vreg.gather [hbm4b:s1+s3], $0x80, v4, vm0, $0x2000b8;
	[tilespmem:$0x10100] =	vst v63  }
0x41: {  	s30 =	sor.u32 $0x2900, s20  }
0x42: {  	[tilespmem:s30], [sflag:$0x5] =	stream.indirect_vreg.gather [hbm4b:s1+s3], $0x80, v3, vm0, $0x2000b8;
	[tilespmem:$0x10100] =	vst v63  }
0x43: {  	v3 =	vld [tilespmem:s21+$0x30];
	_ =	sdelay $0x4  }
0x44: {  	v59 =	vshll.u32 v3, $0x1  }
0x45: {  	v3 =	vand.u32 $0x7, v3;
	v4 =	vand.u32 $0xFFFFFFF0, v59  }
0x46: {  	v3 =	vor.u32 v3, v4  }
0x47: {  	v4 =	vperm.xlane v3, v0;
	_ =	sdelay $0x1  }
0x48: {  	v3 =	vperm.xlane v3, v2;
	v4 =	vadd.s32 v1, v4;
	_ =	sdelay $0x1  }
0x49: {  	v3 =	vadd.s32 v1, v3;
	_ =	sdelay $0x1  }
0x4a: {  	s31 =	sor.u32 $0x3100, s20  }
0x4b: {  	[tilespmem:s31], [sflag:$0x5] =	stream.indirect_vreg.gather [hbm4b:s1+s3], $0x80, v4, vm0, $0x2000b8;
	[tilespmem:$0x10100] =	vst v63  }
0x4c: {  	s23 =	sor.u32 $0x3900, s20  }
0x4d: {  	[tilespmem:s23], [sflag:$0x5] =	stream.indirect_vreg.gather [hbm4b:s1+s3], $0x80, v3, vm0, $0x2000b8;
	[tilespmem:$0x10100] =	vst v63  }
0x4e: {  	v3 =	vld [tilespmem:s21+$0x40];
	_ =	sdelay $0x4  }
0x4f: {  	v60 =	vshll.u32 v3, $0x1  }
0x50: {  	v3 =	vand.u32 $0x7, v3;
	v4 =	vand.u32 $0xFFFFFFF0, v60  }
0x51: {  	v3 =	vor.u32 v3, v4  }
0x52: {  	v4 =	vperm.xlane v3, v0;
	_ =	sdelay $0x1  }
0x53: {  	v3 =	vperm.xlane v3, v2;
	v4 =	vadd.s32 v1, v4;
	_ =	sdelay $0x1  }
0x54: {  	v3 =	vadd.s32 v1, v3;
	_ =	sdelay $0x1  }
0x55: {  	s24 =	sor.u32 $0x4100, s20  }
0x56: {  	[tilespmem:s24], [sflag:$0x5] =	stream.indirect_vreg.gather [hbm4b:s1+s3], $0x80, v4, vm0, $0x2000b8;
	[tilespmem:$0x10100] =	vst v63  }
0x57: {  	s25 =	sor.u32 $0x4900, s20  }
0x58: {  	[tilespmem:s25], [sflag:$0x5] =	stream.indirect_vreg.gather [hbm4b:s1+s3], $0x80, v3, vm0, $0x2000b8;
	[tilespmem:$0x10100] =	vst v63  }
0x59: {  	v3 =	vld [tilespmem:s21+$0x50];
	_ =	sdelay $0x4  }
0x5a: {  	v61 =	vshll.u32 v3, $0x1  }
0x5b: {  	v3 =	vand.u32 $0x7, v3;
	v4 =	vand.u32 $0xFFFFFFF0, v61  }
0x5c: {  	v3 =	vor.u32 v3, v4  }
0x5d: {  	v4 =	vperm.xlane v3, v0;
	_ =	sdelay $0x1  }
0x5e: {  	v3 =	vperm.xlane v3, v2;
	v4 =	vadd.s32 v1, v4;
	_ =	sdelay $0x1  }
0x5f: {  	v3 =	vadd.s32 v1, v3;
	_ =	sdelay $0x1  }
0x60: {  	s26 =	sor.u32 $0x5100, s20  }
0x61: {  	[tilespmem:s26], [sflag:$0x5] =	stream.indirect_vreg.gather [hbm4b:s1+s3], $0x80, v4, vm0, $0x2000b8;
	[tilespmem:$0x10100] =	vst v63  }
0x62: {  	s28 =	sor.u32 $0x5900, s20  }
0x63: {  	[tilespmem:s28], [sflag:$0x5] =	stream.indirect_vreg.gather [hbm4b:s1+s3], $0x80, v3, vm0, $0x2000b8;
	[tilespmem:$0x10100] =	vst v63  }
0x64: {  	v3 =	vld [tilespmem:s21+$0x60];
	_ =	sdelay $0x4  }
0x65: {  	v62 =	vshll.u32 v3, $0x1  }
0x66: {  	v3 =	vand.u32 $0x7, v3;
	v4 =	vand.u32 $0xFFFFFFF0, v62  }
0x67: {  	v3 =	vor.u32 v3, v4  }
0x68: {  	v4 =	vperm.xlane v3, v0;
	_ =	sdelay $0x1  }
0x69: {  	v3 =	vperm.xlane v3, v2;
	v4 =	vadd.s32 v1, v4;
	_ =	sdelay $0x1  }
0x6a: {  	v3 =	vadd.s32 v1, v3;
	_ =	sdelay $0x1  }
0x6b: {  	s29 =	sor.u32 $0x6100, s20  }
0x6c: {  	[tilespmem:s29], [sflag:$0x5] =	stream.indirect_vreg.gather [hbm4b:s1+s3], $0x80, v4, vm0, $0x2000b8;
	[tilespmem:$0x10100] =	vst v63  }
0x6d: {  	s30 =	sor.u32 $0x6900, s20  }
0x6e: {  	[tilespmem:s30], [sflag:$0x5] =	stream.indirect_vreg.gather [hbm4b:s1+s3], $0x80, v3, vm0, $0x2000b8;
	[tilespmem:$0x10100] =	vst v63  }
0x6f: {  	v3 =	vld [tilespmem:s21+$0x70];
	_ =	sdelay $0x4  }
0x70: {  	v63 =	vshll.u32 v3, $0x1  }
0x71: {  	v3 =	vand.u32 $0x7, v3;
	v4 =	vand.u32 $0xFFFFFFF0, v63  }
0x72: {  	v3 =	vor.u32 v3, v4  }
0x73: {  	v4 =	vperm.xlane v3, v0;
	_ =	sdelay $0x1  }
0x74: {  	v3 =	vperm.xlane v3, v2;
	v4 =	vadd.s32 v1, v4;
	_ =	sdelay $0x1  }
0x75: {  	v3 =	vadd.s32 v1, v3;
	_ =	sdelay $0x1  }
0x76: {  	s31 =	sor.u32 $0x7100, s20  }
0x77: {  	[tilespmem:s31], [sflag:$0x5] =	stream.indirect_vreg.gather [hbm4b:s1+s3], $0x80, v4, vm0, $0x2000b8;
	[tilespmem:$0x10100] =	vst v63  }
0x78: {  	s20 =	sor.u32 $0x7900, s20  }
0x79: {  	[tilespmem:s20], [sflag:$0x5] =	stream.indirect_vreg.gather [hbm4b:s1+s3], $0x80, v3, vm0, $0x2000b8;
	[tilespmem:$0x10100] =	vst v63  }
0x7a: {  	_ =	swait.ge [sflag:s8], $0x8000  }
0x7b: {  	p2 =	seq.s32 s11, $0x1;
	[sflag:s8] =	ssyncset.done $0x0  }
0x7c: {  	s17 =	sadd.s32 s5, s17;
	p1 =	por p2, p1;
	[sflag:s8] =	ssyncadd.s32 $0xFFFF8000  }
0x7d: {  	s17 =	sshll.u32 @p1 s17, $0xC;
	_ =	strace $0x9000004B  }
0x7e: {  	s17 =	sand.u32 @p1 $0x1FFFF000, s17;
	s21 =	simm.s32 $0x1;
	_ =	strace @p1 $0x8000004C  }
0x7f: {  	s18 =	sadd.s32 @p1 $0x3, s18;
	s21 =	simm.s32 @!p0 $0x0;
	s20 =	rddreg [dreg:$0x4]  }
0x80: {  	p0 =	seq.s32 s11, $0x4;
	s17 =	sadd.s32 @p1 s20, s17;
	s20 =	simm.s32 @p1 $0x0  }
0x81: {  	[hbm4b:s17+s20] =	stream.linear.scatter @p1 [tilespmem:s19], [sflag:s18], $0x8000, $0x200038;
	[tilespmem:$0x10100] =	vst v63  }
0x82: {  	s17 =	simm.s32 $0x1;
	s19 =	simm.s32 $0x1;
	_ =	strace @p1 $0x9000004C  }
0x83: {  	s17 =	simm.s32 @!p1 $0x0;
	p1 =	sne.s32 s11, $0x4;
	s11 =	sadd.s32 $0xFFFFFFFF, s11  }
0x84: {  	s18 =	sand.u32 @!p0 $0x1, s13;
	s19 =	simm.s32 @!p1 $0x0;
	p1 =	sne.s32 s11, $0x0  }
.Ltmp0:
0x85: {  	s18 =	sadd.s32 @!p0 $0x3, s18;
	_ =	strace @!p0 $0x8000004D;
	(pc) =	sbr.rel @p1 .LBB2_2-.Ltmp0, $4  }
0x86: {  	_ =	swait.ge @!p0 [sflag:s18], $0x8000  }
0x87: {  	[sflag:s18] =	ssyncset.done @!p0 $0x0  }
0x88: {  	s16 =	sadd.s32 s21, s16;
	s14 =	sadd.s32 s17, s14;
	[sflag:s18] =	ssyncadd.s32 @!p0 $0xFFFF8000  }
0x89: {  	s15 =	sadd.s32 s17, s15;
	s13 =	sadd.s32 s19, s13;
	_ =	strace @!p0 $0x9000004D  }
0x8a: {  	s10 =	sadd.s32 $0x1, s10  }
0x8b: {  	p0 =	sne.s32 s10, s7  }
.Ltmp1:
0x8c: {  	_ =	strace $0x8000004E;
	(pc) =	sbr.rel @p0 .LBB2_1-.Ltmp1, $4  }
0x8d: {  	_ =	swait.ge [sflag:s9], $0x8000  }
0x8e: {  	[sflag:s9] =	ssyncset.done $0x0  }
0x8f: {  	[sflag:s9] =	ssyncadd.s32 $0xFFFF8000  }
0x90: {  	_ =	strace $0x9000004E  }
0x91: {  	_ =	sfence.sel $0x180000  }
0x92: {  	[bflag:$0x0] =	sbarrier.arrive $0xFFFF  }
0x93: {  	p0 =	sne.s32 s4, $0x0;
	_ =	strace $0x90000047  }
0x94: {  	s0 =	sadd.s32 @!p0 $0x100000, s0;
	[bflag:$0x2] =	sbarrier.arrive $0xFFFF  }
0x95: {  	[sflag:s0] =	ssyncadd.tile.s32 @!p0 $0x1;
	_ =	shalt  }
.Lfunc_end2:
_tile_overlayer_lowered:
.L_overlay_start_2:
0x96: {  	(tag) =	ssettag $0x2  }
0x97: {  	s0 =	rddreg [dreg:$0x0];
	s2 =	stileid.u32  }
0x98: {  	s1 =	rddreg [dreg:$0x1];
	p0 =	sne.s32 s2, $0x0  }
0x99: {  	s3 =	rddreg [dreg:$0x2];
	[bflag:$0x3] =	sbarrier.arrive $0xFFFF;
	s2 =	simm.s32 @!p0 $0x1C01  }
0x9a: {  	[timem:s3], [sflag:s2] =	dma.local @!p0 [hbm:s0], s1  }
0x9b: {  	s0 =	simm.s32 @!p0 $0x1  }
0x9c: {  	_ =	swait.ge @!p0 [sflag:s0], s1  }
0x9d: {  	s1 =	ssub.s32 @!p0 $0x0, s1;
	[sflag:s0] =	ssyncset.done @!p0 $0x0  }
0x9e: {  	[sflag:s0] =	ssyncadd.s32 @!p0 s1  }
0x9f: {  	[bflag:$0x3] =	sbarrier.arrive $0xFFFF  }
0xa0: {  	_ =	shalt  }

// kernel: kernel.13.cloned.1.call-start
scs
__scs_entry_jumppad:
0x0: {  	(pc) =	sbr.rel $0x88, $3  }
0x1: {  	(tag) =	ssettag $0x0;
	lr =	simm.s32 $0x1  }
0x2: {  	[smem:$0x3F92] =	sst lr;
	_ =	strace $0xD0000000  }
0x3: {  	_ = 	snop  }
0x4: {  	_ = 	snop  }
0x5: {  	_ = 	snop  }
0x6: {  	_ = 	snop  }
0x7: {  	_ = 	snop  }
__scs_overlays_trampoline_lowered:
0x8: {  	[smem:$0x3FA1] =	sst s0  }
0x9: {  	[smem:$0x3FA2] =	sst s1  }
0xa: {  	[smem:$0x3FA3] =	sst s2  }
0xb: {  	[smem:$0x3FA4] =	sst s3  }
0xc: {  	[smem:$0x3FA5] =	sst s4  }
0xd: {  	[smem:$0x3FA6] =	sst s5  }
0xe: {  	[smem:$0x3FA7] =	sst s6  }
0xf: {  	[smem:$0x3FA8] =	sst s7  }
0x10: {  	[smem:$0x3FA9] =	sst s8  }
0x11: {  	[smem:$0x3FAA] =	sst s9;
	s0 =	simm.s32 @!p0 $0x0  }
0x12: {  	s1 =	sld [smem:$0x3F90];
	s0 =	simm.s32 @p0 $0x1  }
0x13: {  	[smem:$0x3FAB] =	sst s0;
	s0 =	simm.s32 @!p1 $0x0  }
0x14: {  	s2 =	sld [smem:$0x3F8F];
	s0 =	simm.s32 @p1 $0x1  }
0x15: {  	[smem:$0x3FAC] =	sst s0;
	s0 =	simm.s32 @!p2 $0x0  }
0x16: {  	s3 =	sld [smem:$0x3FDB];
	s0 =	simm.s32 @p2 $0x1  }
0x17: {  	s4 =	simm.s32 $0x1BF5;
	[smem:$0x3FAE] =	sst s0  }
0x18: {  	s0 =	sld [smem:$0x3F91];
	_ =	swait.ge [sflag:s4], $0x0  }
0x19: {  	s7 =	sld [smem:$0x3F92]  }
0x1a: {  	s8 =	sadd.s32 $0xFFFFE003, lr  }
0x1b: {  	s9 =	sadd.s32 $0xFFFFFEF7, lr;
	s5 =	simm.s32 $0xFFFFFFFF;
	p2 =	slt.u32 s8, $0xFFFFF086  }
0x1c: {  	p1 =	slt.u32 s9, $0xF7A;
	s5 =	simm.s32 @!p2 $0x0  }
0x1d: {  	s5 =	simm.s32 @p1 $0x1;
	p0 =	seq.s32 s7, s2  }
0x1e: {  	s7 =	smul.u32 @!p0 $0xF7A, s2;
	p2 =	seq.s32 @!p0 s5, $0x0  }
0x1f: {  	s9 =	smul.u32 $0xF7A, s1;
	s8 =	simm.s32 @!p0 $0x1BF5;
	p2 =	por !p2, p0  }
0x20: {  	[sflag:s8] =	ssyncset.s32 @!p0 $0xFFFFF086;
	s6 =	sadd.s32 @!p0 s3, s7;
	s7 =	simm.s32 @!p0 $0x108  }
0x21: {  	s3 =	sadd.s32 s3, s9;
	s6 =	sadd.s32 @!p0 $0x88, s6;
	s7 =	simm.s32 @p2 $0x1082  }
0x22: {  	[simem:s7], [sflag:s8] =	dma.local @!p0 [hbm:s6], $0xF7A  }
0x23: {  	s9 =	sor.u32 $0xD0000000, s2;
	s6 =	simm.s32 $0x108;
	_ =	swait.ge @!p0 [sflag:s8], $0x0  }
0x24: {  	s3 =	sadd.s32 $0x88, s3;
	s6 =	simm.s32 @!p1 $0x1082;
	[sflag:s4] =	ssyncset.s32 $0xFFFFF086  }
0x25: {  	[simem:s6], [sflag:s4] =	dma.local [hbm:s3], $0xF7A  }
0x26: {  	[smem:$0x3F92] =	sst s1;
	(tag) =	ssettag s2;
	_ =	strace s9  }
0x27: {  	s1 =	sld [smem:$0x3FA2]  }
0x28: {  	s2 =	sld [smem:$0x3FA3]  }
0x29: {  	s4 =	sld [smem:$0x3FA5]  }
0x2a: {  	p0 =	seq.s32 s5, $0x0;
	s5 =	sld [smem:$0x3FA6]  }
0x2b: {  	s6 =	sld [smem:$0x3FA7]  }
0x2c: {  	s7 =	sld [smem:$0x3FA8]  }
0x2d: {  	s3 =	simm.s32 $0x108;
	s8 =	sld [smem:$0x3FA9]  }
0x2e: {  	s3 =	simm.s32 @!p0 $0x1082;
	s9 =	sld [smem:$0x3FAA]  }
0x2f: {  	lr =	sadd.s32 s0, s3;
	s0 =	sld [smem:$0x3FA1]  }
0x30: {  	s3 =	sld [smem:$0x3FA4]  }
0x31: {  	[smem:$0x3FAD] =	sst s10  }
0x32: {  	s10 =	sld [smem:$0x3FAB];
	_ =	sdelay $0x3  }
0x33: {  	p0 =	seq.s32 s10, $0x1;
	s10 =	sld [smem:$0x3FAD];
	_ =	sdelay $0x3  }
0x34: {  	[smem:$0x3FAD] =	sst s10  }
0x35: {  	s10 =	sld [smem:$0x3FAC];
	_ =	sdelay $0x3  }
0x36: {  	p1 =	seq.s32 s10, $0x1;
	s10 =	sld [smem:$0x3FAD];
	_ =	sdelay $0x3  }
0x37: {  	[smem:$0x3FAD] =	sst s10  }
0x38: {  	s10 =	sld [smem:$0x3FAE]  }
0x39: {  	_ = 	snop;
	(pc) =	sbr.ind lr, $3  }
0x3a: {  	_ = 	snop  }
0x3b: {  	_ = 	snop  }
0x3c: {  	p2 =	seq.s32 s10, $0x1;
	s10 =	sld [smem:$0x3FAD]  }
0x3d: {  	_ =	shalt  }
0x3e: {  	_ =	shalt  }
0x3f: {  	_ =	shalt  }
0x40: {  	_ =	shalt  }
0x41: {  	_ =	shalt  }
0x42: {  	_ =	shalt  }
0x43: {  	_ =	shalt  }
0x44: {  	_ =	shalt  }
0x45: {  	_ =	shalt  }
0x46: {  	_ =	shalt  }
0x47: {  	_ =	shalt  }
0x48: {  	_ =	shalt  }
0x49: {  	_ =	shalt  }
0x4a: {  	_ =	shalt  }
0x4b: {  	_ =	shalt  }
0x4c: {  	_ =	shalt  }
0x4d: {  	_ =	shalt  }
0x4e: {  	_ =	shalt  }
0x4f: {  	_ =	shalt  }
0x50: {  	_ =	shalt  }
0x51: {  	_ =	shalt  }
0x52: {  	_ =	shalt  }
0x53: {  	_ =	shalt  }
0x54: {  	_ =	shalt  }
0x55: {  	_ =	shalt  }
0x56: {  	_ =	shalt  }
0x57: {  	_ =	shalt  }
0x58: {  	_ =	shalt  }
0x59: {  	_ =	shalt  }
0x5a: {  	_ =	shalt  }
0x5b: {  	_ =	shalt  }
0x5c: {  	_ =	shalt  }
0x5d: {  	_ =	shalt  }
0x5e: {  	_ =	shalt  }
0x5f: {  	_ =	shalt  }
0x60: {  	_ =	shalt  }
0x61: {  	_ =	shalt  }
0x62: {  	_ =	shalt  }
0x63: {  	_ =	shalt  }
0x64: {  	_ =	shalt  }
0x65: {  	_ =	shalt  }
0x66: {  	_ =	shalt  }
0x67: {  	_ =	shalt  }
0x68: {  	_ =	shalt  }
0x69: {  	_ =	shalt  }
0x6a: {  	_ =	shalt  }
0x6b: {  	_ =	shalt  }
0x6c: {  	_ =	shalt  }
0x6d: {  	_ =	shalt  }
0x6e: {  	_ =	shalt  }
0x6f: {  	_ =	shalt  }
0x70: {  	_ =	shalt  }
0x71: {  	_ =	shalt  }
0x72: {  	_ =	shalt  }
0x73: {  	_ =	shalt  }
0x74: {  	_ =	shalt  }
0x75: {  	_ =	shalt  }
0x76: {  	_ =	shalt  }
0x77: {  	_ =	shalt  }
0x78: {  	_ =	shalt  }
0x79: {  	_ =	shalt  }
0x7a: {  	_ =	shalt  }
0x7b: {  	_ =	shalt  }
0x7c: {  	_ =	shalt  }
0x7d: {  	_ =	shalt  }
0x7e: {  	_ =	shalt  }
0x7f: {  	_ =	shalt  }
0x80: {  	_ =	shalt  }
0x81: {  	_ =	shalt  }
0x82: {  	_ =	shalt  }
0x83: {  	_ =	shalt  }
0x84: {  	_ =	shalt  }
0x85: {  	_ =	shalt  }
0x86: {  	_ =	shalt  }
0x87: {  	_ =	shalt  }
.Lfunc_end0:
.L_simem_size_0:
called_computation.1_lowered:
.L_overlay_start_0:
0x88: {  	s2 =	sld [smem:$0x3FD9]  }
0x89: {  	s3 =	sld [smem:$0x3FFE];
	_ =	sdelay $0x1  }
0x8a: {  	s1 =	srdreg.scid  }
0x8b: {  	s0 =	sand.u32 $0x1, s1  }
0x8c: {  	s17 =	sshll.u32 s0, $0xA;
	s2 =	sadd.s32 s3, s2  }
0x8d: {  	s2 =	sadd.s32 s2, s17  }
0x8e: {  	[smem:$0x3FB9] =	sst s2  }
0x8f: {  	_ = 	snop  }
0x90: {  	s18 =	sld [smem:$0x3FC7];
	(tm) =	ssettm $0x1  }
0x91: {  	s19 =	sld [smem:$0x3FFB];
	_ =	sdelay $0x3  }
0x92: {  	_ =	strace s19  }
0x93: {  	s2 =	sld [smem:$0x3FFC];
	_ =	sdelay $0x3  }
0x94: {  	_ =	strace s2  }
0x95: {  	s2 =	sld [smem:$0x3FFD];
	_ =	sdelay $0x3  }
0x96: {  	_ =	strace s2  }
0x97: {  	_ =	strace $0x8FFFFFFF  }
0x98: {  	s20 =	sld [smem:$0x3FDB];
	_ =	sdelay $0x1  }
0x99: {  	s4 =	simm.s32 $_scs_section_size  }
0x9a: {  	s5 =	simm.s32 $_size__tile_overlayer_lowered;
	s6 =	simm.s32 $_tile_overlayer_lowered  }
0x9b: {  	s7 =	simm.s32 $0x1BFF;
	s21 =	sshll.u32 s6, $0x1;
	s4 =	sadd.s32 s4, s20  }
0x9c: {  	s22 =	simm.s32 $0x0;
	s5 =	sshll.u32 s5, $0x1;
	s6 =	sadd.s32 s21, s4  }
0x9d: {  	[timem:s22], [sflag:s7] =	dma.local [hbm:s6], s5  }
0x9e: {  	_ =	swait.ge [sflag:s7], s5  }
0x9f: {  	s5 =	ssub.s32 $0x0, s5;
	[sflag:s7] =	ssyncset.done $0x0  }
0xa0: {  	[sflag:s7] =	ssyncadd.s32 s5;
	_ =	sdelay $0x1  }
0xa1: {  	s23 =	simm.s32 $0x1B8B  }
0xa2: {  	_ =	swait.ge [sflag:s23], $0x1  }
0xa3: {  	[sflag:s23] =	ssyncset.done $0x0  }
0xa4: {  	[sflag:s23] =	ssyncadd.s32 $0xFFFFFFFF  }
0xa5: {  	s5 =	sld [smem:$0x0]  }
0xa6: {  	s6 =	sand.u32 $0xFFFFFFFE, s1  }
0xa7: {  	p0 =	sne.s32 s1, s6  }
0xa8: {  	s6 =	sshll.u32 @p0 s6, $0xE  }
0xa9: {  	s6 =	sadd.s32 @p0 $0x11B8D, s6;
	s7 =	sshll.u32 @p0 s5, $0x11  }
0xaa: {  	s6 =	sor.u32 @p0 s7, s6  }
0xab: {  	[sflag:s6] =	ssyncadd.remote.s32 @p0 $0x1;
	_ =	sdelay $0x1  }
0xac: {  	s6 =	simm.s32 @p0 $0x1B8D  }
0xad: {  	_ =	swait.eq @p0 [sflag:s6], $0x1  }
0xae: {  	[sflag:s6] =	ssyncadd.s32 @p0 $0xFFFFFFFF  }
0xaf: {  	s7 =	sshll.u32 @!p0 s1, $0xE  }
0xb0: {  	s7 =	sor.u32 @!p0 $0x4000, s7;
	s6 =	simm.s32 @!p0 $0x1B8D  }
0xb1: {  	s5 =	sshll.u32 @!p0 s5, $0x11;
	s7 =	sadd.s32 @!p0 $0x11B8D, s7;
	_ =	swait.eq @!p0 [sflag:s6], $0x1  }
0xb2: {  	s5 =	sor.u32 @!p0 s5, s7;
	[sflag:s6] =	ssyncadd.s32 @!p0 $0xFFFFFFFF  }
0xb3: {  	s25 =	simm.s32 $0x1B8E;
	s24 =	sld [smem:$0x3FFE];
	[sflag:s5] =	ssyncadd.remote.s32 @!p0 $0x1  }
0xb4: {  	s26 =	simm.s32 $execute0_lowered;
	[smem:$0x3FD2] =	sst s25  }
0xb5: {  	s6 =	sshll.u32 s26, $0x1;
	_ =	strace $0x80000064;
	[dreg:$0x1] =	wrdreg $0xFFFFFFFF  }
0xb6: {  	s28 =	simm.s32 $_size_execute0_lowered;
	s4 =	sadd.s32 s4, s6;
	[dreg:$0x0] =	wrdreg $0x0  }
0xb7: {  	s6 =	sshll.u32 s28, $0x1;
	[dreg:$0x2] =	wrdreg s4  }
0xb8: {  	[dreg:$0x3] =	wrdreg s6  }
0xb9: {  	[dreg:$0x4] =	wrdreg $0xC0  }
0xba: {  	_ =	task [dreg:s22], $0x5FFFF  }
0xbb: {  	[dreg:$0x1] =	wrdreg $0xFFFFFFFF  }
0xbc: {  	[dreg:$0x0] =	wrdreg $0x60  }
0xbd: {  	[dreg:$0x2] =	wrdreg s18  }
0xbe: {  	[dreg:$0x3] =	wrdreg s24  }
0xbf: {  	[dreg:$0x4] =	wrdreg $0xA  }
0xc0: {  	_ =	task.clear_ibuf [dreg:s22], $0x5FFFF;
	_ =	strace $0x90000064  }
0xc1: {  	s29 =	simm.s32 $0xA;
	_ =	strace $0x8000006D  }
0xc2: {  	_ =	swait.ge [sflag:s29], $0x1  }
0xc3: {  	[sflag:s29] =	ssyncadd.s32 $0xFFFFFFFF  }
0xc4: {  	_ =	strace $0x9000006D  }
0xc5: {  	_ =	sfence  }
0xc6: {  	s30 =	sld [smem:$0x0];
	_ =	sdelay $0x2  }
0xc7: {  	s31 =	sshll.u32 s1, $0xD;
	s1 =	sshrl.u32 s1, $0x2  }
0xc8: {  	s4 =	sand.u32 $0x4000, s31;
	s1 =	sadd.s32 s1, s30  }
0xc9: {  	s0 =	sor.u32 s4, s0;
	s1 =	sshll.u32 s1, $0x11  }
0xca: {  	s0 =	sor.u32 s1, s0  }
0xcb: {  	s0 =	sadd.s32 $0x8F2B, s0  }
0xcc: {  	[sflag:s0] =	ssyncadd.remote.s32 $0x1  }
0xcd: {  	_ =	sfence.sel $0xFFFF  }
0xce: {  	[dreg:$0x0] =	wrdreg $0xFFFFFFFF;
	(pc) =	sbr.abs _section_cstart, $3  }
0xcf: {  	[dreg:$0x1] =	wrdreg $0xFFFFFFFF  }
0xd0: {  	_ =	task.clear_ibuf [dreg:s22], $0x2FFFF;
	_ =	strace $0x9FFFFFFF  }
0xd1: {  	(tm) =	ssettm $0x7FFFFFFF  }
tec
execute0_lowered:
.L_overlay_start_1:
0x0: {  	(tag) =	ssettag $0x1  }
0x1: {  	s1 =	rddreg [dreg:$0x0]  }
0x2: {  	s5 =	rddreg [dreg:$0x1]  }
0x3: {  	s0 =	rddreg [dreg:$0x2]  }
0x4: {  	s2 =	simm.s32 $0x0;
	s3 =	srdreg.scid;
	s9 =	simm.s32 $0x4  }
0x5: {  	s10 =	simm.s32 $0x0;
	[smem:$0x7FF] =	sst s2;
	s4 =	sadd.s32 $0x3E00, s5  }
0x6: {  	s6 =	sand.u32 $0x1, s3;
	s3 =	stileid.u32;
	s5 =	sadd.s32 $0x184600, s5  }
0x7: {  	_ =	strace $0x80000065;
	s7 =	ssub.s32 $0x2, s6;
	s6 =	sshll.u32 s6, $0x4  }
0x8: {  	v2 =	vlaneseq.u32;
	[dreg:$0x3] =	wrdreg s5;
	s8 =	sshrl.u32 s7, $0x1;
	s6 =	sor.u32 s3, s6  }
0x9: {  	vm0 =	vmmov $0xffff;
	v1 =	vshrl.u32 v2, $0x3;
	s7 =	ssub.s32 s7, s8;
	s31 =	sshll.u32 s6, $0x6;
	s5 =	sshll.u32 s6, $0x2  }
0xa: {  	v0 =	vand.u32 $0x7, v2;
	v2 =	vor.u32 $0x8, v2;
	v1 =	vmul.u32 $0x8, v1;
	s8 =	simm.s32 $0x5;
	s6 =	sadd.s32 s4, s31;
	s7 =	smax.u32 s7, $0x1  }
.LBB2_1:
0xb: {  	_ =	strace $0x80000066;
	s11 =	simm.s32 $0x4  }
0xc: {  	s12 =	simm.s32 $0x0;
	s13 =	simm.s32 $0x0;
	s14 =	simm.s32 $0x0  }
0xd: {  	[tilespmem:s2], [sflag:$0x1] =	stream.linear.gather [hbm4b:s6+s2], $0x80, $0x200038;
	[tilespmem:$0x10100] =	vst v63  }
0xe: {  	s15 =	simm.s32 $0x0;
	s16 =	simm.s32 $0x1;
	_ =	strace $0x90000066  }
.LBB2_2:
0xf: {  	s17 =	smov.u32 s12;
	s12 =	sadd.s32 $0x1, s12  }
0x10: {  	p0 =	seq.s32 s12, $0x4  }
0x11: {  	s12 =	simm.s32 @p0 $0x0  }
0x12: {  	p6 =	sne.s32 s11, $0x1;
	p1 =	sne.s32 s17, s12  }
0x13: {  	p0 =	por !p6, !p1  }
0x14: {  	p0 =	por !p0, !p0  }
0x15: {  	s18 =	sadd.s32 @p0 s5, s12  }
0x16: {  	s19 =	sand.u32 @p0 $0x1, s16;
	s18 =	sshll.u32 @p0 s18, $0x4  }
0x17: {  	_ =	strace @p0 $0x80000067;
	s21 =	simm.s32 @p0 $0x0;
	s18 =	sand.u32 @p0 $0x1FFFFFF0, s18  }
0x18: {  	s20 =	sshll.u32 @p0 s19, $0x7;
	s19 =	sadd.s32 @p0 $0x1, s19;
	s18 =	sadd.s32 @p0 s4, s18  }
0x19: {  	[tilespmem:s20], [sflag:s19] =	stream.linear.gather @p0 [hbm4b:s18+s21], $0x80, $0x200038;
	[tilespmem:$0x10100] =	vst v63  }
0x1a: {  	s24 =	sand.u32 $0x1, s15;
	_ =	strace @p0 $0x90000067  }
0x1b: {  	s18 =	sadd.s32 $0x1, s24;
	_ =	strace $0x80000068  }
0x1c: {  	_ =	swait.ge [sflag:s18], $0x80  }
0x1d: {  	[sflag:s18] =	ssyncset.done $0x0  }
0x1e: {  	[sflag:s18] =	ssyncadd.s32 $0xFFFFFF80  }
0x1f: {  	s25 =	sshll.u32 s15, $0x7;
	_ =	strace $0x90000068  }
0x20: {  	s21 =	sand.u32 $0x80, s25;
	_ =	strace $0x80000069  }
0x21: {  	v3 =	vld [tilespmem:s21+$0x0];
	_ =	sdelay $0x4  }
0x22: {  	v4 =	vshll.u32 v3, $0x1  }
0x23: {  	v3 =	vand.u32 $0x7, v3;
	v4 =	vand.u32 $0xFFFFFFF0, v4  }
0x24: {  	v3 =	vor.u32 v3, v4  }
0x25: {  	v4 =	vperm.xlane v3, v0;
	_ =	sdelay $0x1  }
0x26: {  	v3 =	vperm.xlane v3, v2;
	v4 =	vadd.s32 v1, v4;
	_ =	sdelay $0x1  }
0x27: {  	s18 =	sand.u32 $0x1, s14;
	v3 =	vadd.s32 v1, v3  }
0x28: {  	s20 =	sshll.u32 s18, $0xF  }
0x29: {  	s19 =	sor.u32 $0x100, s20  }
0x2a: {  	[tilespmem:s19], [sflag:$0x5] =	stream.indirect_vreg.gather [hbm4b:s1+s2], $0x80, v4, vm0, $0x2000b8;
	[tilespmem:$0x10100] =	vst v63  }
0x2b: {  	s22 =	sor.u32 $0x900, s20  }
0x2c: {  	[tilespmem:s22], [sflag:$0x5] =	stream.indirect_vreg.gather [hbm4b:s1+s2], $0x80, v3, vm0, $0x2000b8;
	[tilespmem:$0x10100] =	vst v63  }
0x2d: {  	v3 =	vld [tilespmem:s21+$0x10];
	_ =	sdelay $0x4  }
0x2e: {  	v57 =	vshll.u32 v3, $0x1  }
0x2f: {  	v3 =	vand.u32 $0x7, v3;
	v4 =	vand.u32 $0xFFFFFFF0, v57  }
0x30: {  	v3 =	vor.u32 v3, v4  }
0x31: {  	v4 =	vperm.xlane v3, v0;
	_ =	sdelay $0x1  }
0x32: {  	v3 =	vperm.xlane v3, v2;
	v4 =	vadd.s32 v1, v4;
	_ =	sdelay $0x1  }
0x33: {  	v3 =	vadd.s32 v1, v3;
	_ =	sdelay $0x1  }
0x34: {  	s26 =	sor.u32 $0x1100, s20  }
0x35: {  	[tilespmem:s26], [sflag:$0x5] =	stream.indirect_vreg.gather [hbm4b:s1+s2], $0x80, v4, vm0, $0x2000b8;
	[tilespmem:$0x10100] =	vst v63  }
0x36: {  	s28 =	sor.u32 $0x1900, s20  }
0x37: {  	[tilespmem:s28], [sflag:$0x5] =	stream.indirect_vreg.gather [hbm4b:s1+s2], $0x80, v3, vm0, $0x2000b8;
	[tilespmem:$0x10100] =	vst v63  }
0x38: {  	v3 =	vld [tilespmem:s21+$0x20];
	_ =	sdelay $0x4  }
0x39: {  	v58 =	vshll.u32 v3, $0x1  }
0x3a: {  	v3 =	vand.u32 $0x7, v3;
	v4 =	vand.u32 $0xFFFFFFF0, v58  }
0x3b: {  	v3 =	vor.u32 v3, v4  }
0x3c: {  	v4 =	vperm.xlane v3, v0;
	_ =	sdelay $0x1  }
0x3d: {  	v3 =	vperm.xlane v3, v2;
	v4 =	vadd.s32 v1, v4;
	_ =	sdelay $0x1  }
0x3e: {  	v3 =	vadd.s32 v1, v3;
	_ =	sdelay $0x1  }
0x3f: {  	s29 =	sor.u32 $0x2100, s20  }
0x40: {  	[tilespmem:s29], [sflag:$0x5] =	stream.indirect_vreg.gather [hbm4b:s1+s2], $0x80, v4, vm0, $0x2000b8;
	[tilespmem:$0x10100] =	vst v63  }
0x41: {  	s30 =	sor.u32 $0x2900, s20  }
0x42: {  	[tilespmem:s30], [sflag:$0x5] =	stream.indirect_vreg.gather [hbm4b:s1+s2], $0x80, v3, vm0, $0x2000b8;
	[tilespmem:$0x10100] =	vst v63  }
0x43: {  	v3 =	vld [tilespmem:s21+$0x30];
	_ =	sdelay $0x4  }
0x44: {  	v59 =	vshll.u32 v3, $0x1  }
0x45: {  	v3 =	vand.u32 $0x7, v3;
	v4 =	vand.u32 $0xFFFFFFF0, v59  }
0x46: {  	v3 =	vor.u32 v3, v4  }
0x47: {  	v4 =	vperm.xlane v3, v0;
	_ =	sdelay $0x1  }
0x48: {  	v3 =	vperm.xlane v3, v2;
	v4 =	vadd.s32 v1, v4;
	_ =	sdelay $0x1  }
0x49: {  	v3 =	vadd.s32 v1, v3;
	_ =	sdelay $0x1  }
0x4a: {  	s31 =	sor.u32 $0x3100, s20  }
0x4b: {  	[tilespmem:s31], [sflag:$0x5] =	stream.indirect_vreg.gather [hbm4b:s1+s2], $0x80, v4, vm0, $0x2000b8;
	[tilespmem:$0x10100] =	vst v63  }
0x4c: {  	s23 =	sor.u32 $0x3900, s20  }
0x4d: {  	[tilespmem:s23], [sflag:$0x5] =	stream.indirect_vreg.gather [hbm4b:s1+s2], $0x80, v3, vm0, $0x2000b8;
	[tilespmem:$0x10100] =	vst v63  }
0x4e: {  	v3 =	vld [tilespmem:s21+$0x40];
	_ =	sdelay $0x4  }
0x4f: {  	v60 =	vshll.u32 v3, $0x1  }
0x50: {  	v3 =	vand.u32 $0x7, v3;
	v4 =	vand.u32 $0xFFFFFFF0, v60  }
0x51: {  	v3 =	vor.u32 v3, v4  }
0x52: {  	v4 =	vperm.xlane v3, v0;
	_ =	sdelay $0x1  }
0x53: {  	v3 =	vperm.xlane v3, v2;
	v4 =	vadd.s32 v1, v4;
	_ =	sdelay $0x1  }
0x54: {  	v3 =	vadd.s32 v1, v3;
	_ =	sdelay $0x1  }
0x55: {  	s24 =	sor.u32 $0x4100, s20  }
0x56: {  	[tilespmem:s24], [sflag:$0x5] =	stream.indirect_vreg.gather [hbm4b:s1+s2], $0x80, v4, vm0, $0x2000b8;
	[tilespmem:$0x10100] =	vst v63  }
0x57: {  	s25 =	sor.u32 $0x4900, s20  }
0x58: {  	[tilespmem:s25], [sflag:$0x5] =	stream.indirect_vreg.gather [hbm4b:s1+s2], $0x80, v3, vm0, $0x2000b8;
	[tilespmem:$0x10100] =	vst v63  }
0x59: {  	v3 =	vld [tilespmem:s21+$0x50];
	_ =	sdelay $0x4  }
0x5a: {  	v61 =	vshll.u32 v3, $0x1  }
0x5b: {  	v3 =	vand.u32 $0x7, v3;
	v4 =	vand.u32 $0xFFFFFFF0, v61  }
0x5c: {  	v3 =	vor.u32 v3, v4  }
0x5d: {  	v4 =	vperm.xlane v3, v0;
	_ =	sdelay $0x1  }
0x5e: {  	v3 =	vperm.xlane v3, v2;
	v4 =	vadd.s32 v1, v4;
	_ =	sdelay $0x1  }
0x5f: {  	v3 =	vadd.s32 v1, v3;
	_ =	sdelay $0x1  }
0x60: {  	s26 =	sor.u32 $0x5100, s20  }
0x61: {  	[tilespmem:s26], [sflag:$0x5] =	stream.indirect_vreg.gather [hbm4b:s1+s2], $0x80, v4, vm0, $0x2000b8;
	[tilespmem:$0x10100] =	vst v63  }
0x62: {  	s28 =	sor.u32 $0x5900, s20  }
0x63: {  	[tilespmem:s28], [sflag:$0x5] =	stream.indirect_vreg.gather [hbm4b:s1+s2], $0x80, v3, vm0, $0x2000b8;
	[tilespmem:$0x10100] =	vst v63  }
0x64: {  	v3 =	vld [tilespmem:s21+$0x60];
	_ =	sdelay $0x4  }
0x65: {  	v62 =	vshll.u32 v3, $0x1  }
0x66: {  	v3 =	vand.u32 $0x7, v3;
	v4 =	vand.u32 $0xFFFFFFF0, v62  }
0x67: {  	v3 =	vor.u32 v3, v4  }
0x68: {  	v4 =	vperm.xlane v3, v0;
	_ =	sdelay $0x1  }
0x69: {  	v3 =	vperm.xlane v3, v2;
	v4 =	vadd.s32 v1, v4;
	_ =	sdelay $0x1  }
0x6a: {  	v3 =	vadd.s32 v1, v3;
	_ =	sdelay $0x1  }
0x6b: {  	s29 =	sor.u32 $0x6100, s20  }
0x6c: {  	[tilespmem:s29], [sflag:$0x5] =	stream.indirect_vreg.gather [hbm4b:s1+s2], $0x80, v4, vm0, $0x2000b8;
	[tilespmem:$0x10100] =	vst v63  }
0x6d: {  	s30 =	sor.u32 $0x6900, s20  }
0x6e: {  	[tilespmem:s30], [sflag:$0x5] =	stream.indirect_vreg.gather [hbm4b:s1+s2], $0x80, v3, vm0, $0x2000b8;
	[tilespmem:$0x10100] =	vst v63  }
0x6f: {  	v3 =	vld [tilespmem:s21+$0x70];
	_ =	sdelay $0x4  }
0x70: {  	v63 =	vshll.u32 v3, $0x1  }
0x71: {  	v3 =	vand.u32 $0x7, v3;
	v4 =	vand.u32 $0xFFFFFFF0, v63  }
0x72: {  	v3 =	vor.u32 v3, v4  }
0x73: {  	v4 =	vperm.xlane v3, v0;
	_ =	sdelay $0x1  }
0x74: {  	v3 =	vperm.xlane v3, v2;
	v4 =	vadd.s32 v1, v4;
	_ =	sdelay $0x1  }
0x75: {  	v3 =	vadd.s32 v1, v3;
	_ =	sdelay $0x1  }
0x76: {  	s31 =	sor.u32 $0x7100, s20  }
0x77: {  	[tilespmem:s31], [sflag:$0x5] =	stream.indirect_vreg.gather [hbm4b:s1+s2], $0x80, v4, vm0, $0x2000b8;
	[tilespmem:$0x10100] =	vst v63  }
0x78: {  	s20 =	sor.u32 $0x7900, s20  }
0x79: {  	[tilespmem:s20], [sflag:$0x5] =	stream.indirect_vreg.gather [hbm4b:s1+s2], $0x80, v3, vm0, $0x2000b8;
	[tilespmem:$0x10100] =	vst v63  }
0x7a: {  	_ =	swait.ge [sflag:s8], $0x8000  }
0x7b: {  	p2 =	seq.s32 s11, $0x1;
	[sflag:s8] =	ssyncset.done $0x0  }
0x7c: {  	s17 =	sadd.s32 s5, s17;
	p1 =	por p2, p1;
	[sflag:s8] =	ssyncadd.s32 $0xFFFF8000  }
0x7d: {  	s17 =	sshll.u32 @p1 s17, $0xC;
	_ =	strace $0x90000069  }
0x7e: {  	s17 =	sand.u32 @p1 $0x1FFFF000, s17;
	s21 =	simm.s32 $0x1;
	_ =	strace @p1 $0x8000006A  }
0x7f: {  	s18 =	sadd.s32 @p1 $0x3, s18;
	s21 =	simm.s32 @!p0 $0x0;
	s20 =	rddreg [dreg:$0x3]  }
0x80: {  	p0 =	seq.s32 s11, $0x4;
	s17 =	sadd.s32 @p1 s20, s17;
	s20 =	simm.s32 @p1 $0x0  }
0x81: {  	[hbm4b:s17+s20] =	stream.linear.scatter @p1 [tilespmem:s19], [sflag:s18], $0x8000, $0x200038;
	[tilespmem:$0x10100] =	vst v63  }
0x82: {  	s17 =	simm.s32 $0x1;
	s19 =	simm.s32 $0x1;
	_ =	strace @p1 $0x9000006A  }
0x83: {  	s17 =	simm.s32 @!p1 $0x0;
	p1 =	sne.s32 s11, $0x4;
	s11 =	sadd.s32 $0xFFFFFFFF, s11  }
0x84: {  	s18 =	sand.u32 @!p0 $0x1, s13;
	s19 =	simm.s32 @!p1 $0x0;
	p1 =	sne.s32 s11, $0x0  }
.Ltmp0:
0x85: {  	s18 =	sadd.s32 @!p0 $0x3, s18;
	_ =	strace @!p0 $0x8000006B;
	(pc) =	sbr.rel @p1 .LBB2_2-.Ltmp0, $4  }
0x86: {  	_ =	swait.ge @!p0 [sflag:s18], $0x8000  }
0x87: {  	[sflag:s18] =	ssyncset.done @!p0 $0x0  }
0x88: {  	s16 =	sadd.s32 s21, s16;
	s14 =	sadd.s32 s17, s14;
	[sflag:s18] =	ssyncadd.s32 @!p0 $0xFFFF8000  }
0x89: {  	s15 =	sadd.s32 s17, s15;
	s13 =	sadd.s32 s19, s13;
	_ =	strace @!p0 $0x9000006B  }
0x8a: {  	s10 =	sadd.s32 $0x1, s10  }
0x8b: {  	p0 =	sne.s32 s10, s7  }
.Ltmp1:
0x8c: {  	_ =	strace $0x8000006C;
	(pc) =	sbr.rel @p0 .LBB2_1-.Ltmp1, $4  }
0x8d: {  	_ =	swait.ge [sflag:s9], $0x8000  }
0x8e: {  	[sflag:s9] =	ssyncset.done $0x0  }
0x8f: {  	[sflag:s9] =	ssyncadd.s32 $0xFFFF8000  }
0x90: {  	_ =	strace $0x9000006C  }
0x91: {  	_ =	sfence.sel $0x180000  }
0x92: {  	[bflag:$0x0] =	sbarrier.arrive $0xFFFF  }
0x93: {  	p0 =	sne.s32 s3, $0x0;
	_ =	strace $0x90000065  }
0x94: {  	s0 =	sadd.s32 @!p0 $0x100000, s0;
	[bflag:$0x2] =	sbarrier.arrive $0xFFFF  }
0x95: {  	[sflag:s0] =	ssyncadd.tile.s32 @!p0 $0x1;
	_ =	shalt  }
.Lfunc_end2:
_tile_overlayer_lowered:
.L_overlay_start_2:
0x96: {  	(tag) =	ssettag $0x2  }
0x97: {  	s0 =	rddreg [dreg:$0x0];
	s2 =	stileid.u32  }
0x98: {  	s1 =	rddreg [dreg:$0x1];
	p0 =	sne.s32 s2, $0x0  }
0x99: {  	s3 =	rddreg [dreg:$0x2];
	[bflag:$0x3] =	sbarrier.arrive $0xFFFF;
	s2 =	simm.s32 @!p0 $0x1C01  }
0x9a: {  	[timem:s3], [sflag:s2] =	dma.local @!p0 [hbm:s0], s1  }
0x9b: {  	s0 =	simm.s32 @!p0 $0x1  }
0x9c: {  	_ =	swait.ge @!p0 [sflag:s0], s1  }
0x9d: {  	s1 =	ssub.s32 @!p0 $0x0, s1;
	[sflag:s0] =	ssyncset.done @!p0 $0x0  }
0x9e: {  	[sflag:s0] =	ssyncadd.s32 @!p0 s1  }
0x9f: {  	[bflag:$0x3] =	sbarrier.arrive $0xFFFF  }
0xa0: {  	_ =	shalt  }

// kernel: kernel.16.cloned.1.call-start
scs
__scs_entry_jumppad:
0x0: {  	(pc) =	sbr.rel $0x88, $3  }
0x1: {  	(tag) =	ssettag $0x0;
	lr =	simm.s32 $0x1  }
0x2: {  	[smem:$0x3F92] =	sst lr;
	_ =	strace $0xD0000000  }
0x3: {  	_ = 	snop  }
0x4: {  	_ = 	snop  }
0x5: {  	_ = 	snop  }
0x6: {  	_ = 	snop  }
0x7: {  	_ = 	snop  }
__scs_overlays_trampoline_lowered:
0x8: {  	[smem:$0x3FA1] =	sst s0  }
0x9: {  	[smem:$0x3FA2] =	sst s1  }
0xa: {  	[smem:$0x3FA3] =	sst s2  }
0xb: {  	[smem:$0x3FA4] =	sst s3  }
0xc: {  	[smem:$0x3FA5] =	sst s4  }
0xd: {  	[smem:$0x3FA6] =	sst s5  }
0xe: {  	[smem:$0x3FA7] =	sst s6  }
0xf: {  	[smem:$0x3FA8] =	sst s7  }
0x10: {  	[smem:$0x3FA9] =	sst s8  }
0x11: {  	[smem:$0x3FAA] =	sst s9;
	s0 =	simm.s32 @!p0 $0x0  }
0x12: {  	s1 =	sld [smem:$0x3F90];
	s0 =	simm.s32 @p0 $0x1  }
0x13: {  	[smem:$0x3FAB] =	sst s0;
	s0 =	simm.s32 @!p1 $0x0  }
0x14: {  	s2 =	sld [smem:$0x3F8F];
	s0 =	simm.s32 @p1 $0x1  }
0x15: {  	[smem:$0x3FAC] =	sst s0;
	s0 =	simm.s32 @!p2 $0x0  }
0x16: {  	s3 =	sld [smem:$0x3FDB];
	s0 =	simm.s32 @p2 $0x1  }
0x17: {  	s4 =	simm.s32 $0x1BF5;
	[smem:$0x3FAE] =	sst s0  }
0x18: {  	s0 =	sld [smem:$0x3F91];
	_ =	swait.ge [sflag:s4], $0x0  }
0x19: {  	s7 =	sld [smem:$0x3F92]  }
0x1a: {  	s8 =	sadd.s32 $0xFFFFE003, lr  }
0x1b: {  	s9 =	sadd.s32 $0xFFFFFEF7, lr;
	s5 =	simm.s32 $0xFFFFFFFF;
	p2 =	slt.u32 s8, $0xFFFFF086  }
0x1c: {  	p1 =	slt.u32 s9, $0xF7A;
	s5 =	simm.s32 @!p2 $0x0  }
0x1d: {  	s5 =	simm.s32 @p1 $0x1;
	p0 =	seq.s32 s7, s2  }
0x1e: {  	s7 =	smul.u32 @!p0 $0xF7A, s2;
	p2 =	seq.s32 @!p0 s5, $0x0  }
0x1f: {  	s9 =	smul.u32 $0xF7A, s1;
	s8 =	simm.s32 @!p0 $0x1BF5;
	p2 =	por !p2, p0  }
0x20: {  	[sflag:s8] =	ssyncset.s32 @!p0 $0xFFFFF086;
	s6 =	sadd.s32 @!p0 s3, s7;
	s7 =	simm.s32 @!p0 $0x108  }
0x21: {  	s3 =	sadd.s32 s3, s9;
	s6 =	sadd.s32 @!p0 $0x88, s6;
	s7 =	simm.s32 @p2 $0x1082  }
0x22: {  	[simem:s7], [sflag:s8] =	dma.local @!p0 [hbm:s6], $0xF7A  }
0x23: {  	s9 =	sor.u32 $0xD0000000, s2;
	s6 =	simm.s32 $0x108;
	_ =	swait.ge @!p0 [sflag:s8], $0x0  }
0x24: {  	s3 =	sadd.s32 $0x88, s3;
	s6 =	simm.s32 @!p1 $0x1082;
	[sflag:s4] =	ssyncset.s32 $0xFFFFF086  }
0x25: {  	[simem:s6], [sflag:s4] =	dma.local [hbm:s3], $0xF7A  }
0x26: {  	[smem:$0x3F92] =	sst s1;
	(tag) =	ssettag s2;
	_ =	strace s9  }
0x27: {  	s1 =	sld [smem:$0x3FA2]  }
0x28: {  	s2 =	sld [smem:$0x3FA3]  }
0x29: {  	s4 =	sld [smem:$0x3FA5]  }
0x2a: {  	p0 =	seq.s32 s5, $0x0;
	s5 =	sld [smem:$0x3FA6]  }
0x2b: {  	s6 =	sld [smem:$0x3FA7]  }
0x2c: {  	s7 =	sld [smem:$0x3FA8]  }
0x2d: {  	s3 =	simm.s32 $0x108;
	s8 =	sld [smem:$0x3FA9]  }
0x2e: {  	s3 =	simm.s32 @!p0 $0x1082;
	s9 =	sld [smem:$0x3FAA]  }
0x2f: {  	lr =	sadd.s32 s0, s3;
	s0 =	sld [smem:$0x3FA1]  }
0x30: {  	s3 =	sld [smem:$0x3FA4]  }
0x31: {  	[smem:$0x3FAD] =	sst s10  }
0x32: {  	s10 =	sld [smem:$0x3FAB];
	_ =	sdelay $0x3  }
0x33: {  	p0 =	seq.s32 s10, $0x1;
	s10 =	sld [smem:$0x3FAD];
	_ =	sdelay $0x3  }
0x34: {  	[smem:$0x3FAD] =	sst s10  }
0x35: {  	s10 =	sld [smem:$0x3FAC];
	_ =	sdelay $0x3  }
0x36: {  	p1 =	seq.s32 s10, $0x1;
	s10 =	sld [smem:$0x3FAD];
	_ =	sdelay $0x3  }
0x37: {  	[smem:$0x3FAD] =	sst s10  }
0x38: {  	s10 =	sld [smem:$0x3FAE]  }
0x39: {  	_ = 	snop;
	(pc) =	sbr.ind lr, $3  }
0x3a: {  	_ = 	snop  }
0x3b: {  	_ = 	snop  }
0x3c: {  	p2 =	seq.s32 s10, $0x1;
	s10 =	sld [smem:$0x3FAD]  }
0x3d: {  	_ =	shalt  }
0x3e: {  	_ =	shalt  }
0x3f: {  	_ =	shalt  }
0x40: {  	_ =	shalt  }
0x41: {  	_ =	shalt  }
0x42: {  	_ =	shalt  }
0x43: {  	_ =	shalt  }
0x44: {  	_ =	shalt  }
0x45: {  	_ =	shalt  }
0x46: {  	_ =	shalt  }
0x47: {  	_ =	shalt  }
0x48: {  	_ =	shalt  }
0x49: {  	_ =	shalt  }
0x4a: {  	_ =	shalt  }
0x4b: {  	_ =	shalt  }
0x4c: {  	_ =	shalt  }
0x4d: {  	_ =	shalt  }
0x4e: {  	_ =	shalt  }
0x4f: {  	_ =	shalt  }
0x50: {  	_ =	shalt  }
0x51: {  	_ =	shalt  }
0x52: {  	_ =	shalt  }
0x53: {  	_ =	shalt  }
0x54: {  	_ =	shalt  }
0x55: {  	_ =	shalt  }
0x56: {  	_ =	shalt  }
0x57: {  	_ =	shalt  }
0x58: {  	_ =	shalt  }
0x59: {  	_ =	shalt  }
0x5a: {  	_ =	shalt  }
0x5b: {  	_ =	shalt  }
0x5c: {  	_ =	shalt  }
0x5d: {  	_ =	shalt  }
0x5e: {  	_ =	shalt  }
0x5f: {  	_ =	shalt  }
0x60: {  	_ =	shalt  }
0x61: {  	_ =	shalt  }
0x62: {  	_ =	shalt  }
0x63: {  	_ =	shalt  }
0x64: {  	_ =	shalt  }
0x65: {  	_ =	shalt  }
0x66: {  	_ =	shalt  }
0x67: {  	_ =	shalt  }
0x68: {  	_ =	shalt  }
0x69: {  	_ =	shalt  }
0x6a: {  	_ =	shalt  }
0x6b: {  	_ =	shalt  }
0x6c: {  	_ =	shalt  }
0x6d: {  	_ =	shalt  }
0x6e: {  	_ =	shalt  }
0x6f: {  	_ =	shalt  }
0x70: {  	_ =	shalt  }
0x71: {  	_ =	shalt  }
0x72: {  	_ =	shalt  }
0x73: {  	_ =	shalt  }
0x74: {  	_ =	shalt  }
0x75: {  	_ =	shalt  }
0x76: {  	_ =	shalt  }
0x77: {  	_ =	shalt  }
0x78: {  	_ =	shalt  }
0x79: {  	_ =	shalt  }
0x7a: {  	_ =	shalt  }
0x7b: {  	_ =	shalt  }
0x7c: {  	_ =	shalt  }
0x7d: {  	_ =	shalt  }
0x7e: {  	_ =	shalt  }
0x7f: {  	_ =	shalt  }
0x80: {  	_ =	shalt  }
0x81: {  	_ =	shalt  }
0x82: {  	_ =	shalt  }
0x83: {  	_ =	shalt  }
0x84: {  	_ =	shalt  }
0x85: {  	_ =	shalt  }
0x86: {  	_ =	shalt  }
0x87: {  	_ =	shalt  }
.Lfunc_end0:
.L_simem_size_0:
called_computation.2_lowered:
.L_overlay_start_0:
0x88: {  	s2 =	sld [smem:$0x3FD9]  }
0x89: {  	s3 =	sld [smem:$0x3FFE];
	_ =	sdelay $0x1  }
0x8a: {  	s1 =	srdreg.scid  }
0x8b: {  	s0 =	sand.u32 $0x1, s1  }
0x8c: {  	s17 =	sshll.u32 s0, $0xA;
	s2 =	sadd.s32 s3, s2  }
0x8d: {  	s2 =	sadd.s32 s2, s17  }
0x8e: {  	[smem:$0x3FB9] =	sst s2  }
0x8f: {  	_ = 	snop  }
0x90: {  	s18 =	sld [smem:$0x3FC7];
	(tm) =	ssettm $0x1  }
0x91: {  	s19 =	sld [smem:$0x3FFB];
	_ =	sdelay $0x3  }
0x92: {  	_ =	strace s19  }
0x93: {  	s2 =	sld [smem:$0x3FFC];
	_ =	sdelay $0x3  }
0x94: {  	_ =	strace s2  }
0x95: {  	s2 =	sld [smem:$0x3FFD];
	_ =	sdelay $0x3  }
0x96: {  	_ =	strace s2  }
0x97: {  	_ =	strace $0x8FFFFFFF  }
0x98: {  	s20 =	sld [smem:$0x3FDB];
	_ =	sdelay $0x1  }
0x99: {  	s4 =	simm.s32 $_scs_section_size  }
0x9a: {  	s5 =	simm.s32 $_size__tile_overlayer_lowered;
	s6 =	simm.s32 $_tile_overlayer_lowered  }
0x9b: {  	s7 =	simm.s32 $0x1BFF;
	s21 =	sshll.u32 s6, $0x1;
	s4 =	sadd.s32 s4, s20  }
0x9c: {  	s22 =	simm.s32 $0x0;
	s5 =	sshll.u32 s5, $0x1;
	s6 =	sadd.s32 s21, s4  }
0x9d: {  	[timem:s22], [sflag:s7] =	dma.local [hbm:s6], s5  }
0x9e: {  	_ =	swait.ge [sflag:s7], s5  }
0x9f: {  	s5 =	ssub.s32 $0x0, s5;
	[sflag:s7] =	ssyncset.done $0x0  }
0xa0: {  	[sflag:s7] =	ssyncadd.s32 s5;
	_ =	sdelay $0x1  }
0xa1: {  	s23 =	simm.s32 $0x1B8B  }
0xa2: {  	_ =	swait.ge [sflag:s23], $0x1  }
0xa3: {  	[sflag:s23] =	ssyncset.done $0x0  }
0xa4: {  	[sflag:s23] =	ssyncadd.s32 $0xFFFFFFFF  }
0xa5: {  	s5 =	sld [smem:$0x0]  }
0xa6: {  	s6 =	sand.u32 $0xFFFFFFFE, s1  }
0xa7: {  	p0 =	sne.s32 s1, s6  }
0xa8: {  	s6 =	sshll.u32 @p0 s6, $0xE  }
0xa9: {  	s6 =	sadd.s32 @p0 $0x11B8D, s6;
	s7 =	sshll.u32 @p0 s5, $0x11  }
0xaa: {  	s6 =	sor.u32 @p0 s7, s6  }
0xab: {  	[sflag:s6] =	ssyncadd.remote.s32 @p0 $0x1;
	_ =	sdelay $0x1  }
0xac: {  	s6 =	simm.s32 @p0 $0x1B8D  }
0xad: {  	_ =	swait.eq @p0 [sflag:s6], $0x1  }
0xae: {  	[sflag:s6] =	ssyncadd.s32 @p0 $0xFFFFFFFF  }
0xaf: {  	s7 =	sshll.u32 @!p0 s1, $0xE  }
0xb0: {  	s7 =	sor.u32 @!p0 $0x4000, s7;
	s6 =	simm.s32 @!p0 $0x1B8D  }
0xb1: {  	s5 =	sshll.u32 @!p0 s5, $0x11;
	s7 =	sadd.s32 @!p0 $0x11B8D, s7;
	_ =	swait.eq @!p0 [sflag:s6], $0x1  }
0xb2: {  	s5 =	sor.u32 @!p0 s5, s7;
	[sflag:s6] =	ssyncadd.s32 @!p0 $0xFFFFFFFF  }
0xb3: {  	s25 =	simm.s32 $0x1B8E;
	s24 =	sld [smem:$0x3FFE];
	[sflag:s5] =	ssyncadd.remote.s32 @!p0 $0x1  }
0xb4: {  	s26 =	simm.s32 $execute0_lowered;
	[smem:$0x3FD2] =	sst s25  }
0xb5: {  	s6 =	sshll.u32 s26, $0x1;
	_ =	strace $0x8000005A;
	[dreg:$0x1] =	wrdreg $0xFFFFFFFF  }
0xb6: {  	s28 =	simm.s32 $_size_execute0_lowered;
	s4 =	sadd.s32 s4, s6;
	[dreg:$0x0] =	wrdreg $0x0  }
0xb7: {  	s6 =	sshll.u32 s28, $0x1;
	[dreg:$0x2] =	wrdreg s4  }
0xb8: {  	[dreg:$0x3] =	wrdreg s6  }
0xb9: {  	[dreg:$0x4] =	wrdreg $0xC0  }
0xba: {  	_ =	task [dreg:s22], $0x5FFFF  }
0xbb: {  	[dreg:$0x1] =	wrdreg $0xFFFFFFFF  }
0xbc: {  	[dreg:$0x0] =	wrdreg $0x60  }
0xbd: {  	[dreg:$0x2] =	wrdreg s18  }
0xbe: {  	[dreg:$0x3] =	wrdreg s24  }
0xbf: {  	[dreg:$0x4] =	wrdreg $0xB  }
0xc0: {  	_ =	task.clear_ibuf [dreg:s22], $0x5FFFF;
	_ =	strace $0x9000005A  }
0xc1: {  	s29 =	simm.s32 $0xB;
	_ =	strace $0x80000063  }
0xc2: {  	_ =	swait.ge [sflag:s29], $0x1  }
0xc3: {  	[sflag:s29] =	ssyncadd.s32 $0xFFFFFFFF  }
0xc4: {  	_ =	strace $0x90000063  }
0xc5: {  	_ =	sfence  }
0xc6: {  	s30 =	sld [smem:$0x0];
	_ =	sdelay $0x2  }
0xc7: {  	s31 =	sshll.u32 s1, $0xD;
	s1 =	sshrl.u32 s1, $0x2  }
0xc8: {  	s4 =	sand.u32 $0x4000, s31;
	s1 =	sadd.s32 s1, s30  }
0xc9: {  	s0 =	sor.u32 s4, s0;
	s1 =	sshll.u32 s1, $0x11  }
0xca: {  	s0 =	sor.u32 s1, s0  }
0xcb: {  	s0 =	sadd.s32 $0x8F2B, s0  }
0xcc: {  	[sflag:s0] =	ssyncadd.remote.s32 $0x1  }
0xcd: {  	_ =	sfence.sel $0xFFFF  }
0xce: {  	[dreg:$0x0] =	wrdreg $0xFFFFFFFF;
	(pc) =	sbr.abs _section_cstart, $3  }
0xcf: {  	[dreg:$0x1] =	wrdreg $0xFFFFFFFF  }
0xd0: {  	_ =	task.clear_ibuf [dreg:s22], $0x2FFFF;
	_ =	strace $0x9FFFFFFF  }
0xd1: {  	(tm) =	ssettm $0x7FFFFFFF  }
tec
execute0_lowered:
.L_overlay_start_1:
0x0: {  	(tag) =	ssettag $0x1  }
0x1: {  	s1 =	rddreg [dreg:$0x0]  }
0x2: {  	s5 =	rddreg [dreg:$0x1]  }
0x3: {  	s0 =	rddreg [dreg:$0x2]  }
0x4: {  	s2 =	simm.s32 $0x0;
	s3 =	srdreg.scid;
	s9 =	simm.s32 $0x4  }
0x5: {  	s10 =	simm.s32 $0x0;
	[smem:$0x7FF] =	sst s2;
	s4 =	sadd.s32 $0x3600, s5  }
0x6: {  	s6 =	sand.u32 $0x1, s3;
	s3 =	stileid.u32;
	s5 =	sadd.s32 $0x104600, s5  }
0x7: {  	_ =	strace $0x8000005B;
	s7 =	ssub.s32 $0x2, s6;
	s6 =	sshll.u32 s6, $0x4  }
0x8: {  	v2 =	vlaneseq.u32;
	[dreg:$0x3] =	wrdreg s5;
	s8 =	sshrl.u32 s7, $0x1;
	s6 =	sor.u32 s3, s6  }
0x9: {  	vm0 =	vmmov $0xffff;
	v1 =	vshrl.u32 v2, $0x3;
	s7 =	ssub.s32 s7, s8;
	s31 =	sshll.u32 s6, $0x6;
	s5 =	sshll.u32 s6, $0x2  }
0xa: {  	v0 =	vand.u32 $0x7, v2;
	v2 =	vor.u32 $0x8, v2;
	v1 =	vmul.u32 $0x8, v1;
	s8 =	simm.s32 $0x5;
	s6 =	sadd.s32 s4, s31;
	s7 =	smax.u32 s7, $0x1  }
.LBB2_1:
0xb: {  	_ =	strace $0x8000005C;
	s11 =	simm.s32 $0x4  }
0xc: {  	s12 =	simm.s32 $0x0;
	s13 =	simm.s32 $0x0;
	s14 =	simm.s32 $0x0  }
0xd: {  	[tilespmem:s2], [sflag:$0x1] =	stream.linear.gather [hbm4b:s6+s2], $0x80, $0x200038;
	[tilespmem:$0x10100] =	vst v63  }
0xe: {  	s15 =	simm.s32 $0x0;
	s16 =	simm.s32 $0x1;
	_ =	strace $0x9000005C  }
.LBB2_2:
0xf: {  	s17 =	smov.u32 s12;
	s12 =	sadd.s32 $0x1, s12  }
0x10: {  	p0 =	seq.s32 s12, $0x4  }
0x11: {  	s12 =	simm.s32 @p0 $0x0  }
0x12: {  	p6 =	sne.s32 s11, $0x1;
	p1 =	sne.s32 s17, s12  }
0x13: {  	p0 =	por !p6, !p1  }
0x14: {  	p0 =	por !p0, !p0  }
0x15: {  	s18 =	sadd.s32 @p0 s5, s12  }
0x16: {  	s19 =	sand.u32 @p0 $0x1, s16;
	s18 =	sshll.u32 @p0 s18, $0x4  }
0x17: {  	_ =	strace @p0 $0x8000005D;
	s21 =	simm.s32 @p0 $0x0;
	s18 =	sand.u32 @p0 $0x1FFFFFF0, s18  }
0x18: {  	s20 =	sshll.u32 @p0 s19, $0x7;
	s19 =	sadd.s32 @p0 $0x1, s19;
	s18 =	sadd.s32 @p0 s4, s18  }
0x19: {  	[tilespmem:s20], [sflag:s19] =	stream.linear.gather @p0 [hbm4b:s18+s21], $0x80, $0x200038;
	[tilespmem:$0x10100] =	vst v63  }
0x1a: {  	s24 =	sand.u32 $0x1, s15;
	_ =	strace @p0 $0x9000005D  }
0x1b: {  	s18 =	sadd.s32 $0x1, s24;
	_ =	strace $0x8000005E  }
0x1c: {  	_ =	swait.ge [sflag:s18], $0x80  }
0x1d: {  	[sflag:s18] =	ssyncset.done $0x0  }
0x1e: {  	[sflag:s18] =	ssyncadd.s32 $0xFFFFFF80  }
0x1f: {  	s25 =	sshll.u32 s15, $0x7;
	_ =	strace $0x9000005E  }
0x20: {  	s21 =	sand.u32 $0x80, s25;
	_ =	strace $0x8000005F  }
0x21: {  	v3 =	vld [tilespmem:s21+$0x0];
	_ =	sdelay $0x4  }
0x22: {  	v4 =	vshll.u32 v3, $0x1  }
0x23: {  	v3 =	vand.u32 $0x7, v3;
	v4 =	vand.u32 $0xFFFFFFF0, v4  }
0x24: {  	v3 =	vor.u32 v3, v4  }
0x25: {  	v4 =	vperm.xlane v3, v0;
	_ =	sdelay $0x1  }
0x26: {  	v3 =	vperm.xlane v3, v2;
	v4 =	vadd.s32 v1, v4;
	_ =	sdelay $0x1  }
0x27: {  	s18 =	sand.u32 $0x1, s14;
	v3 =	vadd.s32 v1, v3  }
0x28: {  	s20 =	sshll.u32 s18, $0xF  }
0x29: {  	s19 =	sor.u32 $0x100, s20  }
0x2a: {  	[tilespmem:s19], [sflag:$0x5] =	stream.indirect_vreg.gather [hbm4b:s1+s2], $0x80, v4, vm0, $0x2000b8;
	[tilespmem:$0x10100] =	vst v63  }
0x2b: {  	s22 =	sor.u32 $0x900, s20  }
0x2c: {  	[tilespmem:s22], [sflag:$0x5] =	stream.indirect_vreg.gather [hbm4b:s1+s2], $0x80, v3, vm0, $0x2000b8;
	[tilespmem:$0x10100] =	vst v63  }
0x2d: {  	v3 =	vld [tilespmem:s21+$0x10];
	_ =	sdelay $0x4  }
0x2e: {  	v57 =	vshll.u32 v3, $0x1  }
0x2f: {  	v3 =	vand.u32 $0x7, v3;
	v4 =	vand.u32 $0xFFFFFFF0, v57  }
0x30: {  	v3 =	vor.u32 v3, v4  }
0x31: {  	v4 =	vperm.xlane v3, v0;
	_ =	sdelay $0x1  }
0x32: {  	v3 =	vperm.xlane v3, v2;
	v4 =	vadd.s32 v1, v4;
	_ =	sdelay $0x1  }
0x33: {  	v3 =	vadd.s32 v1, v3;
	_ =	sdelay $0x1  }
0x34: {  	s26 =	sor.u32 $0x1100, s20  }
0x35: {  	[tilespmem:s26], [sflag:$0x5] =	stream.indirect_vreg.gather [hbm4b:s1+s2], $0x80, v4, vm0, $0x2000b8;
	[tilespmem:$0x10100] =	vst v63  }
0x36: {  	s28 =	sor.u32 $0x1900, s20  }
0x37: {  	[tilespmem:s28], [sflag:$0x5] =	stream.indirect_vreg.gather [hbm4b:s1+s2], $0x80, v3, vm0, $0x2000b8;
	[tilespmem:$0x10100] =	vst v63  }
0x38: {  	v3 =	vld [tilespmem:s21+$0x20];
	_ =	sdelay $0x4  }
0x39: {  	v58 =	vshll.u32 v3, $0x1  }
0x3a: {  	v3 =	vand.u32 $0x7, v3;
	v4 =	vand.u32 $0xFFFFFFF0, v58  }
0x3b: {  	v3 =	vor.u32 v3, v4  }
0x3c: {  	v4 =	vperm.xlane v3, v0;
	_ =	sdelay $0x1  }
0x3d: {  	v3 =	vperm.xlane v3, v2;
	v4 =	vadd.s32 v1, v4;
	_ =	sdelay $0x1  }
0x3e: {  	v3 =	vadd.s32 v1, v3;
	_ =	sdelay $0x1  }
0x3f: {  	s29 =	sor.u32 $0x2100, s20  }
0x40: {  	[tilespmem:s29], [sflag:$0x5] =	stream.indirect_vreg.gather [hbm4b:s1+s2], $0x80, v4, vm0, $0x2000b8;
	[tilespmem:$0x10100] =	vst v63  }
0x41: {  	s30 =	sor.u32 $0x2900, s20  }
0x42: {  	[tilespmem:s30], [sflag:$0x5] =	stream.indirect_vreg.gather [hbm4b:s1+s2], $0x80, v3, vm0, $0x2000b8;
	[tilespmem:$0x10100] =	vst v63  }
0x43: {  	v3 =	vld [tilespmem:s21+$0x30];
	_ =	sdelay $0x4  }
0x44: {  	v59 =	vshll.u32 v3, $0x1  }
0x45: {  	v3 =	vand.u32 $0x7, v3;
	v4 =	vand.u32 $0xFFFFFFF0, v59  }
0x46: {  	v3 =	vor.u32 v3, v4  }
0x47: {  	v4 =	vperm.xlane v3, v0;
	_ =	sdelay $0x1  }
0x48: {  	v3 =	vperm.xlane v3, v2;
	v4 =	vadd.s32 v1, v4;
	_ =	sdelay $0x1  }
0x49: {  	v3 =	vadd.s32 v1, v3;
	_ =	sdelay $0x1  }
0x4a: {  	s31 =	sor.u32 $0x3100, s20  }
0x4b: {  	[tilespmem:s31], [sflag:$0x5] =	stream.indirect_vreg.gather [hbm4b:s1+s2], $0x80, v4, vm0, $0x2000b8;
	[tilespmem:$0x10100] =	vst v63  }
0x4c: {  	s23 =	sor.u32 $0x3900, s20  }
0x4d: {  	[tilespmem:s23], [sflag:$0x5] =	stream.indirect_vreg.gather [hbm4b:s1+s2], $0x80, v3, vm0, $0x2000b8;
	[tilespmem:$0x10100] =	vst v63  }
0x4e: {  	v3 =	vld [tilespmem:s21+$0x40];
	_ =	sdelay $0x4  }
0x4f: {  	v60 =	vshll.u32 v3, $0x1  }
0x50: {  	v3 =	vand.u32 $0x7, v3;
	v4 =	vand.u32 $0xFFFFFFF0, v60  }
0x51: {  	v3 =	vor.u32 v3, v4  }
0x52: {  	v4 =	vperm.xlane v3, v0;
	_ =	sdelay $0x1  }
0x53: {  	v3 =	vperm.xlane v3, v2;
	v4 =	vadd.s32 v1, v4;
	_ =	sdelay $0x1  }
0x54: {  	v3 =	vadd.s32 v1, v3;
	_ =	sdelay $0x1  }
0x55: {  	s24 =	sor.u32 $0x4100, s20  }
0x56: {  	[tilespmem:s24], [sflag:$0x5] =	stream.indirect_vreg.gather [hbm4b:s1+s2], $0x80, v4, vm0, $0x2000b8;
	[tilespmem:$0x10100] =	vst v63  }
0x57: {  	s25 =	sor.u32 $0x4900, s20  }
0x58: {  	[tilespmem:s25], [sflag:$0x5] =	stream.indirect_vreg.gather [hbm4b:s1+s2], $0x80, v3, vm0, $0x2000b8;
	[tilespmem:$0x10100] =	vst v63  }
0x59: {  	v3 =	vld [tilespmem:s21+$0x50];
	_ =	sdelay $0x4  }
0x5a: {  	v61 =	vshll.u32 v3, $0x1  }
0x5b: {  	v3 =	vand.u32 $0x7, v3;
	v4 =	vand.u32 $0xFFFFFFF0, v61  }
0x5c: {  	v3 =	vor.u32 v3, v4  }
0x5d: {  	v4 =	vperm.xlane v3, v0;
	_ =	sdelay $0x1  }
0x5e: {  	v3 =	vperm.xlane v3, v2;
	v4 =	vadd.s32 v1, v4;
	_ =	sdelay $0x1  }
0x5f: {  	v3 =	vadd.s32 v1, v3;
	_ =	sdelay $0x1  }
0x60: {  	s26 =	sor.u32 $0x5100, s20  }
0x61: {  	[tilespmem:s26], [sflag:$0x5] =	stream.indirect_vreg.gather [hbm4b:s1+s2], $0x80, v4, vm0, $0x2000b8;
	[tilespmem:$0x10100] =	vst v63  }
0x62: {  	s28 =	sor.u32 $0x5900, s20  }
0x63: {  	[tilespmem:s28], [sflag:$0x5] =	stream.indirect_vreg.gather [hbm4b:s1+s2], $0x80, v3, vm0, $0x2000b8;
	[tilespmem:$0x10100] =	vst v63  }
0x64: {  	v3 =	vld [tilespmem:s21+$0x60];
	_ =	sdelay $0x4  }
0x65: {  	v62 =	vshll.u32 v3, $0x1  }
0x66: {  	v3 =	vand.u32 $0x7, v3;
	v4 =	vand.u32 $0xFFFFFFF0, v62  }
0x67: {  	v3 =	vor.u32 v3, v4  }
0x68: {  	v4 =	vperm.xlane v3, v0;
	_ =	sdelay $0x1  }
0x69: {  	v3 =	vperm.xlane v3, v2;
	v4 =	vadd.s32 v1, v4;
	_ =	sdelay $0x1  }
0x6a: {  	v3 =	vadd.s32 v1, v3;
	_ =	sdelay $0x1  }
0x6b: {  	s29 =	sor.u32 $0x6100, s20  }
0x6c: {  	[tilespmem:s29], [sflag:$0x5] =	stream.indirect_vreg.gather [hbm4b:s1+s2], $0x80, v4, vm0, $0x2000b8;
	[tilespmem:$0x10100] =	vst v63  }
0x6d: {  	s30 =	sor.u32 $0x6900, s20  }
0x6e: {  	[tilespmem:s30], [sflag:$0x5] =	stream.indirect_vreg.gather [hbm4b:s1+s2], $0x80, v3, vm0, $0x2000b8;
	[tilespmem:$0x10100] =	vst v63  }
0x6f: {  	v3 =	vld [tilespmem:s21+$0x70];
	_ =	sdelay $0x4  }
0x70: {  	v63 =	vshll.u32 v3, $0x1  }
0x71: {  	v3 =	vand.u32 $0x7, v3;
	v4 =	vand.u32 $0xFFFFFFF0, v63  }
0x72: {  	v3 =	vor.u32 v3, v4  }
0x73: {  	v4 =	vperm.xlane v3, v0;
	_ =	sdelay $0x1  }
0x74: {  	v3 =	vperm.xlane v3, v2;
	v4 =	vadd.s32 v1, v4;
	_ =	sdelay $0x1  }
0x75: {  	v3 =	vadd.s32 v1, v3;
	_ =	sdelay $0x1  }
0x76: {  	s31 =	sor.u32 $0x7100, s20  }
0x77: {  	[tilespmem:s31], [sflag:$0x5] =	stream.indirect_vreg.gather [hbm4b:s1+s2], $0x80, v4, vm0, $0x2000b8;
	[tilespmem:$0x10100] =	vst v63  }
0x78: {  	s20 =	sor.u32 $0x7900, s20  }
0x79: {  	[tilespmem:s20], [sflag:$0x5] =	stream.indirect_vreg.gather [hbm4b:s1+s2], $0x80, v3, vm0, $0x2000b8;
	[tilespmem:$0x10100] =	vst v63  }
0x7a: {  	_ =	swait.ge [sflag:s8], $0x8000  }
0x7b: {  	p2 =	seq.s32 s11, $0x1;
	[sflag:s8] =	ssyncset.done $0x0  }
0x7c: {  	s17 =	sadd.s32 s5, s17;
	p1 =	por p2, p1;
	[sflag:s8] =	ssyncadd.s32 $0xFFFF8000  }
0x7d: {  	s17 =	sshll.u32 @p1 s17, $0xC;
	_ =	strace $0x9000005F  }
0x7e: {  	s17 =	sand.u32 @p1 $0x1FFFF000, s17;
	s21 =	simm.s32 $0x1;
	_ =	strace @p1 $0x80000060  }
0x7f: {  	s18 =	sadd.s32 @p1 $0x3, s18;
	s21 =	simm.s32 @!p0 $0x0;
	s20 =	rddreg [dreg:$0x3]  }
0x80: {  	p0 =	seq.s32 s11, $0x4;
	s17 =	sadd.s32 @p1 s20, s17;
	s20 =	simm.s32 @p1 $0x0  }
0x81: {  	[hbm4b:s17+s20] =	stream.linear.scatter @p1 [tilespmem:s19], [sflag:s18], $0x8000, $0x200038;
	[tilespmem:$0x10100] =	vst v63  }
0x82: {  	s17 =	simm.s32 $0x1;
	s19 =	simm.s32 $0x1;
	_ =	strace @p1 $0x90000060  }
0x83: {  	s17 =	simm.s32 @!p1 $0x0;
	p1 =	sne.s32 s11, $0x4;
	s11 =	sadd.s32 $0xFFFFFFFF, s11  }
0x84: {  	s18 =	sand.u32 @!p0 $0x1, s13;
	s19 =	simm.s32 @!p1 $0x0;
	p1 =	sne.s32 s11, $0x0  }
.Ltmp0:
0x85: {  	s18 =	sadd.s32 @!p0 $0x3, s18;
	_ =	strace @!p0 $0x80000061;
	(pc) =	sbr.rel @p1 .LBB2_2-.Ltmp0, $4  }
0x86: {  	_ =	swait.ge @!p0 [sflag:s18], $0x8000  }
0x87: {  	[sflag:s18] =	ssyncset.done @!p0 $0x0  }
0x88: {  	s16 =	sadd.s32 s21, s16;
	s14 =	sadd.s32 s17, s14;
	[sflag:s18] =	ssyncadd.s32 @!p0 $0xFFFF8000  }
0x89: {  	s15 =	sadd.s32 s17, s15;
	s13 =	sadd.s32 s19, s13;
	_ =	strace @!p0 $0x90000061  }
0x8a: {  	s10 =	sadd.s32 $0x1, s10  }
0x8b: {  	p0 =	sne.s32 s10, s7  }
.Ltmp1:
0x8c: {  	_ =	strace $0x80000062;
	(pc) =	sbr.rel @p0 .LBB2_1-.Ltmp1, $4  }
0x8d: {  	_ =	swait.ge [sflag:s9], $0x8000  }
0x8e: {  	[sflag:s9] =	ssyncset.done $0x0  }
0x8f: {  	[sflag:s9] =	ssyncadd.s32 $0xFFFF8000  }
0x90: {  	_ =	strace $0x90000062  }
0x91: {  	_ =	sfence.sel $0x180000  }
0x92: {  	[bflag:$0x0] =	sbarrier.arrive $0xFFFF  }
0x93: {  	p0 =	sne.s32 s3, $0x0;
	_ =	strace $0x9000005B  }
0x94: {  	s0 =	sadd.s32 @!p0 $0x100000, s0;
	[bflag:$0x2] =	sbarrier.arrive $0xFFFF  }
0x95: {  	[sflag:s0] =	ssyncadd.tile.s32 @!p0 $0x1;
	_ =	shalt  }
.Lfunc_end2:
_tile_overlayer_lowered:
.L_overlay_start_2:
0x96: {  	(tag) =	ssettag $0x2  }
0x97: {  	s0 =	rddreg [dreg:$0x0];
	s2 =	stileid.u32  }
0x98: {  	s1 =	rddreg [dreg:$0x1];
	p0 =	sne.s32 s2, $0x0  }
0x99: {  	s3 =	rddreg [dreg:$0x2];
	[bflag:$0x3] =	sbarrier.arrive $0xFFFF;
	s2 =	simm.s32 @!p0 $0x1C01  }
0x9a: {  	[timem:s3], [sflag:s2] =	dma.local @!p0 [hbm:s0], s1  }
0x9b: {  	s0 =	simm.s32 @!p0 $0x1  }
0x9c: {  	_ =	swait.ge @!p0 [sflag:s0], s1  }
0x9d: {  	s1 =	ssub.s32 @!p0 $0x0, s1;
	[sflag:s0] =	ssyncset.done @!p0 $0x0  }
0x9e: {  	[sflag:s0] =	ssyncadd.s32 @!p0 s1  }
0x9f: {  	[bflag:$0x3] =	sbarrier.arrive $0xFFFF  }
0xa0: {  	_ =	shalt  }

// kernel: kernel.19.cloned.1.call-start
scs
__scs_entry_jumppad:
0x0: {  	(pc) =	sbr.rel $0x88, $3  }
0x1: {  	(tag) =	ssettag $0x0;
	lr =	simm.s32 $0x1  }
0x2: {  	[smem:$0x3F92] =	sst lr;
	_ =	strace $0xD0000000  }
0x3: {  	_ = 	snop  }
0x4: {  	_ = 	snop  }
0x5: {  	_ = 	snop  }
0x6: {  	_ = 	snop  }
0x7: {  	_ = 	snop  }
__scs_overlays_trampoline_lowered:
0x8: {  	[smem:$0x3FA1] =	sst s0  }
0x9: {  	[smem:$0x3FA2] =	sst s1  }
0xa: {  	[smem:$0x3FA3] =	sst s2  }
0xb: {  	[smem:$0x3FA4] =	sst s3  }
0xc: {  	[smem:$0x3FA5] =	sst s4  }
0xd: {  	[smem:$0x3FA6] =	sst s5  }
0xe: {  	[smem:$0x3FA7] =	sst s6  }
0xf: {  	[smem:$0x3FA8] =	sst s7  }
0x10: {  	[smem:$0x3FA9] =	sst s8  }
0x11: {  	[smem:$0x3FAA] =	sst s9;
	s0 =	simm.s32 @!p0 $0x0  }
0x12: {  	s1 =	sld [smem:$0x3F90];
	s0 =	simm.s32 @p0 $0x1  }
0x13: {  	[smem:$0x3FAB] =	sst s0;
	s0 =	simm.s32 @!p1 $0x0  }
0x14: {  	s2 =	sld [smem:$0x3F8F];
	s0 =	simm.s32 @p1 $0x1  }
0x15: {  	[smem:$0x3FAC] =	sst s0;
	s0 =	simm.s32 @!p2 $0x0  }
0x16: {  	s3 =	sld [smem:$0x3FDB];
	s0 =	simm.s32 @p2 $0x1  }
0x17: {  	s4 =	simm.s32 $0x1BF5;
	[smem:$0x3FAE] =	sst s0  }
0x18: {  	s0 =	sld [smem:$0x3F91];
	_ =	swait.ge [sflag:s4], $0x0  }
0x19: {  	s7 =	sld [smem:$0x3F92]  }
0x1a: {  	s8 =	sadd.s32 $0xFFFFE003, lr  }
0x1b: {  	s9 =	sadd.s32 $0xFFFFFEF7, lr;
	s5 =	simm.s32 $0xFFFFFFFF;
	p2 =	slt.u32 s8, $0xFFFFF086  }
0x1c: {  	p1 =	slt.u32 s9, $0xF7A;
	s5 =	simm.s32 @!p2 $0x0  }
0x1d: {  	s5 =	simm.s32 @p1 $0x1;
	p0 =	seq.s32 s7, s2  }
0x1e: {  	s7 =	smul.u32 @!p0 $0xF7A, s2;
	p2 =	seq.s32 @!p0 s5, $0x0  }
0x1f: {  	s9 =	smul.u32 $0xF7A, s1;
	s8 =	simm.s32 @!p0 $0x1BF5;
	p2 =	por !p2, p0  }
0x20: {  	[sflag:s8] =	ssyncset.s32 @!p0 $0xFFFFF086;
	s6 =	sadd.s32 @!p0 s3, s7;
	s7 =	simm.s32 @!p0 $0x108  }
0x21: {  	s3 =	sadd.s32 s3, s9;
	s6 =	sadd.s32 @!p0 $0x88, s6;
	s7 =	simm.s32 @p2 $0x1082  }
0x22: {  	[simem:s7], [sflag:s8] =	dma.local @!p0 [hbm:s6], $0xF7A  }
0x23: {  	s9 =	sor.u32 $0xD0000000, s2;
	s6 =	simm.s32 $0x108;
	_ =	swait.ge @!p0 [sflag:s8], $0x0  }
0x24: {  	s3 =	sadd.s32 $0x88, s3;
	s6 =	simm.s32 @!p1 $0x1082;
	[sflag:s4] =	ssyncset.s32 $0xFFFFF086  }
0x25: {  	[simem:s6], [sflag:s4] =	dma.local [hbm:s3], $0xF7A  }
0x26: {  	[smem:$0x3F92] =	sst s1;
	(tag) =	ssettag s2;
	_ =	strace s9  }
0x27: {  	s1 =	sld [smem:$0x3FA2]  }
0x28: {  	s2 =	sld [smem:$0x3FA3]  }
0x29: {  	s4 =	sld [smem:$0x3FA5]  }
0x2a: {  	p0 =	seq.s32 s5, $0x0;
	s5 =	sld [smem:$0x3FA6]  }
0x2b: {  	s6 =	sld [smem:$0x3FA7]  }
0x2c: {  	s7 =	sld [smem:$0x3FA8]  }
0x2d: {  	s3 =	simm.s32 $0x108;
	s8 =	sld [smem:$0x3FA9]  }
0x2e: {  	s3 =	simm.s32 @!p0 $0x1082;
	s9 =	sld [smem:$0x3FAA]  }
0x2f: {  	lr =	sadd.s32 s0, s3;
	s0 =	sld [smem:$0x3FA1]  }
0x30: {  	s3 =	sld [smem:$0x3FA4]  }
0x31: {  	[smem:$0x3FAD] =	sst s10  }
0x32: {  	s10 =	sld [smem:$0x3FAB];
	_ =	sdelay $0x3  }
0x33: {  	p0 =	seq.s32 s10, $0x1;
	s10 =	sld [smem:$0x3FAD];
	_ =	sdelay $0x3  }
0x34: {  	[smem:$0x3FAD] =	sst s10  }
0x35: {  	s10 =	sld [smem:$0x3FAC];
	_ =	sdelay $0x3  }
0x36: {  	p1 =	seq.s32 s10, $0x1;
	s10 =	sld [smem:$0x3FAD];
	_ =	sdelay $0x3  }
0x37: {  	[smem:$0x3FAD] =	sst s10  }
0x38: {  	s10 =	sld [smem:$0x3FAE]  }
0x39: {  	_ = 	snop;
	(pc) =	sbr.ind lr, $3  }
0x3a: {  	_ = 	snop  }
0x3b: {  	_ = 	snop  }
0x3c: {  	p2 =	seq.s32 s10, $0x1;
	s10 =	sld [smem:$0x3FAD]  }
0x3d: {  	_ =	shalt  }
0x3e: {  	_ =	shalt  }
0x3f: {  	_ =	shalt  }
0x40: {  	_ =	shalt  }
0x41: {  	_ =	shalt  }
0x42: {  	_ =	shalt  }
0x43: {  	_ =	shalt  }
0x44: {  	_ =	shalt  }
0x45: {  	_ =	shalt  }
0x46: {  	_ =	shalt  }
0x47: {  	_ =	shalt  }
0x48: {  	_ =	shalt  }
0x49: {  	_ =	shalt  }
0x4a: {  	_ =	shalt  }
0x4b: {  	_ =	shalt  }
0x4c: {  	_ =	shalt  }
0x4d: {  	_ =	shalt  }
0x4e: {  	_ =	shalt  }
0x4f: {  	_ =	shalt  }
0x50: {  	_ =	shalt  }
0x51: {  	_ =	shalt  }
0x52: {  	_ =	shalt  }
0x53: {  	_ =	shalt  }
0x54: {  	_ =	shalt  }
0x55: {  	_ =	shalt  }
0x56: {  	_ =	shalt  }
0x57: {  	_ =	shalt  }
0x58: {  	_ =	shalt  }
0x59: {  	_ =	shalt  }
0x5a: {  	_ =	shalt  }
0x5b: {  	_ =	shalt  }
0x5c: {  	_ =	shalt  }
0x5d: {  	_ =	shalt  }
0x5e: {  	_ =	shalt  }
0x5f: {  	_ =	shalt  }
0x60: {  	_ =	shalt  }
0x61: {  	_ =	shalt  }
0x62: {  	_ =	shalt  }
0x63: {  	_ =	shalt  }
0x64: {  	_ =	shalt  }
0x65: {  	_ =	shalt  }
0x66: {  	_ =	shalt  }
0x67: {  	_ =	shalt  }
0x68: {  	_ =	shalt  }
0x69: {  	_ =	shalt  }
0x6a: {  	_ =	shalt  }
0x6b: {  	_ =	shalt  }
0x6c: {  	_ =	shalt  }
0x6d: {  	_ =	shalt  }
0x6e: {  	_ =	shalt  }
0x6f: {  	_ =	shalt  }
0x70: {  	_ =	shalt  }
0x71: {  	_ =	shalt  }
0x72: {  	_ =	shalt  }
0x73: {  	_ =	shalt  }
0x74: {  	_ =	shalt  }
0x75: {  	_ =	shalt  }
0x76: {  	_ =	shalt  }
0x77: {  	_ =	shalt  }
0x78: {  	_ =	shalt  }
0x79: {  	_ =	shalt  }
0x7a: {  	_ =	shalt  }
0x7b: {  	_ =	shalt  }
0x7c: {  	_ =	shalt  }
0x7d: {  	_ =	shalt  }
0x7e: {  	_ =	shalt  }
0x7f: {  	_ =	shalt  }
0x80: {  	_ =	shalt  }
0x81: {  	_ =	shalt  }
0x82: {  	_ =	shalt  }
0x83: {  	_ =	shalt  }
0x84: {  	_ =	shalt  }
0x85: {  	_ =	shalt  }
0x86: {  	_ =	shalt  }
0x87: {  	_ =	shalt  }
.Lfunc_end0:
.L_simem_size_0:
called_computation.3_lowered:
.L_overlay_start_0:
0x88: {  	s2 =	sld [smem:$0x3FD9]  }
0x89: {  	s3 =	sld [smem:$0x3FFE];
	_ =	sdelay $0x1  }
0x8a: {  	s1 =	srdreg.scid  }
0x8b: {  	s0 =	sand.u32 $0x1, s1  }
0x8c: {  	s17 =	sshll.u32 s0, $0xA;
	s2 =	sadd.s32 s3, s2  }
0x8d: {  	s2 =	sadd.s32 s2, s17  }
0x8e: {  	[smem:$0x3FB9] =	sst s2  }
0x8f: {  	_ = 	snop  }
0x90: {  	s18 =	sld [smem:$0x3FC7];
	(tm) =	ssettm $0x1  }
0x91: {  	s19 =	sld [smem:$0x3FFB];
	_ =	sdelay $0x3  }
0x92: {  	_ =	strace s19  }
0x93: {  	s2 =	sld [smem:$0x3FFC];
	_ =	sdelay $0x3  }
0x94: {  	_ =	strace s2  }
0x95: {  	s2 =	sld [smem:$0x3FFD];
	_ =	sdelay $0x3  }
0x96: {  	_ =	strace s2  }
0x97: {  	_ =	strace $0x8FFFFFFF  }
0x98: {  	s20 =	sld [smem:$0x3FDB];
	_ =	sdelay $0x1  }
0x99: {  	s4 =	simm.s32 $_scs_section_size  }
0x9a: {  	s5 =	simm.s32 $_size__tile_overlayer_lowered;
	s6 =	simm.s32 $_tile_overlayer_lowered  }
0x9b: {  	s7 =	simm.s32 $0x1BFF;
	s21 =	sshll.u32 s6, $0x1;
	s4 =	sadd.s32 s4, s20  }
0x9c: {  	s22 =	simm.s32 $0x0;
	s5 =	sshll.u32 s5, $0x1;
	s6 =	sadd.s32 s21, s4  }
0x9d: {  	[timem:s22], [sflag:s7] =	dma.local [hbm:s6], s5  }
0x9e: {  	_ =	swait.ge [sflag:s7], s5  }
0x9f: {  	s5 =	ssub.s32 $0x0, s5;
	[sflag:s7] =	ssyncset.done $0x0  }
0xa0: {  	[sflag:s7] =	ssyncadd.s32 s5;
	_ =	sdelay $0x1  }
0xa1: {  	s23 =	simm.s32 $0x1B8B  }
0xa2: {  	_ =	swait.ge [sflag:s23], $0x1  }
0xa3: {  	[sflag:s23] =	ssyncset.done $0x0  }
0xa4: {  	[sflag:s23] =	ssyncadd.s32 $0xFFFFFFFF  }
0xa5: {  	s5 =	sld [smem:$0x0]  }
0xa6: {  	s6 =	sand.u32 $0xFFFFFFFE, s1  }
0xa7: {  	p0 =	sne.s32 s1, s6  }
0xa8: {  	s6 =	sshll.u32 @p0 s6, $0xE  }
0xa9: {  	s6 =	sadd.s32 @p0 $0x11B8D, s6;
	s7 =	sshll.u32 @p0 s5, $0x11  }
0xaa: {  	s6 =	sor.u32 @p0 s7, s6  }
0xab: {  	[sflag:s6] =	ssyncadd.remote.s32 @p0 $0x1;
	_ =	sdelay $0x1  }
0xac: {  	s6 =	simm.s32 @p0 $0x1B8D  }
0xad: {  	_ =	swait.eq @p0 [sflag:s6], $0x1  }
0xae: {  	[sflag:s6] =	ssyncadd.s32 @p0 $0xFFFFFFFF  }
0xaf: {  	s7 =	sshll.u32 @!p0 s1, $0xE  }
0xb0: {  	s7 =	sor.u32 @!p0 $0x4000, s7;
	s6 =	simm.s32 @!p0 $0x1B8D  }
0xb1: {  	s5 =	sshll.u32 @!p0 s5, $0x11;
	s7 =	sadd.s32 @!p0 $0x11B8D, s7;
	_ =	swait.eq @!p0 [sflag:s6], $0x1  }
0xb2: {  	s5 =	sor.u32 @!p0 s5, s7;
	[sflag:s6] =	ssyncadd.s32 @!p0 $0xFFFFFFFF  }
0xb3: {  	s25 =	simm.s32 $0x1B8E;
	s24 =	sld [smem:$0x3FFE];
	[sflag:s5] =	ssyncadd.remote.s32 @!p0 $0x1  }
0xb4: {  	s26 =	simm.s32 $execute0_lowered;
	[smem:$0x3FD2] =	sst s25  }
0xb5: {  	s6 =	sshll.u32 s26, $0x1;
	_ =	strace $0x80000050;
	[dreg:$0x1] =	wrdreg $0xFFFFFFFF  }
0xb6: {  	s28 =	simm.s32 $_size_execute0_lowered;
	s4 =	sadd.s32 s4, s6;
	[dreg:$0x0] =	wrdreg $0x0  }
0xb7: {  	s6 =	sshll.u32 s28, $0x1;
	[dreg:$0x2] =	wrdreg s4  }
0xb8: {  	[dreg:$0x3] =	wrdreg s6  }
0xb9: {  	[dreg:$0x4] =	wrdreg $0xC0  }
0xba: {  	_ =	task [dreg:s22], $0x5FFFF  }
0xbb: {  	[dreg:$0x1] =	wrdreg $0xFFFFFFFF  }
0xbc: {  	[dreg:$0x0] =	wrdreg $0x60  }
0xbd: {  	[dreg:$0x2] =	wrdreg s18  }
0xbe: {  	[dreg:$0x3] =	wrdreg s24  }
0xbf: {  	[dreg:$0x4] =	wrdreg $0xC  }
0xc0: {  	_ =	task.clear_ibuf [dreg:s22], $0x5FFFF;
	_ =	strace $0x90000050  }
0xc1: {  	s29 =	simm.s32 $0xC;
	_ =	strace $0x80000059  }
0xc2: {  	_ =	swait.ge [sflag:s29], $0x1  }
0xc3: {  	[sflag:s29] =	ssyncadd.s32 $0xFFFFFFFF  }
0xc4: {  	_ =	strace $0x90000059  }
0xc5: {  	_ =	sfence  }
0xc6: {  	s30 =	sld [smem:$0x0];
	_ =	sdelay $0x2  }
0xc7: {  	s31 =	sshll.u32 s1, $0xD;
	s1 =	sshrl.u32 s1, $0x2  }
0xc8: {  	s4 =	sand.u32 $0x4000, s31;
	s1 =	sadd.s32 s1, s30  }
0xc9: {  	s0 =	sor.u32 s4, s0;
	s1 =	sshll.u32 s1, $0x11  }
0xca: {  	s0 =	sor.u32 s1, s0  }
0xcb: {  	s0 =	sadd.s32 $0x8F2B, s0  }
0xcc: {  	[sflag:s0] =	ssyncadd.remote.s32 $0x1  }
0xcd: {  	_ =	sfence.sel $0xFFFF  }
0xce: {  	[dreg:$0x0] =	wrdreg $0xFFFFFFFF;
	(pc) =	sbr.abs _section_cstart, $3  }
0xcf: {  	[dreg:$0x1] =	wrdreg $0xFFFFFFFF  }
0xd0: {  	_ =	task.clear_ibuf [dreg:s22], $0x2FFFF;
	_ =	strace $0x9FFFFFFF  }
0xd1: {  	(tm) =	ssettm $0x7FFFFFFF  }
tec
execute0_lowered:
.L_overlay_start_1:
0x0: {  	(tag) =	ssettag $0x1  }
0x1: {  	s1 =	rddreg [dreg:$0x0]  }
0x2: {  	s5 =	rddreg [dreg:$0x1]  }
0x3: {  	s0 =	rddreg [dreg:$0x2]  }
0x4: {  	s2 =	simm.s32 $0x0;
	s3 =	srdreg.scid;
	s9 =	simm.s32 $0x4  }
0x5: {  	s10 =	simm.s32 $0x0;
	[smem:$0x7FF] =	sst s2;
	s4 =	sadd.s32 $0x2E00, s5  }
0x6: {  	s6 =	sand.u32 $0x1, s3;
	s3 =	stileid.u32;
	s5 =	sadd.s32 $0x84600, s5  }
0x7: {  	_ =	strace $0x80000051;
	s7 =	ssub.s32 $0x2, s6;
	s6 =	sshll.u32 s6, $0x4  }
0x8: {  	v2 =	vlaneseq.u32;
	[dreg:$0x3] =	wrdreg s5;
	s8 =	sshrl.u32 s7, $0x1;
	s6 =	sor.u32 s3, s6  }
0x9: {  	vm0 =	vmmov $0xffff;
	v1 =	vshrl.u32 v2, $0x3;
	s7 =	ssub.s32 s7, s8;
	s31 =	sshll.u32 s6, $0x6;
	s5 =	sshll.u32 s6, $0x2  }
0xa: {  	v0 =	vand.u32 $0x7, v2;
	v2 =	vor.u32 $0x8, v2;
	v1 =	vmul.u32 $0x8, v1;
	s8 =	simm.s32 $0x5;
	s6 =	sadd.s32 s4, s31;
	s7 =	smax.u32 s7, $0x1  }
.LBB2_1:
0xb: {  	_ =	strace $0x80000052;
	s11 =	simm.s32 $0x4  }
0xc: {  	s12 =	simm.s32 $0x0;
	s13 =	simm.s32 $0x0;
	s14 =	simm.s32 $0x0  }
0xd: {  	[tilespmem:s2], [sflag:$0x1] =	stream.linear.gather [hbm4b:s6+s2], $0x80, $0x200038;
	[tilespmem:$0x10100] =	vst v63  }
0xe: {  	s15 =	simm.s32 $0x0;
	s16 =	simm.s32 $0x1;
	_ =	strace $0x90000052  }
.LBB2_2:
0xf: {  	s17 =	smov.u32 s12;
	s12 =	sadd.s32 $0x1, s12  }
0x10: {  	p0 =	seq.s32 s12, $0x4  }
0x11: {  	s12 =	simm.s32 @p0 $0x0  }
0x12: {  	p6 =	sne.s32 s11, $0x1;
	p1 =	sne.s32 s17, s12  }
0x13: {  	p0 =	por !p6, !p1  }
0x14: {  	p0 =	por !p0, !p0  }
0x15: {  	s18 =	sadd.s32 @p0 s5, s12  }
0x16: {  	s19 =	sand.u32 @p0 $0x1, s16;
	s18 =	sshll.u32 @p0 s18, $0x4  }
0x17: {  	_ =	strace @p0 $0x80000053;
	s21 =	simm.s32 @p0 $0x0;
	s18 =	sand.u32 @p0 $0x1FFFFFF0, s18  }
0x18: {  	s20 =	sshll.u32 @p0 s19, $0x7;
	s19 =	sadd.s32 @p0 $0x1, s19;
	s18 =	sadd.s32 @p0 s4, s18  }
0x19: {  	[tilespmem:s20], [sflag:s19] =	stream.linear.gather @p0 [hbm4b:s18+s21], $0x80, $0x200038;
	[tilespmem:$0x10100] =	vst v63  }
0x1a: {  	s24 =	sand.u32 $0x1, s15;
	_ =	strace @p0 $0x90000053  }
0x1b: {  	s18 =	sadd.s32 $0x1, s24;
	_ =	strace $0x80000054  }
0x1c: {  	_ =	swait.ge [sflag:s18], $0x80  }
0x1d: {  	[sflag:s18] =	ssyncset.done $0x0  }
0x1e: {  	[sflag:s18] =	ssyncadd.s32 $0xFFFFFF80  }
0x1f: {  	s25 =	sshll.u32 s15, $0x7;
	_ =	strace $0x90000054  }
0x20: {  	s21 =	sand.u32 $0x80, s25;
	_ =	strace $0x80000055  }
0x21: {  	v3 =	vld [tilespmem:s21+$0x0];
	_ =	sdelay $0x4  }
0x22: {  	v4 =	vshll.u32 v3, $0x1  }
0x23: {  	v3 =	vand.u32 $0x7, v3;
	v4 =	vand.u32 $0xFFFFFFF0, v4  }
0x24: {  	v3 =	vor.u32 v3, v4  }
0x25: {  	v4 =	vperm.xlane v3, v0;
	_ =	sdelay $0x1  }
0x26: {  	v3 =	vperm.xlane v3, v2;
	v4 =	vadd.s32 v1, v4;
	_ =	sdelay $0x1  }
0x27: {  	s18 =	sand.u32 $0x1, s14;
	v3 =	vadd.s32 v1, v3  }
0x28: {  	s20 =	sshll.u32 s18, $0xF  }
0x29: {  	s19 =	sor.u32 $0x100, s20  }
0x2a: {  	[tilespmem:s19], [sflag:$0x5] =	stream.indirect_vreg.gather [hbm4b:s1+s2], $0x80, v4, vm0, $0x2000b8;
	[tilespmem:$0x10100] =	vst v63  }
0x2b: {  	s22 =	sor.u32 $0x900, s20  }
0x2c: {  	[tilespmem:s22], [sflag:$0x5] =	stream.indirect_vreg.gather [hbm4b:s1+s2], $0x80, v3, vm0, $0x2000b8;
	[tilespmem:$0x10100] =	vst v63  }
0x2d: {  	v3 =	vld [tilespmem:s21+$0x10];
	_ =	sdelay $0x4  }
0x2e: {  	v57 =	vshll.u32 v3, $0x1  }
0x2f: {  	v3 =	vand.u32 $0x7, v3;
	v4 =	vand.u32 $0xFFFFFFF0, v57  }
0x30: {  	v3 =	vor.u32 v3, v4  }
0x31: {  	v4 =	vperm.xlane v3, v0;
	_ =	sdelay $0x1  }
0x32: {  	v3 =	vperm.xlane v3, v2;
	v4 =	vadd.s32 v1, v4;
	_ =	sdelay $0x1  }
0x33: {  	v3 =	vadd.s32 v1, v3;
	_ =	sdelay $0x1  }
0x34: {  	s26 =	sor.u32 $0x1100, s20  }
0x35: {  	[tilespmem:s26], [sflag:$0x5] =	stream.indirect_vreg.gather [hbm4b:s1+s2], $0x80, v4, vm0, $0x2000b8;
	[tilespmem:$0x10100] =	vst v63  }
0x36: {  	s28 =	sor.u32 $0x1900, s20  }
0x37: {  	[tilespmem:s28], [sflag:$0x5] =	stream.indirect_vreg.gather [hbm4b:s1+s2], $0x80, v3, vm0, $0x2000b8;
	[tilespmem:$0x10100] =	vst v63  }
0x38: {  	v3 =	vld [tilespmem:s21+$0x20];
	_ =	sdelay $0x4  }
0x39: {  	v58 =	vshll.u32 v3, $0x1  }
0x3a: {  	v3 =	vand.u32 $0x7, v3;
	v4 =	vand.u32 $0xFFFFFFF0, v58  }
0x3b: {  	v3 =	vor.u32 v3, v4  }
0x3c: {  	v4 =	vperm.xlane v3, v0;
	_ =	sdelay $0x1  }
0x3d: {  	v3 =	vperm.xlane v3, v2;
	v4 =	vadd.s32 v1, v4;
	_ =	sdelay $0x1  }
0x3e: {  	v3 =	vadd.s32 v1, v3;
	_ =	sdelay $0x1  }
0x3f: {  	s29 =	sor.u32 $0x2100, s20  }
0x40: {  	[tilespmem:s29], [sflag:$0x5] =	stream.indirect_vreg.gather [hbm4b:s1+s2], $0x80, v4, vm0, $0x2000b8;
	[tilespmem:$0x10100] =	vst v63  }
0x41: {  	s30 =	sor.u32 $0x2900, s20  }
0x42: {  	[tilespmem:s30], [sflag:$0x5] =	stream.indirect_vreg.gather [hbm4b:s1+s2], $0x80, v3, vm0, $0x2000b8;
	[tilespmem:$0x10100] =	vst v63  }
0x43: {  	v3 =	vld [tilespmem:s21+$0x30];
	_ =	sdelay $0x4  }
0x44: {  	v59 =	vshll.u32 v3, $0x1  }
0x45: {  	v3 =	vand.u32 $0x7, v3;
	v4 =	vand.u32 $0xFFFFFFF0, v59  }
0x46: {  	v3 =	vor.u32 v3, v4  }
0x47: {  	v4 =	vperm.xlane v3, v0;
	_ =	sdelay $0x1  }
0x48: {  	v3 =	vperm.xlane v3, v2;
	v4 =	vadd.s32 v1, v4;
	_ =	sdelay $0x1  }
0x49: {  	v3 =	vadd.s32 v1, v3;
	_ =	sdelay $0x1  }
0x4a: {  	s31 =	sor.u32 $0x3100, s20  }
0x4b: {  	[tilespmem:s31], [sflag:$0x5] =	stream.indirect_vreg.gather [hbm4b:s1+s2], $0x80, v4, vm0, $0x2000b8;
	[tilespmem:$0x10100] =	vst v63  }
0x4c: {  	s23 =	sor.u32 $0x3900, s20  }
0x4d: {  	[tilespmem:s23], [sflag:$0x5] =	stream.indirect_vreg.gather [hbm4b:s1+s2], $0x80, v3, vm0, $0x2000b8;
	[tilespmem:$0x10100] =	vst v63  }
0x4e: {  	v3 =	vld [tilespmem:s21+$0x40];
	_ =	sdelay $0x4  }
0x4f: {  	v60 =	vshll.u32 v3, $0x1  }
0x50: {  	v3 =	vand.u32 $0x7, v3;
	v4 =	vand.u32 $0xFFFFFFF0, v60  }
0x51: {  	v3 =	vor.u32 v3, v4  }
0x52: {  	v4 =	vperm.xlane v3, v0;
	_ =	sdelay $0x1  }
0x53: {  	v3 =	vperm.xlane v3, v2;
	v4 =	vadd.s32 v1, v4;
	_ =	sdelay $0x1  }
0x54: {  	v3 =	vadd.s32 v1, v3;
	_ =	sdelay $0x1  }
0x55: {  	s24 =	sor.u32 $0x4100, s20  }
0x56: {  	[tilespmem:s24], [sflag:$0x5] =	stream.indirect_vreg.gather [hbm4b:s1+s2], $0x80, v4, vm0, $0x2000b8;
	[tilespmem:$0x10100] =	vst v63  }
0x57: {  	s25 =	sor.u32 $0x4900, s20  }
0x58: {  	[tilespmem:s25], [sflag:$0x5] =	stream.indirect_vreg.gather [hbm4b:s1+s2], $0x80, v3, vm0, $0x2000b8;
	[tilespmem:$0x10100] =	vst v63  }
0x59: {  	v3 =	vld [tilespmem:s21+$0x50];
	_ =	sdelay $0x4  }
0x5a: {  	v61 =	vshll.u32 v3, $0x1  }
0x5b: {  	v3 =	vand.u32 $0x7, v3;
	v4 =	vand.u32 $0xFFFFFFF0, v61  }
0x5c: {  	v3 =	vor.u32 v3, v4  }
0x5d: {  	v4 =	vperm.xlane v3, v0;
	_ =	sdelay $0x1  }
0x5e: {  	v3 =	vperm.xlane v3, v2;
	v4 =	vadd.s32 v1, v4;
	_ =	sdelay $0x1  }
0x5f: {  	v3 =	vadd.s32 v1, v3;
	_ =	sdelay $0x1  }
0x60: {  	s26 =	sor.u32 $0x5100, s20  }
0x61: {  	[tilespmem:s26], [sflag:$0x5] =	stream.indirect_vreg.gather [hbm4b:s1+s2], $0x80, v4, vm0, $0x2000b8;
	[tilespmem:$0x10100] =	vst v63  }
0x62: {  	s28 =	sor.u32 $0x5900, s20  }
0x63: {  	[tilespmem:s28], [sflag:$0x5] =	stream.indirect_vreg.gather [hbm4b:s1+s2], $0x80, v3, vm0, $0x2000b8;
	[tilespmem:$0x10100] =	vst v63  }
0x64: {  	v3 =	vld [tilespmem:s21+$0x60];
	_ =	sdelay $0x4  }
0x65: {  	v62 =	vshll.u32 v3, $0x1  }
0x66: {  	v3 =	vand.u32 $0x7, v3;
	v4 =	vand.u32 $0xFFFFFFF0, v62  }
0x67: {  	v3 =	vor.u32 v3, v4  }
0x68: {  	v4 =	vperm.xlane v3, v0;
	_ =	sdelay $0x1  }
0x69: {  	v3 =	vperm.xlane v3, v2;
	v4 =	vadd.s32 v1, v4;
	_ =	sdelay $0x1  }
0x6a: {  	v3 =	vadd.s32 v1, v3;
	_ =	sdelay $0x1  }
0x6b: {  	s29 =	sor.u32 $0x6100, s20  }
0x6c: {  	[tilespmem:s29], [sflag:$0x5] =	stream.indirect_vreg.gather [hbm4b:s1+s2], $0x80, v4, vm0, $0x2000b8;
	[tilespmem:$0x10100] =	vst v63  }
0x6d: {  	s30 =	sor.u32 $0x6900, s20  }
0x6e: {  	[tilespmem:s30], [sflag:$0x5] =	stream.indirect_vreg.gather [hbm4b:s1+s2], $0x80, v3, vm0, $0x2000b8;
	[tilespmem:$0x10100] =	vst v63  }
0x6f: {  	v3 =	vld [tilespmem:s21+$0x70];
	_ =	sdelay $0x4  }
0x70: {  	v63 =	vshll.u32 v3, $0x1  }
0x71: {  	v3 =	vand.u32 $0x7, v3;
	v4 =	vand.u32 $0xFFFFFFF0, v63  }
0x72: {  	v3 =	vor.u32 v3, v4  }
0x73: {  	v4 =	vperm.xlane v3, v0;
	_ =	sdelay $0x1  }
0x74: {  	v3 =	vperm.xlane v3, v2;
	v4 =	vadd.s32 v1, v4;
	_ =	sdelay $0x1  }
0x75: {  	v3 =	vadd.s32 v1, v3;
	_ =	sdelay $0x1  }
0x76: {  	s31 =	sor.u32 $0x7100, s20  }
0x77: {  	[tilespmem:s31], [sflag:$0x5] =	stream.indirect_vreg.gather [hbm4b:s1+s2], $0x80, v4, vm0, $0x2000b8;
	[tilespmem:$0x10100] =	vst v63  }
0x78: {  	s20 =	sor.u32 $0x7900, s20  }
0x79: {  	[tilespmem:s20], [sflag:$0x5] =	stream.indirect_vreg.gather [hbm4b:s1+s2], $0x80, v3, vm0, $0x2000b8;
	[tilespmem:$0x10100] =	vst v63  }
0x7a: {  	_ =	swait.ge [sflag:s8], $0x8000  }
0x7b: {  	p2 =	seq.s32 s11, $0x1;
	[sflag:s8] =	ssyncset.done $0x0  }
0x7c: {  	s17 =	sadd.s32 s5, s17;
	p1 =	por p2, p1;
	[sflag:s8] =	ssyncadd.s32 $0xFFFF8000  }
0x7d: {  	s17 =	sshll.u32 @p1 s17, $0xC;
	_ =	strace $0x90000055  }
0x7e: {  	s17 =	sand.u32 @p1 $0x1FFFF000, s17;
	s21 =	simm.s32 $0x1;
	_ =	strace @p1 $0x80000056  }
0x7f: {  	s18 =	sadd.s32 @p1 $0x3, s18;
	s21 =	simm.s32 @!p0 $0x0;
	s20 =	rddreg [dreg:$0x3]  }
0x80: {  	p0 =	seq.s32 s11, $0x4;
	s17 =	sadd.s32 @p1 s20, s17;
	s20 =	simm.s32 @p1 $0x0  }
0x81: {  	[hbm4b:s17+s20] =	stream.linear.scatter @p1 [tilespmem:s19], [sflag:s18], $0x8000, $0x200038;
	[tilespmem:$0x10100] =	vst v63  }
0x82: {  	s17 =	simm.s32 $0x1;
	s19 =	simm.s32 $0x1;
	_ =	strace @p1 $0x90000056  }
0x83: {  	s17 =	simm.s32 @!p1 $0x0;
	p1 =	sne.s32 s11, $0x4;
	s11 =	sadd.s32 $0xFFFFFFFF, s11  }
0x84: {  	s18 =	sand.u32 @!p0 $0x1, s13;
	s19 =	simm.s32 @!p1 $0x0;
	p1 =	sne.s32 s11, $0x0  }
.Ltmp0:
0x85: {  	s18 =	sadd.s32 @!p0 $0x3, s18;
	_ =	strace @!p0 $0x80000057;
	(pc) =	sbr.rel @p1 .LBB2_2-.Ltmp0, $4  }
0x86: {  	_ =	swait.ge @!p0 [sflag:s18], $0x8000  }
0x87: {  	[sflag:s18] =	ssyncset.done @!p0 $0x0  }
0x88: {  	s16 =	sadd.s32 s21, s16;
	s14 =	sadd.s32 s17, s14;
	[sflag:s18] =	ssyncadd.s32 @!p0 $0xFFFF8000  }
0x89: {  	s15 =	sadd.s32 s17, s15;
	s13 =	sadd.s32 s19, s13;
	_ =	strace @!p0 $0x90000057  }
0x8a: {  	s10 =	sadd.s32 $0x1, s10  }
0x8b: {  	p0 =	sne.s32 s10, s7  }
.Ltmp1:
0x8c: {  	_ =	strace $0x80000058;
	(pc) =	sbr.rel @p0 .LBB2_1-.Ltmp1, $4  }
0x8d: {  	_ =	swait.ge [sflag:s9], $0x8000  }
0x8e: {  	[sflag:s9] =	ssyncset.done $0x0  }
0x8f: {  	[sflag:s9] =	ssyncadd.s32 $0xFFFF8000  }
0x90: {  	_ =	strace $0x90000058  }
0x91: {  	_ =	sfence.sel $0x180000  }
0x92: {  	[bflag:$0x0] =	sbarrier.arrive $0xFFFF  }
0x93: {  	p0 =	sne.s32 s3, $0x0;
	_ =	strace $0x90000051  }
0x94: {  	s0 =	sadd.s32 @!p0 $0x100000, s0;
	[bflag:$0x2] =	sbarrier.arrive $0xFFFF  }
0x95: {  	[sflag:s0] =	ssyncadd.tile.s32 @!p0 $0x1;
	_ =	shalt  }
.Lfunc_end2:
_tile_overlayer_lowered:
.L_overlay_start_2:
0x96: {  	(tag) =	ssettag $0x2  }
0x97: {  	s0 =	rddreg [dreg:$0x0];
	s2 =	stileid.u32  }
0x98: {  	s1 =	rddreg [dreg:$0x1];
	p0 =	sne.s32 s2, $0x0  }
0x99: {  	s3 =	rddreg [dreg:$0x2];
	[bflag:$0x3] =	sbarrier.arrive $0xFFFF;
	s2 =	simm.s32 @!p0 $0x1C01  }
0x9a: {  	[timem:s3], [sflag:s2] =	dma.local @!p0 [hbm:s0], s1  }
0x9b: {  	s0 =	simm.s32 @!p0 $0x1  }
0x9c: {  	_ =	swait.ge @!p0 [sflag:s0], s1  }
0x9d: {  	s1 =	ssub.s32 @!p0 $0x0, s1;
	[sflag:s0] =	ssyncset.done @!p0 $0x0  }
0x9e: {  	[sflag:s0] =	ssyncadd.s32 @!p0 s1  }
0x9f: {  	[bflag:$0x3] =	sbarrier.arrive $0xFFFF  }
0xa0: {  	_ =	shalt  }

</sc_bundles>
